<compile_context>
chip_gen: v7x
topology: tpu7x:2x2x1
jax: 0.10.2.dev20260603
libtpu: 0.0.44.dev20260713+nightly
codegen_flags: <defaults>
</compile_context>

<pallas_src>
import functools

import jax
import jax.numpy as jnp
from jax import lax
from jax.experimental import pallas as pl
from jax.experimental.pallas import tpu as pltpu
from jax.experimental.pallas import tpu_sc as plsc

N = 50000
E = 800000
HD = 32
Q = E // 4
G4 = 4

NBLK = 2000
EBLK = 2000
N_GRID = N // NBLK
Q_GRID = Q // EBLK

F32 = jnp.float32



def _node_pre_body(x_ref, W_in_ref, b_in_ref, W1_ref, W2_ref, Wenc_ref,
                   W3_ref, benc_ref, bmsg_ref,
                   h_ref, A_ref, B_ref, Wp_ref, bp_ref):
    h = jnp.dot(x_ref[...], W_in_ref[...], preferred_element_type=F32) + b_in_ref[...]
    h_ref[...] = h
    A_ref[...] = jnp.dot(h, W1_ref[...], preferred_element_type=F32).astype(jnp.bfloat16)
    B_ref[...] = jnp.dot(h, W2_ref[...], preferred_element_type=F32).astype(jnp.bfloat16)

    @pl.when(pl.program_id(0) == 0)
    def _():
        Wp_ref[...] = jnp.dot(Wenc_ref[...], W3_ref[...], preferred_element_type=F32)
        bp_ref[...] = jnp.dot(benc_ref[...], W3_ref[...], preferred_element_type=F32) + bmsg_ref[...]


def _node_pre(x, W_in, b_in, W1, W2, W_enc, W3, b_enc, b_msg):
    const = pl.BlockSpec((HD, HD), lambda i: (0, 0))
    constb = pl.BlockSpec((1, HD), lambda i: (0, 0))
    return pl.pallas_call(
        _node_pre_body,
        grid=(N_GRID,),
        in_specs=[
            pl.BlockSpec((NBLK, 3), lambda i: (i, 0)),
            pl.BlockSpec((3, HD), lambda i: (0, 0)),
            constb, const, const, const, const, constb, constb,
        ],
        out_specs=[
            pl.BlockSpec((NBLK, HD), lambda i: (i, 0)),
            pl.BlockSpec((NBLK, HD), lambda i: (i, 0)),
            pl.BlockSpec((NBLK, HD), lambda i: (i, 0)),
            pl.BlockSpec((HD, HD), lambda i: (0, 0)),
            pl.BlockSpec((1, HD), lambda i: (0, 0)),
        ],
        out_shape=[
            jax.ShapeDtypeStruct((N, HD), F32),
            jax.ShapeDtypeStruct((N, HD), jnp.bfloat16),
            jax.ShapeDtypeStruct((N, HD), jnp.bfloat16),
            jax.ShapeDtypeStruct((HD, HD), F32),
            jax.ShapeDtypeStruct((1, HD), F32),
        ],
    )(x, W_in, b_in, W1, W2, W_enc, W3, b_enc, b_msg)


def _edge_T_body(h0_ref, h1_ref, h2_ref, h3_ref, Wp_ref, bp_ref, T_ref):
    Wp = Wp_ref[...]
    bp = bp_ref[...]
    parts = [jnp.dot(h_ref[...], Wp, preferred_element_type=F32) + bp
             for h_ref in (h0_ref, h1_ref, h2_ref, h3_ref)]
    T_ref[...] = jnp.concatenate(parts, axis=1)


def _edge_T(h_msg, Wp, bp):
    def hmap(g):
        return lambda i: (g * Q_GRID + i, 0)
    return pl.pallas_call(
        _edge_T_body,
        grid=(Q_GRID,),
        in_specs=[
            pl.BlockSpec((EBLK, HD), hmap(0)),
            pl.BlockSpec((EBLK, HD), hmap(1)),
            pl.BlockSpec((EBLK, HD), hmap(2)),
            pl.BlockSpec((EBLK, HD), hmap(3)),
            pl.BlockSpec((HD, HD), lambda i: (0, 0)),
            pl.BlockSpec((1, HD), lambda i: (0, 0)),
        ],
        out_specs=pl.BlockSpec((EBLK, 4 * HD), lambda i: (i, 0)),
        out_shape=jax.ShapeDtypeStruct((QP, 4 * HD), F32),
    )(h_msg, h_msg, h_msg, h_msg, Wp, bp)


def _y_msg_body(hm_ref, W4_ref, b4_ref, m_ref, y_ref):
    hm = hm_ref[...]
    for g in range(G4):
        m_ref[g, :, :] = hm[:, g * HD:(g + 1) * HD]
    y = lax.dot_general(W4_ref[...], hm, (((1,), (1,)), ((), ())),
                        preferred_element_type=F32)
    y_ref[0] = y + b4_ref[...]


def _y_msg(hm4, W4, b4):
    return pl.pallas_call(
        _y_msg_body,
        grid=(Q_GRID,),
        in_specs=[
            pl.BlockSpec((EBLK, 4 * HD), lambda i: (i, 0)),
            pl.BlockSpec((8, 4 * HD), lambda i: (0, 0)),
            pl.BlockSpec((8, 1), lambda i: (0, 0)),
        ],
        out_specs=[
            pl.BlockSpec((G4, EBLK, HD), lambda i: (0, i, 0)),
            pl.BlockSpec((1, 8, EBLK), lambda i: (i, 0, 0)),
        ],
        out_shape=[
            jax.ShapeDtypeStruct((G4, Q, HD), F32),
            jax.ShapeDtypeStruct((Q_GRID, 8, EBLK), F32),
        ],
    )(hm4, W4, b4)


def _node_fin_body(h_ref, p0_ref, p1_ref, x_ref, Wu1_ref, Wu2_ref, bu_ref,
                   Wb1_ref, Wb2_ref, bb_ref, y_ref):
    agg = p0_ref[...].astype(F32) + p1_ref[...].astype(F32)
    hn = jnp.dot(h_ref[...], Wu1_ref[...], preferred_element_type=F32)
    hn = hn + jnp.dot(agg, Wu2_ref[...], preferred_element_type=F32) + bu_ref[...]
    hn = jnp.maximum(hn, 0.0)
    y = jnp.dot(hn, Wb1_ref[...], preferred_element_type=F32)
    y_ref[...] = y + jnp.dot(x_ref[...], Wb2_ref[...], preferred_element_type=F32) + bb_ref[...]


def _node_fin(h_node, p0, p1, x, Wu1, Wu2, bu, Wb1, Wb2, bb):
    const = pl.BlockSpec((HD, HD), lambda i: (0, 0))
    return pl.pallas_call(
        _node_fin_body,
        grid=(N_GRID,),
        in_specs=[
            pl.BlockSpec((NBLK, HD), lambda i: (i, 0)),
            pl.BlockSpec((NBLK, HD), lambda i: (i, 0)),
            pl.BlockSpec((NBLK, HD), lambda i: (i, 0)),
            pl.BlockSpec((NBLK, 3), lambda i: (i, 0)),
            const, const,
            pl.BlockSpec((1, HD), lambda i: (0, 0)),
            pl.BlockSpec((HD, 3), lambda i: (0, 0)),
            pl.BlockSpec((3, 3), lambda i: (0, 0)),
            pl.BlockSpec((1, 3), lambda i: (0, 0)),
        ],
        out_specs=pl.BlockSpec((NBLK, 3), lambda i: (i, 0)),
        out_shape=jax.ShapeDtypeStruct((N, 3), F32),
    )(h_node, p0, p1, x, Wu1, Wu2, bu, Wb1, Wb2, bb)



QP = 204800
RCH = 64
CHE = RCH * G4
JW = RCH
NCHUNK = QP // RCH
NC_SC = 2
NWORK = 16 * NC_SC
CPW = NCHUNK // NWORK
NPAD = 50048
NPS = NPAD // 16
BF16 = jnp.bfloat16


def _sc_edge_body(T_h, src_h, dst_h, A_h, B_h, hm_h, part_h,
                  tin, tout, arow, brow, hrow, isx, idx, agg,
                  semG0, semG1, semS0, semS1, semI0, semI1):
    cid = lax.axis_index("c")
    sid = lax.axis_index("s")
    wid = cid * 16 + sid
    start = wid * CPW
    semG = (semG0, semG1)
    semS = (semS0, semS1)
    semI = (semI0, semI1)

    def _zrow(i, carry):
        hrow[0, i, ...] = jnp.zeros((HD,), BF16)
        return carry
    lax.fori_loop(0, CHE, _zrow, 0)
    zbase = sid * NPS
    for k in range(NPS // CHE):
        pltpu.sync_copy(hrow.at[0], agg.at[pl.ds(zbase + k * CHE, CHE)])
    rem = NPS % CHE
    if rem:
        pltpu.sync_copy(hrow.at[0, pl.ds(0, rem)],
                        agg.at[pl.ds(zbase + (NPS // CHE) * CHE, rem)])
    plsc.subcore_barrier()

    def idx_copies(c, b):
        cbase = jnp.minimum(c * RCH, Q - RCH)
        cps = []
        for g in range(G4):
            off = g * Q + cbase
            cps.append(pltpu.make_async_copy(
                src_h.at[pl.ds(off, JW)], isx.at[b, g], semI[b]))
            cps.append(pltpu.make_async_copy(
                dst_h.at[pl.ds(off, JW)], idx.at[b, g], semI[b]))
        return cps

    def _fix_pad(c, b):
        @pl.when(c * RCH + RCH > Q)
        def _():
            for g in range(G4):
                for j in range(JW // 16):
                    rowv = c * RCH + 16 * j + jnp.arange(16, dtype=jnp.int32)
                    v = idx[b, g, pl.ds(16 * j, 16)]
                    t = N + (g * (JW // 16) + j) % (NPAD - 8 - N)
                    idx[b, g, pl.ds(16 * j, 16)] = jnp.where(rowv >= Q, t, v)

    def gath_copies(c, b):
        cps = [pltpu.make_async_copy(T_h.at[pl.ds(c * RCH, RCH)],
                                     tin.at[b], semG[b])]
        for g in range(G4):
            cps.append(pltpu.make_async_copy(
                A_h.at[isx.at[b, g]], arow.at[b, pl.ds(g * RCH, JW)], semG[b]))
            cps.append(pltpu.make_async_copy(
                B_h.at[idx.at[b, g]], brow.at[b, pl.ds(g * RCH, JW)], semG[b]))
        return cps

    def scat_copies(c, b):
        adds = [pltpu.make_async_copy(
            hrow.at[b, pl.ds(g * RCH, JW)], agg.at[idx.at[b, g]], semS[b])
            for g in range(G4)]
        out = pltpu.make_async_copy(tout.at[b],
                                    hm_h.at[pl.ds(c * RCH, RCH)], semS[b])
        return adds, out

    def compute(b):
        def _row(i, carry):
            for g in range(G4):
                tl = tin[b, i, pl.ds(g * HD, 16)]
                th = tin[b, i, pl.ds(g * HD + 16, 16)]
                al, ah = plsc.unpack(arow[b, g * RCH + i, ...],
                                     format=plsc.PackFormat.INTERLEAVED)
                bl, bh = plsc.unpack(brow[b, g * RCH + i, ...],
                                     format=plsc.PackFormat.INTERLEAVED)
                rl = jnp.maximum(tl + al + bl, 0.0)
                rh = jnp.maximum(th + ah + bh, 0.0)
                tout[b, i, pl.ds(g * HD, 16)] = rl
                tout[b, i, pl.ds(g * HD + 16, 16)] = rh
                hrow[b, g * RCH + i, ...] = plsc.pack(
                    rl, rh, format=plsc.PackFormat.INTERLEAVED)
            return carry
        lax.fori_loop(0, RCH, _row, 0)

    def _pair(k, carry):
        c0 = start + 2 * k
        c1 = c0 + 1
        iA = idx_copies(c0, 0)
        iB = idx_copies(c1, 1)
        for cp in iA + iB:
            cp.start()
        for cp in iA:
            cp.wait()
        gA = gath_copies(c0, 0)
        for cp in gA:
            cp.start()
        for cp in iB:
            cp.wait()
        gB = gath_copies(c1, 1)
        for cp in gB:
            cp.start()
        for cp in gA:
            cp.wait()
        _fix_pad(c0, 0)
        compute(0)
        for cp in gB:
            cp.wait()
        _fix_pad(c1, 1)
        sA, oA = scat_copies(c0, 0)
        for cp in sA:
            cp.start(add=True)
            cp.wait()
        oA.start()
        oA.wait()
        compute(1)
        sB, oB = scat_copies(c1, 1)
        for cp in sB:
            cp.start(add=True)
            cp.wait()
        oB.start()
        oB.wait()
        return carry
    lax.fori_loop(0, CPW // 2, _pair, 0)

    plsc.subcore_barrier()
    pltpu.sync_copy(agg.at[pl.ds(sid * NPS, NPS)],
                    part_h.at[cid, pl.ds(sid * NPS, NPS)])


@functools.partial(
    pl.kernel,
    out_type=[jax.ShapeDtypeStruct((QP, 4 * HD), F32),
              jax.ShapeDtypeStruct((NC_SC, NPAD, HD), jnp.bfloat16)],
    mesh=plsc.VectorSubcoreMesh(core_axis_name="c", subcore_axis_name="s",
                                num_cores=NC_SC),
    compiler_params=pltpu.CompilerParams(use_tc_tiling_on_sc=False,
                                         needs_layout_passes=False),
    scratch_types=[
        pltpu.VMEM((2, RCH, 4 * HD), F32),
        pltpu.VMEM((2, RCH, 4 * HD), F32),
        pltpu.VMEM((2, CHE, HD), BF16),
        pltpu.VMEM((2, CHE, HD), BF16),
        pltpu.VMEM((2, CHE, HD), BF16),
        pltpu.VMEM((2, G4, JW), jnp.int32),
        pltpu.VMEM((2, G4, JW), jnp.int32),
        pltpu.VMEM_SHARED((NPAD, HD), BF16),
        pltpu.SemaphoreType.DMA,
        pltpu.SemaphoreType.DMA,
        pltpu.SemaphoreType.DMA,
        pltpu.SemaphoreType.DMA,
        pltpu.SemaphoreType.DMA,
        pltpu.SemaphoreType.DMA,
    ],
)
def _sc_edge(T_h, src_h, dst_h, A_h, B_h, hm_h, part_h,
             tin, tout, arow, brow, hrow, isx, idx, agg,
             semG0, semG1, semS0, semS1, semI0, semI1):
    _sc_edge_body(T_h, src_h, dst_h, A_h, B_h, hm_h, part_h,
                  tin, tout, arow, brow, hrow, isx, idx, agg,
                  semG0, semG1, semS0, semS1, semI0, semI1)



def kernel(x, edge_index, h_msg, W_in, b_in, W_enc, b_enc, W_msg, b_msg,
           W_upd, b_upd, W_dec, b_dec, W_bel, b_bel):
    W1 = W_msg[0:HD]
    W2 = W_msg[HD:2 * HD]
    W3 = W_msg[2 * HD:3 * HD]
    b_in2 = b_in.reshape(1, HD)
    b_enc2 = b_enc.reshape(1, HD)
    b_msg2 = b_msg.reshape(1, HD)
    b_upd2 = b_upd.reshape(1, HD)
    b_bel2 = b_bel.reshape(1, 3)
    Wu1 = W_upd[0:HD]
    Wu2 = W_upd[HD:2 * HD]
    Wb1 = W_bel[0:HD]
    Wb2 = W_bel[HD:HD + 3]

    cols = jnp.arange(HD)
    rho = jnp.where(cols % 2 == 0, cols // 2, HD // 2 + cols // 2)
    h_node, A, B, Wp, bp = _node_pre(x, W_in, b_in2, W1[:, rho], W2[:, rho],
                                     W_enc, W3, b_enc2, b_msg2)
    T4 = _edge_T(h_msg, Wp, bp)

    src1 = edge_index[0]
    dst1 = edge_index[1]
    hm4, parts = _sc_edge(T4, src1, dst1, A, B)

    p0 = parts[0, :N]
    p1 = jnp.zeros_like(p0) if NC_SC == 1 else parts[1, :N]
    Wu2 = Wu2[rho]

    W4 = jnp.kron(jnp.eye(G4, dtype=F32), W_dec.T)
    b4 = jnp.tile(b_dec, G4).reshape(8, 1)
    hmg, yT = _y_msg(hm4[:Q], W4, b4)
    h_msg_new = hmg.reshape(E, HD)
    y_msg = (yT.transpose(1, 0, 2).reshape(G4, 2, Q)
             .transpose(0, 2, 1).reshape(E, 2))

    y_beliefs = _node_fin(h_node, p0, p1, x, Wu1, Wu2, b_upd2, Wb1, Wb2, b_bel2)
    return (h_msg_new, y_msg, y_beliefs)

# --- scband reference (transcript-rebuilt; emitter-appended) ---
"""Pipeline reference for scband-mpnn-loop-transfer-40080634806385 (READ-ONLY COPY).

The authoritative reference and input builder live on the scoring server;
editing this copy changes nothing except your own understanding.
"""

import jax, jax.numpy as jnp
import numpy as np

N = 50000
E = 800000
XD = 3
HD = 32
MSG = 2


def setup_inputs(seed: int = 0) -> dict:
    key = jax.random.key(seed)
    ks = jax.random.split(key, 16)
    x = jax.random.normal(ks[0], (N, XD), dtype=jnp.float32)
    edge_index = jax.random.randint(ks[1], (2, E), 0, N, dtype=jnp.int32)
    h_msg = jax.random.normal(ks[2], (E, HD), dtype=jnp.float32)
    s = 1.0 / np.sqrt(HD)
    W_in = jax.random.normal(ks[3], (XD, HD), dtype=jnp.float32) / np.sqrt(XD)
    b_in = jnp.zeros((HD,), jnp.float32)
    W_enc = jax.random.normal(ks[4], (HD, HD), dtype=jnp.float32) * s
    b_enc = jnp.zeros((HD,), jnp.float32)
    W_msg = jax.random.normal(ks[5], (3 * HD, HD), dtype=jnp.float32) / np.sqrt(3 * HD)
    b_msg = jnp.zeros((HD,), jnp.float32)
    W_upd = jax.random.normal(ks[6], (2 * HD, HD), dtype=jnp.float32) / np.sqrt(2 * HD)
    b_upd = jnp.zeros((HD,), jnp.float32)
    W_dec = jax.random.normal(ks[7], (HD, MSG), dtype=jnp.float32) * s
    b_dec = jnp.zeros((MSG,), jnp.float32)
    W_bel = jax.random.normal(ks[8], (HD + XD, XD), dtype=jnp.float32) / np.sqrt(HD + XD)
    b_bel = jnp.zeros((XD,), jnp.float32)
    return {"x": x, "edge_index": edge_index, "h_msg": h_msg,
            "W_in": W_in, "b_in": b_in, "W_enc": W_enc, "b_enc": b_enc,
            "W_msg": W_msg, "b_msg": b_msg, "W_upd": W_upd, "b_upd": b_upd,
            "W_dec": W_dec, "b_dec": b_dec, "W_bel": W_bel, "b_bel": b_bel}


def reference(x, edge_index, h_msg, W_in, b_in, W_enc, b_enc, W_msg, b_msg,
              W_upd, b_upd, W_dec, b_dec, W_bel, b_bel):
    # model.lin_in
    h_node = x @ W_in + b_in
    # LoopEncoderLayer: linear on per-edge loop messages
    encoded_msg = h_msg @ W_enc + b_enc
    src = edge_index[0]
    dst = edge_index[1]
    # model.processor: message passing updating both node states and edge messages
    m_in = jnp.concatenate([jnp.take(h_node, src, axis=0),
                            jnp.take(h_node, dst, axis=0),
                            encoded_msg], axis=-1)
    h_msg_new = jax.nn.relu(m_in @ W_msg + b_msg)
    agg = jax.ops.segment_sum(h_msg_new, dst, num_segments=N)
    h_node_new = jax.nn.relu(jnp.concatenate([h_node, agg], axis=-1) @ W_upd + b_upd)
    # model.decoder on messages
    y_msg = h_msg_new @ W_dec + b_dec
    # model.belief_decoder on (h_node, data.x)
    y_beliefs = jnp.concatenate([h_node_new, x], axis=-1) @ W_bel + b_bel
    return (h_msg_new, y_msg, y_beliefs)

if __name__ == "__main__":
    import jax
    _d = setup_inputs()
    print(jax.jit(kernel)(*tuple(_d.values())))

</pallas_src>

<mosaic_0001>
#map = affine_map<(d0, d1) -> (0, 0)>
#map1 = affine_map<(d0, d1) -> (0)>
#map2 = affine_map<(d0, d1) -> (0, 0, 0)>
module attributes {stable_mosaic.version = 14 : i64} {
  func.func @_sc_edge(%arg0: i32, %arg1: i32, %arg2: memref<204800x128xf32, #tpu.memory_space<hbm>>, %arg3: memref<800000xi32, #tpu.memory_space<hbm>>, %arg4: memref<800000xi32, #tpu.memory_space<hbm>>, %arg5: memref<50000x32xbf16, #tpu.memory_space<hbm>>, %arg6: memref<50000x32xbf16, #tpu.memory_space<hbm>>, %arg7: memref<204800x128xf32, #tpu.memory_space<hbm>>, %arg8: memref<2x50048x32xbf16, #tpu.memory_space<hbm>>, %arg9: memref<2x64x128xf32, #tpu.memory_space<vmem>>, %arg10: memref<2x64x128xf32, #tpu.memory_space<vmem>>, %arg11: memref<2x256x32xbf16, #tpu.memory_space<vmem>>, %arg12: memref<2x256x32xbf16, #tpu.memory_space<vmem>>, %arg13: memref<2x256x32xbf16, #tpu.memory_space<vmem>>, %arg14: memref<2x4x64xi32, #tpu.memory_space<vmem>>, %arg15: memref<2x4x64xi32, #tpu.memory_space<vmem>>, %arg16: memref<50048x32xbf16, #tpu.memory_space<vmem_shared>>, %arg17: memref<!tpu.dma_semaphore, #tpu.memory_space<semaphore_mem>>, %arg18: memref<!tpu.dma_semaphore, #tpu.memory_space<semaphore_mem>>, %arg19: memref<!tpu.dma_semaphore, #tpu.memory_space<semaphore_mem>>, %arg20: memref<!tpu.dma_semaphore, #tpu.memory_space<semaphore_mem>>, %arg21: memref<!tpu.dma_semaphore, #tpu.memory_space<semaphore_mem>>, %arg22: memref<!tpu.dma_semaphore, #tpu.memory_space<semaphore_mem>>) attributes {dimension_semantics = [#tpu.dimension_semantics<core_parallel>, #tpu.dimension_semantics<subcore_parallel>], iteration_bounds = array<i64: 2, 16>, scalar_prefetch = 0 : i64, scratch_operands = 14 : i64, tpu.core_type = #tpu.core_type<sc_vector_subcore>, window_params = [{transform_indices = #map}, {transform_indices = #map1}, {transform_indices = #map1}, {transform_indices = #map}, {transform_indices = #map}, {transform_indices = #map}, {transform_indices = #map2}]} {
    %mul3A = arith.constant 16 : i32
    %mul3A_0 = arith.muli %arg0, %mul3A : i32
    %add3A = arith.addi %mul3A_0, %arg1 : i32
    %mul3A_1 = arith.constant 100 : i32
    %mul3A_2 = arith.muli %add3A, %mul3A_1 : i32
    %scan3A = arith.constant 0 : i32
    %scan3A_3 = arith.constant 0 : i32
    %scan3A_4 = arith.constant 256 : i32
    %scan3A_5 = arith.addi %scan3A_3, %scan3A_4 : i32
    %scan3A_6 = arith.constant 1 : i32
    scf.for %scan3A_59 = %scan3A_3 to %scan3A_5 step %scan3A_6  : i32 {
      %broadcast_in_dim3A = arith.constant 0.000000e+00 : bf16
      %broadcast_in_dim3A_60 = vector.broadcast %broadcast_in_dim3A : bf16 to vector<32xbf16>
      %swap3A = arith.constant 0 : i32
      %swap3A_61 = arith.index_cast %swap3A : i32 to index
      %swap3A_62 = arith.index_cast %scan3A_59 : i32 to index
      %swap3A_63 = arith.constant 0 : index
      %swap3A_64 = tpu.vector_load %arg13[%swap3A_61, %swap3A_62, %swap3A_63] {strides = array<i32>} : memref<2x256x32xbf16, #tpu.memory_space<vmem>>, vector<32xbf16>,
      tpu.vector_store %arg13[%swap3A_61, %swap3A_62, %swap3A_63], %broadcast_in_dim3A_60 {strides = array<i32>} : memref<2x256x32xbf16, #tpu.memory_space<vmem>>, vector<32xbf16>,
    }
    %scan3A_7 = arith.constant 256 : i32
    %mul3A_8 = arith.constant 3128 : i32
    %mul3A_9 = arith.muli %arg1, %mul3A_8 : i32
    %add3A_10 = arith.constant 0 : i32
    %add3A_11 = arith.addi %mul3A_9, %add3A_10 : i32
    %run_scoped3A = arith.constant 0 : i32
    "tpu.region"() ({
      %run_scoped3A_59 = tpu.sem_alloc : memref<!tpu.dma_semaphore, #tpu.memory_space<semaphore_mem>>
      %dma_start3A = arith.constant 0 : i32
      %dma_start3A_60 = arith.constant 0 : i32
      %dma_start3A_61 = tpu.memref_slice %arg13[%run_scoped3A, %dma_start3A, %dma_start3A_60] : memref<2x256x32xbf16, #tpu.memory_space<vmem>> -> memref<1x256x32xbf16, #tpu.memory_space<vmem>>
      %dma_start3A_62 = tpu.memref_squeeze %dma_start3A_61 : memref<1x256x32xbf16, #tpu.memory_space<vmem>> -> memref<256x32xbf16, #tpu.memory_space<vmem>>
      %dma_start3A_63 = arith.constant 0 : i32
      %dma_start3A_64 = tpu.memref_slice %arg16[%add3A_11, %dma_start3A_63] : memref<50048x32xbf16, #tpu.memory_space<vmem_shared>> -> memref<256x32xbf16, #tpu.memory_space<vmem_shared>>
      %dma_start3A_65 = arith.constant 0 : i32
      %dma_start3A_66 = tpu.memref_slice %arg16[%add3A_11, %dma_start3A_65] : memref<50048x32xbf16, #tpu.memory_space<vmem_shared>> -> memref<256x32xbf16, #tpu.memory_space<vmem_shared>>
      %dma_start3A_67 = arith.constant 0 : i32
      %dma_start3A_68 = arith.constant 0 : i32
      %dma_start3A_69 = tpu.memref_slice %arg13[%run_scoped3A, %dma_start3A_67, %dma_start3A_68] : memref<2x256x32xbf16, #tpu.memory_space<vmem>> -> memref<1x256x32xbf16, #tpu.memory_space<vmem>>
      %dma_start3A_70 = tpu.memref_squeeze %dma_start3A_69 : memref<1x256x32xbf16, #tpu.memory_space<vmem>> -> memref<256x32xbf16, #tpu.memory_space<vmem>>
      tpu.enqueue_dma source(%dma_start3A_70 : memref<256x32xbf16, #tpu.memory_space<vmem>>) target(%dma_start3A_66 : memref<256x32xbf16, #tpu.memory_space<vmem_shared>>) target_semaphore(%run_scoped3A_59 : memref<!tpu.dma_semaphore, #tpu.memory_space<semaphore_mem>>)
      %dma_wait3A = arith.constant 0 : i32
      %dma_wait3A_71 = arith.constant 0 : i32
      %dma_wait3A_72 = tpu.memref_slice %arg13[%run_scoped3A, %dma_wait3A, %dma_wait3A_71] : memref<2x256x32xbf16, #tpu.memory_space<vmem>> -> memref<1x256x32xbf16, #tpu.memory_space<vmem>>
      %dma_wait3A_73 = tpu.memref_squeeze %dma_wait3A_72 : memref<1x256x32xbf16, #tpu.memory_space<vmem>> -> memref<256x32xbf16, #tpu.memory_space<vmem>>
      %dma_wait3A_74 = arith.constant 0 : i32
      %dma_wait3A_75 = tpu.memref_slice %arg16[%add3A_11, %dma_wait3A_74] : memref<50048x32xbf16, #tpu.memory_space<vmem_shared>> -> memref<256x32xbf16, #tpu.memory_space<vmem_shared>>
      %dma_wait3A_76 = arith.constant 0 : i32
      %dma_wait3A_77 = tpu.memref_slice %arg16[%add3A_11, %dma_wait3A_76] : memref<50048x32xbf16, #tpu.memory_space<vmem_shared>> -> memref<256x32xbf16, #tpu.memory_space<vmem_shared>>
      %dma_wait3A_78 = arith.constant 0 : i32
      %dma_wait3A_79 = arith.constant 0 : i32
      %dma_wait3A_80 = tpu.memref_slice %arg13[%run_scoped3A, %dma_wait3A_78, %dma_wait3A_79] : memref<2x256x32xbf16, #tpu.memory_space<vmem>> -> memref<1x256x32xbf16, #tpu.memory_space<vmem>>
      %dma_wait3A_81 = tpu.memref_squeeze %dma_wait3A_80 : memref<1x256x32xbf16, #tpu.memory_space<vmem>> -> memref<256x32xbf16, #tpu.memory_space<vmem>>
      tpu.wait_dma2 semaphore(%run_scoped3A_59 : memref<!tpu.dma_semaphore, #tpu.memory_space<semaphore_mem>>) src(%dma_wait3A_81 : memref<256x32xbf16, #tpu.memory_space<vmem>>) dst(%dma_wait3A_77 : memref<256x32xbf16, #tpu.memory_space<vmem_shared>>)
      tpu.yield
    }) : () -> ()
    %add3A_12 = arith.constant 256 : i32
    %add3A_13 = arith.addi %mul3A_9, %add3A_12 : i32
    %run_scoped3A_14 = arith.constant 0 : i32
    "tpu.region"() ({
      %run_scoped3A_59 = tpu.sem_alloc : memref<!tpu.dma_semaphore, #tpu.memory_space<semaphore_mem>>
      %dma_start3A = arith.constant 0 : i32
      %dma_start3A_60 = arith.constant 0 : i32
      %dma_start3A_61 = tpu.memref_slice %arg13[%run_scoped3A_14, %dma_start3A, %dma_start3A_60] : memref<2x256x32xbf16, #tpu.memory_space<vmem>> -> memref<1x256x32xbf16, #tpu.memory_space<vmem>>
      %dma_start3A_62 = tpu.memref_squeeze %dma_start3A_61 : memref<1x256x32xbf16, #tpu.memory_space<vmem>> -> memref<256x32xbf16, #tpu.memory_space<vmem>>
      %dma_start3A_63 = arith.constant 0 : i32
      %dma_start3A_64 = tpu.memref_slice %arg16[%add3A_13, %dma_start3A_63] : memref<50048x32xbf16, #tpu.memory_space<vmem_shared>> -> memref<256x32xbf16, #tpu.memory_space<vmem_shared>>
      %dma_start3A_65 = arith.constant 0 : i32
      %dma_start3A_66 = tpu.memref_slice %arg16[%add3A_13, %dma_start3A_65] : memref<50048x32xbf16, #tpu.memory_space<vmem_shared>> -> memref<256x32xbf16, #tpu.memory_space<vmem_shared>>
      %dma_start3A_67 = arith.constant 0 : i32
      %dma_start3A_68 = arith.constant 0 : i32
      %dma_start3A_69 = tpu.memref_slice %arg13[%run_scoped3A_14, %dma_start3A_67, %dma_start3A_68] : memref<2x256x32xbf16, #tpu.memory_space<vmem>> -> memref<1x256x32xbf16, #tpu.memory_space<vmem>>
      %dma_start3A_70 = tpu.memref_squeeze %dma_start3A_69 : memref<1x256x32xbf16, #tpu.memory_space<vmem>> -> memref<256x32xbf16, #tpu.memory_space<vmem>>
      tpu.enqueue_dma source(%dma_start3A_70 : memref<256x32xbf16, #tpu.memory_space<vmem>>) target(%dma_start3A_66 : memref<256x32xbf16, #tpu.memory_space<vmem_shared>>) target_semaphore(%run_scoped3A_59 : memref<!tpu.dma_semaphore, #tpu.memory_space<semaphore_mem>>)
      %dma_wait3A = arith.constant 0 : i32
      %dma_wait3A_71 = arith.constant 0 : i32
      %dma_wait3A_72 = tpu.memref_slice %arg13[%run_scoped3A_14, %dma_wait3A, %dma_wait3A_71] : memref<2x256x32xbf16, #tpu.memory_space<vmem>> -> memref<1x256x32xbf16, #tpu.memory_space<vmem>>
      %dma_wait3A_73 = tpu.memref_squeeze %dma_wait3A_72 : memref<1x256x32xbf16, #tpu.memory_space<vmem>> -> memref<256x32xbf16, #tpu.memory_space<vmem>>
      %dma_wait3A_74 = arith.constant 0 : i32
      %dma_wait3A_75 = tpu.memref_slice %arg16[%add3A_13, %dma_wait3A_74] : memref<50048x32xbf16, #tpu.memory_space<vmem_shared>> -> memref<256x32xbf16, #tpu.memory_space<vmem_shared>>
      %dma_wait3A_76 = arith.constant 0 : i32
      %dma_wait3A_77 = tpu.memref_slice %arg16[%add3A_13, %dma_wait3A_76] : memref<50048x32xbf16, #tpu.memory_space<vmem_shared>> -> memref<256x32xbf16, #tpu.memory_space<vmem_shared>>
      %dma_wait3A_78 = arith.constant 0 : i32
      %dma_wait3A_79 = arith.constant 0 : i32
      %dma_wait3A_80 = tpu.memref_slice %arg13[%run_scoped3A_14, %dma_wait3A_78, %dma_wait3A_79] : memref<2x256x32xbf16, #tpu.memory_space<vmem>> -> memref<1x256x32xbf16, #tpu.memory_space<vmem>>
      %dma_wait3A_81 = tpu.memref_squeeze %dma_wait3A_80 : memref<1x256x32xbf16, #tpu.memory_space<vmem>> -> memref<256x32xbf16, #tpu.memory_space<vmem>>
      tpu.wait_dma2 semaphore(%run_scoped3A_59 : memref<!tpu.dma_semaphore, #tpu.memory_space<semaphore_mem>>) src(%dma_wait3A_81 : memref<256x32xbf16, #tpu.memory_space<vmem>>) dst(%dma_wait3A_77 : memref<256x32xbf16, #tpu.memory_space<vmem_shared>>)
      tpu.yield
    }) : () -> ()
    %add3A_15 = arith.constant 512 : i32
    %add3A_16 = arith.addi %mul3A_9, %add3A_15 : i32
    %run_scoped3A_17 = arith.constant 0 : i32
    "tpu.region"() ({
      %run_scoped3A_59 = tpu.sem_alloc : memref<!tpu.dma_semaphore, #tpu.memory_space<semaphore_mem>>
      %dma_start3A = arith.constant 0 : i32
      %dma_start3A_60 = arith.constant 0 : i32
      %dma_start3A_61 = tpu.memref_slice %arg13[%run_scoped3A_17, %dma_start3A, %dma_start3A_60] : memref<2x256x32xbf16, #tpu.memory_space<vmem>> -> memref<1x256x32xbf16, #tpu.memory_space<vmem>>
      %dma_start3A_62 = tpu.memref_squeeze %dma_start3A_61 : memref<1x256x32xbf16, #tpu.memory_space<vmem>> -> memref<256x32xbf16, #tpu.memory_space<vmem>>
      %dma_start3A_63 = arith.constant 0 : i32
      %dma_start3A_64 = tpu.memref_slice %arg16[%add3A_16, %dma_start3A_63] : memref<50048x32xbf16, #tpu.memory_space<vmem_shared>> -> memref<256x32xbf16, #tpu.memory_space<vmem_shared>>
      %dma_start3A_65 = arith.constant 0 : i32
      %dma_start3A_66 = tpu.memref_slice %arg16[%add3A_16, %dma_start3A_65] : memref<50048x32xbf16, #tpu.memory_space<vmem_shared>> -> memref<256x32xbf16, #tpu.memory_space<vmem_shared>>
      %dma_start3A_67 = arith.constant 0 : i32
      %dma_start3A_68 = arith.constant 0 : i32
      %dma_start3A_69 = tpu.memref_slice %arg13[%run_scoped3A_17, %dma_start3A_67, %dma_start3A_68] : memref<2x256x32xbf16, #tpu.memory_space<vmem>> -> memref<1x256x32xbf16, #tpu.memory_space<vmem>>
      %dma_start3A_70 = tpu.memref_squeeze %dma_start3A_69 : memref<1x256x32xbf16, #tpu.memory_space<vmem>> -> memref<256x32xbf16, #tpu.memory_space<vmem>>
      tpu.enqueue_dma source(%dma_start3A_70 : memref<256x32xbf16, #tpu.memory_space<vmem>>) target(%dma_start3A_66 : memref<256x32xbf16, #tpu.memory_space<vmem_shared>>) target_semaphore(%run_scoped3A_59 : memref<!tpu.dma_semaphore, #tpu.memory_space<semaphore_mem>>)
      %dma_wait3A = arith.constant 0 : i32
      %dma_wait3A_71 = arith.constant 0 : i32
      %dma_wait3A_72 = tpu.memref_slice %arg13[%run_scoped3A_17, %dma_wait3A, %dma_wait3A_71] : memref<2x256x32xbf16, #tpu.memory_space<vmem>> -> memref<1x256x32xbf16, #tpu.memory_space<vmem>>
      %dma_wait3A_73 = tpu.memref_squeeze %dma_wait3A_72 : memref<1x256x32xbf16, #tpu.memory_space<vmem>> -> memref<256x32xbf16, #tpu.memory_space<vmem>>
      %dma_wait3A_74 = arith.constant 0 : i32
      %dma_wait3A_75 = tpu.memref_slice %arg16[%add3A_16, %dma_wait3A_74] : memref<50048x32xbf16, #tpu.memory_space<vmem_shared>> -> memref<256x32xbf16, #tpu.memory_space<vmem_shared>>
      %dma_wait3A_76 = arith.constant 0 : i32
      %dma_wait3A_77 = tpu.memref_slice %arg16[%add3A_16, %dma_wait3A_76] : memref<50048x32xbf16, #tpu.memory_space<vmem_shared>> -> memref<256x32xbf16, #tpu.memory_space<vmem_shared>>
      %dma_wait3A_78 = arith.constant 0 : i32
      %dma_wait3A_79 = arith.constant 0 : i32
      %dma_wait3A_80 = tpu.memref_slice %arg13[%run_scoped3A_17, %dma_wait3A_78, %dma_wait3A_79] : memref<2x256x32xbf16, #tpu.memory_space<vmem>> -> memref<1x256x32xbf16, #tpu.memory_space<vmem>>
      %dma_wait3A_81 = tpu.memref_squeeze %dma_wait3A_80 : memref<1x256x32xbf16, #tpu.memory_space<vmem>> -> memref<256x32xbf16, #tpu.memory_space<vmem>>
      tpu.wait_dma2 semaphore(%run_scoped3A_59 : memref<!tpu.dma_semaphore, #tpu.memory_space<semaphore_mem>>) src(%dma_wait3A_81 : memref<256x32xbf16, #tpu.memory_space<vmem>>) dst(%dma_wait3A_77 : memref<256x32xbf16, #tpu.memory_space<vmem_shared>>)
      tpu.yield
    }) : () -> ()
    %add3A_18 = arith.constant 768 : i32
    %add3A_19 = arith.addi %mul3A_9, %add3A_18 : i32
    %run_scoped3A_20 = arith.constant 0 : i32
    "tpu.region"() ({
      %run_scoped3A_59 = tpu.sem_alloc : memref<!tpu.dma_semaphore, #tpu.memory_space<semaphore_mem>>
      %dma_start3A = arith.constant 0 : i32
      %dma_start3A_60 = arith.constant 0 : i32
      %dma_start3A_61 = tpu.memref_slice %arg13[%run_scoped3A_20, %dma_start3A, %dma_start3A_60] : memref<2x256x32xbf16, #tpu.memory_space<vmem>> -> memref<1x256x32xbf16, #tpu.memory_space<vmem>>
      %dma_start3A_62 = tpu.memref_squeeze %dma_start3A_61 : memref<1x256x32xbf16, #tpu.memory_space<vmem>> -> memref<256x32xbf16, #tpu.memory_space<vmem>>
      %dma_start3A_63 = arith.constant 0 : i32
      %dma_start3A_64 = tpu.memref_slice %arg16[%add3A_19, %dma_start3A_63] : memref<50048x32xbf16, #tpu.memory_space<vmem_shared>> -> memref<256x32xbf16, #tpu.memory_space<vmem_shared>>
      %dma_start3A_65 = arith.constant 0 : i32
      %dma_start3A_66 = tpu.memref_slice %arg16[%add3A_19, %dma_start3A_65] : memref<50048x32xbf16, #tpu.memory_space<vmem_shared>> -> memref<256x32xbf16, #tpu.memory_space<vmem_shared>>
      %dma_start3A_67 = arith.constant 0 : i32
      %dma_start3A_68 = arith.constant 0 : i32
      %dma_start3A_69 = tpu.memref_slice %arg13[%run_scoped3A_20, %dma_start3A_67, %dma_start3A_68] : memref<2x256x32xbf16, #tpu.memory_space<vmem>> -> memref<1x256x32xbf16, #tpu.memory_space<vmem>>
      %dma_start3A_70 = tpu.memref_squeeze %dma_start3A_69 : memref<1x256x32xbf16, #tpu.memory_space<vmem>> -> memref<256x32xbf16, #tpu.memory_space<vmem>>
      tpu.enqueue_dma source(%dma_start3A_70 : memref<256x32xbf16, #tpu.memory_space<vmem>>) target(%dma_start3A_66 : memref<256x32xbf16, #tpu.memory_space<vmem_shared>>) target_semaphore(%run_scoped3A_59 : memref<!tpu.dma_semaphore, #tpu.memory_space<semaphore_mem>>)
      %dma_wait3A = arith.constant 0 : i32
      %dma_wait3A_71 = arith.constant 0 : i32
      %dma_wait3A_72 = tpu.memref_slice %arg13[%run_scoped3A_20, %dma_wait3A, %dma_wait3A_71] : memref<2x256x32xbf16, #tpu.memory_space<vmem>> -> memref<1x256x32xbf16, #tpu.memory_space<vmem>>
      %dma_wait3A_73 = tpu.memref_squeeze %dma_wait3A_72 : memref<1x256x32xbf16, #tpu.memory_space<vmem>> -> memref<256x32xbf16, #tpu.memory_space<vmem>>
      %dma_wait3A_74 = arith.constant 0 : i32
      %dma_wait3A_75 = tpu.memref_slice %arg16[%add3A_19, %dma_wait3A_74] : memref<50048x32xbf16, #tpu.memory_space<vmem_shared>> -> memref<256x32xbf16, #tpu.memory_space<vmem_shared>>
      %dma_wait3A_76 = arith.constant 0 : i32
      %dma_wait3A_77 = tpu.memref_slice %arg16[%add3A_19, %dma_wait3A_76] : memref<50048x32xbf16, #tpu.memory_space<vmem_shared>> -> memref<256x32xbf16, #tpu.memory_space<vmem_shared>>
      %dma_wait3A_78 = arith.constant 0 : i32
      %dma_wait3A_79 = arith.constant 0 : i32
      %dma_wait3A_80 = tpu.memref_slice %arg13[%run_scoped3A_20, %dma_wait3A_78, %dma_wait3A_79] : memref<2x256x32xbf16, #tpu.memory_space<vmem>> -> memref<1x256x32xbf16, #tpu.memory_space<vmem>>
      %dma_wait3A_81 = tpu.memref_squeeze %dma_wait3A_80 : memref<1x256x32xbf16, #tpu.memory_space<vmem>> -> memref<256x32xbf16, #tpu.memory_space<vmem>>
      tpu.wait_dma2 semaphore(%run_scoped3A_59 : memref<!tpu.dma_semaphore, #tpu.memory_space<semaphore_mem>>) src(%dma_wait3A_81 : memref<256x32xbf16, #tpu.memory_space<vmem>>) dst(%dma_wait3A_77 : memref<256x32xbf16, #tpu.memory_space<vmem_shared>>)
      tpu.yield
    }) : () -> ()
    %add3A_21 = arith.constant 1024 : i32
    %add3A_22 = arith.addi %mul3A_9, %add3A_21 : i32
    %run_scoped3A_23 = arith.constant 0 : i32
    "tpu.region"() ({
      %run_scoped3A_59 = tpu.sem_alloc : memref<!tpu.dma_semaphore, #tpu.memory_space<semaphore_mem>>
      %dma_start3A = arith.constant 0 : i32
      %dma_start3A_60 = arith.constant 0 : i32
      %dma_start3A_61 = tpu.memref_slice %arg13[%run_scoped3A_23, %dma_start3A, %dma_start3A_60] : memref<2x256x32xbf16, #tpu.memory_space<vmem>> -> memref<1x256x32xbf16, #tpu.memory_space<vmem>>
      %dma_start3A_62 = tpu.memref_squeeze %dma_start3A_61 : memref<1x256x32xbf16, #tpu.memory_space<vmem>> -> memref<256x32xbf16, #tpu.memory_space<vmem>>
      %dma_start3A_63 = arith.constant 0 : i32
      %dma_start3A_64 = tpu.memref_slice %arg16[%add3A_22, %dma_start3A_63] : memref<50048x32xbf16, #tpu.memory_space<vmem_shared>> -> memref<256x32xbf16, #tpu.memory_space<vmem_shared>>
      %dma_start3A_65 = arith.constant 0 : i32
      %dma_start3A_66 = tpu.memref_slice %arg16[%add3A_22, %dma_start3A_65] : memref<50048x32xbf16, #tpu.memory_space<vmem_shared>> -> memref<256x32xbf16, #tpu.memory_space<vmem_shared>>
      %dma_start3A_67 = arith.constant 0 : i32
      %dma_start3A_68 = arith.constant 0 : i32
      %dma_start3A_69 = tpu.memref_slice %arg13[%run_scoped3A_23, %dma_start3A_67, %dma_start3A_68] : memref<2x256x32xbf16, #tpu.memory_space<vmem>> -> memref<1x256x32xbf16, #tpu.memory_space<vmem>>
      %dma_start3A_70 = tpu.memref_squeeze %dma_start3A_69 : memref<1x256x32xbf16, #tpu.memory_space<vmem>> -> memref<256x32xbf16, #tpu.memory_space<vmem>>
      tpu.enqueue_dma source(%dma_start3A_70 : memref<256x32xbf16, #tpu.memory_space<vmem>>) target(%dma_start3A_66 : memref<256x32xbf16, #tpu.memory_space<vmem_shared>>) target_semaphore(%run_scoped3A_59 : memref<!tpu.dma_semaphore, #tpu.memory_space<semaphore_mem>>)
      %dma_wait3A = arith.constant 0 : i32
      %dma_wait3A_71 = arith.constant 0 : i32
      %dma_wait3A_72 = tpu.memref_slice %arg13[%run_scoped3A_23, %dma_wait3A, %dma_wait3A_71] : memref<2x256x32xbf16, #tpu.memory_space<vmem>> -> memref<1x256x32xbf16, #tpu.memory_space<vmem>>
      %dma_wait3A_73 = tpu.memref_squeeze %dma_wait3A_72 : memref<1x256x32xbf16, #tpu.memory_space<vmem>> -> memref<256x32xbf16, #tpu.memory_space<vmem>>
      %dma_wait3A_74 = arith.constant 0 : i32
      %dma_wait3A_75 = tpu.memref_slice %arg16[%add3A_22, %dma_wait3A_74] : memref<50048x32xbf16, #tpu.memory_space<vmem_shared>> -> memref<256x32xbf16, #tpu.memory_space<vmem_shared>>
      %dma_wait3A_76 = arith.constant 0 : i32
      %dma_wait3A_77 = tpu.memref_slice %arg16[%add3A_22, %dma_wait3A_76] : memref<50048x32xbf16, #tpu.memory_space<vmem_shared>> -> memref<256x32xbf16, #tpu.memory_space<vmem_shared>>
      %dma_wait3A_78 = arith.constant 0 : i32
      %dma_wait3A_79 = arith.constant 0 : i32
      %dma_wait3A_80 = tpu.memref_slice %arg13[%run_scoped3A_23, %dma_wait3A_78, %dma_wait3A_79] : memref<2x256x32xbf16, #tpu.memory_space<vmem>> -> memref<1x256x32xbf16, #tpu.memory_space<vmem>>
      %dma_wait3A_81 = tpu.memref_squeeze %dma_wait3A_80 : memref<1x256x32xbf16, #tpu.memory_space<vmem>> -> memref<256x32xbf16, #tpu.memory_space<vmem>>
      tpu.wait_dma2 semaphore(%run_scoped3A_59 : memref<!tpu.dma_semaphore, #tpu.memory_space<semaphore_mem>>) src(%dma_wait3A_81 : memref<256x32xbf16, #tpu.memory_space<vmem>>) dst(%dma_wait3A_77 : memref<256x32xbf16, #tpu.memory_space<vmem_shared>>)
      tpu.yield
    }) : () -> ()
    %add3A_24 = arith.constant 1280 : i32
    %add3A_25 = arith.addi %mul3A_9, %add3A_24 : i32
    %run_scoped3A_26 = arith.constant 0 : i32
    "tpu.region"() ({
      %run_scoped3A_59 = tpu.sem_alloc : memref<!tpu.dma_semaphore, #tpu.memory_space<semaphore_mem>>
      %dma_start3A = arith.constant 0 : i32
      %dma_start3A_60 = arith.constant 0 : i32
      %dma_start3A_61 = tpu.memref_slice %arg13[%run_scoped3A_26, %dma_start3A, %dma_start3A_60] : memref<2x256x32xbf16, #tpu.memory_space<vmem>> -> memref<1x256x32xbf16, #tpu.memory_space<vmem>>
      %dma_start3A_62 = tpu.memref_squeeze %dma_start3A_61 : memref<1x256x32xbf16, #tpu.memory_space<vmem>> -> memref<256x32xbf16, #tpu.memory_space<vmem>>
      %dma_start3A_63 = arith.constant 0 : i32
      %dma_start3A_64 = tpu.memref_slice %arg16[%add3A_25, %dma_start3A_63] : memref<50048x32xbf16, #tpu.memory_space<vmem_shared>> -> memref<256x32xbf16, #tpu.memory_space<vmem_shared>>
      %dma_start3A_65 = arith.constant 0 : i32
      %dma_start3A_66 = tpu.memref_slice %arg16[%add3A_25, %dma_start3A_65] : memref<50048x32xbf16, #tpu.memory_space<vmem_shared>> -> memref<256x32xbf16, #tpu.memory_space<vmem_shared>>
      %dma_start3A_67 = arith.constant 0 : i32
      %dma_start3A_68 = arith.constant 0 : i32
      %dma_start3A_69 = tpu.memref_slice %arg13[%run_scoped3A_26, %dma_start3A_67, %dma_start3A_68] : memref<2x256x32xbf16, #tpu.memory_space<vmem>> -> memref<1x256x32xbf16, #tpu.memory_space<vmem>>
      %dma_start3A_70 = tpu.memref_squeeze %dma_start3A_69 : memref<1x256x32xbf16, #tpu.memory_space<vmem>> -> memref<256x32xbf16, #tpu.memory_space<vmem>>
      tpu.enqueue_dma source(%dma_start3A_70 : memref<256x32xbf16, #tpu.memory_space<vmem>>) target(%dma_start3A_66 : memref<256x32xbf16, #tpu.memory_space<vmem_shared>>) target_semaphore(%run_scoped3A_59 : memref<!tpu.dma_semaphore, #tpu.memory_space<semaphore_mem>>)
      %dma_wait3A = arith.constant 0 : i32
      %dma_wait3A_71 = arith.constant 0 : i32
      %dma_wait3A_72 = tpu.memref_slice %arg13[%run_scoped3A_26, %dma_wait3A, %dma_wait3A_71] : memref<2x256x32xbf16, #tpu.memory_space<vmem>> -> memref<1x256x32xbf16, #tpu.memory_space<vmem>>
      %dma_wait3A_73 = tpu.memref_squeeze %dma_wait3A_72 : memref<1x256x32xbf16, #tpu.memory_space<vmem>> -> memref<256x32xbf16, #tpu.memory_space<vmem>>
      %dma_wait3A_74 = arith.constant 0 : i32
      %dma_wait3A_75 = tpu.memref_slice %arg16[%add3A_25, %dma_wait3A_74] : memref<50048x32xbf16, #tpu.memory_space<vmem_shared>> -> memref<256x32xbf16, #tpu.memory_space<vmem_shared>>
      %dma_wait3A_76 = arith.constant 0 : i32
      %dma_wait3A_77 = tpu.memref_slice %arg16[%add3A_25, %dma_wait3A_76] : memref<50048x32xbf16, #tpu.memory_space<vmem_shared>> -> memref<256x32xbf16, #tpu.memory_space<vmem_shared>>
      %dma_wait3A_78 = arith.constant 0 : i32
      %dma_wait3A_79 = arith.constant 0 : i32
      %dma_wait3A_80 = tpu.memref_slice %arg13[%run_scoped3A_26, %dma_wait3A_78, %dma_wait3A_79] : memref<2x256x32xbf16, #tpu.memory_space<vmem>> -> memref<1x256x32xbf16, #tpu.memory_space<vmem>>
      %dma_wait3A_81 = tpu.memref_squeeze %dma_wait3A_80 : memref<1x256x32xbf16, #tpu.memory_space<vmem>> -> memref<256x32xbf16, #tpu.memory_space<vmem>>
      tpu.wait_dma2 semaphore(%run_scoped3A_59 : memref<!tpu.dma_semaphore, #tpu.memory_space<semaphore_mem>>) src(%dma_wait3A_81 : memref<256x32xbf16, #tpu.memory_space<vmem>>) dst(%dma_wait3A_77 : memref<256x32xbf16, #tpu.memory_space<vmem_shared>>)
      tpu.yield
    }) : () -> ()
    %add3A_27 = arith.constant 1536 : i32
    %add3A_28 = arith.addi %mul3A_9, %add3A_27 : i32
    %run_scoped3A_29 = arith.constant 0 : i32
    "tpu.region"() ({
      %run_scoped3A_59 = tpu.sem_alloc : memref<!tpu.dma_semaphore, #tpu.memory_space<semaphore_mem>>
      %dma_start3A = arith.constant 0 : i32
      %dma_start3A_60 = arith.constant 0 : i32
      %dma_start3A_61 = tpu.memref_slice %arg13[%run_scoped3A_29, %dma_start3A, %dma_start3A_60] : memref<2x256x32xbf16, #tpu.memory_space<vmem>> -> memref<1x256x32xbf16, #tpu.memory_space<vmem>>
      %dma_start3A_62 = tpu.memref_squeeze %dma_start3A_61 : memref<1x256x32xbf16, #tpu.memory_space<vmem>> -> memref<256x32xbf16, #tpu.memory_space<vmem>>
      %dma_start3A_63 = arith.constant 0 : i32
      %dma_start3A_64 = tpu.memref_slice %arg16[%add3A_28, %dma_start3A_63] : memref<50048x32xbf16, #tpu.memory_space<vmem_shared>> -> memref<256x32xbf16, #tpu.memory_space<vmem_shared>>
      %dma_start3A_65 = arith.constant 0 : i32
      %dma_start3A_66 = tpu.memref_slice %arg16[%add3A_28, %dma_start3A_65] : memref<50048x32xbf16, #tpu.memory_space<vmem_shared>> -> memref<256x32xbf16, #tpu.memory_space<vmem_shared>>
      %dma_start3A_67 = arith.constant 0 : i32
      %dma_start3A_68 = arith.constant 0 : i32
      %dma_start3A_69 = tpu.memref_slice %arg13[%run_scoped3A_29, %dma_start3A_67, %dma_start3A_68] : memref<2x256x32xbf16, #tpu.memory_space<vmem>> -> memref<1x256x32xbf16, #tpu.memory_space<vmem>>
      %dma_start3A_70 = tpu.memref_squeeze %dma_start3A_69 : memref<1x256x32xbf16, #tpu.memory_space<vmem>> -> memref<256x32xbf16, #tpu.memory_space<vmem>>
      tpu.enqueue_dma source(%dma_start3A_70 : memref<256x32xbf16, #tpu.memory_space<vmem>>) target(%dma_start3A_66 : memref<256x32xbf16, #tpu.memory_space<vmem_shared>>) target_semaphore(%run_scoped3A_59 : memref<!tpu.dma_semaphore, #tpu.memory_space<semaphore_mem>>)
      %dma_wait3A = arith.constant 0 : i32
      %dma_wait3A_71 = arith.constant 0 : i32
      %dma_wait3A_72 = tpu.memref_slice %arg13[%run_scoped3A_29, %dma_wait3A, %dma_wait3A_71] : memref<2x256x32xbf16, #tpu.memory_space<vmem>> -> memref<1x256x32xbf16, #tpu.memory_space<vmem>>
      %dma_wait3A_73 = tpu.memref_squeeze %dma_wait3A_72 : memref<1x256x32xbf16, #tpu.memory_space<vmem>> -> memref<256x32xbf16, #tpu.memory_space<vmem>>
      %dma_wait3A_74 = arith.constant 0 : i32
      %dma_wait3A_75 = tpu.memref_slice %arg16[%add3A_28, %dma_wait3A_74] : memref<50048x32xbf16, #tpu.memory_space<vmem_shared>> -> memref<256x32xbf16, #tpu.memory_space<vmem_shared>>
      %dma_wait3A_76 = arith.constant 0 : i32
      %dma_wait3A_77 = tpu.memref_slice %arg16[%add3A_28, %dma_wait3A_76] : memref<50048x32xbf16, #tpu.memory_space<vmem_shared>> -> memref<256x32xbf16, #tpu.memory_space<vmem_shared>>
      %dma_wait3A_78 = arith.constant 0 : i32
      %dma_wait3A_79 = arith.constant 0 : i32
      %dma_wait3A_80 = tpu.memref_slice %arg13[%run_scoped3A_29, %dma_wait3A_78, %dma_wait3A_79] : memref<2x256x32xbf16, #tpu.memory_space<vmem>> -> memref<1x256x32xbf16, #tpu.memory_space<vmem>>
      %dma_wait3A_81 = tpu.memref_squeeze %dma_wait3A_80 : memref<1x256x32xbf16, #tpu.memory_space<vmem>> -> memref<256x32xbf16, #tpu.memory_space<vmem>>
      tpu.wait_dma2 semaphore(%run_scoped3A_59 : memref<!tpu.dma_semaphore, #tpu.memory_space<semaphore_mem>>) src(%dma_wait3A_81 : memref<256x32xbf16, #tpu.memory_space<vmem>>) dst(%dma_wait3A_77 : memref<256x32xbf16, #tpu.memory_space<vmem_shared>>)
      tpu.yield
    }) : () -> ()
    %add3A_30 = arith.constant 1792 : i32
    %add3A_31 = arith.addi %mul3A_9, %add3A_30 : i32
    %run_scoped3A_32 = arith.constant 0 : i32
    "tpu.region"() ({
      %run_scoped3A_59 = tpu.sem_alloc : memref<!tpu.dma_semaphore, #tpu.memory_space<semaphore_mem>>
      %dma_start3A = arith.constant 0 : i32
      %dma_start3A_60 = arith.constant 0 : i32
      %dma_start3A_61 = tpu.memref_slice %arg13[%run_scoped3A_32, %dma_start3A, %dma_start3A_60] : memref<2x256x32xbf16, #tpu.memory_space<vmem>> -> memref<1x256x32xbf16, #tpu.memory_space<vmem>>
      %dma_start3A_62 = tpu.memref_squeeze %dma_start3A_61 : memref<1x256x32xbf16, #tpu.memory_space<vmem>> -> memref<256x32xbf16, #tpu.memory_space<vmem>>
      %dma_start3A_63 = arith.constant 0 : i32
      %dma_start3A_64 = tpu.memref_slice %arg16[%add3A_31, %dma_start3A_63] : memref<50048x32xbf16, #tpu.memory_space<vmem_shared>> -> memref<256x32xbf16, #tpu.memory_space<vmem_shared>>
      %dma_start3A_65 = arith.constant 0 : i32
      %dma_start3A_66 = tpu.memref_slice %arg16[%add3A_31, %dma_start3A_65] : memref<50048x32xbf16, #tpu.memory_space<vmem_shared>> -> memref<256x32xbf16, #tpu.memory_space<vmem_shared>>
      %dma_start3A_67 = arith.constant 0 : i32
      %dma_start3A_68 = arith.constant 0 : i32
      %dma_start3A_69 = tpu.memref_slice %arg13[%run_scoped3A_32, %dma_start3A_67, %dma_start3A_68] : memref<2x256x32xbf16, #tpu.memory_space<vmem>> -> memref<1x256x32xbf16, #tpu.memory_space<vmem>>
      %dma_start3A_70 = tpu.memref_squeeze %dma_start3A_69 : memref<1x256x32xbf16, #tpu.memory_space<vmem>> -> memref<256x32xbf16, #tpu.memory_space<vmem>>
      tpu.enqueue_dma source(%dma_start3A_70 : memref<256x32xbf16, #tpu.memory_space<vmem>>) target(%dma_start3A_66 : memref<256x32xbf16, #tpu.memory_space<vmem_shared>>) target_semaphore(%run_scoped3A_59 : memref<!tpu.dma_semaphore, #tpu.memory_space<semaphore_mem>>)
      %dma_wait3A = arith.constant 0 : i32
      %dma_wait3A_71 = arith.constant 0 : i32
      %dma_wait3A_72 = tpu.memref_slice %arg13[%run_scoped3A_32, %dma_wait3A, %dma_wait3A_71] : memref<2x256x32xbf16, #tpu.memory_space<vmem>> -> memref<1x256x32xbf16, #tpu.memory_space<vmem>>
      %dma_wait3A_73 = tpu.memref_squeeze %dma_wait3A_72 : memref<1x256x32xbf16, #tpu.memory_space<vmem>> -> memref<256x32xbf16, #tpu.memory_space<vmem>>
      %dma_wait3A_74 = arith.constant 0 : i32
      %dma_wait3A_75 = tpu.memref_slice %arg16[%add3A_31, %dma_wait3A_74] : memref<50048x32xbf16, #tpu.memory_space<vmem_shared>> -> memref<256x32xbf16, #tpu.memory_space<vmem_shared>>
      %dma_wait3A_76 = arith.constant 0 : i32
      %dma_wait3A_77 = tpu.memref_slice %arg16[%add3A_31, %dma_wait3A_76] : memref<50048x32xbf16, #tpu.memory_space<vmem_shared>> -> memref<256x32xbf16, #tpu.memory_space<vmem_shared>>
      %dma_wait3A_78 = arith.constant 0 : i32
      %dma_wait3A_79 = arith.constant 0 : i32
      %dma_wait3A_80 = tpu.memref_slice %arg13[%run_scoped3A_32, %dma_wait3A_78, %dma_wait3A_79] : memref<2x256x32xbf16, #tpu.memory_space<vmem>> -> memref<1x256x32xbf16, #tpu.memory_space<vmem>>
      %dma_wait3A_81 = tpu.memref_squeeze %dma_wait3A_80 : memref<1x256x32xbf16, #tpu.memory_space<vmem>> -> memref<256x32xbf16, #tpu.memory_space<vmem>>
      tpu.wait_dma2 semaphore(%run_scoped3A_59 : memref<!tpu.dma_semaphore, #tpu.memory_space<semaphore_mem>>) src(%dma_wait3A_81 : memref<256x32xbf16, #tpu.memory_space<vmem>>) dst(%dma_wait3A_77 : memref<256x32xbf16, #tpu.memory_space<vmem_shared>>)
      tpu.yield
    }) : () -> ()
    %add3A_33 = arith.constant 2048 : i32
    %add3A_34 = arith.addi %mul3A_9, %add3A_33 : i32
    %run_scoped3A_35 = arith.constant 0 : i32
    "tpu.region"() ({
      %run_scoped3A_59 = tpu.sem_alloc : memref<!tpu.dma_semaphore, #tpu.memory_space<semaphore_mem>>
      %dma_start3A = arith.constant 0 : i32
      %dma_start3A_60 = arith.constant 0 : i32
      %dma_start3A_61 = tpu.memref_slice %arg13[%run_scoped3A_35, %dma_start3A, %dma_start3A_60] : memref<2x256x32xbf16, #tpu.memory_space<vmem>> -> memref<1x256x32xbf16, #tpu.memory_space<vmem>>
      %dma_start3A_62 = tpu.memref_squeeze %dma_start3A_61 : memref<1x256x32xbf16, #tpu.memory_space<vmem>> -> memref<256x32xbf16, #tpu.memory_space<vmem>>
      %dma_start3A_63 = arith.constant 0 : i32
      %dma_start3A_64 = tpu.memref_slice %arg16[%add3A_34, %dma_start3A_63] : memref<50048x32xbf16, #tpu.memory_space<vmem_shared>> -> memref<256x32xbf16, #tpu.memory_space<vmem_shared>>
      %dma_start3A_65 = arith.constant 0 : i32
      %dma_start3A_66 = tpu.memref_slice %arg16[%add3A_34, %dma_start3A_65] : memref<50048x32xbf16, #tpu.memory_space<vmem_shared>> -> memref<256x32xbf16, #tpu.memory_space<vmem_shared>>
      %dma_start3A_67 = arith.constant 0 : i32
      %dma_start3A_68 = arith.constant 0 : i32
      %dma_start3A_69 = tpu.memref_slice %arg13[%run_scoped3A_35, %dma_start3A_67, %dma_start3A_68] : memref<2x256x32xbf16, #tpu.memory_space<vmem>> -> memref<1x256x32xbf16, #tpu.memory_space<vmem>>
      %dma_start3A_70 = tpu.memref_squeeze %dma_start3A_69 : memref<1x256x32xbf16, #tpu.memory_space<vmem>> -> memref<256x32xbf16, #tpu.memory_space<vmem>>
      tpu.enqueue_dma source(%dma_start3A_70 : memref<256x32xbf16, #tpu.memory_space<vmem>>) target(%dma_start3A_66 : memref<256x32xbf16, #tpu.memory_space<vmem_shared>>) target_semaphore(%run_scoped3A_59 : memref<!tpu.dma_semaphore, #tpu.memory_space<semaphore_mem>>)
      %dma_wait3A = arith.constant 0 : i32
      %dma_wait3A_71 = arith.constant 0 : i32
      %dma_wait3A_72 = tpu.memref_slice %arg13[%run_scoped3A_35, %dma_wait3A, %dma_wait3A_71] : memref<2x256x32xbf16, #tpu.memory_space<vmem>> -> memref<1x256x32xbf16, #tpu.memory_space<vmem>>
      %dma_wait3A_73 = tpu.memref_squeeze %dma_wait3A_72 : memref<1x256x32xbf16, #tpu.memory_space<vmem>> -> memref<256x32xbf16, #tpu.memory_space<vmem>>
      %dma_wait3A_74 = arith.constant 0 : i32
      %dma_wait3A_75 = tpu.memref_slice %arg16[%add3A_34, %dma_wait3A_74] : memref<50048x32xbf16, #tpu.memory_space<vmem_shared>> -> memref<256x32xbf16, #tpu.memory_space<vmem_shared>>
      %dma_wait3A_76 = arith.constant 0 : i32
      %dma_wait3A_77 = tpu.memref_slice %arg16[%add3A_34, %dma_wait3A_76] : memref<50048x32xbf16, #tpu.memory_space<vmem_shared>> -> memref<256x32xbf16, #tpu.memory_space<vmem_shared>>
      %dma_wait3A_78 = arith.constant 0 : i32
      %dma_wait3A_79 = arith.constant 0 : i32
      %dma_wait3A_80 = tpu.memref_slice %arg13[%run_scoped3A_35, %dma_wait3A_78, %dma_wait3A_79] : memref<2x256x32xbf16, #tpu.memory_space<vmem>> -> memref<1x256x32xbf16, #tpu.memory_space<vmem>>
      %dma_wait3A_81 = tpu.memref_squeeze %dma_wait3A_80 : memref<1x256x32xbf16, #tpu.memory_space<vmem>> -> memref<256x32xbf16, #tpu.memory_space<vmem>>
      tpu.wait_dma2 semaphore(%run_scoped3A_59 : memref<!tpu.dma_semaphore, #tpu.memory_space<semaphore_mem>>) src(%dma_wait3A_81 : memref<256x32xbf16, #tpu.memory_space<vmem>>) dst(%dma_wait3A_77 : memref<256x32xbf16, #tpu.memory_space<vmem_shared>>)
      tpu.yield
    }) : () -> ()
    %add3A_36 = arith.constant 2304 : i32
    %add3A_37 = arith.addi %mul3A_9, %add3A_36 : i32
    %run_scoped3A_38 = arith.constant 0 : i32
    "tpu.region"() ({
      %run_scoped3A_59 = tpu.sem_alloc : memref<!tpu.dma_semaphore, #tpu.memory_space<semaphore_mem>>
      %dma_start3A = arith.constant 0 : i32
      %dma_start3A_60 = arith.constant 0 : i32
      %dma_start3A_61 = tpu.memref_slice %arg13[%run_scoped3A_38, %dma_start3A, %dma_start3A_60] : memref<2x256x32xbf16, #tpu.memory_space<vmem>> -> memref<1x256x32xbf16, #tpu.memory_space<vmem>>
      %dma_start3A_62 = tpu.memref_squeeze %dma_start3A_61 : memref<1x256x32xbf16, #tpu.memory_space<vmem>> -> memref<256x32xbf16, #tpu.memory_space<vmem>>
      %dma_start3A_63 = arith.constant 0 : i32
      %dma_start3A_64 = tpu.memref_slice %arg16[%add3A_37, %dma_start3A_63] : memref<50048x32xbf16, #tpu.memory_space<vmem_shared>> -> memref<256x32xbf16, #tpu.memory_space<vmem_shared>>
      %dma_start3A_65 = arith.constant 0 : i32
      %dma_start3A_66 = tpu.memref_slice %arg16[%add3A_37, %dma_start3A_65] : memref<50048x32xbf16, #tpu.memory_space<vmem_shared>> -> memref<256x32xbf16, #tpu.memory_space<vmem_shared>>
      %dma_start3A_67 = arith.constant 0 : i32
      %dma_start3A_68 = arith.constant 0 : i32
      %dma_start3A_69 = tpu.memref_slice %arg13[%run_scoped3A_38, %dma_start3A_67, %dma_start3A_68] : memref<2x256x32xbf16, #tpu.memory_space<vmem>> -> memref<1x256x32xbf16, #tpu.memory_space<vmem>>
      %dma_start3A_70 = tpu.memref_squeeze %dma_start3A_69 : memref<1x256x32xbf16, #tpu.memory_space<vmem>> -> memref<256x32xbf16, #tpu.memory_space<vmem>>
      tpu.enqueue_dma source(%dma_start3A_70 : memref<256x32xbf16, #tpu.memory_space<vmem>>) target(%dma_start3A_66 : memref<256x32xbf16, #tpu.memory_space<vmem_shared>>) target_semaphore(%run_scoped3A_59 : memref<!tpu.dma_semaphore, #tpu.memory_space<semaphore_mem>>)
      %dma_wait3A = arith.constant 0 : i32
      %dma_wait3A_71 = arith.constant 0 : i32
      %dma_wait3A_72 = tpu.memref_slice %arg13[%run_scoped3A_38, %dma_wait3A, %dma_wait3A_71] : memref<2x256x32xbf16, #tpu.memory_space<vmem>> -> memref<1x256x32xbf16, #tpu.memory_space<vmem>>
      %dma_wait3A_73 = tpu.memref_squeeze %dma_wait3A_72 : memref<1x256x32xbf16, #tpu.memory_space<vmem>> -> memref<256x32xbf16, #tpu.memory_space<vmem>>
      %dma_wait3A_74 = arith.constant 0 : i32
      %dma_wait3A_75 = tpu.memref_slice %arg16[%add3A_37, %dma_wait3A_74] : memref<50048x32xbf16, #tpu.memory_space<vmem_shared>> -> memref<256x32xbf16, #tpu.memory_space<vmem_shared>>
      %dma_wait3A_76 = arith.constant 0 : i32
      %dma_wait3A_77 = tpu.memref_slice %arg16[%add3A_37, %dma_wait3A_76] : memref<50048x32xbf16, #tpu.memory_space<vmem_shared>> -> memref<256x32xbf16, #tpu.memory_space<vmem_shared>>
      %dma_wait3A_78 = arith.constant 0 : i32
      %dma_wait3A_79 = arith.constant 0 : i32
      %dma_wait3A_80 = tpu.memref_slice %arg13[%run_scoped3A_38, %dma_wait3A_78, %dma_wait3A_79] : memref<2x256x32xbf16, #tpu.memory_space<vmem>> -> memref<1x256x32xbf16, #tpu.memory_space<vmem>>
      %dma_wait3A_81 = tpu.memref_squeeze %dma_wait3A_80 : memref<1x256x32xbf16, #tpu.memory_space<vmem>> -> memref<256x32xbf16, #tpu.memory_space<vmem>>
      tpu.wait_dma2 semaphore(%run_scoped3A_59 : memref<!tpu.dma_semaphore, #tpu.memory_space<semaphore_mem>>) src(%dma_wait3A_81 : memref<256x32xbf16, #tpu.memory_space<vmem>>) dst(%dma_wait3A_77 : memref<256x32xbf16, #tpu.memory_space<vmem_shared>>)
      tpu.yield
    }) : () -> ()
    %add3A_39 = arith.constant 2560 : i32
    %add3A_40 = arith.addi %mul3A_9, %add3A_39 : i32
    %run_scoped3A_41 = arith.constant 0 : i32
    "tpu.region"() ({
      %run_scoped3A_59 = tpu.sem_alloc : memref<!tpu.dma_semaphore, #tpu.memory_space<semaphore_mem>>
      %dma_start3A = arith.constant 0 : i32
      %dma_start3A_60 = arith.constant 0 : i32
      %dma_start3A_61 = tpu.memref_slice %arg13[%run_scoped3A_41, %dma_start3A, %dma_start3A_60] : memref<2x256x32xbf16, #tpu.memory_space<vmem>> -> memref<1x256x32xbf16, #tpu.memory_space<vmem>>
      %dma_start3A_62 = tpu.memref_squeeze %dma_start3A_61 : memref<1x256x32xbf16, #tpu.memory_space<vmem>> -> memref<256x32xbf16, #tpu.memory_space<vmem>>
      %dma_start3A_63 = arith.constant 0 : i32
      %dma_start3A_64 = tpu.memref_slice %arg16[%add3A_40, %dma_start3A_63] : memref<50048x32xbf16, #tpu.memory_space<vmem_shared>> -> memref<256x32xbf16, #tpu.memory_space<vmem_shared>>
      %dma_start3A_65 = arith.constant 0 : i32
      %dma_start3A_66 = tpu.memref_slice %arg16[%add3A_40, %dma_start3A_65] : memref<50048x32xbf16, #tpu.memory_space<vmem_shared>> -> memref<256x32xbf16, #tpu.memory_space<vmem_shared>>
      %dma_start3A_67 = arith.constant 0 : i32
      %dma_start3A_68 = arith.constant 0 : i32
      %dma_start3A_69 = tpu.memref_slice %arg13[%run_scoped3A_41, %dma_start3A_67, %dma_start3A_68] : memref<2x256x32xbf16, #tpu.memory_space<vmem>> -> memref<1x256x32xbf16, #tpu.memory_space<vmem>>
      %dma_start3A_70 = tpu.memref_squeeze %dma_start3A_69 : memref<1x256x32xbf16, #tpu.memory_space<vmem>> -> memref<256x32xbf16, #tpu.memory_space<vmem>>
      tpu.enqueue_dma source(%dma_start3A_70 : memref<256x32xbf16, #tpu.memory_space<vmem>>) target(%dma_start3A_66 : memref<256x32xbf16, #tpu.memory_space<vmem_shared>>) target_semaphore(%run_scoped3A_59 : memref<!tpu.dma_semaphore, #tpu.memory_space<semaphore_mem>>)
      %dma_wait3A = arith.constant 0 : i32
      %dma_wait3A_71 = arith.constant 0 : i32
      %dma_wait3A_72 = tpu.memref_slice %arg13[%run_scoped3A_41, %dma_wait3A, %dma_wait3A_71] : memref<2x256x32xbf16, #tpu.memory_space<vmem>> -> memref<1x256x32xbf16, #tpu.memory_space<vmem>>
      %dma_wait3A_73 = tpu.memref_squeeze %dma_wait3A_72 : memref<1x256x32xbf16, #tpu.memory_space<vmem>> -> memref<256x32xbf16, #tpu.memory_space<vmem>>
      %dma_wait3A_74 = arith.constant 0 : i32
      %dma_wait3A_75 = tpu.memref_slice %arg16[%add3A_40, %dma_wait3A_74] : memref<50048x32xbf16, #tpu.memory_space<vmem_shared>> -> memref<256x32xbf16, #tpu.memory_space<vmem_shared>>
      %dma_wait3A_76 = arith.constant 0 : i32
      %dma_wait3A_77 = tpu.memref_slice %arg16[%add3A_40, %dma_wait3A_76] : memref<50048x32xbf16, #tpu.memory_space<vmem_shared>> -> memref<256x32xbf16, #tpu.memory_space<vmem_shared>>
      %dma_wait3A_78 = arith.constant 0 : i32
      %dma_wait3A_79 = arith.constant 0 : i32
      %dma_wait3A_80 = tpu.memref_slice %arg13[%run_scoped3A_41, %dma_wait3A_78, %dma_wait3A_79] : memref<2x256x32xbf16, #tpu.memory_space<vmem>> -> memref<1x256x32xbf16, #tpu.memory_space<vmem>>
      %dma_wait3A_81 = tpu.memref_squeeze %dma_wait3A_80 : memref<1x256x32xbf16, #tpu.memory_space<vmem>> -> memref<256x32xbf16, #tpu.memory_space<vmem>>
      tpu.wait_dma2 semaphore(%run_scoped3A_59 : memref<!tpu.dma_semaphore, #tpu.memory_space<semaphore_mem>>) src(%dma_wait3A_81 : memref<256x32xbf16, #tpu.memory_space<vmem>>) dst(%dma_wait3A_77 : memref<256x32xbf16, #tpu.memory_space<vmem_shared>>)
      tpu.yield
    }) : () -> ()
    %add3A_42 = arith.constant 2816 : i32
    %add3A_43 = arith.addi %mul3A_9, %add3A_42 : i32
    %run_scoped3A_44 = arith.constant 0 : i32
    "tpu.region"() ({
      %run_scoped3A_59 = tpu.sem_alloc : memref<!tpu.dma_semaphore, #tpu.memory_space<semaphore_mem>>
      %dma_start3A = arith.constant 0 : i32
      %dma_start3A_60 = arith.constant 0 : i32
      %dma_start3A_61 = tpu.memref_slice %arg13[%run_scoped3A_44, %dma_start3A, %dma_start3A_60] : memref<2x256x32xbf16, #tpu.memory_space<vmem>> -> memref<1x256x32xbf16, #tpu.memory_space<vmem>>
      %dma_start3A_62 = tpu.memref_squeeze %dma_start3A_61 : memref<1x256x32xbf16, #tpu.memory_space<vmem>> -> memref<256x32xbf16, #tpu.memory_space<vmem>>
      %dma_start3A_63 = arith.constant 0 : i32
      %dma_start3A_64 = tpu.memref_slice %arg16[%add3A_43, %dma_start3A_63] : memref<50048x32xbf16, #tpu.memory_space<vmem_shared>> -> memref<256x32xbf16, #tpu.memory_space<vmem_shared>>
      %dma_start3A_65 = arith.constant 0 : i32
      %dma_start3A_66 = tpu.memref_slice %arg16[%add3A_43, %dma_start3A_65] : memref<50048x32xbf16, #tpu.memory_space<vmem_shared>> -> memref<256x32xbf16, #tpu.memory_space<vmem_shared>>
      %dma_start3A_67 = arith.constant 0 : i32
      %dma_start3A_68 = arith.constant 0 : i32
      %dma_start3A_69 = tpu.memref_slice %arg13[%run_scoped3A_44, %dma_start3A_67, %dma_start3A_68] : memref<2x256x32xbf16, #tpu.memory_space<vmem>> -> memref<1x256x32xbf16, #tpu.memory_space<vmem>>
      %dma_start3A_70 = tpu.memref_squeeze %dma_start3A_69 : memref<1x256x32xbf16, #tpu.memory_space<vmem>> -> memref<256x32xbf16, #tpu.memory_space<vmem>>
      tpu.enqueue_dma source(%dma_start3A_70 : memref<256x32xbf16, #tpu.memory_space<vmem>>) target(%dma_start3A_66 : memref<256x32xbf16, #tpu.memory_space<vmem_shared>>) target_semaphore(%run_scoped3A_59 : memref<!tpu.dma_semaphore, #tpu.memory_space<semaphore_mem>>)
      %dma_wait3A = arith.constant 0 : i32
      %dma_wait3A_71 = arith.constant 0 : i32
      %dma_wait3A_72 = tpu.memref_slice %arg13[%run_scoped3A_44, %dma_wait3A, %dma_wait3A_71] : memref<2x256x32xbf16, #tpu.memory_space<vmem>> -> memref<1x256x32xbf16, #tpu.memory_space<vmem>>
      %dma_wait3A_73 = tpu.memref_squeeze %dma_wait3A_72 : memref<1x256x32xbf16, #tpu.memory_space<vmem>> -> memref<256x32xbf16, #tpu.memory_space<vmem>>
      %dma_wait3A_74 = arith.constant 0 : i32
      %dma_wait3A_75 = tpu.memref_slice %arg16[%add3A_43, %dma_wait3A_74] : memref<50048x32xbf16, #tpu.memory_space<vmem_shared>> -> memref<256x32xbf16, #tpu.memory_space<vmem_shared>>
      %dma_wait3A_76 = arith.constant 0 : i32
      %dma_wait3A_77 = tpu.memref_slice %arg16[%add3A_43, %dma_wait3A_76] : memref<50048x32xbf16, #tpu.memory_space<vmem_shared>> -> memref<256x32xbf16, #tpu.memory_space<vmem_shared>>
      %dma_wait3A_78 = arith.constant 0 : i32
      %dma_wait3A_79 = arith.constant 0 : i32
      %dma_wait3A_80 = tpu.memref_slice %arg13[%run_scoped3A_44, %dma_wait3A_78, %dma_wait3A_79] : memref<2x256x32xbf16, #tpu.memory_space<vmem>> -> memref<1x256x32xbf16, #tpu.memory_space<vmem>>
      %dma_wait3A_81 = tpu.memref_squeeze %dma_wait3A_80 : memref<1x256x32xbf16, #tpu.memory_space<vmem>> -> memref<256x32xbf16, #tpu.memory_space<vmem>>
      tpu.wait_dma2 semaphore(%run_scoped3A_59 : memref<!tpu.dma_semaphore, #tpu.memory_space<semaphore_mem>>) src(%dma_wait3A_81 : memref<256x32xbf16, #tpu.memory_space<vmem>>) dst(%dma_wait3A_77 : memref<256x32xbf16, #tpu.memory_space<vmem_shared>>)
      tpu.yield
    }) : () -> ()
    %add3A_45 = arith.constant 3072 : i32
    %add3A_46 = arith.addi %mul3A_9, %add3A_45 : i32
    %run_scoped3A_47 = arith.constant 0 : i32
    "tpu.region"() ({
      %run_scoped3A_59 = tpu.sem_alloc : memref<!tpu.dma_semaphore, #tpu.memory_space<semaphore_mem>>
      %dma_start3A = arith.constant 0 : i32
      %dma_start3A_60 = arith.constant 0 : i32
      %dma_start3A_61 = tpu.memref_slice %arg13[%run_scoped3A_47, %dma_start3A, %dma_start3A_60] : memref<2x256x32xbf16, #tpu.memory_space<vmem>> -> memref<1x56x32xbf16, #tpu.memory_space<vmem>>
      %dma_start3A_62 = tpu.memref_squeeze %dma_start3A_61 : memref<1x56x32xbf16, #tpu.memory_space<vmem>> -> memref<56x32xbf16, #tpu.memory_space<vmem>>
      %dma_start3A_63 = arith.constant 0 : i32
      %dma_start3A_64 = tpu.memref_slice %arg16[%add3A_46, %dma_start3A_63] : memref<50048x32xbf16, #tpu.memory_space<vmem_shared>> -> memref<56x32xbf16, #tpu.memory_space<vmem_shared>>
      %dma_start3A_65 = arith.constant 0 : i32
      %dma_start3A_66 = tpu.memref_slice %arg16[%add3A_46, %dma_start3A_65] : memref<50048x32xbf16, #tpu.memory_space<vmem_shared>> -> memref<56x32xbf16, #tpu.memory_space<vmem_shared>>
      %dma_start3A_67 = arith.constant 0 : i32
      %dma_start3A_68 = arith.constant 0 : i32
      %dma_start3A_69 = tpu.memref_slice %arg13[%run_scoped3A_47, %dma_start3A_67, %dma_start3A_68] : memref<2x256x32xbf16, #tpu.memory_space<vmem>> -> memref<1x56x32xbf16, #tpu.memory_space<vmem>>
      %dma_start3A_70 = tpu.memref_squeeze %dma_start3A_69 : memref<1x56x32xbf16, #tpu.memory_space<vmem>> -> memref<56x32xbf16, #tpu.memory_space<vmem>>
      tpu.enqueue_dma source(%dma_start3A_70 : memref<56x32xbf16, #tpu.memory_space<vmem>>) target(%dma_start3A_66 : memref<56x32xbf16, #tpu.memory_space<vmem_shared>>) target_semaphore(%run_scoped3A_59 : memref<!tpu.dma_semaphore, #tpu.memory_space<semaphore_mem>>)
      %dma_wait3A = arith.constant 0 : i32
      %dma_wait3A_71 = arith.constant 0 : i32
      %dma_wait3A_72 = tpu.memref_slice %arg13[%run_scoped3A_47, %dma_wait3A, %dma_wait3A_71] : memref<2x256x32xbf16, #tpu.memory_space<vmem>> -> memref<1x56x32xbf16, #tpu.memory_space<vmem>>
      %dma_wait3A_73 = tpu.memref_squeeze %dma_wait3A_72 : memref<1x56x32xbf16, #tpu.memory_space<vmem>> -> memref<56x32xbf16, #tpu.memory_space<vmem>>
      %dma_wait3A_74 = arith.constant 0 : i32
      %dma_wait3A_75 = tpu.memref_slice %arg16[%add3A_46, %dma_wait3A_74] : memref<50048x32xbf16, #tpu.memory_space<vmem_shared>> -> memref<56x32xbf16, #tpu.memory_space<vmem_shared>>
      %dma_wait3A_76 = arith.constant 0 : i32
      %dma_wait3A_77 = tpu.memref_slice %arg16[%add3A_46, %dma_wait3A_76] : memref<50048x32xbf16, #tpu.memory_space<vmem_shared>> -> memref<56x32xbf16, #tpu.memory_space<vmem_shared>>
      %dma_wait3A_78 = arith.constant 0 : i32
      %dma_wait3A_79 = arith.constant 0 : i32
      %dma_wait3A_80 = tpu.memref_slice %arg13[%run_scoped3A_47, %dma_wait3A_78, %dma_wait3A_79] : memref<2x256x32xbf16, #tpu.memory_space<vmem>> -> memref<1x56x32xbf16, #tpu.memory_space<vmem>>
      %dma_wait3A_81 = tpu.memref_squeeze %dma_wait3A_80 : memref<1x56x32xbf16, #tpu.memory_space<vmem>> -> memref<56x32xbf16, #tpu.memory_space<vmem>>
      tpu.wait_dma2 semaphore(%run_scoped3A_59 : memref<!tpu.dma_semaphore, #tpu.memory_space<semaphore_mem>>) src(%dma_wait3A_81 : memref<56x32xbf16, #tpu.memory_space<vmem>>) dst(%dma_wait3A_77 : memref<56x32xbf16, #tpu.memory_space<vmem_shared>>)
      tpu.yield
    }) : () -> ()
    %barrier3A = arith.constant 0 : index
    tpu.barrier barrier_id(%barrier3A)
    %scan3A_48 = arith.constant 0 : i32
    %scan3A_49 = arith.constant 0 : i32
    %scan3A_50 = arith.constant 50 : i32
    %scan3A_51 = arith.addi %scan3A_49, %scan3A_50 : i32
    %scan3A_52 = arith.constant 1 : i32
    scf.for %scan3A_59 = %scan3A_49 to %scan3A_51 step %scan3A_52  : i32 {
      %mul3A_60 = arith.constant 2 : i32
      %mul3A_61 = arith.muli %mul3A_60, %scan3A_59 : i32
      %add3A_62 = arith.addi %mul3A_2, %mul3A_61 : i32
      %add3A_63 = arith.constant 1 : i32
      %add3A_64 = arith.addi %add3A_62, %add3A_63 : i32
      %mul3A_65 = arith.constant 64 : i32
      %mul3A_66 = arith.muli %add3A_62, %mul3A_65 : i32
      %min3A = arith.constant 199936 : i32
      %min3A_67 = arith.minsi %mul3A_66, %min3A : i32
      %add3A_68 = arith.constant 0 : i32
      %add3A_69 = arith.addi %add3A_68, %min3A_67 : i32
      %add3A_70 = arith.constant 200000 : i32
      %add3A_71 = arith.addi %add3A_70, %min3A_67 : i32
      %add3A_72 = arith.constant 400000 : i32
      %add3A_73 = arith.addi %add3A_72, %min3A_67 : i32
      %add3A_74 = arith.constant 600000 : i32
      %add3A_75 = arith.addi %add3A_74, %min3A_67 : i32
      %mul3A_76 = arith.constant 64 : i32
      %mul3A_77 = arith.muli %add3A_64, %mul3A_76 : i32
      %min3A_78 = arith.constant 199936 : i32
      %min3A_79 = arith.minsi %mul3A_77, %min3A_78 : i32
      %add3A_80 = arith.constant 0 : i32
      %add3A_81 = arith.addi %add3A_80, %min3A_79 : i32
      %add3A_82 = arith.constant 200000 : i32
      %add3A_83 = arith.addi %add3A_82, %min3A_79 : i32
      %add3A_84 = arith.constant 400000 : i32
      %add3A_85 = arith.addi %add3A_84, %min3A_79 : i32
      %add3A_86 = arith.constant 600000 : i32
      %add3A_87 = arith.addi %add3A_86, %min3A_79 : i32
      %dma_start3A = arith.constant 0 : i32
      %dma_start3A_88 = arith.constant 0 : i32
      %dma_start3A_89 = arith.constant 0 : i32
      %dma_start3A_90 = tpu.memref_slice %arg14[%dma_start3A, %dma_start3A_88, %dma_start3A_89] : memref<2x4x64xi32, #tpu.memory_space<vmem>> -> memref<1x1x64xi32, #tpu.memory_space<vmem>>
      %dma_start3A_91 = tpu.memref_squeeze %dma_start3A_90 : memref<1x1x64xi32, #tpu.memory_space<vmem>> -> memref<64xi32, #tpu.memory_space<vmem>>
      %dma_start3A_92 = tpu.memref_slice %arg3[%add3A_69] : memref<800000xi32, #tpu.memory_space<hbm>> -> memref<64xi32, #tpu.memory_space<hbm>>
      %dma_start3A_93 = arith.constant 0 : i32
      %dma_start3A_94 = tpu.memref_slice %arg14[%dma_start3A, %dma_start3A_88, %dma_start3A_93] : memref<2x4x64xi32, #tpu.memory_space<vmem>> -> memref<1x1x64xi32, #tpu.memory_space<vmem>>
      %dma_start3A_95 = tpu.memref_squeeze %dma_start3A_94 : memref<1x1x64xi32, #tpu.memory_space<vmem>> -> memref<64xi32, #tpu.memory_space<vmem>>
      %dma_start3A_96 = tpu.memref_slice %arg3[%add3A_69] : memref<800000xi32, #tpu.memory_space<hbm>> -> memref<64xi32, #tpu.memory_space<hbm>>
      tpu.enqueue_dma source(%dma_start3A_96 : memref<64xi32, #tpu.memory_space<hbm>>) target(%dma_start3A_95 : memref<64xi32, #tpu.memory_space<vmem>>) target_semaphore(%arg21 : memref<!tpu.dma_semaphore, #tpu.memory_space<semaphore_mem>>)
      %dma_start3A_97 = arith.constant 0 : i32
      %dma_start3A_98 = arith.constant 0 : i32
      %dma_start3A_99 = arith.constant 0 : i32
      %dma_start3A_100 = tpu.memref_slice %arg15[%dma_start3A_97, %dma_start3A_98, %dma_start3A_99] : memref<2x4x64xi32, #tpu.memory_space<vmem>> -> memref<1x1x64xi32, #tpu.memory_space<vmem>>
      %dma_start3A_101 = tpu.memref_squeeze %dma_start3A_100 : memref<1x1x64xi32, #tpu.memory_space<vmem>> -> memref<64xi32, #tpu.memory_space<vmem>>
      %dma_start3A_102 = tpu.memref_slice %arg4[%add3A_69] : memref<800000xi32, #tpu.memory_space<hbm>> -> memref<64xi32, #tpu.memory_space<hbm>>
      %dma_start3A_103 = arith.constant 0 : i32
      %dma_start3A_104 = tpu.memref_slice %arg15[%dma_start3A_97, %dma_start3A_98, %dma_start3A_103] : memref<2x4x64xi32, #tpu.memory_space<vmem>> -> memref<1x1x64xi32, #tpu.memory_space<vmem>>
      %dma_start3A_105 = tpu.memref_squeeze %dma_start3A_104 : memref<1x1x64xi32, #tpu.memory_space<vmem>> -> memref<64xi32, #tpu.memory_space<vmem>>
      %dma_start3A_106 = tpu.memref_slice %arg4[%add3A_69] : memref<800000xi32, #tpu.memory_space<hbm>> -> memref<64xi32, #tpu.memory_space<hbm>>
      tpu.enqueue_dma source(%dma_start3A_106 : memref<64xi32, #tpu.memory_space<hbm>>) target(%dma_start3A_105 : memref<64xi32, #tpu.memory_space<vmem>>) target_semaphore(%arg21 : memref<!tpu.dma_semaphore, #tpu.memory_space<semaphore_mem>>)
      %dma_start3A_107 = arith.constant 0 : i32
      %dma_start3A_108 = arith.constant 1 : i32
      %dma_start3A_109 = arith.constant 0 : i32
      %dma_start3A_110 = tpu.memref_slice %arg14[%dma_start3A_107, %dma_start3A_108, %dma_start3A_109] : memref<2x4x64xi32, #tpu.memory_space<vmem>> -> memref<1x1x64xi32, #tpu.memory_space<vmem>>
      %dma_start3A_111 = tpu.memref_squeeze %dma_start3A_110 : memref<1x1x64xi32, #tpu.memory_space<vmem>> -> memref<64xi32, #tpu.memory_space<vmem>>
      %dma_start3A_112 = tpu.memref_slice %arg3[%add3A_71] : memref<800000xi32, #tpu.memory_space<hbm>> -> memref<64xi32, #tpu.memory_space<hbm>>
      %dma_start3A_113 = arith.constant 0 : i32
      %dma_start3A_114 = tpu.memref_slice %arg14[%dma_start3A_107, %dma_start3A_108, %dma_start3A_113] : memref<2x4x64xi32, #tpu.memory_space<vmem>> -> memref<1x1x64xi32, #tpu.memory_space<vmem>>
      %dma_start3A_115 = tpu.memref_squeeze %dma_start3A_114 : memref<1x1x64xi32, #tpu.memory_space<vmem>> -> memref<64xi32, #tpu.memory_space<vmem>>
      %dma_start3A_116 = tpu.memref_slice %arg3[%add3A_71] : memref<800000xi32, #tpu.memory_space<hbm>> -> memref<64xi32, #tpu.memory_space<hbm>>
      tpu.enqueue_dma source(%dma_start3A_116 : memref<64xi32, #tpu.memory_space<hbm>>) target(%dma_start3A_115 : memref<64xi32, #tpu.memory_space<vmem>>) target_semaphore(%arg21 : memref<!tpu.dma_semaphore, #tpu.memory_space<semaphore_mem>>)
      %dma_start3A_117 = arith.constant 0 : i32
      %dma_start3A_118 = arith.constant 1 : i32
      %dma_start3A_119 = arith.constant 0 : i32
      %dma_start3A_120 = tpu.memref_slice %arg15[%dma_start3A_117, %dma_start3A_118, %dma_start3A_119] : memref<2x4x64xi32, #tpu.memory_space<vmem>> -> memref<1x1x64xi32, #tpu.memory_space<vmem>>
      %dma_start3A_121 = tpu.memref_squeeze %dma_start3A_120 : memref<1x1x64xi32, #tpu.memory_space<vmem>> -> memref<64xi32, #tpu.memory_space<vmem>>
      %dma_start3A_122 = tpu.memref_slice %arg4[%add3A_71] : memref<800000xi32, #tpu.memory_space<hbm>> -> memref<64xi32, #tpu.memory_space<hbm>>
      %dma_start3A_123 = arith.constant 0 : i32
      %dma_start3A_124 = tpu.memref_slice %arg15[%dma_start3A_117, %dma_start3A_118, %dma_start3A_123] : memref<2x4x64xi32, #tpu.memory_space<vmem>> -> memref<1x1x64xi32, #tpu.memory_space<vmem>>
      %dma_start3A_125 = tpu.memref_squeeze %dma_start3A_124 : memref<1x1x64xi32, #tpu.memory_space<vmem>> -> memref<64xi32, #tpu.memory_space<vmem>>
      %dma_start3A_126 = tpu.memref_slice %arg4[%add3A_71] : memref<800000xi32, #tpu.memory_space<hbm>> -> memref<64xi32, #tpu.memory_space<hbm>>
      tpu.enqueue_dma source(%dma_start3A_126 : memref<64xi32, #tpu.memory_space<hbm>>) target(%dma_start3A_125 : memref<64xi32, #tpu.memory_space<vmem>>) target_semaphore(%arg21 : memref<!tpu.dma_semaphore, #tpu.memory_space<semaphore_mem>>)
      %dma_start3A_127 = arith.constant 0 : i32
      %dma_start3A_128 = arith.constant 2 : i32
      %dma_start3A_129 = arith.constant 0 : i32
      %dma_start3A_130 = tpu.memref_slice %arg14[%dma_start3A_127, %dma_start3A_128, %dma_start3A_129] : memref<2x4x64xi32, #tpu.memory_space<vmem>> -> memref<1x1x64xi32, #tpu.memory_space<vmem>>
      %dma_start3A_131 = tpu.memref_squeeze %dma_start3A_130 : memref<1x1x64xi32, #tpu.memory_space<vmem>> -> memref<64xi32, #tpu.memory_space<vmem>>
      %dma_start3A_132 = tpu.memref_slice %arg3[%add3A_73] : memref<800000xi32, #tpu.memory_space<hbm>> -> memref<64xi32, #tpu.memory_space<hbm>>
      %dma_start3A_133 = arith.constant 0 : i32
      %dma_start3A_134 = tpu.memref_slice %arg14[%dma_start3A_127, %dma_start3A_128, %dma_start3A_133] : memref<2x4x64xi32, #tpu.memory_space<vmem>> -> memref<1x1x64xi32, #tpu.memory_space<vmem>>
      %dma_start3A_135 = tpu.memref_squeeze %dma_start3A_134 : memref<1x1x64xi32, #tpu.memory_space<vmem>> -> memref<64xi32, #tpu.memory_space<vmem>>
      %dma_start3A_136 = tpu.memref_slice %arg3[%add3A_73] : memref<800000xi32, #tpu.memory_space<hbm>> -> memref<64xi32, #tpu.memory_space<hbm>>
      tpu.enqueue_dma source(%dma_start3A_136 : memref<64xi32, #tpu.memory_space<hbm>>) target(%dma_start3A_135 : memref<64xi32, #tpu.memory_space<vmem>>) target_semaphore(%arg21 : memref<!tpu.dma_semaphore, #tpu.memory_space<semaphore_mem>>)
      %dma_start3A_137 = arith.constant 0 : i32
      %dma_start3A_138 = arith.constant 2 : i32
      %dma_start3A_139 = arith.constant 0 : i32
      %dma_start3A_140 = tpu.memref_slice %arg15[%dma_start3A_137, %dma_start3A_138, %dma_start3A_139] : memref<2x4x64xi32, #tpu.memory_space<vmem>> -> memref<1x1x64xi32, #tpu.memory_space<vmem>>
      %dma_start3A_141 = tpu.memref_squeeze %dma_start3A_140 : memref<1x1x64xi32, #tpu.memory_space<vmem>> -> memref<64xi32, #tpu.memory_space<vmem>>
      %dma_start3A_142 = tpu.memref_slice %arg4[%add3A_73] : memref<800000xi32, #tpu.memory_space<hbm>> -> memref<64xi32, #tpu.memory_space<hbm>>
      %dma_start3A_143 = arith.constant 0 : i32
      %dma_start3A_144 = tpu.memref_slice %arg15[%dma_start3A_137, %dma_start3A_138, %dma_start3A_143] : memref<2x4x64xi32, #tpu.memory_space<vmem>> -> memref<1x1x64xi32, #tpu.memory_space<vmem>>
      %dma_start3A_145 = tpu.memref_squeeze %dma_start3A_144 : memref<1x1x64xi32, #tpu.memory_space<vmem>> -> memref<64xi32, #tpu.memory_space<vmem>>
      %dma_start3A_146 = tpu.memref_slice %arg4[%add3A_73] : memref<800000xi32, #tpu.memory_space<hbm>> -> memref<64xi32, #tpu.memory_space<hbm>>
      tpu.enqueue_dma source(%dma_start3A_146 : memref<64xi32, #tpu.memory_space<hbm>>) target(%dma_start3A_145 : memref<64xi32, #tpu.memory_space<vmem>>) target_semaphore(%arg21 : memref<!tpu.dma_semaphore, #tpu.memory_space<semaphore_mem>>)
      %dma_start3A_147 = arith.constant 0 : i32
      %dma_start3A_148 = arith.constant 3 : i32
      %dma_start3A_149 = arith.constant 0 : i32
      %dma_start3A_150 = tpu.memref_slice %arg14[%dma_start3A_147, %dma_start3A_148, %dma_start3A_149] : memref<2x4x64xi32, #tpu.memory_space<vmem>> -> memref<1x1x64xi32, #tpu.memory_space<vmem>>
      %dma_start3A_151 = tpu.memref_squeeze %dma_start3A_150 : memref<1x1x64xi32, #tpu.memory_space<vmem>> -> memref<64xi32, #tpu.memory_space<vmem>>
      %dma_start3A_152 = tpu.memref_slice %arg3[%add3A_75] : memref<800000xi32, #tpu.memory_space<hbm>> -> memref<64xi32, #tpu.memory_space<hbm>>
      %dma_start3A_153 = arith.constant 0 : i32
      %dma_start3A_154 = tpu.memref_slice %arg14[%dma_start3A_147, %dma_start3A_148, %dma_start3A_153] : memref<2x4x64xi32, #tpu.memory_space<vmem>> -> memref<1x1x64xi32, #tpu.memory_space<vmem>>
      %dma_start3A_155 = tpu.memref_squeeze %dma_start3A_154 : memref<1x1x64xi32, #tpu.memory_space<vmem>> -> memref<64xi32, #tpu.memory_space<vmem>>
      %dma_start3A_156 = tpu.memref_slice %arg3[%add3A_75] : memref<800000xi32, #tpu.memory_space<hbm>> -> memref<64xi32, #tpu.memory_space<hbm>>
      tpu.enqueue_dma source(%dma_start3A_156 : memref<64xi32, #tpu.memory_space<hbm>>) target(%dma_start3A_155 : memref<64xi32, #tpu.memory_space<vmem>>) target_semaphore(%arg21 : memref<!tpu.dma_semaphore, #tpu.memory_space<semaphore_mem>>)
      %dma_start3A_157 = arith.constant 0 : i32
      %dma_start3A_158 = arith.constant 3 : i32
      %dma_start3A_159 = arith.constant 0 : i32
      %dma_start3A_160 = tpu.memref_slice %arg15[%dma_start3A_157, %dma_start3A_158, %dma_start3A_159] : memref<2x4x64xi32, #tpu.memory_space<vmem>> -> memref<1x1x64xi32, #tpu.memory_space<vmem>>
      %dma_start3A_161 = tpu.memref_squeeze %dma_start3A_160 : memref<1x1x64xi32, #tpu.memory_space<vmem>> -> memref<64xi32, #tpu.memory_space<vmem>>
      %dma_start3A_162 = tpu.memref_slice %arg4[%add3A_75] : memref<800000xi32, #tpu.memory_space<hbm>> -> memref<64xi32, #tpu.memory_space<hbm>>
      %dma_start3A_163 = arith.constant 0 : i32
      %dma_start3A_164 = tpu.memref_slice %arg15[%dma_start3A_157, %dma_start3A_158, %dma_start3A_163] : memref<2x4x64xi32, #tpu.memory_space<vmem>> -> memref<1x1x64xi32, #tpu.memory_space<vmem>>
      %dma_start3A_165 = tpu.memref_squeeze %dma_start3A_164 : memref<1x1x64xi32, #tpu.memory_space<vmem>> -> memref<64xi32, #tpu.memory_space<vmem>>
      %dma_start3A_166 = tpu.memref_slice %arg4[%add3A_75] : memref<800000xi32, #tpu.memory_space<hbm>> -> memref<64xi32, #tpu.memory_space<hbm>>
      tpu.enqueue_dma source(%dma_start3A_166 : memref<64xi32, #tpu.memory_space<hbm>>) target(%dma_start3A_165 : memref<64xi32, #tpu.memory_space<vmem>>) target_semaphore(%arg21 : memref<!tpu.dma_semaphore, #tpu.memory_space<semaphore_mem>>)
      %dma_start3A_167 = arith.constant 1 : i32
      %dma_start3A_168 = arith.constant 0 : i32
      %dma_start3A_169 = arith.constant 0 : i32
      %dma_start3A_170 = tpu.memref_slice %arg14[%dma_start3A_167, %dma_start3A_168, %dma_start3A_169] : memref<2x4x64xi32, #tpu.memory_space<vmem>> -> memref<1x1x64xi32, #tpu.memory_space<vmem>>
      %dma_start3A_171 = tpu.memref_squeeze %dma_start3A_170 : memref<1x1x64xi32, #tpu.memory_space<vmem>> -> memref<64xi32, #tpu.memory_space<vmem>>
      %dma_start3A_172 = tpu.memref_slice %arg3[%add3A_81] : memref<800000xi32, #tpu.memory_space<hbm>> -> memref<64xi32, #tpu.memory_space<hbm>>
      %dma_start3A_173 = arith.constant 0 : i32
      %dma_start3A_174 = tpu.memref_slice %arg14[%dma_start3A_167, %dma_start3A_168, %dma_start3A_173] : memref<2x4x64xi32, #tpu.memory_space<vmem>> -> memref<1x1x64xi32, #tpu.memory_space<vmem>>
      %dma_start3A_175 = tpu.memref_squeeze %dma_start3A_174 : memref<1x1x64xi32, #tpu.memory_space<vmem>> -> memref<64xi32, #tpu.memory_space<vmem>>
      %dma_start3A_176 = tpu.memref_slice %arg3[%add3A_81] : memref<800000xi32, #tpu.memory_space<hbm>> -> memref<64xi32, #tpu.memory_space<hbm>>
      tpu.enqueue_dma source(%dma_start3A_176 : memref<64xi32, #tpu.memory_space<hbm>>) target(%dma_start3A_175 : memref<64xi32, #tpu.memory_space<vmem>>) target_semaphore(%arg22 : memref<!tpu.dma_semaphore, #tpu.memory_space<semaphore_mem>>)
      %dma_start3A_177 = arith.constant 1 : i32
      %dma_start3A_178 = arith.constant 0 : i32
      %dma_start3A_179 = arith.constant 0 : i32
      %dma_start3A_180 = tpu.memref_slice %arg15[%dma_start3A_177, %dma_start3A_178, %dma_start3A_179] : memref<2x4x64xi32, #tpu.memory_space<vmem>> -> memref<1x1x64xi32, #tpu.memory_space<vmem>>
      %dma_start3A_181 = tpu.memref_squeeze %dma_start3A_180 : memref<1x1x64xi32, #tpu.memory_space<vmem>> -> memref<64xi32, #tpu.memory_space<vmem>>
      %dma_start3A_182 = tpu.memref_slice %arg4[%add3A_81] : memref<800000xi32, #tpu.memory_space<hbm>> -> memref<64xi32, #tpu.memory_space<hbm>>
      %dma_start3A_183 = arith.constant 0 : i32
      %dma_start3A_184 = tpu.memref_slice %arg15[%dma_start3A_177, %dma_start3A_178, %dma_start3A_183] : memref<2x4x64xi32, #tpu.memory_space<vmem>> -> memref<1x1x64xi32, #tpu.memory_space<vmem>>
      %dma_start3A_185 = tpu.memref_squeeze %dma_start3A_184 : memref<1x1x64xi32, #tpu.memory_space<vmem>> -> memref<64xi32, #tpu.memory_space<vmem>>
      %dma_start3A_186 = tpu.memref_slice %arg4[%add3A_81] : memref<800000xi32, #tpu.memory_space<hbm>> -> memref<64xi32, #tpu.memory_space<hbm>>
      tpu.enqueue_dma source(%dma_start3A_186 : memref<64xi32, #tpu.memory_space<hbm>>) target(%dma_start3A_185 : memref<64xi32, #tpu.memory_space<vmem>>) target_semaphore(%arg22 : memref<!tpu.dma_semaphore, #tpu.memory_space<semaphore_mem>>)
      %dma_start3A_187 = arith.constant 1 : i32
      %dma_start3A_188 = arith.constant 1 : i32
      %dma_start3A_189 = arith.constant 0 : i32
      %dma_start3A_190 = tpu.memref_slice %arg14[%dma_start3A_187, %dma_start3A_188, %dma_start3A_189] : memref<2x4x64xi32, #tpu.memory_space<vmem>> -> memref<1x1x64xi32, #tpu.memory_space<vmem>>
      %dma_start3A_191 = tpu.memref_squeeze %dma_start3A_190 : memref<1x1x64xi32, #tpu.memory_space<vmem>> -> memref<64xi32, #tpu.memory_space<vmem>>
      %dma_start3A_192 = tpu.memref_slice %arg3[%add3A_83] : memref<800000xi32, #tpu.memory_space<hbm>> -> memref<64xi32, #tpu.memory_space<hbm>>
      %dma_start3A_193 = arith.constant 0 : i32
      %dma_start3A_194 = tpu.memref_slice %arg14[%dma_start3A_187, %dma_start3A_188, %dma_start3A_193] : memref<2x4x64xi32, #tpu.memory_space<vmem>> -> memref<1x1x64xi32, #tpu.memory_space<vmem>>
      %dma_start3A_195 = tpu.memref_squeeze %dma_start3A_194 : memref<1x1x64xi32, #tpu.memory_space<vmem>> -> memref<64xi32, #tpu.memory_space<vmem>>
      %dma_start3A_196 = tpu.memref_slice %arg3[%add3A_83] : memref<800000xi32, #tpu.memory_space<hbm>> -> memref<64xi32, #tpu.memory_space<hbm>>
      tpu.enqueue_dma source(%dma_start3A_196 : memref<64xi32, #tpu.memory_space<hbm>>) target(%dma_start3A_195 : memref<64xi32, #tpu.memory_space<vmem>>) target_semaphore(%arg22 : memref<!tpu.dma_semaphore, #tpu.memory_space<semaphore_mem>>)
      %dma_start3A_197 = arith.constant 1 : i32
      %dma_start3A_198 = arith.constant 1 : i32
      %dma_start3A_199 = arith.constant 0 : i32
      %dma_start3A_200 = tpu.memref_slice %arg15[%dma_start3A_197, %dma_start3A_198, %dma_start3A_199] : memref<2x4x64xi32, #tpu.memory_space<vmem>> -> memref<1x1x64xi32, #tpu.memory_space<vmem>>
      %dma_start3A_201 = tpu.memref_squeeze %dma_start3A_200 : memref<1x1x64xi32, #tpu.memory_space<vmem>> -> memref<64xi32, #tpu.memory_space<vmem>>
      %dma_start3A_202 = tpu.memref_slice %arg4[%add3A_83] : memref<800000xi32, #tpu.memory_space<hbm>> -> memref<64xi32, #tpu.memory_space<hbm>>
      %dma_start3A_203 = arith.constant 0 : i32
      %dma_start3A_204 = tpu.memref_slice %arg15[%dma_start3A_197, %dma_start3A_198, %dma_start3A_203] : memref<2x4x64xi32, #tpu.memory_space<vmem>> -> memref<1x1x64xi32, #tpu.memory_space<vmem>>
      %dma_start3A_205 = tpu.memref_squeeze %dma_start3A_204 : memref<1x1x64xi32, #tpu.memory_space<vmem>> -> memref<64xi32, #tpu.memory_space<vmem>>
      %dma_start3A_206 = tpu.memref_slice %arg4[%add3A_83] : memref<800000xi32, #tpu.memory_space<hbm>> -> memref<64xi32, #tpu.memory_space<hbm>>
      tpu.enqueue_dma source(%dma_start3A_206 : memref<64xi32, #tpu.memory_space<hbm>>) target(%dma_start3A_205 : memref<64xi32, #tpu.memory_space<vmem>>) target_semaphore(%arg22 : memref<!tpu.dma_semaphore, #tpu.memory_space<semaphore_mem>>)
      %dma_start3A_207 = arith.constant 1 : i32
      %dma_start3A_208 = arith.constant 2 : i32
      %dma_start3A_209 = arith.constant 0 : i32
      %dma_start3A_210 = tpu.memref_slice %arg14[%dma_start3A_207, %dma_start3A_208, %dma_start3A_209] : memref<2x4x64xi32, #tpu.memory_space<vmem>> -> memref<1x1x64xi32, #tpu.memory_space<vmem>>
      %dma_start3A_211 = tpu.memref_squeeze %dma_start3A_210 : memref<1x1x64xi32, #tpu.memory_space<vmem>> -> memref<64xi32, #tpu.memory_space<vmem>>
      %dma_start3A_212 = tpu.memref_slice %arg3[%add3A_85] : memref<800000xi32, #tpu.memory_space<hbm>> -> memref<64xi32, #tpu.memory_space<hbm>>
      %dma_start3A_213 = arith.constant 0 : i32
      %dma_start3A_214 = tpu.memref_slice %arg14[%dma_start3A_207, %dma_start3A_208, %dma_start3A_213] : memref<2x4x64xi32, #tpu.memory_space<vmem>> -> memref<1x1x64xi32, #tpu.memory_space<vmem>>
      %dma_start3A_215 = tpu.memref_squeeze %dma_start3A_214 : memref<1x1x64xi32, #tpu.memory_space<vmem>> -> memref<64xi32, #tpu.memory_space<vmem>>
      %dma_start3A_216 = tpu.memref_slice %arg3[%add3A_85] : memref<800000xi32, #tpu.memory_space<hbm>> -> memref<64xi32, #tpu.memory_space<hbm>>
      tpu.enqueue_dma source(%dma_start3A_216 : memref<64xi32, #tpu.memory_space<hbm>>) target(%dma_start3A_215 : memref<64xi32, #tpu.memory_space<vmem>>) target_semaphore(%arg22 : memref<!tpu.dma_semaphore, #tpu.memory_space<semaphore_mem>>)
      %dma_start3A_217 = arith.constant 1 : i32
      %dma_start3A_218 = arith.constant 2 : i32
      %dma_start3A_219 = arith.constant 0 : i32
      %dma_start3A_220 = tpu.memref_slice %arg15[%dma_start3A_217, %dma_start3A_218, %dma_start3A_219] : memref<2x4x64xi32, #tpu.memory_space<vmem>> -> memref<1x1x64xi32, #tpu.memory_space<vmem>>
      %dma_start3A_221 = tpu.memref_squeeze %dma_start3A_220 : memref<1x1x64xi32, #tpu.memory_space<vmem>> -> memref<64xi32, #tpu.memory_space<vmem>>
      %dma_start3A_222 = tpu.memref_slice %arg4[%add3A_85] : memref<800000xi32, #tpu.memory_space<hbm>> -> memref<64xi32, #tpu.memory_space<hbm>>
      %dma_start3A_223 = arith.constant 0 : i32
      %dma_start3A_224 = tpu.memref_slice %arg15[%dma_start3A_217, %dma_start3A_218, %dma_start3A_223] : memref<2x4x64xi32, #tpu.memory_space<vmem>> -> memref<1x1x64xi32, #tpu.memory_space<vmem>>
      %dma_start3A_225 = tpu.memref_squeeze %dma_start3A_224 : memref<1x1x64xi32, #tpu.memory_space<vmem>> -> memref<64xi32, #tpu.memory_space<vmem>>
      %dma_start3A_226 = tpu.memref_slice %arg4[%add3A_85] : memref<800000xi32, #tpu.memory_space<hbm>> -> memref<64xi32, #tpu.memory_space<hbm>>
      tpu.enqueue_dma source(%dma_start3A_226 : memref<64xi32, #tpu.memory_space<hbm>>) target(%dma_start3A_225 : memref<64xi32, #tpu.memory_space<vmem>>) target_semaphore(%arg22 : memref<!tpu.dma_semaphore, #tpu.memory_space<semaphore_mem>>)
      %dma_start3A_227 = arith.constant 1 : i32
      %dma_start3A_228 = arith.constant 3 : i32
      %dma_start3A_229 = arith.constant 0 : i32
      %dma_start3A_230 = tpu.memref_slice %arg14[%dma_start3A_227, %dma_start3A_228, %dma_start3A_229] : memref<2x4x64xi32, #tpu.memory_space<vmem>> -> memref<1x1x64xi32, #tpu.memory_space<vmem>>
      %dma_start3A_231 = tpu.memref_squeeze %dma_start3A_230 : memref<1x1x64xi32, #tpu.memory_space<vmem>> -> memref<64xi32, #tpu.memory_space<vmem>>
      %dma_start3A_232 = tpu.memref_slice %arg3[%add3A_87] : memref<800000xi32, #tpu.memory_space<hbm>> -> memref<64xi32, #tpu.memory_space<hbm>>
      %dma_start3A_233 = arith.constant 0 : i32
      %dma_start3A_234 = tpu.memref_slice %arg14[%dma_start3A_227, %dma_start3A_228, %dma_start3A_233] : memref<2x4x64xi32, #tpu.memory_space<vmem>> -> memref<1x1x64xi32, #tpu.memory_space<vmem>>
      %dma_start3A_235 = tpu.memref_squeeze %dma_start3A_234 : memref<1x1x64xi32, #tpu.memory_space<vmem>> -> memref<64xi32, #tpu.memory_space<vmem>>
      %dma_start3A_236 = tpu.memref_slice %arg3[%add3A_87] : memref<800000xi32, #tpu.memory_space<hbm>> -> memref<64xi32, #tpu.memory_space<hbm>>
      tpu.enqueue_dma source(%dma_start3A_236 : memref<64xi32, #tpu.memory_space<hbm>>) target(%dma_start3A_235 : memref<64xi32, #tpu.memory_space<vmem>>) target_semaphore(%arg22 : memref<!tpu.dma_semaphore, #tpu.memory_space<semaphore_mem>>)
      %dma_start3A_237 = arith.constant 1 : i32
      %dma_start3A_238 = arith.constant 3 : i32
      %dma_start3A_239 = arith.constant 0 : i32
      %dma_start3A_240 = tpu.memref_slice %arg15[%dma_start3A_237, %dma_start3A_238, %dma_start3A_239] : memref<2x4x64xi32, #tpu.memory_space<vmem>> -> memref<1x1x64xi32, #tpu.memory_space<vmem>>
      %dma_start3A_241 = tpu.memref_squeeze %dma_start3A_240 : memref<1x1x64xi32, #tpu.memory_space<vmem>> -> memref<64xi32, #tpu.memory_space<vmem>>
      %dma_start3A_242 = tpu.memref_slice %arg4[%add3A_87] : memref<800000xi32, #tpu.memory_space<hbm>> -> memref<64xi32, #tpu.memory_space<hbm>>
      %dma_start3A_243 = arith.constant 0 : i32
      %dma_start3A_244 = tpu.memref_slice %arg15[%dma_start3A_237, %dma_start3A_238, %dma_start3A_243] : memref<2x4x64xi32, #tpu.memory_space<vmem>> -> memref<1x1x64xi32, #tpu.memory_space<vmem>>
      %dma_start3A_245 = tpu.memref_squeeze %dma_start3A_244 : memref<1x1x64xi32, #tpu.memory_space<vmem>> -> memref<64xi32, #tpu.memory_space<vmem>>
      %dma_start3A_246 = tpu.memref_slice %arg4[%add3A_87] : memref<800000xi32, #tpu.memory_space<hbm>> -> memref<64xi32, #tpu.memory_space<hbm>>
      tpu.enqueue_dma source(%dma_start3A_246 : memref<64xi32, #tpu.memory_space<hbm>>) target(%dma_start3A_245 : memref<64xi32, #tpu.memory_space<vmem>>) target_semaphore(%arg22 : memref<!tpu.dma_semaphore, #tpu.memory_space<semaphore_mem>>)
      %dma_wait3A = arith.constant 0 : i32
      %dma_wait3A_247 = arith.constant 0 : i32
      %dma_wait3A_248 = arith.constant 0 : i32
      %dma_wait3A_249 = tpu.memref_slice %arg14[%dma_wait3A, %dma_wait3A_247, %dma_wait3A_248] : memref<2x4x64xi32, #tpu.memory_space<vmem>> -> memref<1x1x64xi32, #tpu.memory_space<vmem>>
      %dma_wait3A_250 = tpu.memref_squeeze %dma_wait3A_249 : memref<1x1x64xi32, #tpu.memory_space<vmem>> -> memref<64xi32, #tpu.memory_space<vmem>>
      %dma_wait3A_251 = tpu.memref_slice %arg3[%add3A_69] : memref<800000xi32, #tpu.memory_space<hbm>> -> memref<64xi32, #tpu.memory_space<hbm>>
      %dma_wait3A_252 = arith.constant 0 : i32
      %dma_wait3A_253 = tpu.memref_slice %arg14[%dma_wait3A, %dma_wait3A_247, %dma_wait3A_252] : memref<2x4x64xi32, #tpu.memory_space<vmem>> -> memref<1x1x64xi32, #tpu.memory_space<vmem>>
      %dma_wait3A_254 = tpu.memref_squeeze %dma_wait3A_253 : memref<1x1x64xi32, #tpu.memory_space<vmem>> -> memref<64xi32, #tpu.memory_space<vmem>>
      %dma_wait3A_255 = tpu.memref_slice %arg3[%add3A_69] : memref<800000xi32, #tpu.memory_space<hbm>> -> memref<64xi32, #tpu.memory_space<hbm>>
      tpu.wait_dma2 semaphore(%arg21 : memref<!tpu.dma_semaphore, #tpu.memory_space<semaphore_mem>>) src(%dma_wait3A_255 : memref<64xi32, #tpu.memory_space<hbm>>) dst(%dma_wait3A_254 : memref<64xi32, #tpu.memory_space<vmem>>)
      %dma_wait3A_256 = arith.constant 0 : i32
      %dma_wait3A_257 = arith.constant 0 : i32
      %dma_wait3A_258 = arith.constant 0 : i32
      %dma_wait3A_259 = tpu.memref_slice %arg15[%dma_wait3A_256, %dma_wait3A_257, %dma_wait3A_258] : memref<2x4x64xi32, #tpu.memory_space<vmem>> -> memref<1x1x64xi32, #tpu.memory_space<vmem>>
      %dma_wait3A_260 = tpu.memref_squeeze %dma_wait3A_259 : memref<1x1x64xi32, #tpu.memory_space<vmem>> -> memref<64xi32, #tpu.memory_space<vmem>>
      %dma_wait3A_261 = tpu.memref_slice %arg4[%add3A_69] : memref<800000xi32, #tpu.memory_space<hbm>> -> memref<64xi32, #tpu.memory_space<hbm>>
      %dma_wait3A_262 = arith.constant 0 : i32
      %dma_wait3A_263 = tpu.memref_slice %arg15[%dma_wait3A_256, %dma_wait3A_257, %dma_wait3A_262] : memref<2x4x64xi32, #tpu.memory_space<vmem>> -> memref<1x1x64xi32, #tpu.memory_space<vmem>>
      %dma_wait3A_264 = tpu.memref_squeeze %dma_wait3A_263 : memref<1x1x64xi32, #tpu.memory_space<vmem>> -> memref<64xi32, #tpu.memory_space<vmem>>
      %dma_wait3A_265 = tpu.memref_slice %arg4[%add3A_69] : memref<800000xi32, #tpu.memory_space<hbm>> -> memref<64xi32, #tpu.memory_space<hbm>>
      tpu.wait_dma2 semaphore(%arg21 : memref<!tpu.dma_semaphore, #tpu.memory_space<semaphore_mem>>) src(%dma_wait3A_265 : memref<64xi32, #tpu.memory_space<hbm>>) dst(%dma_wait3A_264 : memref<64xi32, #tpu.memory_space<vmem>>)
      %dma_wait3A_266 = arith.constant 0 : i32
      %dma_wait3A_267 = arith.constant 1 : i32
      %dma_wait3A_268 = arith.constant 0 : i32
      %dma_wait3A_269 = tpu.memref_slice %arg14[%dma_wait3A_266, %dma_wait3A_267, %dma_wait3A_268] : memref<2x4x64xi32, #tpu.memory_space<vmem>> -> memref<1x1x64xi32, #tpu.memory_space<vmem>>
      %dma_wait3A_270 = tpu.memref_squeeze %dma_wait3A_269 : memref<1x1x64xi32, #tpu.memory_space<vmem>> -> memref<64xi32, #tpu.memory_space<vmem>>
      %dma_wait3A_271 = tpu.memref_slice %arg3[%add3A_71] : memref<800000xi32, #tpu.memory_space<hbm>> -> memref<64xi32, #tpu.memory_space<hbm>>
      %dma_wait3A_272 = arith.constant 0 : i32
      %dma_wait3A_273 = tpu.memref_slice %arg14[%dma_wait3A_266, %dma_wait3A_267, %dma_wait3A_272] : memref<2x4x64xi32, #tpu.memory_space<vmem>> -> memref<1x1x64xi32, #tpu.memory_space<vmem>>
      %dma_wait3A_274 = tpu.memref_squeeze %dma_wait3A_273 : memref<1x1x64xi32, #tpu.memory_space<vmem>> -> memref<64xi32, #tpu.memory_space<vmem>>
      %dma_wait3A_275 = tpu.memref_slice %arg3[%add3A_71] : memref<800000xi32, #tpu.memory_space<hbm>> -> memref<64xi32, #tpu.memory_space<hbm>>
      tpu.wait_dma2 semaphore(%arg21 : memref<!tpu.dma_semaphore, #tpu.memory_space<semaphore_mem>>) src(%dma_wait3A_275 : memref<64xi32, #tpu.memory_space<hbm>>) dst(%dma_wait3A_274 : memref<64xi32, #tpu.memory_space<vmem>>)
      %dma_wait3A_276 = arith.constant 0 : i32
      %dma_wait3A_277 = arith.constant 1 : i32
      %dma_wait3A_278 = arith.constant 0 : i32
      %dma_wait3A_279 = tpu.memref_slice %arg15[%dma_wait3A_276, %dma_wait3A_277, %dma_wait3A_278] : memref<2x4x64xi32, #tpu.memory_space<vmem>> -> memref<1x1x64xi32, #tpu.memory_space<vmem>>
      %dma_wait3A_280 = tpu.memref_squeeze %dma_wait3A_279 : memref<1x1x64xi32, #tpu.memory_space<vmem>> -> memref<64xi32, #tpu.memory_space<vmem>>
      %dma_wait3A_281 = tpu.memref_slice %arg4[%add3A_71] : memref<800000xi32, #tpu.memory_space<hbm>> -> memref<64xi32, #tpu.memory_space<hbm>>
      %dma_wait3A_282 = arith.constant 0 : i32
      %dma_wait3A_283 = tpu.memref_slice %arg15[%dma_wait3A_276, %dma_wait3A_277, %dma_wait3A_282] : memref<2x4x64xi32, #tpu.memory_space<vmem>> -> memref<1x1x64xi32, #tpu.memory_space<vmem>>
      %dma_wait3A_284 = tpu.memref_squeeze %dma_wait3A_283 : memref<1x1x64xi32, #tpu.memory_space<vmem>> -> memref<64xi32, #tpu.memory_space<vmem>>
      %dma_wait3A_285 = tpu.memref_slice %arg4[%add3A_71] : memref<800000xi32, #tpu.memory_space<hbm>> -> memref<64xi32, #tpu.memory_space<hbm>>
      tpu.wait_dma2 semaphore(%arg21 : memref<!tpu.dma_semaphore, #tpu.memory_space<semaphore_mem>>) src(%dma_wait3A_285 : memref<64xi32, #tpu.memory_space<hbm>>) dst(%dma_wait3A_284 : memref<64xi32, #tpu.memory_space<vmem>>)
      %dma_wait3A_286 = arith.constant 0 : i32
      %dma_wait3A_287 = arith.constant 2 : i32
      %dma_wait3A_288 = arith.constant 0 : i32
      %dma_wait3A_289 = tpu.memref_slice %arg14[%dma_wait3A_286, %dma_wait3A_287, %dma_wait3A_288] : memref<2x4x64xi32, #tpu.memory_space<vmem>> -> memref<1x1x64xi32, #tpu.memory_space<vmem>>
      %dma_wait3A_290 = tpu.memref_squeeze %dma_wait3A_289 : memref<1x1x64xi32, #tpu.memory_space<vmem>> -> memref<64xi32, #tpu.memory_space<vmem>>
      %dma_wait3A_291 = tpu.memref_slice %arg3[%add3A_73] : memref<800000xi32, #tpu.memory_space<hbm>> -> memref<64xi32, #tpu.memory_space<hbm>>
      %dma_wait3A_292 = arith.constant 0 : i32
      %dma_wait3A_293 = tpu.memref_slice %arg14[%dma_wait3A_286, %dma_wait3A_287, %dma_wait3A_292] : memref<2x4x64xi32, #tpu.memory_space<vmem>> -> memref<1x1x64xi32, #tpu.memory_space<vmem>>
      %dma_wait3A_294 = tpu.memref_squeeze %dma_wait3A_293 : memref<1x1x64xi32, #tpu.memory_space<vmem>> -> memref<64xi32, #tpu.memory_space<vmem>>
      %dma_wait3A_295 = tpu.memref_slice %arg3[%add3A_73] : memref<800000xi32, #tpu.memory_space<hbm>> -> memref<64xi32, #tpu.memory_space<hbm>>
      tpu.wait_dma2 semaphore(%arg21 : memref<!tpu.dma_semaphore, #tpu.memory_space<semaphore_mem>>) src(%dma_wait3A_295 : memref<64xi32, #tpu.memory_space<hbm>>) dst(%dma_wait3A_294 : memref<64xi32, #tpu.memory_space<vmem>>)
      %dma_wait3A_296 = arith.constant 0 : i32
      %dma_wait3A_297 = arith.constant 2 : i32
      %dma_wait3A_298 = arith.constant 0 : i32
      %dma_wait3A_299 = tpu.memref_slice %arg15[%dma_wait3A_296, %dma_wait3A_297, %dma_wait3A_298] : memref<2x4x64xi32, #tpu.memory_space<vmem>> -> memref<1x1x64xi32, #tpu.memory_space<vmem>>
      %dma_wait3A_300 = tpu.memref_squeeze %dma_wait3A_299 : memref<1x1x64xi32, #tpu.memory_space<vmem>> -> memref<64xi32, #tpu.memory_space<vmem>>
      %dma_wait3A_301 = tpu.memref_slice %arg4[%add3A_73] : memref<800000xi32, #tpu.memory_space<hbm>> -> memref<64xi32, #tpu.memory_space<hbm>>
      %dma_wait3A_302 = arith.constant 0 : i32
      %dma_wait3A_303 = tpu.memref_slice %arg15[%dma_wait3A_296, %dma_wait3A_297, %dma_wait3A_302] : memref<2x4x64xi32, #tpu.memory_space<vmem>> -> memref<1x1x64xi32, #tpu.memory_space<vmem>>
      %dma_wait3A_304 = tpu.memref_squeeze %dma_wait3A_303 : memref<1x1x64xi32, #tpu.memory_space<vmem>> -> memref<64xi32, #tpu.memory_space<vmem>>
      %dma_wait3A_305 = tpu.memref_slice %arg4[%add3A_73] : memref<800000xi32, #tpu.memory_space<hbm>> -> memref<64xi32, #tpu.memory_space<hbm>>
      tpu.wait_dma2 semaphore(%arg21 : memref<!tpu.dma_semaphore, #tpu.memory_space<semaphore_mem>>) src(%dma_wait3A_305 : memref<64xi32, #tpu.memory_space<hbm>>) dst(%dma_wait3A_304 : memref<64xi32, #tpu.memory_space<vmem>>)
      %dma_wait3A_306 = arith.constant 0 : i32
      %dma_wait3A_307 = arith.constant 3 : i32
      %dma_wait3A_308 = arith.constant 0 : i32
      %dma_wait3A_309 = tpu.memref_slice %arg14[%dma_wait3A_306, %dma_wait3A_307, %dma_wait3A_308] : memref<2x4x64xi32, #tpu.memory_space<vmem>> -> memref<1x1x64xi32, #tpu.memory_space<vmem>>
      %dma_wait3A_310 = tpu.memref_squeeze %dma_wait3A_309 : memref<1x1x64xi32, #tpu.memory_space<vmem>> -> memref<64xi32, #tpu.memory_space<vmem>>
      %dma_wait3A_311 = tpu.memref_slice %arg3[%add3A_75] : memref<800000xi32, #tpu.memory_space<hbm>> -> memref<64xi32, #tpu.memory_space<hbm>>
      %dma_wait3A_312 = arith.constant 0 : i32
      %dma_wait3A_313 = tpu.memref_slice %arg14[%dma_wait3A_306, %dma_wait3A_307, %dma_wait3A_312] : memref<2x4x64xi32, #tpu.memory_space<vmem>> -> memref<1x1x64xi32, #tpu.memory_space<vmem>>
      %dma_wait3A_314 = tpu.memref_squeeze %dma_wait3A_313 : memref<1x1x64xi32, #tpu.memory_space<vmem>> -> memref<64xi32, #tpu.memory_space<vmem>>
      %dma_wait3A_315 = tpu.memref_slice %arg3[%add3A_75] : memref<800000xi32, #tpu.memory_space<hbm>> -> memref<64xi32, #tpu.memory_space<hbm>>
      tpu.wait_dma2 semaphore(%arg21 : memref<!tpu.dma_semaphore, #tpu.memory_space<semaphore_mem>>) src(%dma_wait3A_315 : memref<64xi32, #tpu.memory_space<hbm>>) dst(%dma_wait3A_314 : memref<64xi32, #tpu.memory_space<vmem>>)
      %dma_wait3A_316 = arith.constant 0 : i32
      %dma_wait3A_317 = arith.constant 3 : i32
      %dma_wait3A_318 = arith.constant 0 : i32
      %dma_wait3A_319 = tpu.memref_slice %arg15[%dma_wait3A_316, %dma_wait3A_317, %dma_wait3A_318] : memref<2x4x64xi32, #tpu.memory_space<vmem>> -> memref<1x1x64xi32, #tpu.memory_space<vmem>>
      %dma_wait3A_320 = tpu.memref_squeeze %dma_wait3A_319 : memref<1x1x64xi32, #tpu.memory_space<vmem>> -> memref<64xi32, #tpu.memory_space<vmem>>
      %dma_wait3A_321 = tpu.memref_slice %arg4[%add3A_75] : memref<800000xi32, #tpu.memory_space<hbm>> -> memref<64xi32, #tpu.memory_space<hbm>>
      %dma_wait3A_322 = arith.constant 0 : i32
      %dma_wait3A_323 = tpu.memref_slice %arg15[%dma_wait3A_316, %dma_wait3A_317, %dma_wait3A_322] : memref<2x4x64xi32, #tpu.memory_space<vmem>> -> memref<1x1x64xi32, #tpu.memory_space<vmem>>
      %dma_wait3A_324 = tpu.memref_squeeze %dma_wait3A_323 : memref<1x1x64xi32, #tpu.memory_space<vmem>> -> memref<64xi32, #tpu.memory_space<vmem>>
      %dma_wait3A_325 = tpu.memref_slice %arg4[%add3A_75] : memref<800000xi32, #tpu.memory_space<hbm>> -> memref<64xi32, #tpu.memory_space<hbm>>
      tpu.wait_dma2 semaphore(%arg21 : memref<!tpu.dma_semaphore, #tpu.memory_space<semaphore_mem>>) src(%dma_wait3A_325 : memref<64xi32, #tpu.memory_space<hbm>>) dst(%dma_wait3A_324 : memref<64xi32, #tpu.memory_space<vmem>>)
      %mul3A_326 = arith.constant 64 : i32
      %mul3A_327 = arith.muli %add3A_62, %mul3A_326 : i32
      %dma_start3A_328 = arith.constant 0 : i32
      %dma_start3A_329 = arith.constant 0 : i32
      %dma_start3A_330 = arith.constant 0 : i32
      %dma_start3A_331 = tpu.memref_slice %arg9[%dma_start3A_328, %dma_start3A_329, %dma_start3A_330] : memref<2x64x128xf32, #tpu.memory_space<vmem>> -> memref<1x64x128xf32, #tpu.memory_space<vmem>>
      %dma_start3A_332 = tpu.memref_squeeze %dma_start3A_331 : memref<1x64x128xf32, #tpu.memory_space<vmem>> -> memref<64x128xf32, #tpu.memory_space<vmem>>
      %dma_start3A_333 = arith.constant 0 : i32
      %dma_start3A_334 = tpu.memref_slice %arg2[%mul3A_327, %dma_start3A_333] : memref<204800x128xf32, #tpu.memory_space<hbm>> -> memref<64x128xf32, #tpu.memory_space<hbm>>
      %dma_start3A_335 = arith.constant 0 : i32
      %dma_start3A_336 = arith.constant 0 : i32
      %dma_start3A_337 = tpu.memref_slice %arg9[%dma_start3A_328, %dma_start3A_335, %dma_start3A_336] : memref<2x64x128xf32, #tpu.memory_space<vmem>> -> memref<1x64x128xf32, #tpu.memory_space<vmem>>
      %dma_start3A_338 = tpu.memref_squeeze %dma_start3A_337 : memref<1x64x128xf32, #tpu.memory_space<vmem>> -> memref<64x128xf32, #tpu.memory_space<vmem>>
      %dma_start3A_339 = arith.constant 0 : i32
      %dma_start3A_340 = tpu.memref_slice %arg2[%mul3A_327, %dma_start3A_339] : memref<204800x128xf32, #tpu.memory_space<hbm>> -> memref<64x128xf32, #tpu.memory_space<hbm>>
      tpu.enqueue_dma source(%dma_start3A_340 : memref<64x128xf32, #tpu.memory_space<hbm>>) target(%dma_start3A_338 : memref<64x128xf32, #tpu.memory_space<vmem>>) target_semaphore(%arg17 : memref<!tpu.dma_semaphore, #tpu.memory_space<semaphore_mem>>)
      %dma_start3A_341 = arith.constant 0 : i32
      %dma_start3A_342 = arith.constant 0 : i32
      %dma_start3A_343 = arith.constant 0 : i32
      %dma_start3A_344 = arith.constant 0 : i32
      %dma_start3A_345 = arith.constant 0 : i32
      %dma_start3A_346 = tpu.memref_slice %arg11[%dma_start3A_343, %dma_start3A_344, %dma_start3A_345] : memref<2x256x32xbf16, #tpu.memory_space<vmem>> -> memref<1x64x32xbf16, #tpu.memory_space<vmem>>
      %dma_start3A_347 = tpu.memref_squeeze %dma_start3A_346 : memref<1x64x32xbf16, #tpu.memory_space<vmem>> -> memref<64x32xbf16, #tpu.memory_space<vmem>>
      %dma_start3A_348 = arith.constant 0 : i32
      %dma_start3A_349 = tpu.memref_slice %arg14[%dma_start3A_341, %dma_start3A_342, %dma_start3A_348] : memref<2x4x64xi32, #tpu.memory_space<vmem>> -> memref<1x1x64xi32, #tpu.memory_space<vmem>>
      %dma_start3A_350 = tpu.memref_squeeze %dma_start3A_349 : memref<1x1x64xi32, #tpu.memory_space<vmem>> -> memref<64xi32, #tpu.memory_space<vmem>>
      %dma_start3A_351 = arith.constant 0 : i32
      %dma_start3A_352 = arith.constant 0 : i32
      %dma_start3A_353 = tpu.memref_slice %arg5[%dma_start3A_351, %dma_start3A_352] : memref<50000x32xbf16, #tpu.memory_space<hbm>> -> memref<50000x32xbf16, #tpu.memory_space<hbm>>
      tpu.enqueue_indirect_dma source(%dma_start3A_353 : memref<50000x32xbf16, #tpu.memory_space<hbm>>) target(%dma_start3A_347 : memref<64x32xbf16, #tpu.memory_space<vmem>>) offsets(%dma_start3A_350 : memref<64xi32, #tpu.memory_space<vmem>>) semaphore(%arg17 : memref<!tpu.dma_semaphore, #tpu.memory_space<semaphore_mem>>)
      %dma_start3A_354 = arith.constant 0 : i32
      %dma_start3A_355 = arith.constant 0 : i32
      %dma_start3A_356 = arith.constant 0 : i32
      %dma_start3A_357 = arith.constant 0 : i32
      %dma_start3A_358 = arith.constant 0 : i32
      %dma_start3A_359 = tpu.memref_slice %arg12[%dma_start3A_356, %dma_start3A_357, %dma_start3A_358] : memref<2x256x32xbf16, #tpu.memory_space<vmem>> -> memref<1x64x32xbf16, #tpu.memory_space<vmem>>
      %dma_start3A_360 = tpu.memref_squeeze %dma_start3A_359 : memref<1x64x32xbf16, #tpu.memory_space<vmem>> -> memref<64x32xbf16, #tpu.memory_space<vmem>>
      %dma_start3A_361 = arith.constant 0 : i32
      %dma_start3A_362 = tpu.memref_slice %arg15[%dma_start3A_354, %dma_start3A_355, %dma_start3A_361] : memref<2x4x64xi32, #tpu.memory_space<vmem>> -> memref<1x1x64xi32, #tpu.memory_space<vmem>>
      %dma_start3A_363 = tpu.memref_squeeze %dma_start3A_362 : memref<1x1x64xi32, #tpu.memory_space<vmem>> -> memref<64xi32, #tpu.memory_space<vmem>>
      %dma_start3A_364 = arith.constant 0 : i32
      %dma_start3A_365 = arith.constant 0 : i32
      %dma_start3A_366 = tpu.memref_slice %arg6[%dma_start3A_364, %dma_start3A_365] : memref<50000x32xbf16, #tpu.memory_space<hbm>> -> memref<50000x32xbf16, #tpu.memory_space<hbm>>
      tpu.enqueue_indirect_dma source(%dma_start3A_366 : memref<50000x32xbf16, #tpu.memory_space<hbm>>) target(%dma_start3A_360 : memref<64x32xbf16, #tpu.memory_space<vmem>>) offsets(%dma_start3A_363 : memref<64xi32, #tpu.memory_space<vmem>>) semaphore(%arg17 : memref<!tpu.dma_semaphore, #tpu.memory_space<semaphore_mem>>)
      %dma_start3A_367 = arith.constant 0 : i32
      %dma_start3A_368 = arith.constant 1 : i32
      %dma_start3A_369 = arith.constant 0 : i32
      %dma_start3A_370 = arith.constant 64 : i32
      %dma_start3A_371 = arith.constant 0 : i32
      %dma_start3A_372 = tpu.memref_slice %arg11[%dma_start3A_369, %dma_start3A_370, %dma_start3A_371] : memref<2x256x32xbf16, #tpu.memory_space<vmem>> -> memref<1x64x32xbf16, #tpu.memory_space<vmem>>
      %dma_start3A_373 = tpu.memref_squeeze %dma_start3A_372 : memref<1x64x32xbf16, #tpu.memory_space<vmem>> -> memref<64x32xbf16, #tpu.memory_space<vmem>>
      %dma_start3A_374 = arith.constant 0 : i32
      %dma_start3A_375 = tpu.memref_slice %arg14[%dma_start3A_367, %dma_start3A_368, %dma_start3A_374] : memref<2x4x64xi32, #tpu.memory_space<vmem>> -> memref<1x1x64xi32, #tpu.memory_space<vmem>>
      %dma_start3A_376 = tpu.memref_squeeze %dma_start3A_375 : memref<1x1x64xi32, #tpu.memory_space<vmem>> -> memref<64xi32, #tpu.memory_space<vmem>>
      %dma_start3A_377 = arith.constant 0 : i32
      %dma_start3A_378 = arith.constant 0 : i32
      %dma_start3A_379 = tpu.memref_slice %arg5[%dma_start3A_377, %dma_start3A_378] : memref<50000x32xbf16, #tpu.memory_space<hbm>> -> memref<50000x32xbf16, #tpu.memory_space<hbm>>
      tpu.enqueue_indirect_dma source(%dma_start3A_379 : memref<50000x32xbf16, #tpu.memory_space<hbm>>) target(%dma_start3A_373 : memref<64x32xbf16, #tpu.memory_space<vmem>>) offsets(%dma_start3A_376 : memref<64xi32, #tpu.memory_space<vmem>>) semaphore(%arg17 : memref<!tpu.dma_semaphore, #tpu.memory_space<semaphore_mem>>)
      %dma_start3A_380 = arith.constant 0 : i32
      %dma_start3A_381 = arith.constant 1 : i32
      %dma_start3A_382 = arith.constant 0 : i32
      %dma_start3A_383 = arith.constant 64 : i32
      %dma_start3A_384 = arith.constant 0 : i32
      %dma_start3A_385 = tpu.memref_slice %arg12[%dma_start3A_382, %dma_start3A_383, %dma_start3A_384] : memref<2x256x32xbf16, #tpu.memory_space<vmem>> -> memref<1x64x32xbf16, #tpu.memory_space<vmem>>
      %dma_start3A_386 = tpu.memref_squeeze %dma_start3A_385 : memref<1x64x32xbf16, #tpu.memory_space<vmem>> -> memref<64x32xbf16, #tpu.memory_space<vmem>>
      %dma_start3A_387 = arith.constant 0 : i32
      %dma_start3A_388 = tpu.memref_slice %arg15[%dma_start3A_380, %dma_start3A_381, %dma_start3A_387] : memref<2x4x64xi32, #tpu.memory_space<vmem>> -> memref<1x1x64xi32, #tpu.memory_space<vmem>>
      %dma_start3A_389 = tpu.memref_squeeze %dma_start3A_388 : memref<1x1x64xi32, #tpu.memory_space<vmem>> -> memref<64xi32, #tpu.memory_space<vmem>>
      %dma_start3A_390 = arith.constant 0 : i32
      %dma_start3A_391 = arith.constant 0 : i32
      %dma_start3A_392 = tpu.memref_slice %arg6[%dma_start3A_390, %dma_start3A_391] : memref<50000x32xbf16, #tpu.memory_space<hbm>> -> memref<50000x32xbf16, #tpu.memory_space<hbm>>
      tpu.enqueue_indirect_dma source(%dma_start3A_392 : memref<50000x32xbf16, #tpu.memory_space<hbm>>) target(%dma_start3A_386 : memref<64x32xbf16, #tpu.memory_space<vmem>>) offsets(%dma_start3A_389 : memref<64xi32, #tpu.memory_space<vmem>>) semaphore(%arg17 : memref<!tpu.dma_semaphore, #tpu.memory_space<semaphore_mem>>)
      %dma_start3A_393 = arith.constant 0 : i32
      %dma_start3A_394 = arith.constant 2 : i32
      %dma_start3A_395 = arith.constant 0 : i32
      %dma_start3A_396 = arith.constant 128 : i32
      %dma_start3A_397 = arith.constant 0 : i32
      %dma_start3A_398 = tpu.memref_slice %arg11[%dma_start3A_395, %dma_start3A_396, %dma_start3A_397] : memref<2x256x32xbf16, #tpu.memory_space<vmem>> -> memref<1x64x32xbf16, #tpu.memory_space<vmem>>
      %dma_start3A_399 = tpu.memref_squeeze %dma_start3A_398 : memref<1x64x32xbf16, #tpu.memory_space<vmem>> -> memref<64x32xbf16, #tpu.memory_space<vmem>>
      %dma_start3A_400 = arith.constant 0 : i32
      %dma_start3A_401 = tpu.memref_slice %arg14[%dma_start3A_393, %dma_start3A_394, %dma_start3A_400] : memref<2x4x64xi32, #tpu.memory_space<vmem>> -> memref<1x1x64xi32, #tpu.memory_space<vmem>>
      %dma_start3A_402 = tpu.memref_squeeze %dma_start3A_401 : memref<1x1x64xi32, #tpu.memory_space<vmem>> -> memref<64xi32, #tpu.memory_space<vmem>>
      %dma_start3A_403 = arith.constant 0 : i32
      %dma_start3A_404 = arith.constant 0 : i32
      %dma_start3A_405 = tpu.memref_slice %arg5[%dma_start3A_403, %dma_start3A_404] : memref<50000x32xbf16, #tpu.memory_space<hbm>> -> memref<50000x32xbf16, #tpu.memory_space<hbm>>
      tpu.enqueue_indirect_dma source(%dma_start3A_405 : memref<50000x32xbf16, #tpu.memory_space<hbm>>) target(%dma_start3A_399 : memref<64x32xbf16, #tpu.memory_space<vmem>>) offsets(%dma_start3A_402 : memref<64xi32, #tpu.memory_space<vmem>>) semaphore(%arg17 : memref<!tpu.dma_semaphore, #tpu.memory_space<semaphore_mem>>)
      %dma_start3A_406 = arith.constant 0 : i32
      %dma_start3A_407 = arith.constant 2 : i32
      %dma_start3A_408 = arith.constant 0 : i32
      %dma_start3A_409 = arith.constant 128 : i32
      %dma_start3A_410 = arith.constant 0 : i32
      %dma_start3A_411 = tpu.memref_slice %arg12[%dma_start3A_408, %dma_start3A_409, %dma_start3A_410] : memref<2x256x32xbf16, #tpu.memory_space<vmem>> -> memref<1x64x32xbf16, #tpu.memory_space<vmem>>
      %dma_start3A_412 = tpu.memref_squeeze %dma_start3A_411 : memref<1x64x32xbf16, #tpu.memory_space<vmem>> -> memref<64x32xbf16, #tpu.memory_space<vmem>>
      %dma_start3A_413 = arith.constant 0 : i32
      %dma_start3A_414 = tpu.memref_slice %arg15[%dma_start3A_406, %dma_start3A_407, %dma_start3A_413] : memref<2x4x64xi32, #tpu.memory_space<vmem>> -> memref<1x1x64xi32, #tpu.memory_space<vmem>>
      %dma_start3A_415 = tpu.memref_squeeze %dma_start3A_414 : memref<1x1x64xi32, #tpu.memory_space<vmem>> -> memref<64xi32, #tpu.memory_space<vmem>>
      %dma_start3A_416 = arith.constant 0 : i32
      %dma_start3A_417 = arith.constant 0 : i32
      %dma_start3A_418 = tpu.memref_slice %arg6[%dma_start3A_416, %dma_start3A_417] : memref<50000x32xbf16, #tpu.memory_space<hbm>> -> memref<50000x32xbf16, #tpu.memory_space<hbm>>
      tpu.enqueue_indirect_dma source(%dma_start3A_418 : memref<50000x32xbf16, #tpu.memory_space<hbm>>) target(%dma_start3A_412 : memref<64x32xbf16, #tpu.memory_space<vmem>>) offsets(%dma_start3A_415 : memref<64xi32, #tpu.memory_space<vmem>>) semaphore(%arg17 : memref<!tpu.dma_semaphore, #tpu.memory_space<semaphore_mem>>)
      %dma_start3A_419 = arith.constant 0 : i32
      %dma_start3A_420 = arith.constant 3 : i32
      %dma_start3A_421 = arith.constant 0 : i32
      %dma_start3A_422 = arith.constant 192 : i32
      %dma_start3A_423 = arith.constant 0 : i32
      %dma_start3A_424 = tpu.memref_slice %arg11[%dma_start3A_421, %dma_start3A_422, %dma_start3A_423] : memref<2x256x32xbf16, #tpu.memory_space<vmem>> -> memref<1x64x32xbf16, #tpu.memory_space<vmem>>
      %dma_start3A_425 = tpu.memref_squeeze %dma_start3A_424 : memref<1x64x32xbf16, #tpu.memory_space<vmem>> -> memref<64x32xbf16, #tpu.memory_space<vmem>>
      %dma_start3A_426 = arith.constant 0 : i32
      %dma_start3A_427 = tpu.memref_slice %arg14[%dma_start3A_419, %dma_start3A_420, %dma_start3A_426] : memref<2x4x64xi32, #tpu.memory_space<vmem>> -> memref<1x1x64xi32, #tpu.memory_space<vmem>>
      %dma_start3A_428 = tpu.memref_squeeze %dma_start3A_427 : memref<1x1x64xi32, #tpu.memory_space<vmem>> -> memref<64xi32, #tpu.memory_space<vmem>>
      %dma_start3A_429 = arith.constant 0 : i32
      %dma_start3A_430 = arith.constant 0 : i32
      %dma_start3A_431 = tpu.memref_slice %arg5[%dma_start3A_429, %dma_start3A_430] : memref<50000x32xbf16, #tpu.memory_space<hbm>> -> memref<50000x32xbf16, #tpu.memory_space<hbm>>
      tpu.enqueue_indirect_dma source(%dma_start3A_431 : memref<50000x32xbf16, #tpu.memory_space<hbm>>) target(%dma_start3A_425 : memref<64x32xbf16, #tpu.memory_space<vmem>>) offsets(%dma_start3A_428 : memref<64xi32, #tpu.memory_space<vmem>>) semaphore(%arg17 : memref<!tpu.dma_semaphore, #tpu.memory_space<semaphore_mem>>)
      %dma_start3A_432 = arith.constant 0 : i32
      %dma_start3A_433 = arith.constant 3 : i32
      %dma_start3A_434 = arith.constant 0 : i32
      %dma_start3A_435 = arith.constant 192 : i32
      %dma_start3A_436 = arith.constant 0 : i32
      %dma_start3A_437 = tpu.memref_slice %arg12[%dma_start3A_434, %dma_start3A_435, %dma_start3A_436] : memref<2x256x32xbf16, #tpu.memory_space<vmem>> -> memref<1x64x32xbf16, #tpu.memory_space<vmem>>
      %dma_start3A_438 = tpu.memref_squeeze %dma_start3A_437 : memref<1x64x32xbf16, #tpu.memory_space<vmem>> -> memref<64x32xbf16, #tpu.memory_space<vmem>>
      %dma_start3A_439 = arith.constant 0 : i32
      %dma_start3A_440 = tpu.memref_slice %arg15[%dma_start3A_432, %dma_start3A_433, %dma_start3A_439] : memref<2x4x64xi32, #tpu.memory_space<vmem>> -> memref<1x1x64xi32, #tpu.memory_space<vmem>>
      %dma_start3A_441 = tpu.memref_squeeze %dma_start3A_440 : memref<1x1x64xi32, #tpu.memory_space<vmem>> -> memref<64xi32, #tpu.memory_space<vmem>>
      %dma_start3A_442 = arith.constant 0 : i32
      %dma_start3A_443 = arith.constant 0 : i32
      %dma_start3A_444 = tpu.memref_slice %arg6[%dma_start3A_442, %dma_start3A_443] : memref<50000x32xbf16, #tpu.memory_space<hbm>> -> memref<50000x32xbf16, #tpu.memory_space<hbm>>
      tpu.enqueue_indirect_dma source(%dma_start3A_444 : memref<50000x32xbf16, #tpu.memory_space<hbm>>) target(%dma_start3A_438 : memref<64x32xbf16, #tpu.memory_space<vmem>>) offsets(%dma_start3A_441 : memref<64xi32, #tpu.memory_space<vmem>>) semaphore(%arg17 : memref<!tpu.dma_semaphore, #tpu.memory_space<semaphore_mem>>)
      %dma_wait3A_445 = arith.constant 1 : i32
      %dma_wait3A_446 = arith.constant 0 : i32
      %dma_wait3A_447 = arith.constant 0 : i32
      %dma_wait3A_448 = tpu.memref_slice %arg14[%dma_wait3A_445, %dma_wait3A_446, %dma_wait3A_447] : memref<2x4x64xi32, #tpu.memory_space<vmem>> -> memref<1x1x64xi32, #tpu.memory_space<vmem>>
      %dma_wait3A_449 = tpu.memref_squeeze %dma_wait3A_448 : memref<1x1x64xi32, #tpu.memory_space<vmem>> -> memref<64xi32, #tpu.memory_space<vmem>>
      %dma_wait3A_450 = tpu.memref_slice %arg3[%add3A_81] : memref<800000xi32, #tpu.memory_space<hbm>> -> memref<64xi32, #tpu.memory_space<hbm>>
      %dma_wait3A_451 = arith.constant 0 : i32
      %dma_wait3A_452 = tpu.memref_slice %arg14[%dma_wait3A_445, %dma_wait3A_446, %dma_wait3A_451] : memref<2x4x64xi32, #tpu.memory_space<vmem>> -> memref<1x1x64xi32, #tpu.memory_space<vmem>>
      %dma_wait3A_453 = tpu.memref_squeeze %dma_wait3A_452 : memref<1x1x64xi32, #tpu.memory_space<vmem>> -> memref<64xi32, #tpu.memory_space<vmem>>
      %dma_wait3A_454 = tpu.memref_slice %arg3[%add3A_81] : memref<800000xi32, #tpu.memory_space<hbm>> -> memref<64xi32, #tpu.memory_space<hbm>>
      tpu.wait_dma2 semaphore(%arg22 : memref<!tpu.dma_semaphore, #tpu.memory_space<semaphore_mem>>) src(%dma_wait3A_454 : memref<64xi32, #tpu.memory_space<hbm>>) dst(%dma_wait3A_453 : memref<64xi32, #tpu.memory_space<vmem>>)
      %dma_wait3A_455 = arith.constant 1 : i32
      %dma_wait3A_456 = arith.constant 0 : i32
      %dma_wait3A_457 = arith.constant 0 : i32
      %dma_wait3A_458 = tpu.memref_slice %arg15[%dma_wait3A_455, %dma_wait3A_456, %dma_wait3A_457] : memref<2x4x64xi32, #tpu.memory_space<vmem>> -> memref<1x1x64xi32, #tpu.memory_space<vmem>>
      %dma_wait3A_459 = tpu.memref_squeeze %dma_wait3A_458 : memref<1x1x64xi32, #tpu.memory_space<vmem>> -> memref<64xi32, #tpu.memory_space<vmem>>
      %dma_wait3A_460 = tpu.memref_slice %arg4[%add3A_81] : memref<800000xi32, #tpu.memory_space<hbm>> -> memref<64xi32, #tpu.memory_space<hbm>>
      %dma_wait3A_461 = arith.constant 0 : i32
      %dma_wait3A_462 = tpu.memref_slice %arg15[%dma_wait3A_455, %dma_wait3A_456, %dma_wait3A_461] : memref<2x4x64xi32, #tpu.memory_space<vmem>> -> memref<1x1x64xi32, #tpu.memory_space<vmem>>
      %dma_wait3A_463 = tpu.memref_squeeze %dma_wait3A_462 : memref<1x1x64xi32, #tpu.memory_space<vmem>> -> memref<64xi32, #tpu.memory_space<vmem>>
      %dma_wait3A_464 = tpu.memref_slice %arg4[%add3A_81] : memref<800000xi32, #tpu.memory_space<hbm>> -> memref<64xi32, #tpu.memory_space<hbm>>
      tpu.wait_dma2 semaphore(%arg22 : memref<!tpu.dma_semaphore, #tpu.memory_space<semaphore_mem>>) src(%dma_wait3A_464 : memref<64xi32, #tpu.memory_space<hbm>>) dst(%dma_wait3A_463 : memref<64xi32, #tpu.memory_space<vmem>>)
      %dma_wait3A_465 = arith.constant 1 : i32
      %dma_wait3A_466 = arith.constant 1 : i32
      %dma_wait3A_467 = arith.constant 0 : i32
      %dma_wait3A_468 = tpu.memref_slice %arg14[%dma_wait3A_465, %dma_wait3A_466, %dma_wait3A_467] : memref<2x4x64xi32, #tpu.memory_space<vmem>> -> memref<1x1x64xi32, #tpu.memory_space<vmem>>
      %dma_wait3A_469 = tpu.memref_squeeze %dma_wait3A_468 : memref<1x1x64xi32, #tpu.memory_space<vmem>> -> memref<64xi32, #tpu.memory_space<vmem>>
      %dma_wait3A_470 = tpu.memref_slice %arg3[%add3A_83] : memref<800000xi32, #tpu.memory_space<hbm>> -> memref<64xi32, #tpu.memory_space<hbm>>
      %dma_wait3A_471 = arith.constant 0 : i32
      %dma_wait3A_472 = tpu.memref_slice %arg14[%dma_wait3A_465, %dma_wait3A_466, %dma_wait3A_471] : memref<2x4x64xi32, #tpu.memory_space<vmem>> -> memref<1x1x64xi32, #tpu.memory_space<vmem>>
      %dma_wait3A_473 = tpu.memref_squeeze %dma_wait3A_472 : memref<1x1x64xi32, #tpu.memory_space<vmem>> -> memref<64xi32, #tpu.memory_space<vmem>>
      %dma_wait3A_474 = tpu.memref_slice %arg3[%add3A_83] : memref<800000xi32, #tpu.memory_space<hbm>> -> memref<64xi32, #tpu.memory_space<hbm>>
      tpu.wait_dma2 semaphore(%arg22 : memref<!tpu.dma_semaphore, #tpu.memory_space<semaphore_mem>>) src(%dma_wait3A_474 : memref<64xi32, #tpu.memory_space<hbm>>) dst(%dma_wait3A_473 : memref<64xi32, #tpu.memory_space<vmem>>)
      %dma_wait3A_475 = arith.constant 1 : i32
      %dma_wait3A_476 = arith.constant 1 : i32
      %dma_wait3A_477 = arith.constant 0 : i32
      %dma_wait3A_478 = tpu.memref_slice %arg15[%dma_wait3A_475, %dma_wait3A_476, %dma_wait3A_477] : memref<2x4x64xi32, #tpu.memory_space<vmem>> -> memref<1x1x64xi32, #tpu.memory_space<vmem>>
      %dma_wait3A_479 = tpu.memref_squeeze %dma_wait3A_478 : memref<1x1x64xi32, #tpu.memory_space<vmem>> -> memref<64xi32, #tpu.memory_space<vmem>>
      %dma_wait3A_480 = tpu.memref_slice %arg4[%add3A_83] : memref<800000xi32, #tpu.memory_space<hbm>> -> memref<64xi32, #tpu.memory_space<hbm>>
      %dma_wait3A_481 = arith.constant 0 : i32
      %dma_wait3A_482 = tpu.memref_slice %arg15[%dma_wait3A_475, %dma_wait3A_476, %dma_wait3A_481] : memref<2x4x64xi32, #tpu.memory_space<vmem>> -> memref<1x1x64xi32, #tpu.memory_space<vmem>>
      %dma_wait3A_483 = tpu.memref_squeeze %dma_wait3A_482 : memref<1x1x64xi32, #tpu.memory_space<vmem>> -> memref<64xi32, #tpu.memory_space<vmem>>
      %dma_wait3A_484 = tpu.memref_slice %arg4[%add3A_83] : memref<800000xi32, #tpu.memory_space<hbm>> -> memref<64xi32, #tpu.memory_space<hbm>>
      tpu.wait_dma2 semaphore(%arg22 : memref<!tpu.dma_semaphore, #tpu.memory_space<semaphore_mem>>) src(%dma_wait3A_484 : memref<64xi32, #tpu.memory_space<hbm>>) dst(%dma_wait3A_483 : memref<64xi32, #tpu.memory_space<vmem>>)
      %dma_wait3A_485 = arith.constant 1 : i32
      %dma_wait3A_486 = arith.constant 2 : i32
      %dma_wait3A_487 = arith.constant 0 : i32
      %dma_wait3A_488 = tpu.memref_slice %arg14[%dma_wait3A_485, %dma_wait3A_486, %dma_wait3A_487] : memref<2x4x64xi32, #tpu.memory_space<vmem>> -> memref<1x1x64xi32, #tpu.memory_space<vmem>>
      %dma_wait3A_489 = tpu.memref_squeeze %dma_wait3A_488 : memref<1x1x64xi32, #tpu.memory_space<vmem>> -> memref<64xi32, #tpu.memory_space<vmem>>
      %dma_wait3A_490 = tpu.memref_slice %arg3[%add3A_85] : memref<800000xi32, #tpu.memory_space<hbm>> -> memref<64xi32, #tpu.memory_space<hbm>>
      %dma_wait3A_491 = arith.constant 0 : i32
      %dma_wait3A_492 = tpu.memref_slice %arg14[%dma_wait3A_485, %dma_wait3A_486, %dma_wait3A_491] : memref<2x4x64xi32, #tpu.memory_space<vmem>> -> memref<1x1x64xi32, #tpu.memory_space<vmem>>
      %dma_wait3A_493 = tpu.memref_squeeze %dma_wait3A_492 : memref<1x1x64xi32, #tpu.memory_space<vmem>> -> memref<64xi32, #tpu.memory_space<vmem>>
      %dma_wait3A_494 = tpu.memref_slice %arg3[%add3A_85] : memref<800000xi32, #tpu.memory_space<hbm>> -> memref<64xi32, #tpu.memory_space<hbm>>
      tpu.wait_dma2 semaphore(%arg22 : memref<!tpu.dma_semaphore, #tpu.memory_space<semaphore_mem>>) src(%dma_wait3A_494 : memref<64xi32, #tpu.memory_space<hbm>>) dst(%dma_wait3A_493 : memref<64xi32, #tpu.memory_space<vmem>>)
      %dma_wait3A_495 = arith.constant 1 : i32
      %dma_wait3A_496 = arith.constant 2 : i32
      %dma_wait3A_497 = arith.constant 0 : i32
      %dma_wait3A_498 = tpu.memref_slice %arg15[%dma_wait3A_495, %dma_wait3A_496, %dma_wait3A_497] : memref<2x4x64xi32, #tpu.memory_space<vmem>> -> memref<1x1x64xi32, #tpu.memory_space<vmem>>
      %dma_wait3A_499 = tpu.memref_squeeze %dma_wait3A_498 : memref<1x1x64xi32, #tpu.memory_space<vmem>> -> memref<64xi32, #tpu.memory_space<vmem>>
      %dma_wait3A_500 = tpu.memref_slice %arg4[%add3A_85] : memref<800000xi32, #tpu.memory_space<hbm>> -> memref<64xi32, #tpu.memory_space<hbm>>
      %dma_wait3A_501 = arith.constant 0 : i32
      %dma_wait3A_502 = tpu.memref_slice %arg15[%dma_wait3A_495, %dma_wait3A_496, %dma_wait3A_501] : memref<2x4x64xi32, #tpu.memory_space<vmem>> -> memref<1x1x64xi32, #tpu.memory_space<vmem>>
      %dma_wait3A_503 = tpu.memref_squeeze %dma_wait3A_502 : memref<1x1x64xi32, #tpu.memory_space<vmem>> -> memref<64xi32, #tpu.memory_space<vmem>>
      %dma_wait3A_504 = tpu.memref_slice %arg4[%add3A_85] : memref<800000xi32, #tpu.memory_space<hbm>> -> memref<64xi32, #tpu.memory_space<hbm>>
      tpu.wait_dma2 semaphore(%arg22 : memref<!tpu.dma_semaphore, #tpu.memory_space<semaphore_mem>>) src(%dma_wait3A_504 : memref<64xi32, #tpu.memory_space<hbm>>) dst(%dma_wait3A_503 : memref<64xi32, #tpu.memory_space<vmem>>)
      %dma_wait3A_505 = arith.constant 1 : i32
      %dma_wait3A_506 = arith.constant 3 : i32
      %dma_wait3A_507 = arith.constant 0 : i32
      %dma_wait3A_508 = tpu.memref_slice %arg14[%dma_wait3A_505, %dma_wait3A_506, %dma_wait3A_507] : memref<2x4x64xi32, #tpu.memory_space<vmem>> -> memref<1x1x64xi32, #tpu.memory_space<vmem>>
      %dma_wait3A_509 = tpu.memref_squeeze %dma_wait3A_508 : memref<1x1x64xi32, #tpu.memory_space<vmem>> -> memref<64xi32, #tpu.memory_space<vmem>>
      %dma_wait3A_510 = tpu.memref_slice %arg3[%add3A_87] : memref<800000xi32, #tpu.memory_space<hbm>> -> memref<64xi32, #tpu.memory_space<hbm>>
      %dma_wait3A_511 = arith.constant 0 : i32
      %dma_wait3A_512 = tpu.memref_slice %arg14[%dma_wait3A_505, %dma_wait3A_506, %dma_wait3A_511] : memref<2x4x64xi32, #tpu.memory_space<vmem>> -> memref<1x1x64xi32, #tpu.memory_space<vmem>>
      %dma_wait3A_513 = tpu.memref_squeeze %dma_wait3A_512 : memref<1x1x64xi32, #tpu.memory_space<vmem>> -> memref<64xi32, #tpu.memory_space<vmem>>
      %dma_wait3A_514 = tpu.memref_slice %arg3[%add3A_87] : memref<800000xi32, #tpu.memory_space<hbm>> -> memref<64xi32, #tpu.memory_space<hbm>>
      tpu.wait_dma2 semaphore(%arg22 : memref<!tpu.dma_semaphore, #tpu.memory_space<semaphore_mem>>) src(%dma_wait3A_514 : memref<64xi32, #tpu.memory_space<hbm>>) dst(%dma_wait3A_513 : memref<64xi32, #tpu.memory_space<vmem>>)
      %dma_wait3A_515 = arith.constant 1 : i32
      %dma_wait3A_516 = arith.constant 3 : i32
      %dma_wait3A_517 = arith.constant 0 : i32
      %dma_wait3A_518 = tpu.memref_slice %arg15[%dma_wait3A_515, %dma_wait3A_516, %dma_wait3A_517] : memref<2x4x64xi32, #tpu.memory_space<vmem>> -> memref<1x1x64xi32, #tpu.memory_space<vmem>>
      %dma_wait3A_519 = tpu.memref_squeeze %dma_wait3A_518 : memref<1x1x64xi32, #tpu.memory_space<vmem>> -> memref<64xi32, #tpu.memory_space<vmem>>
      %dma_wait3A_520 = tpu.memref_slice %arg4[%add3A_87] : memref<800000xi32, #tpu.memory_space<hbm>> -> memref<64xi32, #tpu.memory_space<hbm>>
      %dma_wait3A_521 = arith.constant 0 : i32
      %dma_wait3A_522 = tpu.memref_slice %arg15[%dma_wait3A_515, %dma_wait3A_516, %dma_wait3A_521] : memref<2x4x64xi32, #tpu.memory_space<vmem>> -> memref<1x1x64xi32, #tpu.memory_space<vmem>>
      %dma_wait3A_523 = tpu.memref_squeeze %dma_wait3A_522 : memref<1x1x64xi32, #tpu.memory_space<vmem>> -> memref<64xi32, #tpu.memory_space<vmem>>
      %dma_wait3A_524 = tpu.memref_slice %arg4[%add3A_87] : memref<800000xi32, #tpu.memory_space<hbm>> -> memref<64xi32, #tpu.memory_space<hbm>>
      tpu.wait_dma2 semaphore(%arg22 : memref<!tpu.dma_semaphore, #tpu.memory_space<semaphore_mem>>) src(%dma_wait3A_524 : memref<64xi32, #tpu.memory_space<hbm>>) dst(%dma_wait3A_523 : memref<64xi32, #tpu.memory_space<vmem>>)
      %mul3A_525 = arith.constant 64 : i32
      %mul3A_526 = arith.muli %add3A_64, %mul3A_525 : i32
      %dma_start3A_527 = arith.constant 1 : i32
      %dma_start3A_528 = arith.constant 0 : i32
      %dma_start3A_529 = arith.constant 0 : i32
      %dma_start3A_530 = tpu.memref_slice %arg9[%dma_start3A_527, %dma_start3A_528, %dma_start3A_529] : memref<2x64x128xf32, #tpu.memory_space<vmem>> -> memref<1x64x128xf32, #tpu.memory_space<vmem>>
      %dma_start3A_531 = tpu.memref_squeeze %dma_start3A_530 : memref<1x64x128xf32, #tpu.memory_space<vmem>> -> memref<64x128xf32, #tpu.memory_space<vmem>>
      %dma_start3A_532 = arith.constant 0 : i32
      %dma_start3A_533 = tpu.memref_slice %arg2[%mul3A_526, %dma_start3A_532] : memref<204800x128xf32, #tpu.memory_space<hbm>> -> memref<64x128xf32, #tpu.memory_space<hbm>>
      %dma_start3A_534 = arith.constant 0 : i32
      %dma_start3A_535 = arith.constant 0 : i32
      %dma_start3A_536 = tpu.memref_slice %arg9[%dma_start3A_527, %dma_start3A_534, %dma_start3A_535] : memref<2x64x128xf32, #tpu.memory_space<vmem>> -> memref<1x64x128xf32, #tpu.memory_space<vmem>>
      %dma_start3A_537 = tpu.memref_squeeze %dma_start3A_536 : memref<1x64x128xf32, #tpu.memory_space<vmem>> -> memref<64x128xf32, #tpu.memory_space<vmem>>
      %dma_start3A_538 = arith.constant 0 : i32
      %dma_start3A_539 = tpu.memref_slice %arg2[%mul3A_526, %dma_start3A_538] : memref<204800x128xf32, #tpu.memory_space<hbm>> -> memref<64x128xf32, #tpu.memory_space<hbm>>
      tpu.enqueue_dma source(%dma_start3A_539 : memref<64x128xf32, #tpu.memory_space<hbm>>) target(%dma_start3A_537 : memref<64x128xf32, #tpu.memory_space<vmem>>) target_semaphore(%arg18 : memref<!tpu.dma_semaphore, #tpu.memory_space<semaphore_mem>>)
      %dma_start3A_540 = arith.constant 1 : i32
      %dma_start3A_541 = arith.constant 0 : i32
      %dma_start3A_542 = arith.constant 1 : i32
      %dma_start3A_543 = arith.constant 0 : i32
      %dma_start3A_544 = arith.constant 0 : i32
      %dma_start3A_545 = tpu.memref_slice %arg11[%dma_start3A_542, %dma_start3A_543, %dma_start3A_544] : memref<2x256x32xbf16, #tpu.memory_space<vmem>> -> memref<1x64x32xbf16, #tpu.memory_space<vmem>>
      %dma_start3A_546 = tpu.memref_squeeze %dma_start3A_545 : memref<1x64x32xbf16, #tpu.memory_space<vmem>> -> memref<64x32xbf16, #tpu.memory_space<vmem>>
      %dma_start3A_547 = arith.constant 0 : i32
      %dma_start3A_548 = tpu.memref_slice %arg14[%dma_start3A_540, %dma_start3A_541, %dma_start3A_547] : memref<2x4x64xi32, #tpu.memory_space<vmem>> -> memref<1x1x64xi32, #tpu.memory_space<vmem>>
      %dma_start3A_549 = tpu.memref_squeeze %dma_start3A_548 : memref<1x1x64xi32, #tpu.memory_space<vmem>> -> memref<64xi32, #tpu.memory_space<vmem>>
      %dma_start3A_550 = arith.constant 0 : i32
      %dma_start3A_551 = arith.constant 0 : i32
      %dma_start3A_552 = tpu.memref_slice %arg5[%dma_start3A_550, %dma_start3A_551] : memref<50000x32xbf16, #tpu.memory_space<hbm>> -> memref<50000x32xbf16, #tpu.memory_space<hbm>>
      tpu.enqueue_indirect_dma source(%dma_start3A_552 : memref<50000x32xbf16, #tpu.memory_space<hbm>>) target(%dma_start3A_546 : memref<64x32xbf16, #tpu.memory_space<vmem>>) offsets(%dma_start3A_549 : memref<64xi32, #tpu.memory_space<vmem>>) semaphore(%arg18 : memref<!tpu.dma_semaphore, #tpu.memory_space<semaphore_mem>>)
      %dma_start3A_553 = arith.constant 1 : i32
      %dma_start3A_554 = arith.constant 0 : i32
      %dma_start3A_555 = arith.constant 1 : i32
      %dma_start3A_556 = arith.constant 0 : i32
      %dma_start3A_557 = arith.constant 0 : i32
      %dma_start3A_558 = tpu.memref_slice %arg12[%dma_start3A_555, %dma_start3A_556, %dma_start3A_557] : memref<2x256x32xbf16, #tpu.memory_space<vmem>> -> memref<1x64x32xbf16, #tpu.memory_space<vmem>>
      %dma_start3A_559 = tpu.memref_squeeze %dma_start3A_558 : memref<1x64x32xbf16, #tpu.memory_space<vmem>> -> memref<64x32xbf16, #tpu.memory_space<vmem>>
      %dma_start3A_560 = arith.constant 0 : i32
      %dma_start3A_561 = tpu.memref_slice %arg15[%dma_start3A_553, %dma_start3A_554, %dma_start3A_560] : memref<2x4x64xi32, #tpu.memory_space<vmem>> -> memref<1x1x64xi32, #tpu.memory_space<vmem>>
      %dma_start3A_562 = tpu.memref_squeeze %dma_start3A_561 : memref<1x1x64xi32, #tpu.memory_space<vmem>> -> memref<64xi32, #tpu.memory_space<vmem>>
      %dma_start3A_563 = arith.constant 0 : i32
      %dma_start3A_564 = arith.constant 0 : i32
      %dma_start3A_565 = tpu.memref_slice %arg6[%dma_start3A_563, %dma_start3A_564] : memref<50000x32xbf16, #tpu.memory_space<hbm>> -> memref<50000x32xbf16, #tpu.memory_space<hbm>>
      tpu.enqueue_indirect_dma source(%dma_start3A_565 : memref<50000x32xbf16, #tpu.memory_space<hbm>>) target(%dma_start3A_559 : memref<64x32xbf16, #tpu.memory_space<vmem>>) offsets(%dma_start3A_562 : memref<64xi32, #tpu.memory_space<vmem>>) semaphore(%arg18 : memref<!tpu.dma_semaphore, #tpu.memory_space<semaphore_mem>>)
      %dma_start3A_566 = arith.constant 1 : i32
      %dma_start3A_567 = arith.constant 1 : i32
      %dma_start3A_568 = arith.constant 1 : i32
      %dma_start3A_569 = arith.constant 64 : i32
      %dma_start3A_570 = arith.constant 0 : i32
      %dma_start3A_571 = tpu.memref_slice %arg11[%dma_start3A_568, %dma_start3A_569, %dma_start3A_570] : memref<2x256x32xbf16, #tpu.memory_space<vmem>> -> memref<1x64x32xbf16, #tpu.memory_space<vmem>>
      %dma_start3A_572 = tpu.memref_squeeze %dma_start3A_571 : memref<1x64x32xbf16, #tpu.memory_space<vmem>> -> memref<64x32xbf16, #tpu.memory_space<vmem>>
      %dma_start3A_573 = arith.constant 0 : i32
      %dma_start3A_574 = tpu.memref_slice %arg14[%dma_start3A_566, %dma_start3A_567, %dma_start3A_573] : memref<2x4x64xi32, #tpu.memory_space<vmem>> -> memref<1x1x64xi32, #tpu.memory_space<vmem>>
      %dma_start3A_575 = tpu.memref_squeeze %dma_start3A_574 : memref<1x1x64xi32, #tpu.memory_space<vmem>> -> memref<64xi32, #tpu.memory_space<vmem>>
      %dma_start3A_576 = arith.constant 0 : i32
      %dma_start3A_577 = arith.constant 0 : i32
      %dma_start3A_578 = tpu.memref_slice %arg5[%dma_start3A_576, %dma_start3A_577] : memref<50000x32xbf16, #tpu.memory_space<hbm>> -> memref<50000x32xbf16, #tpu.memory_space<hbm>>
      tpu.enqueue_indirect_dma source(%dma_start3A_578 : memref<50000x32xbf16, #tpu.memory_space<hbm>>) target(%dma_start3A_572 : memref<64x32xbf16, #tpu.memory_space<vmem>>) offsets(%dma_start3A_575 : memref<64xi32, #tpu.memory_space<vmem>>) semaphore(%arg18 : memref<!tpu.dma_semaphore, #tpu.memory_space<semaphore_mem>>)
      %dma_start3A_579 = arith.constant 1 : i32
      %dma_start3A_580 = arith.constant 1 : i32
      %dma_start3A_581 = arith.constant 1 : i32
      %dma_start3A_582 = arith.constant 64 : i32
      %dma_start3A_583 = arith.constant 0 : i32
      %dma_start3A_584 = tpu.memref_slice %arg12[%dma_start3A_581, %dma_start3A_582, %dma_start3A_583] : memref<2x256x32xbf16, #tpu.memory_space<vmem>> -> memref<1x64x32xbf16, #tpu.memory_space<vmem>>
      %dma_start3A_585 = tpu.memref_squeeze %dma_start3A_584 : memref<1x64x32xbf16, #tpu.memory_space<vmem>> -> memref<64x32xbf16, #tpu.memory_space<vmem>>
      %dma_start3A_586 = arith.constant 0 : i32
      %dma_start3A_587 = tpu.memref_slice %arg15[%dma_start3A_579, %dma_start3A_580, %dma_start3A_586] : memref<2x4x64xi32, #tpu.memory_space<vmem>> -> memref<1x1x64xi32, #tpu.memory_space<vmem>>
      %dma_start3A_588 = tpu.memref_squeeze %dma_start3A_587 : memref<1x1x64xi32, #tpu.memory_space<vmem>> -> memref<64xi32, #tpu.memory_space<vmem>>
      %dma_start3A_589 = arith.constant 0 : i32
      %dma_start3A_590 = arith.constant 0 : i32
      %dma_start3A_591 = tpu.memref_slice %arg6[%dma_start3A_589, %dma_start3A_590] : memref<50000x32xbf16, #tpu.memory_space<hbm>> -> memref<50000x32xbf16, #tpu.memory_space<hbm>>
      tpu.enqueue_indirect_dma source(%dma_start3A_591 : memref<50000x32xbf16, #tpu.memory_space<hbm>>) target(%dma_start3A_585 : memref<64x32xbf16, #tpu.memory_space<vmem>>) offsets(%dma_start3A_588 : memref<64xi32, #tpu.memory_space<vmem>>) semaphore(%arg18 : memref<!tpu.dma_semaphore, #tpu.memory_space<semaphore_mem>>)
      %dma_start3A_592 = arith.constant 1 : i32
      %dma_start3A_593 = arith.constant 2 : i32
      %dma_start3A_594 = arith.constant 1 : i32
      %dma_start3A_595 = arith.constant 128 : i32
      %dma_start3A_596 = arith.constant 0 : i32
      %dma_start3A_597 = tpu.memref_slice %arg11[%dma_start3A_594, %dma_start3A_595, %dma_start3A_596] : memref<2x256x32xbf16, #tpu.memory_space<vmem>> -> memref<1x64x32xbf16, #tpu.memory_space<vmem>>
      %dma_start3A_598 = tpu.memref_squeeze %dma_start3A_597 : memref<1x64x32xbf16, #tpu.memory_space<vmem>> -> memref<64x32xbf16, #tpu.memory_space<vmem>>
      %dma_start3A_599 = arith.constant 0 : i32
      %dma_start3A_600 = tpu.memref_slice %arg14[%dma_start3A_592, %dma_start3A_593, %dma_start3A_599] : memref<2x4x64xi32, #tpu.memory_space<vmem>> -> memref<1x1x64xi32, #tpu.memory_space<vmem>>
      %dma_start3A_601 = tpu.memref_squeeze %dma_start3A_600 : memref<1x1x64xi32, #tpu.memory_space<vmem>> -> memref<64xi32, #tpu.memory_space<vmem>>
      %dma_start3A_602 = arith.constant 0 : i32
      %dma_start3A_603 = arith.constant 0 : i32
      %dma_start3A_604 = tpu.memref_slice %arg5[%dma_start3A_602, %dma_start3A_603] : memref<50000x32xbf16, #tpu.memory_space<hbm>> -> memref<50000x32xbf16, #tpu.memory_space<hbm>>
      tpu.enqueue_indirect_dma source(%dma_start3A_604 : memref<50000x32xbf16, #tpu.memory_space<hbm>>) target(%dma_start3A_598 : memref<64x32xbf16, #tpu.memory_space<vmem>>) offsets(%dma_start3A_601 : memref<64xi32, #tpu.memory_space<vmem>>) semaphore(%arg18 : memref<!tpu.dma_semaphore, #tpu.memory_space<semaphore_mem>>)
      %dma_start3A_605 = arith.constant 1 : i32
      %dma_start3A_606 = arith.constant 2 : i32
      %dma_start3A_607 = arith.constant 1 : i32
      %dma_start3A_608 = arith.constant 128 : i32
      %dma_start3A_609 = arith.constant 0 : i32
      %dma_start3A_610 = tpu.memref_slice %arg12[%dma_start3A_607, %dma_start3A_608, %dma_start3A_609] : memref<2x256x32xbf16, #tpu.memory_space<vmem>> -> memref<1x64x32xbf16, #tpu.memory_space<vmem>>
      %dma_start3A_611 = tpu.memref_squeeze %dma_start3A_610 : memref<1x64x32xbf16, #tpu.memory_space<vmem>> -> memref<64x32xbf16, #tpu.memory_space<vmem>>
      %dma_start3A_612 = arith.constant 0 : i32
      %dma_start3A_613 = tpu.memref_slice %arg15[%dma_start3A_605, %dma_start3A_606, %dma_start3A_612] : memref<2x4x64xi32, #tpu.memory_space<vmem>> -> memref<1x1x64xi32, #tpu.memory_space<vmem>>
      %dma_start3A_614 = tpu.memref_squeeze %dma_start3A_613 : memref<1x1x64xi32, #tpu.memory_space<vmem>> -> memref<64xi32, #tpu.memory_space<vmem>>
      %dma_start3A_615 = arith.constant 0 : i32
      %dma_start3A_616 = arith.constant 0 : i32
      %dma_start3A_617 = tpu.memref_slice %arg6[%dma_start3A_615, %dma_start3A_616] : memref<50000x32xbf16, #tpu.memory_space<hbm>> -> memref<50000x32xbf16, #tpu.memory_space<hbm>>
      tpu.enqueue_indirect_dma source(%dma_start3A_617 : memref<50000x32xbf16, #tpu.memory_space<hbm>>) target(%dma_start3A_611 : memref<64x32xbf16, #tpu.memory_space<vmem>>) offsets(%dma_start3A_614 : memref<64xi32, #tpu.memory_space<vmem>>) semaphore(%arg18 : memref<!tpu.dma_semaphore, #tpu.memory_space<semaphore_mem>>)
      %dma_start3A_618 = arith.constant 1 : i32
      %dma_start3A_619 = arith.constant 3 : i32
      %dma_start3A_620 = arith.constant 1 : i32
      %dma_start3A_621 = arith.constant 192 : i32
      %dma_start3A_622 = arith.constant 0 : i32
      %dma_start3A_623 = tpu.memref_slice %arg11[%dma_start3A_620, %dma_start3A_621, %dma_start3A_622] : memref<2x256x32xbf16, #tpu.memory_space<vmem>> -> memref<1x64x32xbf16, #tpu.memory_space<vmem>>
      %dma_start3A_624 = tpu.memref_squeeze %dma_start3A_623 : memref<1x64x32xbf16, #tpu.memory_space<vmem>> -> memref<64x32xbf16, #tpu.memory_space<vmem>>
      %dma_start3A_625 = arith.constant 0 : i32
      %dma_start3A_626 = tpu.memref_slice %arg14[%dma_start3A_618, %dma_start3A_619, %dma_start3A_625] : memref<2x4x64xi32, #tpu.memory_space<vmem>> -> memref<1x1x64xi32, #tpu.memory_space<vmem>>
      %dma_start3A_627 = tpu.memref_squeeze %dma_start3A_626 : memref<1x1x64xi32, #tpu.memory_space<vmem>> -> memref<64xi32, #tpu.memory_space<vmem>>
      %dma_start3A_628 = arith.constant 0 : i32
      %dma_start3A_629 = arith.constant 0 : i32
      %dma_start3A_630 = tpu.memref_slice %arg5[%dma_start3A_628, %dma_start3A_629] : memref<50000x32xbf16, #tpu.memory_space<hbm>> -> memref<50000x32xbf16, #tpu.memory_space<hbm>>
      tpu.enqueue_indirect_dma source(%dma_start3A_630 : memref<50000x32xbf16, #tpu.memory_space<hbm>>) target(%dma_start3A_624 : memref<64x32xbf16, #tpu.memory_space<vmem>>) offsets(%dma_start3A_627 : memref<64xi32, #tpu.memory_space<vmem>>) semaphore(%arg18 : memref<!tpu.dma_semaphore, #tpu.memory_space<semaphore_mem>>)
      %dma_start3A_631 = arith.constant 1 : i32
      %dma_start3A_632 = arith.constant 3 : i32
      %dma_start3A_633 = arith.constant 1 : i32
      %dma_start3A_634 = arith.constant 192 : i32
      %dma_start3A_635 = arith.constant 0 : i32
      %dma_start3A_636 = tpu.memref_slice %arg12[%dma_start3A_633, %dma_start3A_634, %dma_start3A_635] : memref<2x256x32xbf16, #tpu.memory_space<vmem>> -> memref<1x64x32xbf16, #tpu.memory_space<vmem>>
      %dma_start3A_637 = tpu.memref_squeeze %dma_start3A_636 : memref<1x64x32xbf16, #tpu.memory_space<vmem>> -> memref<64x32xbf16, #tpu.memory_space<vmem>>
      %dma_start3A_638 = arith.constant 0 : i32
      %dma_start3A_639 = tpu.memref_slice %arg15[%dma_start3A_631, %dma_start3A_632, %dma_start3A_638] : memref<2x4x64xi32, #tpu.memory_space<vmem>> -> memref<1x1x64xi32, #tpu.memory_space<vmem>>
      %dma_start3A_640 = tpu.memref_squeeze %dma_start3A_639 : memref<1x1x64xi32, #tpu.memory_space<vmem>> -> memref<64xi32, #tpu.memory_space<vmem>>
      %dma_start3A_641 = arith.constant 0 : i32
      %dma_start3A_642 = arith.constant 0 : i32
      %dma_start3A_643 = tpu.memref_slice %arg6[%dma_start3A_641, %dma_start3A_642] : memref<50000x32xbf16, #tpu.memory_space<hbm>> -> memref<50000x32xbf16, #tpu.memory_space<hbm>>
      tpu.enqueue_indirect_dma source(%dma_start3A_643 : memref<50000x32xbf16, #tpu.memory_space<hbm>>) target(%dma_start3A_637 : memref<64x32xbf16, #tpu.memory_space<vmem>>) offsets(%dma_start3A_640 : memref<64xi32, #tpu.memory_space<vmem>>) semaphore(%arg18 : memref<!tpu.dma_semaphore, #tpu.memory_space<semaphore_mem>>)
      %dma_wait3A_644 = arith.constant 0 : i32
      %dma_wait3A_645 = arith.constant 0 : i32
      %dma_wait3A_646 = arith.constant 0 : i32
      %dma_wait3A_647 = tpu.memref_slice %arg9[%dma_wait3A_644, %dma_wait3A_645, %dma_wait3A_646] : memref<2x64x128xf32, #tpu.memory_space<vmem>> -> memref<1x64x128xf32, #tpu.memory_space<vmem>>
      %dma_wait3A_648 = tpu.memref_squeeze %dma_wait3A_647 : memref<1x64x128xf32, #tpu.memory_space<vmem>> -> memref<64x128xf32, #tpu.memory_space<vmem>>
      %dma_wait3A_649 = arith.constant 0 : i32
      %dma_wait3A_650 = tpu.memref_slice %arg2[%mul3A_327, %dma_wait3A_649] : memref<204800x128xf32, #tpu.memory_space<hbm>> -> memref<64x128xf32, #tpu.memory_space<hbm>>
      %dma_wait3A_651 = arith.constant 0 : i32
      %dma_wait3A_652 = arith.constant 0 : i32
      %dma_wait3A_653 = tpu.memref_slice %arg9[%dma_wait3A_644, %dma_wait3A_651, %dma_wait3A_652] : memref<2x64x128xf32, #tpu.memory_space<vmem>> -> memref<1x64x128xf32, #tpu.memory_space<vmem>>
      %dma_wait3A_654 = tpu.memref_squeeze %dma_wait3A_653 : memref<1x64x128xf32, #tpu.memory_space<vmem>> -> memref<64x128xf32, #tpu.memory_space<vmem>>
      %dma_wait3A_655 = arith.constant 0 : i32
      %dma_wait3A_656 = tpu.memref_slice %arg2[%mul3A_327, %dma_wait3A_655] : memref<204800x128xf32, #tpu.memory_space<hbm>> -> memref<64x128xf32, #tpu.memory_space<hbm>>
      tpu.wait_dma2 semaphore(%arg17 : memref<!tpu.dma_semaphore, #tpu.memory_space<semaphore_mem>>) src(%dma_wait3A_656 : memref<64x128xf32, #tpu.memory_space<hbm>>) dst(%dma_wait3A_654 : memref<64x128xf32, #tpu.memory_space<vmem>>)
      %dma_wait3A_657 = arith.constant 0 : i32
      %dma_wait3A_658 = arith.constant 0 : i32
      %dma_wait3A_659 = arith.constant 0 : i32
      %dma_wait3A_660 = arith.constant 0 : i32
      %dma_wait3A_661 = arith.constant 0 : i32
      %dma_wait3A_662 = tpu.memref_slice %arg11[%dma_wait3A_659, %dma_wait3A_660, %dma_wait3A_661] : memref<2x256x32xbf16, #tpu.memory_space<vmem>> -> memref<1x64x32xbf16, #tpu.memory_space<vmem>>
      %dma_wait3A_663 = tpu.memref_squeeze %dma_wait3A_662 : memref<1x64x32xbf16, #tpu.memory_space<vmem>> -> memref<64x32xbf16, #tpu.memory_space<vmem>>
      %dma_wait3A_664 = arith.constant 0 : i32
      %dma_wait3A_665 = tpu.memref_slice %arg14[%dma_wait3A_657, %dma_wait3A_658, %dma_wait3A_664] : memref<2x4x64xi32, #tpu.memory_space<vmem>> -> memref<1x1x64xi32, #tpu.memory_space<vmem>>
      %dma_wait3A_666 = tpu.memref_squeeze %dma_wait3A_665 : memref<1x1x64xi32, #tpu.memory_space<vmem>> -> memref<64xi32, #tpu.memory_space<vmem>>
      %dma_wait3A_667 = arith.constant 0 : i32
      %dma_wait3A_668 = arith.constant 0 : i32
      %dma_wait3A_669 = tpu.memref_slice %arg5[%dma_wait3A_667, %dma_wait3A_668] : memref<50000x32xbf16, #tpu.memory_space<hbm>> -> memref<50000x32xbf16, #tpu.memory_space<hbm>>
      tpu.wait_indirect_dma semaphore(%arg17 : memref<!tpu.dma_semaphore, #tpu.memory_space<semaphore_mem>>) src(%dma_wait3A_669 : memref<50000x32xbf16, #tpu.memory_space<hbm>>) dst(%dma_wait3A_663 : memref<64x32xbf16, #tpu.memory_space<vmem>>)
      %dma_wait3A_670 = arith.constant 0 : i32
      %dma_wait3A_671 = arith.constant 0 : i32
      %dma_wait3A_672 = arith.constant 0 : i32
      %dma_wait3A_673 = arith.constant 0 : i32
      %dma_wait3A_674 = arith.constant 0 : i32
      %dma_wait3A_675 = tpu.memref_slice %arg12[%dma_wait3A_672, %dma_wait3A_673, %dma_wait3A_674] : memref<2x256x32xbf16, #tpu.memory_space<vmem>> -> memref<1x64x32xbf16, #tpu.memory_space<vmem>>
      %dma_wait3A_676 = tpu.memref_squeeze %dma_wait3A_675 : memref<1x64x32xbf16, #tpu.memory_space<vmem>> -> memref<64x32xbf16, #tpu.memory_space<vmem>>
      %dma_wait3A_677 = arith.constant 0 : i32
      %dma_wait3A_678 = tpu.memref_slice %arg15[%dma_wait3A_670, %dma_wait3A_671, %dma_wait3A_677] : memref<2x4x64xi32, #tpu.memory_space<vmem>> -> memref<1x1x64xi32, #tpu.memory_space<vmem>>
      %dma_wait3A_679 = tpu.memref_squeeze %dma_wait3A_678 : memref<1x1x64xi32, #tpu.memory_space<vmem>> -> memref<64xi32, #tpu.memory_space<vmem>>
      %dma_wait3A_680 = arith.constant 0 : i32
      %dma_wait3A_681 = arith.constant 0 : i32
      %dma_wait3A_682 = tpu.memref_slice %arg6[%dma_wait3A_680, %dma_wait3A_681] : memref<50000x32xbf16, #tpu.memory_space<hbm>> -> memref<50000x32xbf16, #tpu.memory_space<hbm>>
      tpu.wait_indirect_dma semaphore(%arg17 : memref<!tpu.dma_semaphore, #tpu.memory_space<semaphore_mem>>) src(%dma_wait3A_682 : memref<50000x32xbf16, #tpu.memory_space<hbm>>) dst(%dma_wait3A_676 : memref<64x32xbf16, #tpu.memory_space<vmem>>)
      %dma_wait3A_683 = arith.constant 0 : i32
      %dma_wait3A_684 = arith.constant 1 : i32
      %dma_wait3A_685 = arith.constant 0 : i32
      %dma_wait3A_686 = arith.constant 64 : i32
      %dma_wait3A_687 = arith.constant 0 : i32
      %dma_wait3A_688 = tpu.memref_slice %arg11[%dma_wait3A_685, %dma_wait3A_686, %dma_wait3A_687] : memref<2x256x32xbf16, #tpu.memory_space<vmem>> -> memref<1x64x32xbf16, #tpu.memory_space<vmem>>
      %dma_wait3A_689 = tpu.memref_squeeze %dma_wait3A_688 : memref<1x64x32xbf16, #tpu.memory_space<vmem>> -> memref<64x32xbf16, #tpu.memory_space<vmem>>
      %dma_wait3A_690 = arith.constant 0 : i32
      %dma_wait3A_691 = tpu.memref_slice %arg14[%dma_wait3A_683, %dma_wait3A_684, %dma_wait3A_690] : memref<2x4x64xi32, #tpu.memory_space<vmem>> -> memref<1x1x64xi32, #tpu.memory_space<vmem>>
      %dma_wait3A_692 = tpu.memref_squeeze %dma_wait3A_691 : memref<1x1x64xi32, #tpu.memory_space<vmem>> -> memref<64xi32, #tpu.memory_space<vmem>>
      %dma_wait3A_693 = arith.constant 0 : i32
      %dma_wait3A_694 = arith.constant 0 : i32
      %dma_wait3A_695 = tpu.memref_slice %arg5[%dma_wait3A_693, %dma_wait3A_694] : memref<50000x32xbf16, #tpu.memory_space<hbm>> -> memref<50000x32xbf16, #tpu.memory_space<hbm>>
      tpu.wait_indirect_dma semaphore(%arg17 : memref<!tpu.dma_semaphore, #tpu.memory_space<semaphore_mem>>) src(%dma_wait3A_695 : memref<50000x32xbf16, #tpu.memory_space<hbm>>) dst(%dma_wait3A_689 : memref<64x32xbf16, #tpu.memory_space<vmem>>)
      %dma_wait3A_696 = arith.constant 0 : i32
      %dma_wait3A_697 = arith.constant 1 : i32
      %dma_wait3A_698 = arith.constant 0 : i32
      %dma_wait3A_699 = arith.constant 64 : i32
      %dma_wait3A_700 = arith.constant 0 : i32
      %dma_wait3A_701 = tpu.memref_slice %arg12[%dma_wait3A_698, %dma_wait3A_699, %dma_wait3A_700] : memref<2x256x32xbf16, #tpu.memory_space<vmem>> -> memref<1x64x32xbf16, #tpu.memory_space<vmem>>
      %dma_wait3A_702 = tpu.memref_squeeze %dma_wait3A_701 : memref<1x64x32xbf16, #tpu.memory_space<vmem>> -> memref<64x32xbf16, #tpu.memory_space<vmem>>
      %dma_wait3A_703 = arith.constant 0 : i32
      %dma_wait3A_704 = tpu.memref_slice %arg15[%dma_wait3A_696, %dma_wait3A_697, %dma_wait3A_703] : memref<2x4x64xi32, #tpu.memory_space<vmem>> -> memref<1x1x64xi32, #tpu.memory_space<vmem>>
      %dma_wait3A_705 = tpu.memref_squeeze %dma_wait3A_704 : memref<1x1x64xi32, #tpu.memory_space<vmem>> -> memref<64xi32, #tpu.memory_space<vmem>>
      %dma_wait3A_706 = arith.constant 0 : i32
      %dma_wait3A_707 = arith.constant 0 : i32
      %dma_wait3A_708 = tpu.memref_slice %arg6[%dma_wait3A_706, %dma_wait3A_707] : memref<50000x32xbf16, #tpu.memory_space<hbm>> -> memref<50000x32xbf16, #tpu.memory_space<hbm>>
      tpu.wait_indirect_dma semaphore(%arg17 : memref<!tpu.dma_semaphore, #tpu.memory_space<semaphore_mem>>) src(%dma_wait3A_708 : memref<50000x32xbf16, #tpu.memory_space<hbm>>) dst(%dma_wait3A_702 : memref<64x32xbf16, #tpu.memory_space<vmem>>)
      %dma_wait3A_709 = arith.constant 0 : i32
      %dma_wait3A_710 = arith.constant 2 : i32
      %dma_wait3A_711 = arith.constant 0 : i32
      %dma_wait3A_712 = arith.constant 128 : i32
      %dma_wait3A_713 = arith.constant 0 : i32
      %dma_wait3A_714 = tpu.memref_slice %arg11[%dma_wait3A_711, %dma_wait3A_712, %dma_wait3A_713] : memref<2x256x32xbf16, #tpu.memory_space<vmem>> -> memref<1x64x32xbf16, #tpu.memory_space<vmem>>
      %dma_wait3A_715 = tpu.memref_squeeze %dma_wait3A_714 : memref<1x64x32xbf16, #tpu.memory_space<vmem>> -> memref<64x32xbf16, #tpu.memory_space<vmem>>
      %dma_wait3A_716 = arith.constant 0 : i32
      %dma_wait3A_717 = tpu.memref_slice %arg14[%dma_wait3A_709, %dma_wait3A_710, %dma_wait3A_716] : memref<2x4x64xi32, #tpu.memory_space<vmem>> -> memref<1x1x64xi32, #tpu.memory_space<vmem>>
      %dma_wait3A_718 = tpu.memref_squeeze %dma_wait3A_717 : memref<1x1x64xi32, #tpu.memory_space<vmem>> -> memref<64xi32, #tpu.memory_space<vmem>>
      %dma_wait3A_719 = arith.constant 0 : i32
      %dma_wait3A_720 = arith.constant 0 : i32
      %dma_wait3A_721 = tpu.memref_slice %arg5[%dma_wait3A_719, %dma_wait3A_720] : memref<50000x32xbf16, #tpu.memory_space<hbm>> -> memref<50000x32xbf16, #tpu.memory_space<hbm>>
      tpu.wait_indirect_dma semaphore(%arg17 : memref<!tpu.dma_semaphore, #tpu.memory_space<semaphore_mem>>) src(%dma_wait3A_721 : memref<50000x32xbf16, #tpu.memory_space<hbm>>) dst(%dma_wait3A_715 : memref<64x32xbf16, #tpu.memory_space<vmem>>)
      %dma_wait3A_722 = arith.constant 0 : i32
      %dma_wait3A_723 = arith.constant 2 : i32
      %dma_wait3A_724 = arith.constant 0 : i32
      %dma_wait3A_725 = arith.constant 128 : i32
      %dma_wait3A_726 = arith.constant 0 : i32
      %dma_wait3A_727 = tpu.memref_slice %arg12[%dma_wait3A_724, %dma_wait3A_725, %dma_wait3A_726] : memref<2x256x32xbf16, #tpu.memory_space<vmem>> -> memref<1x64x32xbf16, #tpu.memory_space<vmem>>
      %dma_wait3A_728 = tpu.memref_squeeze %dma_wait3A_727 : memref<1x64x32xbf16, #tpu.memory_space<vmem>> -> memref<64x32xbf16, #tpu.memory_space<vmem>>
      %dma_wait3A_729 = arith.constant 0 : i32
      %dma_wait3A_730 = tpu.memref_slice %arg15[%dma_wait3A_722, %dma_wait3A_723, %dma_wait3A_729] : memref<2x4x64xi32, #tpu.memory_space<vmem>> -> memref<1x1x64xi32, #tpu.memory_space<vmem>>
      %dma_wait3A_731 = tpu.memref_squeeze %dma_wait3A_730 : memref<1x1x64xi32, #tpu.memory_space<vmem>> -> memref<64xi32, #tpu.memory_space<vmem>>
      %dma_wait3A_732 = arith.constant 0 : i32
      %dma_wait3A_733 = arith.constant 0 : i32
      %dma_wait3A_734 = tpu.memref_slice %arg6[%dma_wait3A_732, %dma_wait3A_733] : memref<50000x32xbf16, #tpu.memory_space<hbm>> -> memref<50000x32xbf16, #tpu.memory_space<hbm>>
      tpu.wait_indirect_dma semaphore(%arg17 : memref<!tpu.dma_semaphore, #tpu.memory_space<semaphore_mem>>) src(%dma_wait3A_734 : memref<50000x32xbf16, #tpu.memory_space<hbm>>) dst(%dma_wait3A_728 : memref<64x32xbf16, #tpu.memory_space<vmem>>)
      %dma_wait3A_735 = arith.constant 0 : i32
      %dma_wait3A_736 = arith.constant 3 : i32
      %dma_wait3A_737 = arith.constant 0 : i32
      %dma_wait3A_738 = arith.constant 192 : i32
      %dma_wait3A_739 = arith.constant 0 : i32
      %dma_wait3A_740 = tpu.memref_slice %arg11[%dma_wait3A_737, %dma_wait3A_738, %dma_wait3A_739] : memref<2x256x32xbf16, #tpu.memory_space<vmem>> -> memref<1x64x32xbf16, #tpu.memory_space<vmem>>
      %dma_wait3A_741 = tpu.memref_squeeze %dma_wait3A_740 : memref<1x64x32xbf16, #tpu.memory_space<vmem>> -> memref<64x32xbf16, #tpu.memory_space<vmem>>
      %dma_wait3A_742 = arith.constant 0 : i32
      %dma_wait3A_743 = tpu.memref_slice %arg14[%dma_wait3A_735, %dma_wait3A_736, %dma_wait3A_742] : memref<2x4x64xi32, #tpu.memory_space<vmem>> -> memref<1x1x64xi32, #tpu.memory_space<vmem>>
      %dma_wait3A_744 = tpu.memref_squeeze %dma_wait3A_743 : memref<1x1x64xi32, #tpu.memory_space<vmem>> -> memref<64xi32, #tpu.memory_space<vmem>>
      %dma_wait3A_745 = arith.constant 0 : i32
      %dma_wait3A_746 = arith.constant 0 : i32
      %dma_wait3A_747 = tpu.memref_slice %arg5[%dma_wait3A_745, %dma_wait3A_746] : memref<50000x32xbf16, #tpu.memory_space<hbm>> -> memref<50000x32xbf16, #tpu.memory_space<hbm>>
      tpu.wait_indirect_dma semaphore(%arg17 : memref<!tpu.dma_semaphore, #tpu.memory_space<semaphore_mem>>) src(%dma_wait3A_747 : memref<50000x32xbf16, #tpu.memory_space<hbm>>) dst(%dma_wait3A_741 : memref<64x32xbf16, #tpu.memory_space<vmem>>)
      %dma_wait3A_748 = arith.constant 0 : i32
      %dma_wait3A_749 = arith.constant 3 : i32
      %dma_wait3A_750 = arith.constant 0 : i32
      %dma_wait3A_751 = arith.constant 192 : i32
      %dma_wait3A_752 = arith.constant 0 : i32
      %dma_wait3A_753 = tpu.memref_slice %arg12[%dma_wait3A_750, %dma_wait3A_751, %dma_wait3A_752] : memref<2x256x32xbf16, #tpu.memory_space<vmem>> -> memref<1x64x32xbf16, #tpu.memory_space<vmem>>
      %dma_wait3A_754 = tpu.memref_squeeze %dma_wait3A_753 : memref<1x64x32xbf16, #tpu.memory_space<vmem>> -> memref<64x32xbf16, #tpu.memory_space<vmem>>
      %dma_wait3A_755 = arith.constant 0 : i32
      %dma_wait3A_756 = tpu.memref_slice %arg15[%dma_wait3A_748, %dma_wait3A_749, %dma_wait3A_755] : memref<2x4x64xi32, #tpu.memory_space<vmem>> -> memref<1x1x64xi32, #tpu.memory_space<vmem>>
      %dma_wait3A_757 = tpu.memref_squeeze %dma_wait3A_756 : memref<1x1x64xi32, #tpu.memory_space<vmem>> -> memref<64xi32, #tpu.memory_space<vmem>>
      %dma_wait3A_758 = arith.constant 0 : i32
      %dma_wait3A_759 = arith.constant 0 : i32
      %dma_wait3A_760 = tpu.memref_slice %arg6[%dma_wait3A_758, %dma_wait3A_759] : memref<50000x32xbf16, #tpu.memory_space<hbm>> -> memref<50000x32xbf16, #tpu.memory_space<hbm>>
      tpu.wait_indirect_dma semaphore(%arg17 : memref<!tpu.dma_semaphore, #tpu.memory_space<semaphore_mem>>) src(%dma_wait3A_760 : memref<50000x32xbf16, #tpu.memory_space<hbm>>) dst(%dma_wait3A_754 : memref<64x32xbf16, #tpu.memory_space<vmem>>)
      %mul3A_761 = arith.constant 64 : i32
      %mul3A_762 = arith.muli %add3A_62, %mul3A_761 : i32
      %add3A_763 = arith.constant 64 : i32
      %add3A_764 = arith.addi %mul3A_762, %add3A_763 : i32
      %gt3A = arith.constant 200000 : i32
      %gt3A_765 = arith.cmpi sgt, %add3A_764, %gt3A : i32
      %convert_element_type3A = arith.extui %gt3A_765 : i1 to i32
      %cond3A = arith.constant 0 : i32
      %cond3A_766 = arith.cmpi ne, %convert_element_type3A, %cond3A : i32
      scf.if %cond3A_766 {
        %mul3A_1169 = arith.constant 64 : i32
        %mul3A_1170 = arith.muli %add3A_62, %mul3A_1169 : i32
        %add3A_1171 = arith.constant 0 : i32
        %add3A_1172 = arith.addi %mul3A_1170, %add3A_1171 : i32
        %iota3A = tpu.iota {dimensions = array<i32: 0>} : vector<16xi32>
        %add3A_1173 = vector.broadcast %add3A_1172 : i32 to vector<16xi32>
        %add3A_1174 = arith.addi %add3A_1173, %iota3A : vector<16xi32>
        %get3A = arith.constant 0 : i32
        %get3A_1175 = arith.constant 0 : i32
        %get3A_1176 = arith.index_cast %get3A : i32 to index
        %get3A_1177 = arith.index_cast %get3A_1175 : i32 to index
        %get3A_1178 = arith.constant 0 : index
        %get3A_1179 = tpu.vector_load %arg15[%get3A_1176, %get3A_1177, %get3A_1178] {strides = array<i32>} : memref<2x4x64xi32, #tpu.memory_space<vmem>>, vector<16xi32>,
        %ge3A = arith.constant 200000 : i32
        %ge3A_1180 = vector.broadcast %ge3A : i32 to vector<16xi32>
        %ge3A_1181 = arith.cmpi sge, %add3A_1174, %ge3A_1180 : vector<16xi32>
        %jit3A = arith.constant 50000 : i32
        %broadcast_in_dim3A = vector.broadcast %jit3A : i32 to vector<16xi32>
        %select_n3A = arith.select %ge3A_1181, %broadcast_in_dim3A, %get3A_1179 : vector<16xi1>, vector<16xi32>
        %swap3A = arith.constant 0 : i32
        %swap3A_1182 = arith.constant 0 : i32
        %swap3A_1183 = arith.index_cast %swap3A : i32 to index
        %swap3A_1184 = arith.index_cast %swap3A_1182 : i32 to index
        %swap3A_1185 = arith.constant 0 : index
        %swap3A_1186 = tpu.vector_load %arg15[%swap3A_1183, %swap3A_1184, %swap3A_1185] {strides = array<i32>} : memref<2x4x64xi32, #tpu.memory_space<vmem>>, vector<16xi32>,
        tpu.vector_store %arg15[%swap3A_1183, %swap3A_1184, %swap3A_1185], %select_n3A {strides = array<i32>} : memref<2x4x64xi32, #tpu.memory_space<vmem>>, vector<16xi32>,
        %mul3A_1187 = arith.constant 64 : i32
        %mul3A_1188 = arith.muli %add3A_62, %mul3A_1187 : i32
        %add3A_1189 = arith.constant 16 : i32
        %add3A_1190 = arith.addi %mul3A_1188, %add3A_1189 : i32
        %iota3A_1191 = tpu.iota {dimensions = array<i32: 0>} : vector<16xi32>
        %add3A_1192 = vector.broadcast %add3A_1190 : i32 to vector<16xi32>
        %add3A_1193 = arith.addi %add3A_1192, %iota3A_1191 : vector<16xi32>
        %get3A_1194 = arith.constant 0 : i32
        %get3A_1195 = arith.constant 0 : i32
        %get3A_1196 = arith.index_cast %get3A_1194 : i32 to index
        %get3A_1197 = arith.index_cast %get3A_1195 : i32 to index
        %get3A_1198 = arith.constant 16 : index
        %get3A_1199 = tpu.vector_load %arg15[%get3A_1196, %get3A_1197, %get3A_1198] {strides = array<i32>} : memref<2x4x64xi32, #tpu.memory_space<vmem>>, vector<16xi32>,
        %ge3A_1200 = arith.constant 200000 : i32
        %ge3A_1201 = vector.broadcast %ge3A_1200 : i32 to vector<16xi32>
        %ge3A_1202 = arith.cmpi sge, %add3A_1193, %ge3A_1201 : vector<16xi32>
        %jit3A_1203 = arith.constant 50001 : i32
        %broadcast_in_dim3A_1204 = vector.broadcast %jit3A_1203 : i32 to vector<16xi32>
        %select_n3A_1205 = arith.select %ge3A_1202, %broadcast_in_dim3A_1204, %get3A_1199 : vector<16xi1>, vector<16xi32>
        %swap3A_1206 = arith.constant 0 : i32
        %swap3A_1207 = arith.constant 0 : i32
        %swap3A_1208 = arith.index_cast %swap3A_1206 : i32 to index
        %swap3A_1209 = arith.index_cast %swap3A_1207 : i32 to index
        %swap3A_1210 = arith.constant 16 : index
        %swap3A_1211 = tpu.vector_load %arg15[%swap3A_1208, %swap3A_1209, %swap3A_1210] {strides = array<i32>} : memref<2x4x64xi32, #tpu.memory_space<vmem>>, vector<16xi32>,
        tpu.vector_store %arg15[%swap3A_1208, %swap3A_1209, %swap3A_1210], %select_n3A_1205 {strides = array<i32>} : memref<2x4x64xi32, #tpu.memory_space<vmem>>, vector<16xi32>,
        %mul3A_1212 = arith.constant 64 : i32
        %mul3A_1213 = arith.muli %add3A_62, %mul3A_1212 : i32
        %add3A_1214 = arith.constant 32 : i32
        %add3A_1215 = arith.addi %mul3A_1213, %add3A_1214 : i32
        %iota3A_1216 = tpu.iota {dimensions = array<i32: 0>} : vector<16xi32>
        %add3A_1217 = vector.broadcast %add3A_1215 : i32 to vector<16xi32>
        %add3A_1218 = arith.addi %add3A_1217, %iota3A_1216 : vector<16xi32>
        %get3A_1219 = arith.constant 0 : i32
        %get3A_1220 = arith.constant 0 : i32
        %get3A_1221 = arith.index_cast %get3A_1219 : i32 to index
        %get3A_1222 = arith.index_cast %get3A_1220 : i32 to index
        %get3A_1223 = arith.constant 32 : index
        %get3A_1224 = tpu.vector_load %arg15[%get3A_1221, %get3A_1222, %get3A_1223] {strides = array<i32>} : memref<2x4x64xi32, #tpu.memory_space<vmem>>, vector<16xi32>,
        %ge3A_1225 = arith.constant 200000 : i32
        %ge3A_1226 = vector.broadcast %ge3A_1225 : i32 to vector<16xi32>
        %ge3A_1227 = arith.cmpi sge, %add3A_1218, %ge3A_1226 : vector<16xi32>
        %jit3A_1228 = arith.constant 50002 : i32
        %broadcast_in_dim3A_1229 = vector.broadcast %jit3A_1228 : i32 to vector<16xi32>
        %select_n3A_1230 = arith.select %ge3A_1227, %broadcast_in_dim3A_1229, %get3A_1224 : vector<16xi1>, vector<16xi32>
        %swap3A_1231 = arith.constant 0 : i32
        %swap3A_1232 = arith.constant 0 : i32
        %swap3A_1233 = arith.index_cast %swap3A_1231 : i32 to index
        %swap3A_1234 = arith.index_cast %swap3A_1232 : i32 to index
        %swap3A_1235 = arith.constant 32 : index
        %swap3A_1236 = tpu.vector_load %arg15[%swap3A_1233, %swap3A_1234, %swap3A_1235] {strides = array<i32>} : memref<2x4x64xi32, #tpu.memory_space<vmem>>, vector<16xi32>,
        tpu.vector_store %arg15[%swap3A_1233, %swap3A_1234, %swap3A_1235], %select_n3A_1230 {strides = array<i32>} : memref<2x4x64xi32, #tpu.memory_space<vmem>>, vector<16xi32>,
        %mul3A_1237 = arith.constant 64 : i32
        %mul3A_1238 = arith.muli %add3A_62, %mul3A_1237 : i32
        %add3A_1239 = arith.constant 48 : i32
        %add3A_1240 = arith.addi %mul3A_1238, %add3A_1239 : i32
        %iota3A_1241 = tpu.iota {dimensions = array<i32: 0>} : vector<16xi32>
        %add3A_1242 = vector.broadcast %add3A_1240 : i32 to vector<16xi32>
        %add3A_1243 = arith.addi %add3A_1242, %iota3A_1241 : vector<16xi32>
        %get3A_1244 = arith.constant 0 : i32
        %get3A_1245 = arith.constant 0 : i32
        %get3A_1246 = arith.index_cast %get3A_1244 : i32 to index
        %get3A_1247 = arith.index_cast %get3A_1245 : i32 to index
        %get3A_1248 = arith.constant 48 : index
        %get3A_1249 = tpu.vector_load %arg15[%get3A_1246, %get3A_1247, %get3A_1248] {strides = array<i32>} : memref<2x4x64xi32, #tpu.memory_space<vmem>>, vector<16xi32>,
        %ge3A_1250 = arith.constant 200000 : i32
        %ge3A_1251 = vector.broadcast %ge3A_1250 : i32 to vector<16xi32>
        %ge3A_1252 = arith.cmpi sge, %add3A_1243, %ge3A_1251 : vector<16xi32>
        %jit3A_1253 = arith.constant 50003 : i32
        %broadcast_in_dim3A_1254 = vector.broadcast %jit3A_1253 : i32 to vector<16xi32>
        %select_n3A_1255 = arith.select %ge3A_1252, %broadcast_in_dim3A_1254, %get3A_1249 : vector<16xi1>, vector<16xi32>
        %swap3A_1256 = arith.constant 0 : i32
        %swap3A_1257 = arith.constant 0 : i32
        %swap3A_1258 = arith.index_cast %swap3A_1256 : i32 to index
        %swap3A_1259 = arith.index_cast %swap3A_1257 : i32 to index
        %swap3A_1260 = arith.constant 48 : index
        %swap3A_1261 = tpu.vector_load %arg15[%swap3A_1258, %swap3A_1259, %swap3A_1260] {strides = array<i32>} : memref<2x4x64xi32, #tpu.memory_space<vmem>>, vector<16xi32>,
        tpu.vector_store %arg15[%swap3A_1258, %swap3A_1259, %swap3A_1260], %select_n3A_1255 {strides = array<i32>} : memref<2x4x64xi32, #tpu.memory_space<vmem>>, vector<16xi32>,
        %mul3A_1262 = arith.constant 64 : i32
        %mul3A_1263 = arith.muli %add3A_62, %mul3A_1262 : i32
        %add3A_1264 = arith.constant 0 : i32
        %add3A_1265 = arith.addi %mul3A_1263, %add3A_1264 : i32
        %iota3A_1266 = tpu.iota {dimensions = array<i32: 0>} : vector<16xi32>
        %add3A_1267 = vector.broadcast %add3A_1265 : i32 to vector<16xi32>
        %add3A_1268 = arith.addi %add3A_1267, %iota3A_1266 : vector<16xi32>
        %get3A_1269 = arith.constant 0 : i32
        %get3A_1270 = arith.constant 1 : i32
        %get3A_1271 = arith.index_cast %get3A_1269 : i32 to index
        %get3A_1272 = arith.index_cast %get3A_1270 : i32 to index
        %get3A_1273 = arith.constant 0 : index
        %get3A_1274 = tpu.vector_load %arg15[%get3A_1271, %get3A_1272, %get3A_1273] {strides = array<i32>} : memref<2x4x64xi32, #tpu.memory_space<vmem>>, vector<16xi32>,
        %ge3A_1275 = arith.constant 200000 : i32
        %ge3A_1276 = vector.broadcast %ge3A_1275 : i32 to vector<16xi32>
        %ge3A_1277 = arith.cmpi sge, %add3A_1268, %ge3A_1276 : vector<16xi32>
        %jit3A_1278 = arith.constant 50004 : i32
        %broadcast_in_dim3A_1279 = vector.broadcast %jit3A_1278 : i32 to vector<16xi32>
        %select_n3A_1280 = arith.select %ge3A_1277, %broadcast_in_dim3A_1279, %get3A_1274 : vector<16xi1>, vector<16xi32>
        %swap3A_1281 = arith.constant 0 : i32
        %swap3A_1282 = arith.constant 1 : i32
        %swap3A_1283 = arith.index_cast %swap3A_1281 : i32 to index
        %swap3A_1284 = arith.index_cast %swap3A_1282 : i32 to index
        %swap3A_1285 = arith.constant 0 : index
        %swap3A_1286 = tpu.vector_load %arg15[%swap3A_1283, %swap3A_1284, %swap3A_1285] {strides = array<i32>} : memref<2x4x64xi32, #tpu.memory_space<vmem>>, vector<16xi32>,
        tpu.vector_store %arg15[%swap3A_1283, %swap3A_1284, %swap3A_1285], %select_n3A_1280 {strides = array<i32>} : memref<2x4x64xi32, #tpu.memory_space<vmem>>, vector<16xi32>,
        %mul3A_1287 = arith.constant 64 : i32
        %mul3A_1288 = arith.muli %add3A_62, %mul3A_1287 : i32
        %add3A_1289 = arith.constant 16 : i32
        %add3A_1290 = arith.addi %mul3A_1288, %add3A_1289 : i32
        %iota3A_1291 = tpu.iota {dimensions = array<i32: 0>} : vector<16xi32>
        %add3A_1292 = vector.broadcast %add3A_1290 : i32 to vector<16xi32>
        %add3A_1293 = arith.addi %add3A_1292, %iota3A_1291 : vector<16xi32>
        %get3A_1294 = arith.constant 0 : i32
        %get3A_1295 = arith.constant 1 : i32
        %get3A_1296 = arith.index_cast %get3A_1294 : i32 to index
        %get3A_1297 = arith.index_cast %get3A_1295 : i32 to index
        %get3A_1298 = arith.constant 16 : index
        %get3A_1299 = tpu.vector_load %arg15[%get3A_1296, %get3A_1297, %get3A_1298] {strides = array<i32>} : memref<2x4x64xi32, #tpu.memory_space<vmem>>, vector<16xi32>,
        %ge3A_1300 = arith.constant 200000 : i32
        %ge3A_1301 = vector.broadcast %ge3A_1300 : i32 to vector<16xi32>
        %ge3A_1302 = arith.cmpi sge, %add3A_1293, %ge3A_1301 : vector<16xi32>
        %jit3A_1303 = arith.constant 50005 : i32
        %broadcast_in_dim3A_1304 = vector.broadcast %jit3A_1303 : i32 to vector<16xi32>
        %select_n3A_1305 = arith.select %ge3A_1302, %broadcast_in_dim3A_1304, %get3A_1299 : vector<16xi1>, vector<16xi32>
        %swap3A_1306 = arith.constant 0 : i32
        %swap3A_1307 = arith.constant 1 : i32
        %swap3A_1308 = arith.index_cast %swap3A_1306 : i32 to index
        %swap3A_1309 = arith.index_cast %swap3A_1307 : i32 to index
        %swap3A_1310 = arith.constant 16 : index
        %swap3A_1311 = tpu.vector_load %arg15[%swap3A_1308, %swap3A_1309, %swap3A_1310] {strides = array<i32>} : memref<2x4x64xi32, #tpu.memory_space<vmem>>, vector<16xi32>,
        tpu.vector_store %arg15[%swap3A_1308, %swap3A_1309, %swap3A_1310], %select_n3A_1305 {strides = array<i32>} : memref<2x4x64xi32, #tpu.memory_space<vmem>>, vector<16xi32>,
        %mul3A_1312 = arith.constant 64 : i32
        %mul3A_1313 = arith.muli %add3A_62, %mul3A_1312 : i32
        %add3A_1314 = arith.constant 32 : i32
        %add3A_1315 = arith.addi %mul3A_1313, %add3A_1314 : i32
        %iota3A_1316 = tpu.iota {dimensions = array<i32: 0>} : vector<16xi32>
        %add3A_1317 = vector.broadcast %add3A_1315 : i32 to vector<16xi32>
        %add3A_1318 = arith.addi %add3A_1317, %iota3A_1316 : vector<16xi32>
        %get3A_1319 = arith.constant 0 : i32
        %get3A_1320 = arith.constant 1 : i32
        %get3A_1321 = arith.index_cast %get3A_1319 : i32 to index
        %get3A_1322 = arith.index_cast %get3A_1320 : i32 to index
        %get3A_1323 = arith.constant 32 : index
        %get3A_1324 = tpu.vector_load %arg15[%get3A_1321, %get3A_1322, %get3A_1323] {strides = array<i32>} : memref<2x4x64xi32, #tpu.memory_space<vmem>>, vector<16xi32>,
        %ge3A_1325 = arith.constant 200000 : i32
        %ge3A_1326 = vector.broadcast %ge3A_1325 : i32 to vector<16xi32>
        %ge3A_1327 = arith.cmpi sge, %add3A_1318, %ge3A_1326 : vector<16xi32>
        %jit3A_1328 = arith.constant 50006 : i32
        %broadcast_in_dim3A_1329 = vector.broadcast %jit3A_1328 : i32 to vector<16xi32>
        %select_n3A_1330 = arith.select %ge3A_1327, %broadcast_in_dim3A_1329, %get3A_1324 : vector<16xi1>, vector<16xi32>
        %swap3A_1331 = arith.constant 0 : i32
        %swap3A_1332 = arith.constant 1 : i32
        %swap3A_1333 = arith.index_cast %swap3A_1331 : i32 to index
        %swap3A_1334 = arith.index_cast %swap3A_1332 : i32 to index
        %swap3A_1335 = arith.constant 32 : index
        %swap3A_1336 = tpu.vector_load %arg15[%swap3A_1333, %swap3A_1334, %swap3A_1335] {strides = array<i32>} : memref<2x4x64xi32, #tpu.memory_space<vmem>>, vector<16xi32>,
        tpu.vector_store %arg15[%swap3A_1333, %swap3A_1334, %swap3A_1335], %select_n3A_1330 {strides = array<i32>} : memref<2x4x64xi32, #tpu.memory_space<vmem>>, vector<16xi32>,
        %mul3A_1337 = arith.constant 64 : i32
        %mul3A_1338 = arith.muli %add3A_62, %mul3A_1337 : i32
        %add3A_1339 = arith.constant 48 : i32
        %add3A_1340 = arith.addi %mul3A_1338, %add3A_1339 : i32
        %iota3A_1341 = tpu.iota {dimensions = array<i32: 0>} : vector<16xi32>
        %add3A_1342 = vector.broadcast %add3A_1340 : i32 to vector<16xi32>
        %add3A_1343 = arith.addi %add3A_1342, %iota3A_1341 : vector<16xi32>
        %get3A_1344 = arith.constant 0 : i32
        %get3A_1345 = arith.constant 1 : i32
        %get3A_1346 = arith.index_cast %get3A_1344 : i32 to index
        %get3A_1347 = arith.index_cast %get3A_1345 : i32 to index
        %get3A_1348 = arith.constant 48 : index
        %get3A_1349 = tpu.vector_load %arg15[%get3A_1346, %get3A_1347, %get3A_1348] {strides = array<i32>} : memref<2x4x64xi32, #tpu.memory_space<vmem>>, vector<16xi32>,
        %ge3A_1350 = arith.constant 200000 : i32
        %ge3A_1351 = vector.broadcast %ge3A_1350 : i32 to vector<16xi32>
        %ge3A_1352 = arith.cmpi sge, %add3A_1343, %ge3A_1351 : vector<16xi32>
        %jit3A_1353 = arith.constant 50007 : i32
        %broadcast_in_dim3A_1354 = vector.broadcast %jit3A_1353 : i32 to vector<16xi32>
        %select_n3A_1355 = arith.select %ge3A_1352, %broadcast_in_dim3A_1354, %get3A_1349 : vector<16xi1>, vector<16xi32>
        %swap3A_1356 = arith.constant 0 : i32
        %swap3A_1357 = arith.constant 1 : i32
        %swap3A_1358 = arith.index_cast %swap3A_1356 : i32 to index
        %swap3A_1359 = arith.index_cast %swap3A_1357 : i32 to index
        %swap3A_1360 = arith.constant 48 : index
        %swap3A_1361 = tpu.vector_load %arg15[%swap3A_1358, %swap3A_1359, %swap3A_1360] {strides = array<i32>} : memref<2x4x64xi32, #tpu.memory_space<vmem>>, vector<16xi32>,
        tpu.vector_store %arg15[%swap3A_1358, %swap3A_1359, %swap3A_1360], %select_n3A_1355 {strides = array<i32>} : memref<2x4x64xi32, #tpu.memory_space<vmem>>, vector<16xi32>,
        %mul3A_1362 = arith.constant 64 : i32
        %mul3A_1363 = arith.muli %add3A_62, %mul3A_1362 : i32
        %add3A_1364 = arith.constant 0 : i32
        %add3A_1365 = arith.addi %mul3A_1363, %add3A_1364 : i32
        %iota3A_1366 = tpu.iota {dimensions = array<i32: 0>} : vector<16xi32>
        %add3A_1367 = vector.broadcast %add3A_1365 : i32 to vector<16xi32>
        %add3A_1368 = arith.addi %add3A_1367, %iota3A_1366 : vector<16xi32>
        %get3A_1369 = arith.constant 0 : i32
        %get3A_1370 = arith.constant 2 : i32
        %get3A_1371 = arith.index_cast %get3A_1369 : i32 to index
        %get3A_1372 = arith.index_cast %get3A_1370 : i32 to index
        %get3A_1373 = arith.constant 0 : index
        %get3A_1374 = tpu.vector_load %arg15[%get3A_1371, %get3A_1372, %get3A_1373] {strides = array<i32>} : memref<2x4x64xi32, #tpu.memory_space<vmem>>, vector<16xi32>,
        %ge3A_1375 = arith.constant 200000 : i32
        %ge3A_1376 = vector.broadcast %ge3A_1375 : i32 to vector<16xi32>
        %ge3A_1377 = arith.cmpi sge, %add3A_1368, %ge3A_1376 : vector<16xi32>
        %jit3A_1378 = arith.constant 50008 : i32
        %broadcast_in_dim3A_1379 = vector.broadcast %jit3A_1378 : i32 to vector<16xi32>
        %select_n3A_1380 = arith.select %ge3A_1377, %broadcast_in_dim3A_1379, %get3A_1374 : vector<16xi1>, vector<16xi32>
        %swap3A_1381 = arith.constant 0 : i32
        %swap3A_1382 = arith.constant 2 : i32
        %swap3A_1383 = arith.index_cast %swap3A_1381 : i32 to index
        %swap3A_1384 = arith.index_cast %swap3A_1382 : i32 to index
        %swap3A_1385 = arith.constant 0 : index
        %swap3A_1386 = tpu.vector_load %arg15[%swap3A_1383, %swap3A_1384, %swap3A_1385] {strides = array<i32>} : memref<2x4x64xi32, #tpu.memory_space<vmem>>, vector<16xi32>,
        tpu.vector_store %arg15[%swap3A_1383, %swap3A_1384, %swap3A_1385], %select_n3A_1380 {strides = array<i32>} : memref<2x4x64xi32, #tpu.memory_space<vmem>>, vector<16xi32>,
        %mul3A_1387 = arith.constant 64 : i32
        %mul3A_1388 = arith.muli %add3A_62, %mul3A_1387 : i32
        %add3A_1389 = arith.constant 16 : i32
        %add3A_1390 = arith.addi %mul3A_1388, %add3A_1389 : i32
        %iota3A_1391 = tpu.iota {dimensions = array<i32: 0>} : vector<16xi32>
        %add3A_1392 = vector.broadcast %add3A_1390 : i32 to vector<16xi32>
        %add3A_1393 = arith.addi %add3A_1392, %iota3A_1391 : vector<16xi32>
        %get3A_1394 = arith.constant 0 : i32
        %get3A_1395 = arith.constant 2 : i32
        %get3A_1396 = arith.index_cast %get3A_1394 : i32 to index
        %get3A_1397 = arith.index_cast %get3A_1395 : i32 to index
        %get3A_1398 = arith.constant 16 : index
        %get3A_1399 = tpu.vector_load %arg15[%get3A_1396, %get3A_1397, %get3A_1398] {strides = array<i32>} : memref<2x4x64xi32, #tpu.memory_space<vmem>>, vector<16xi32>,
        %ge3A_1400 = arith.constant 200000 : i32
        %ge3A_1401 = vector.broadcast %ge3A_1400 : i32 to vector<16xi32>
        %ge3A_1402 = arith.cmpi sge, %add3A_1393, %ge3A_1401 : vector<16xi32>
        %jit3A_1403 = arith.constant 50009 : i32
        %broadcast_in_dim3A_1404 = vector.broadcast %jit3A_1403 : i32 to vector<16xi32>
        %select_n3A_1405 = arith.select %ge3A_1402, %broadcast_in_dim3A_1404, %get3A_1399 : vector<16xi1>, vector<16xi32>
        %swap3A_1406 = arith.constant 0 : i32
        %swap3A_1407 = arith.constant 2 : i32
        %swap3A_1408 = arith.index_cast %swap3A_1406 : i32 to index
        %swap3A_1409 = arith.index_cast %swap3A_1407 : i32 to index
        %swap3A_1410 = arith.constant 16 : index
        %swap3A_1411 = tpu.vector_load %arg15[%swap3A_1408, %swap3A_1409, %swap3A_1410] {strides = array<i32>} : memref<2x4x64xi32, #tpu.memory_space<vmem>>, vector<16xi32>,
        tpu.vector_store %arg15[%swap3A_1408, %swap3A_1409, %swap3A_1410], %select_n3A_1405 {strides = array<i32>} : memref<2x4x64xi32, #tpu.memory_space<vmem>>, vector<16xi32>,
        %mul3A_1412 = arith.constant 64 : i32
        %mul3A_1413 = arith.muli %add3A_62, %mul3A_1412 : i32
        %add3A_1414 = arith.constant 32 : i32
        %add3A_1415 = arith.addi %mul3A_1413, %add3A_1414 : i32
        %iota3A_1416 = tpu.iota {dimensions = array<i32: 0>} : vector<16xi32>
        %add3A_1417 = vector.broadcast %add3A_1415 : i32 to vector<16xi32>
        %add3A_1418 = arith.addi %add3A_1417, %iota3A_1416 : vector<16xi32>
        %get3A_1419 = arith.constant 0 : i32
        %get3A_1420 = arith.constant 2 : i32
        %get3A_1421 = arith.index_cast %get3A_1419 : i32 to index
        %get3A_1422 = arith.index_cast %get3A_1420 : i32 to index
        %get3A_1423 = arith.constant 32 : index
        %get3A_1424 = tpu.vector_load %arg15[%get3A_1421, %get3A_1422, %get3A_1423] {strides = array<i32>} : memref<2x4x64xi32, #tpu.memory_space<vmem>>, vector<16xi32>,
        %ge3A_1425 = arith.constant 200000 : i32
        %ge3A_1426 = vector.broadcast %ge3A_1425 : i32 to vector<16xi32>
        %ge3A_1427 = arith.cmpi sge, %add3A_1418, %ge3A_1426 : vector<16xi32>
        %jit3A_1428 = arith.constant 50010 : i32
        %broadcast_in_dim3A_1429 = vector.broadcast %jit3A_1428 : i32 to vector<16xi32>
        %select_n3A_1430 = arith.select %ge3A_1427, %broadcast_in_dim3A_1429, %get3A_1424 : vector<16xi1>, vector<16xi32>
        %swap3A_1431 = arith.constant 0 : i32
        %swap3A_1432 = arith.constant 2 : i32
        %swap3A_1433 = arith.index_cast %swap3A_1431 : i32 to index
        %swap3A_1434 = arith.index_cast %swap3A_1432 : i32 to index
        %swap3A_1435 = arith.constant 32 : index
        %swap3A_1436 = tpu.vector_load %arg15[%swap3A_1433, %swap3A_1434, %swap3A_1435] {strides = array<i32>} : memref<2x4x64xi32, #tpu.memory_space<vmem>>, vector<16xi32>,
        tpu.vector_store %arg15[%swap3A_1433, %swap3A_1434, %swap3A_1435], %select_n3A_1430 {strides = array<i32>} : memref<2x4x64xi32, #tpu.memory_space<vmem>>, vector<16xi32>,
        %mul3A_1437 = arith.constant 64 : i32
        %mul3A_1438 = arith.muli %add3A_62, %mul3A_1437 : i32
        %add3A_1439 = arith.constant 48 : i32
        %add3A_1440 = arith.addi %mul3A_1438, %add3A_1439 : i32
        %iota3A_1441 = tpu.iota {dimensions = array<i32: 0>} : vector<16xi32>
        %add3A_1442 = vector.broadcast %add3A_1440 : i32 to vector<16xi32>
        %add3A_1443 = arith.addi %add3A_1442, %iota3A_1441 : vector<16xi32>
        %get3A_1444 = arith.constant 0 : i32
        %get3A_1445 = arith.constant 2 : i32
        %get3A_1446 = arith.index_cast %get3A_1444 : i32 to index
        %get3A_1447 = arith.index_cast %get3A_1445 : i32 to index
        %get3A_1448 = arith.constant 48 : index
        %get3A_1449 = tpu.vector_load %arg15[%get3A_1446, %get3A_1447, %get3A_1448] {strides = array<i32>} : memref<2x4x64xi32, #tpu.memory_space<vmem>>, vector<16xi32>,
        %ge3A_1450 = arith.constant 200000 : i32
        %ge3A_1451 = vector.broadcast %ge3A_1450 : i32 to vector<16xi32>
        %ge3A_1452 = arith.cmpi sge, %add3A_1443, %ge3A_1451 : vector<16xi32>
        %jit3A_1453 = arith.constant 50011 : i32
        %broadcast_in_dim3A_1454 = vector.broadcast %jit3A_1453 : i32 to vector<16xi32>
        %select_n3A_1455 = arith.select %ge3A_1452, %broadcast_in_dim3A_1454, %get3A_1449 : vector<16xi1>, vector<16xi32>
        %swap3A_1456 = arith.constant 0 : i32
        %swap3A_1457 = arith.constant 2 : i32
        %swap3A_1458 = arith.index_cast %swap3A_1456 : i32 to index
        %swap3A_1459 = arith.index_cast %swap3A_1457 : i32 to index
        %swap3A_1460 = arith.constant 48 : index
        %swap3A_1461 = tpu.vector_load %arg15[%swap3A_1458, %swap3A_1459, %swap3A_1460] {strides = array<i32>} : memref<2x4x64xi32, #tpu.memory_space<vmem>>, vector<16xi32>,
        tpu.vector_store %arg15[%swap3A_1458, %swap3A_1459, %swap3A_1460], %select_n3A_1455 {strides = array<i32>} : memref<2x4x64xi32, #tpu.memory_space<vmem>>, vector<16xi32>,
        %mul3A_1462 = arith.constant 64 : i32
        %mul3A_1463 = arith.muli %add3A_62, %mul3A_1462 : i32
        %add3A_1464 = arith.constant 0 : i32
        %add3A_1465 = arith.addi %mul3A_1463, %add3A_1464 : i32
        %iota3A_1466 = tpu.iota {dimensions = array<i32: 0>} : vector<16xi32>
        %add3A_1467 = vector.broadcast %add3A_1465 : i32 to vector<16xi32>
        %add3A_1468 = arith.addi %add3A_1467, %iota3A_1466 : vector<16xi32>
        %get3A_1469 = arith.constant 0 : i32
        %get3A_1470 = arith.constant 3 : i32
        %get3A_1471 = arith.index_cast %get3A_1469 : i32 to index
        %get3A_1472 = arith.index_cast %get3A_1470 : i32 to index
        %get3A_1473 = arith.constant 0 : index
        %get3A_1474 = tpu.vector_load %arg15[%get3A_1471, %get3A_1472, %get3A_1473] {strides = array<i32>} : memref<2x4x64xi32, #tpu.memory_space<vmem>>, vector<16xi32>,
        %ge3A_1475 = arith.constant 200000 : i32
        %ge3A_1476 = vector.broadcast %ge3A_1475 : i32 to vector<16xi32>
        %ge3A_1477 = arith.cmpi sge, %add3A_1468, %ge3A_1476 : vector<16xi32>
        %jit3A_1478 = arith.constant 50012 : i32
        %broadcast_in_dim3A_1479 = vector.broadcast %jit3A_1478 : i32 to vector<16xi32>
        %select_n3A_1480 = arith.select %ge3A_1477, %broadcast_in_dim3A_1479, %get3A_1474 : vector<16xi1>, vector<16xi32>
        %swap3A_1481 = arith.constant 0 : i32
        %swap3A_1482 = arith.constant 3 : i32
        %swap3A_1483 = arith.index_cast %swap3A_1481 : i32 to index
        %swap3A_1484 = arith.index_cast %swap3A_1482 : i32 to index
        %swap3A_1485 = arith.constant 0 : index
        %swap3A_1486 = tpu.vector_load %arg15[%swap3A_1483, %swap3A_1484, %swap3A_1485] {strides = array<i32>} : memref<2x4x64xi32, #tpu.memory_space<vmem>>, vector<16xi32>,
        tpu.vector_store %arg15[%swap3A_1483, %swap3A_1484, %swap3A_1485], %select_n3A_1480 {strides = array<i32>} : memref<2x4x64xi32, #tpu.memory_space<vmem>>, vector<16xi32>,
        %mul3A_1487 = arith.constant 64 : i32
        %mul3A_1488 = arith.muli %add3A_62, %mul3A_1487 : i32
        %add3A_1489 = arith.constant 16 : i32
        %add3A_1490 = arith.addi %mul3A_1488, %add3A_1489 : i32
        %iota3A_1491 = tpu.iota {dimensions = array<i32: 0>} : vector<16xi32>
        %add3A_1492 = vector.broadcast %add3A_1490 : i32 to vector<16xi32>
        %add3A_1493 = arith.addi %add3A_1492, %iota3A_1491 : vector<16xi32>
        %get3A_1494 = arith.constant 0 : i32
        %get3A_1495 = arith.constant 3 : i32
        %get3A_1496 = arith.index_cast %get3A_1494 : i32 to index
        %get3A_1497 = arith.index_cast %get3A_1495 : i32 to index
        %get3A_1498 = arith.constant 16 : index
        %get3A_1499 = tpu.vector_load %arg15[%get3A_1496, %get3A_1497, %get3A_1498] {strides = array<i32>} : memref<2x4x64xi32, #tpu.memory_space<vmem>>, vector<16xi32>,
        %ge3A_1500 = arith.constant 200000 : i32
        %ge3A_1501 = vector.broadcast %ge3A_1500 : i32 to vector<16xi32>
        %ge3A_1502 = arith.cmpi sge, %add3A_1493, %ge3A_1501 : vector<16xi32>
        %jit3A_1503 = arith.constant 50013 : i32
        %broadcast_in_dim3A_1504 = vector.broadcast %jit3A_1503 : i32 to vector<16xi32>
        %select_n3A_1505 = arith.select %ge3A_1502, %broadcast_in_dim3A_1504, %get3A_1499 : vector<16xi1>, vector<16xi32>
        %swap3A_1506 = arith.constant 0 : i32
        %swap3A_1507 = arith.constant 3 : i32
        %swap3A_1508 = arith.index_cast %swap3A_1506 : i32 to index
        %swap3A_1509 = arith.index_cast %swap3A_1507 : i32 to index
        %swap3A_1510 = arith.constant 16 : index
        %swap3A_1511 = tpu.vector_load %arg15[%swap3A_1508, %swap3A_1509, %swap3A_1510] {strides = array<i32>} : memref<2x4x64xi32, #tpu.memory_space<vmem>>, vector<16xi32>,
        tpu.vector_store %arg15[%swap3A_1508, %swap3A_1509, %swap3A_1510], %select_n3A_1505 {strides = array<i32>} : memref<2x4x64xi32, #tpu.memory_space<vmem>>, vector<16xi32>,
        %mul3A_1512 = arith.constant 64 : i32
        %mul3A_1513 = arith.muli %add3A_62, %mul3A_1512 : i32
        %add3A_1514 = arith.constant 32 : i32
        %add3A_1515 = arith.addi %mul3A_1513, %add3A_1514 : i32
        %iota3A_1516 = tpu.iota {dimensions = array<i32: 0>} : vector<16xi32>
        %add3A_1517 = vector.broadcast %add3A_1515 : i32 to vector<16xi32>
        %add3A_1518 = arith.addi %add3A_1517, %iota3A_1516 : vector<16xi32>
        %get3A_1519 = arith.constant 0 : i32
        %get3A_1520 = arith.constant 3 : i32
        %get3A_1521 = arith.index_cast %get3A_1519 : i32 to index
        %get3A_1522 = arith.index_cast %get3A_1520 : i32 to index
        %get3A_1523 = arith.constant 32 : index
        %get3A_1524 = tpu.vector_load %arg15[%get3A_1521, %get3A_1522, %get3A_1523] {strides = array<i32>} : memref<2x4x64xi32, #tpu.memory_space<vmem>>, vector<16xi32>,
        %ge3A_1525 = arith.constant 200000 : i32
        %ge3A_1526 = vector.broadcast %ge3A_1525 : i32 to vector<16xi32>
        %ge3A_1527 = arith.cmpi sge, %add3A_1518, %ge3A_1526 : vector<16xi32>
        %jit3A_1528 = arith.constant 50014 : i32
        %broadcast_in_dim3A_1529 = vector.broadcast %jit3A_1528 : i32 to vector<16xi32>
        %select_n3A_1530 = arith.select %ge3A_1527, %broadcast_in_dim3A_1529, %get3A_1524 : vector<16xi1>, vector<16xi32>
        %swap3A_1531 = arith.constant 0 : i32
        %swap3A_1532 = arith.constant 3 : i32
        %swap3A_1533 = arith.index_cast %swap3A_1531 : i32 to index
        %swap3A_1534 = arith.index_cast %swap3A_1532 : i32 to index
        %swap3A_1535 = arith.constant 32 : index
        %swap3A_1536 = tpu.vector_load %arg15[%swap3A_1533, %swap3A_1534, %swap3A_1535] {strides = array<i32>} : memref<2x4x64xi32, #tpu.memory_space<vmem>>, vector<16xi32>,
        tpu.vector_store %arg15[%swap3A_1533, %swap3A_1534, %swap3A_1535], %select_n3A_1530 {strides = array<i32>} : memref<2x4x64xi32, #tpu.memory_space<vmem>>, vector<16xi32>,
        %mul3A_1537 = arith.constant 64 : i32
        %mul3A_1538 = arith.muli %add3A_62, %mul3A_1537 : i32
        %add3A_1539 = arith.constant 48 : i32
        %add3A_1540 = arith.addi %mul3A_1538, %add3A_1539 : i32
        %iota3A_1541 = tpu.iota {dimensions = array<i32: 0>} : vector<16xi32>
        %add3A_1542 = vector.broadcast %add3A_1540 : i32 to vector<16xi32>
        %add3A_1543 = arith.addi %add3A_1542, %iota3A_1541 : vector<16xi32>
        %get3A_1544 = arith.constant 0 : i32
        %get3A_1545 = arith.constant 3 : i32
        %get3A_1546 = arith.index_cast %get3A_1544 : i32 to index
        %get3A_1547 = arith.index_cast %get3A_1545 : i32 to index
        %get3A_1548 = arith.constant 48 : index
        %get3A_1549 = tpu.vector_load %arg15[%get3A_1546, %get3A_1547, %get3A_1548] {strides = array<i32>} : memref<2x4x64xi32, #tpu.memory_space<vmem>>, vector<16xi32>,
        %ge3A_1550 = arith.constant 200000 : i32
        %ge3A_1551 = vector.broadcast %ge3A_1550 : i32 to vector<16xi32>
        %ge3A_1552 = arith.cmpi sge, %add3A_1543, %ge3A_1551 : vector<16xi32>
        %jit3A_1553 = arith.constant 50015 : i32
        %broadcast_in_dim3A_1554 = vector.broadcast %jit3A_1553 : i32 to vector<16xi32>
        %select_n3A_1555 = arith.select %ge3A_1552, %broadcast_in_dim3A_1554, %get3A_1549 : vector<16xi1>, vector<16xi32>
        %swap3A_1556 = arith.constant 0 : i32
        %swap3A_1557 = arith.constant 3 : i32
        %swap3A_1558 = arith.index_cast %swap3A_1556 : i32 to index
        %swap3A_1559 = arith.index_cast %swap3A_1557 : i32 to index
        %swap3A_1560 = arith.constant 48 : index
        %swap3A_1561 = tpu.vector_load %arg15[%swap3A_1558, %swap3A_1559, %swap3A_1560] {strides = array<i32>} : memref<2x4x64xi32, #tpu.memory_space<vmem>>, vector<16xi32>,
        tpu.vector_store %arg15[%swap3A_1558, %swap3A_1559, %swap3A_1560], %select_n3A_1555 {strides = array<i32>} : memref<2x4x64xi32, #tpu.memory_space<vmem>>, vector<16xi32>,
      } else {
      }
      %scan3A_767 = arith.constant 0 : i32
      %scan3A_768 = arith.constant 0 : i32
      %scan3A_769 = arith.constant 64 : i32
      %scan3A_770 = arith.addi %scan3A_768, %scan3A_769 : i32
      %scan3A_771 = arith.constant 1 : i32
      scf.for %scan3A_1169 = %scan3A_768 to %scan3A_770 step %scan3A_771  : i32 {
        %get3A = arith.constant 0 : i32
        %get3A_1170 = arith.index_cast %get3A : i32 to index
        %get3A_1171 = arith.index_cast %scan3A_1169 : i32 to index
        %get3A_1172 = arith.constant 0 : index
        %get3A_1173 = tpu.vector_load %arg9[%get3A_1170, %get3A_1171, %get3A_1172] {strides = array<i32>} : memref<2x64x128xf32, #tpu.memory_space<vmem>>, vector<16xf32>,
        %get3A_1174 = arith.constant 0 : i32
        %get3A_1175 = arith.index_cast %get3A_1174 : i32 to index
        %get3A_1176 = arith.index_cast %scan3A_1169 : i32 to index
        %get3A_1177 = arith.constant 16 : index
        %get3A_1178 = tpu.vector_load %arg9[%get3A_1175, %get3A_1176, %get3A_1177] {strides = array<i32>} : memref<2x64x128xf32, #tpu.memory_space<vmem>>, vector<16xf32>,
        %add3A_1179 = arith.constant 0 : i32
        %add3A_1180 = arith.addi %add3A_1179, %scan3A_1169 : i32
        %get3A_1181 = arith.constant 0 : i32
        %get3A_1182 = arith.index_cast %get3A_1181 : i32 to index
        %get3A_1183 = arith.index_cast %add3A_1180 : i32 to index
        %get3A_1184 = arith.constant 0 : index
        %get3A_1185 = tpu.vector_load %arg11[%get3A_1182, %get3A_1183, %get3A_1184] {strides = array<i32>} : memref<2x256x32xbf16, #tpu.memory_space<vmem>>, vector<32xbf16>,
        %unpack3A = tpu.unpack_subelements %get3A_1185, 0 {pack_format = #tpu.pack_format<interleaved>} : vector<32xbf16> -> vector<16xf32>
        %unpack3A_1186 = tpu.unpack_subelements %get3A_1185, 1 {pack_format = #tpu.pack_format<interleaved>} : vector<32xbf16> -> vector<16xf32>
        %add3A_1187 = arith.constant 0 : i32
        %add3A_1188 = arith.addi %add3A_1187, %scan3A_1169 : i32
        %get3A_1189 = arith.constant 0 : i32
        %get3A_1190 = arith.index_cast %get3A_1189 : i32 to index
        %get3A_1191 = arith.index_cast %add3A_1188 : i32 to index
        %get3A_1192 = arith.constant 0 : index
        %get3A_1193 = tpu.vector_load %arg12[%get3A_1190, %get3A_1191, %get3A_1192] {strides = array<i32>} : memref<2x256x32xbf16, #tpu.memory_space<vmem>>, vector<32xbf16>,
        %unpack3A_1194 = tpu.unpack_subelements %get3A_1193, 0 {pack_format = #tpu.pack_format<interleaved>} : vector<32xbf16> -> vector<16xf32>
        %unpack3A_1195 = tpu.unpack_subelements %get3A_1193, 1 {pack_format = #tpu.pack_format<interleaved>} : vector<32xbf16> -> vector<16xf32>
        %add3A_1196 = arith.addf %get3A_1173, %unpack3A : vector<16xf32>
        %add3A_1197 = arith.addf %add3A_1196, %unpack3A_1194 : vector<16xf32>
        %max3A = arith.constant 0.000000e+00 : f32
        %max3A_1198 = vector.broadcast %max3A : f32 to vector<16xf32>
        %max3A_1199 = arith.maximumf %add3A_1197, %max3A_1198 : vector<16xf32>
        %add3A_1200 = arith.addf %get3A_1178, %unpack3A_1186 : vector<16xf32>
        %add3A_1201 = arith.addf %add3A_1200, %unpack3A_1195 : vector<16xf32>
        %max3A_1202 = arith.constant 0.000000e+00 : f32
        %max3A_1203 = vector.broadcast %max3A_1202 : f32 to vector<16xf32>
        %max3A_1204 = arith.maximumf %add3A_1201, %max3A_1203 : vector<16xf32>
        %swap3A = arith.constant 0 : i32
        %swap3A_1205 = arith.index_cast %swap3A : i32 to index
        %swap3A_1206 = arith.index_cast %scan3A_1169 : i32 to index
        %swap3A_1207 = arith.constant 0 : index
        %swap3A_1208 = tpu.vector_load %arg10[%swap3A_1205, %swap3A_1206, %swap3A_1207] {strides = array<i32>} : memref<2x64x128xf32, #tpu.memory_space<vmem>>, vector<16xf32>,
        tpu.vector_store %arg10[%swap3A_1205, %swap3A_1206, %swap3A_1207], %max3A_1199 {strides = array<i32>} : memref<2x64x128xf32, #tpu.memory_space<vmem>>, vector<16xf32>,
        %swap3A_1209 = arith.constant 0 : i32
        %swap3A_1210 = arith.index_cast %swap3A_1209 : i32 to index
        %swap3A_1211 = arith.index_cast %scan3A_1169 : i32 to index
        %swap3A_1212 = arith.constant 16 : index
        %swap3A_1213 = tpu.vector_load %arg10[%swap3A_1210, %swap3A_1211, %swap3A_1212] {strides = array<i32>} : memref<2x64x128xf32, #tpu.memory_space<vmem>>, vector<16xf32>,
        tpu.vector_store %arg10[%swap3A_1210, %swap3A_1211, %swap3A_1212], %max3A_1204 {strides = array<i32>} : memref<2x64x128xf32, #tpu.memory_space<vmem>>, vector<16xf32>,
        %pack3A = tpu.pack_subelements %max3A_1199, %max3A_1204 {pack_format = #tpu.pack_format<interleaved>, positions = array<i32: 0, 1>} : vector<16xf32>, vector<16xf32> -> vector<32xbf16>
        %add3A_1214 = arith.constant 0 : i32
        %add3A_1215 = arith.addi %add3A_1214, %scan3A_1169 : i32
        %swap3A_1216 = arith.constant 0 : i32
        %swap3A_1217 = arith.index_cast %swap3A_1216 : i32 to index
        %swap3A_1218 = arith.index_cast %add3A_1215 : i32 to index
        %swap3A_1219 = arith.constant 0 : index
        %swap3A_1220 = tpu.vector_load %arg13[%swap3A_1217, %swap3A_1218, %swap3A_1219] {strides = array<i32>} : memref<2x256x32xbf16, #tpu.memory_space<vmem>>, vector<32xbf16>,
        tpu.vector_store %arg13[%swap3A_1217, %swap3A_1218, %swap3A_1219], %pack3A {strides = array<i32>} : memref<2x256x32xbf16, #tpu.memory_space<vmem>>, vector<32xbf16>,
        %get3A_1221 = arith.constant 0 : i32
        %get3A_1222 = arith.index_cast %get3A_1221 : i32 to index
        %get3A_1223 = arith.index_cast %scan3A_1169 : i32 to index
        %get3A_1224 = arith.constant 32 : index
        %get3A_1225 = tpu.vector_load %arg9[%get3A_1222, %get3A_1223, %get3A_1224] {strides = array<i32>} : memref<2x64x128xf32, #tpu.memory_space<vmem>>, vector<16xf32>,
        %get3A_1226 = arith.constant 0 : i32
        %get3A_1227 = arith.index_cast %get3A_1226 : i32 to index
        %get3A_1228 = arith.index_cast %scan3A_1169 : i32 to index
        %get3A_1229 = arith.constant 48 : index
        %get3A_1230 = tpu.vector_load %arg9[%get3A_1227, %get3A_1228, %get3A_1229] {strides = array<i32>} : memref<2x64x128xf32, #tpu.memory_space<vmem>>, vector<16xf32>,
        %add3A_1231 = arith.constant 64 : i32
        %add3A_1232 = arith.addi %add3A_1231, %scan3A_1169 : i32
        %get3A_1233 = arith.constant 0 : i32
        %get3A_1234 = arith.index_cast %get3A_1233 : i32 to index
        %get3A_1235 = arith.index_cast %add3A_1232 : i32 to index
        %get3A_1236 = arith.constant 0 : index
        %get3A_1237 = tpu.vector_load %arg11[%get3A_1234, %get3A_1235, %get3A_1236] {strides = array<i32>} : memref<2x256x32xbf16, #tpu.memory_space<vmem>>, vector<32xbf16>,
        %unpack3A_1238 = tpu.unpack_subelements %get3A_1237, 0 {pack_format = #tpu.pack_format<interleaved>} : vector<32xbf16> -> vector<16xf32>
        %unpack3A_1239 = tpu.unpack_subelements %get3A_1237, 1 {pack_format = #tpu.pack_format<interleaved>} : vector<32xbf16> -> vector<16xf32>
        %add3A_1240 = arith.constant 64 : i32
        %add3A_1241 = arith.addi %add3A_1240, %scan3A_1169 : i32
        %get3A_1242 = arith.constant 0 : i32
        %get3A_1243 = arith.index_cast %get3A_1242 : i32 to index
        %get3A_1244 = arith.index_cast %add3A_1241 : i32 to index
        %get3A_1245 = arith.constant 0 : index
        %get3A_1246 = tpu.vector_load %arg12[%get3A_1243, %get3A_1244, %get3A_1245] {strides = array<i32>} : memref<2x256x32xbf16, #tpu.memory_space<vmem>>, vector<32xbf16>,
        %unpack3A_1247 = tpu.unpack_subelements %get3A_1246, 0 {pack_format = #tpu.pack_format<interleaved>} : vector<32xbf16> -> vector<16xf32>
        %unpack3A_1248 = tpu.unpack_subelements %get3A_1246, 1 {pack_format = #tpu.pack_format<interleaved>} : vector<32xbf16> -> vector<16xf32>
        %add3A_1249 = arith.addf %get3A_1225, %unpack3A_1238 : vector<16xf32>
        %add3A_1250 = arith.addf %add3A_1249, %unpack3A_1247 : vector<16xf32>
        %max3A_1251 = arith.constant 0.000000e+00 : f32
        %max3A_1252 = vector.broadcast %max3A_1251 : f32 to vector<16xf32>
        %max3A_1253 = arith.maximumf %add3A_1250, %max3A_1252 : vector<16xf32>
        %add3A_1254 = arith.addf %get3A_1230, %unpack3A_1239 : vector<16xf32>
        %add3A_1255 = arith.addf %add3A_1254, %unpack3A_1248 : vector<16xf32>
        %max3A_1256 = arith.constant 0.000000e+00 : f32
        %max3A_1257 = vector.broadcast %max3A_1256 : f32 to vector<16xf32>
        %max3A_1258 = arith.maximumf %add3A_1255, %max3A_1257 : vector<16xf32>
        %swap3A_1259 = arith.constant 0 : i32
        %swap3A_1260 = arith.index_cast %swap3A_1259 : i32 to index
        %swap3A_1261 = arith.index_cast %scan3A_1169 : i32 to index
        %swap3A_1262 = arith.constant 32 : index
        %swap3A_1263 = tpu.vector_load %arg10[%swap3A_1260, %swap3A_1261, %swap3A_1262] {strides = array<i32>} : memref<2x64x128xf32, #tpu.memory_space<vmem>>, vector<16xf32>,
        tpu.vector_store %arg10[%swap3A_1260, %swap3A_1261, %swap3A_1262], %max3A_1253 {strides = array<i32>} : memref<2x64x128xf32, #tpu.memory_space<vmem>>, vector<16xf32>,
        %swap3A_1264 = arith.constant 0 : i32
        %swap3A_1265 = arith.index_cast %swap3A_1264 : i32 to index
        %swap3A_1266 = arith.index_cast %scan3A_1169 : i32 to index
        %swap3A_1267 = arith.constant 48 : index
        %swap3A_1268 = tpu.vector_load %arg10[%swap3A_1265, %swap3A_1266, %swap3A_1267] {strides = array<i32>} : memref<2x64x128xf32, #tpu.memory_space<vmem>>, vector<16xf32>,
        tpu.vector_store %arg10[%swap3A_1265, %swap3A_1266, %swap3A_1267], %max3A_1258 {strides = array<i32>} : memref<2x64x128xf32, #tpu.memory_space<vmem>>, vector<16xf32>,
        %pack3A_1269 = tpu.pack_subelements %max3A_1253, %max3A_1258 {pack_format = #tpu.pack_format<interleaved>, positions = array<i32: 0, 1>} : vector<16xf32>, vector<16xf32> -> vector<32xbf16>
        %add3A_1270 = arith.constant 64 : i32
        %add3A_1271 = arith.addi %add3A_1270, %scan3A_1169 : i32
        %swap3A_1272 = arith.constant 0 : i32
        %swap3A_1273 = arith.index_cast %swap3A_1272 : i32 to index
        %swap3A_1274 = arith.index_cast %add3A_1271 : i32 to index
        %swap3A_1275 = arith.constant 0 : index
        %swap3A_1276 = tpu.vector_load %arg13[%swap3A_1273, %swap3A_1274, %swap3A_1275] {strides = array<i32>} : memref<2x256x32xbf16, #tpu.memory_space<vmem>>, vector<32xbf16>,
        tpu.vector_store %arg13[%swap3A_1273, %swap3A_1274, %swap3A_1275], %pack3A_1269 {strides = array<i32>} : memref<2x256x32xbf16, #tpu.memory_space<vmem>>, vector<32xbf16>,
        %get3A_1277 = arith.constant 0 : i32
        %get3A_1278 = arith.index_cast %get3A_1277 : i32 to index
        %get3A_1279 = arith.index_cast %scan3A_1169 : i32 to index
        %get3A_1280 = arith.constant 64 : index
        %get3A_1281 = tpu.vector_load %arg9[%get3A_1278, %get3A_1279, %get3A_1280] {strides = array<i32>} : memref<2x64x128xf32, #tpu.memory_space<vmem>>, vector<16xf32>,
        %get3A_1282 = arith.constant 0 : i32
        %get3A_1283 = arith.index_cast %get3A_1282 : i32 to index
        %get3A_1284 = arith.index_cast %scan3A_1169 : i32 to index
        %get3A_1285 = arith.constant 80 : index
        %get3A_1286 = tpu.vector_load %arg9[%get3A_1283, %get3A_1284, %get3A_1285] {strides = array<i32>} : memref<2x64x128xf32, #tpu.memory_space<vmem>>, vector<16xf32>,
        %add3A_1287 = arith.constant 128 : i32
        %add3A_1288 = arith.addi %add3A_1287, %scan3A_1169 : i32
        %get3A_1289 = arith.constant 0 : i32
        %get3A_1290 = arith.index_cast %get3A_1289 : i32 to index
        %get3A_1291 = arith.index_cast %add3A_1288 : i32 to index
        %get3A_1292 = arith.constant 0 : index
        %get3A_1293 = tpu.vector_load %arg11[%get3A_1290, %get3A_1291, %get3A_1292] {strides = array<i32>} : memref<2x256x32xbf16, #tpu.memory_space<vmem>>, vector<32xbf16>,
        %unpack3A_1294 = tpu.unpack_subelements %get3A_1293, 0 {pack_format = #tpu.pack_format<interleaved>} : vector<32xbf16> -> vector<16xf32>
        %unpack3A_1295 = tpu.unpack_subelements %get3A_1293, 1 {pack_format = #tpu.pack_format<interleaved>} : vector<32xbf16> -> vector<16xf32>
        %add3A_1296 = arith.constant 128 : i32
        %add3A_1297 = arith.addi %add3A_1296, %scan3A_1169 : i32
        %get3A_1298 = arith.constant 0 : i32
        %get3A_1299 = arith.index_cast %get3A_1298 : i32 to index
        %get3A_1300 = arith.index_cast %add3A_1297 : i32 to index
        %get3A_1301 = arith.constant 0 : index
        %get3A_1302 = tpu.vector_load %arg12[%get3A_1299, %get3A_1300, %get3A_1301] {strides = array<i32>} : memref<2x256x32xbf16, #tpu.memory_space<vmem>>, vector<32xbf16>,
        %unpack3A_1303 = tpu.unpack_subelements %get3A_1302, 0 {pack_format = #tpu.pack_format<interleaved>} : vector<32xbf16> -> vector<16xf32>
        %unpack3A_1304 = tpu.unpack_subelements %get3A_1302, 1 {pack_format = #tpu.pack_format<interleaved>} : vector<32xbf16> -> vector<16xf32>
        %add3A_1305 = arith.addf %get3A_1281, %unpack3A_1294 : vector<16xf32>
        %add3A_1306 = arith.addf %add3A_1305, %unpack3A_1303 : vector<16xf32>
        %max3A_1307 = arith.constant 0.000000e+00 : f32
        %max3A_1308 = vector.broadcast %max3A_1307 : f32 to vector<16xf32>
        %max3A_1309 = arith.maximumf %add3A_1306, %max3A_1308 : vector<16xf32>
        %add3A_1310 = arith.addf %get3A_1286, %unpack3A_1295 : vector<16xf32>
        %add3A_1311 = arith.addf %add3A_1310, %unpack3A_1304 : vector<16xf32>
        %max3A_1312 = arith.constant 0.000000e+00 : f32
        %max3A_1313 = vector.broadcast %max3A_1312 : f32 to vector<16xf32>
        %max3A_1314 = arith.maximumf %add3A_1311, %max3A_1313 : vector<16xf32>
        %swap3A_1315 = arith.constant 0 : i32
        %swap3A_1316 = arith.index_cast %swap3A_1315 : i32 to index
        %swap3A_1317 = arith.index_cast %scan3A_1169 : i32 to index
        %swap3A_1318 = arith.constant 64 : index
        %swap3A_1319 = tpu.vector_load %arg10[%swap3A_1316, %swap3A_1317, %swap3A_1318] {strides = array<i32>} : memref<2x64x128xf32, #tpu.memory_space<vmem>>, vector<16xf32>,
        tpu.vector_store %arg10[%swap3A_1316, %swap3A_1317, %swap3A_1318], %max3A_1309 {strides = array<i32>} : memref<2x64x128xf32, #tpu.memory_space<vmem>>, vector<16xf32>,
        %swap3A_1320 = arith.constant 0 : i32
        %swap3A_1321 = arith.index_cast %swap3A_1320 : i32 to index
        %swap3A_1322 = arith.index_cast %scan3A_1169 : i32 to index
        %swap3A_1323 = arith.constant 80 : index
        %swap3A_1324 = tpu.vector_load %arg10[%swap3A_1321, %swap3A_1322, %swap3A_1323] {strides = array<i32>} : memref<2x64x128xf32, #tpu.memory_space<vmem>>, vector<16xf32>,
        tpu.vector_store %arg10[%swap3A_1321, %swap3A_1322, %swap3A_1323], %max3A_1314 {strides = array<i32>} : memref<2x64x128xf32, #tpu.memory_space<vmem>>, vector<16xf32>,
        %pack3A_1325 = tpu.pack_subelements %max3A_1309, %max3A_1314 {pack_format = #tpu.pack_format<interleaved>, positions = array<i32: 0, 1>} : vector<16xf32>, vector<16xf32> -> vector<32xbf16>
        %add3A_1326 = arith.constant 128 : i32
        %add3A_1327 = arith.addi %add3A_1326, %scan3A_1169 : i32
        %swap3A_1328 = arith.constant 0 : i32
        %swap3A_1329 = arith.index_cast %swap3A_1328 : i32 to index
        %swap3A_1330 = arith.index_cast %add3A_1327 : i32 to index
        %swap3A_1331 = arith.constant 0 : index
        %swap3A_1332 = tpu.vector_load %arg13[%swap3A_1329, %swap3A_1330, %swap3A_1331] {strides = array<i32>} : memref<2x256x32xbf16, #tpu.memory_space<vmem>>, vector<32xbf16>,
        tpu.vector_store %arg13[%swap3A_1329, %swap3A_1330, %swap3A_1331], %pack3A_1325 {strides = array<i32>} : memref<2x256x32xbf16, #tpu.memory_space<vmem>>, vector<32xbf16>,
        %get3A_1333 = arith.constant 0 : i32
        %get3A_1334 = arith.index_cast %get3A_1333 : i32 to index
        %get3A_1335 = arith.index_cast %scan3A_1169 : i32 to index
        %get3A_1336 = arith.constant 96 : index
        %get3A_1337 = tpu.vector_load %arg9[%get3A_1334, %get3A_1335, %get3A_1336] {strides = array<i32>} : memref<2x64x128xf32, #tpu.memory_space<vmem>>, vector<16xf32>,
        %get3A_1338 = arith.constant 0 : i32
        %get3A_1339 = arith.index_cast %get3A_1338 : i32 to index
        %get3A_1340 = arith.index_cast %scan3A_1169 : i32 to index
        %get3A_1341 = arith.constant 112 : index
        %get3A_1342 = tpu.vector_load %arg9[%get3A_1339, %get3A_1340, %get3A_1341] {strides = array<i32>} : memref<2x64x128xf32, #tpu.memory_space<vmem>>, vector<16xf32>,
        %add3A_1343 = arith.constant 192 : i32
        %add3A_1344 = arith.addi %add3A_1343, %scan3A_1169 : i32
        %get3A_1345 = arith.constant 0 : i32
        %get3A_1346 = arith.index_cast %get3A_1345 : i32 to index
        %get3A_1347 = arith.index_cast %add3A_1344 : i32 to index
        %get3A_1348 = arith.constant 0 : index
        %get3A_1349 = tpu.vector_load %arg11[%get3A_1346, %get3A_1347, %get3A_1348] {strides = array<i32>} : memref<2x256x32xbf16, #tpu.memory_space<vmem>>, vector<32xbf16>,
        %unpack3A_1350 = tpu.unpack_subelements %get3A_1349, 0 {pack_format = #tpu.pack_format<interleaved>} : vector<32xbf16> -> vector<16xf32>
        %unpack3A_1351 = tpu.unpack_subelements %get3A_1349, 1 {pack_format = #tpu.pack_format<interleaved>} : vector<32xbf16> -> vector<16xf32>
        %add3A_1352 = arith.constant 192 : i32
        %add3A_1353 = arith.addi %add3A_1352, %scan3A_1169 : i32
        %get3A_1354 = arith.constant 0 : i32
        %get3A_1355 = arith.index_cast %get3A_1354 : i32 to index
        %get3A_1356 = arith.index_cast %add3A_1353 : i32 to index
        %get3A_1357 = arith.constant 0 : index
        %get3A_1358 = tpu.vector_load %arg12[%get3A_1355, %get3A_1356, %get3A_1357] {strides = array<i32>} : memref<2x256x32xbf16, #tpu.memory_space<vmem>>, vector<32xbf16>,
        %unpack3A_1359 = tpu.unpack_subelements %get3A_1358, 0 {pack_format = #tpu.pack_format<interleaved>} : vector<32xbf16> -> vector<16xf32>
        %unpack3A_1360 = tpu.unpack_subelements %get3A_1358, 1 {pack_format = #tpu.pack_format<interleaved>} : vector<32xbf16> -> vector<16xf32>
        %add3A_1361 = arith.addf %get3A_1337, %unpack3A_1350 : vector<16xf32>
        %add3A_1362 = arith.addf %add3A_1361, %unpack3A_1359 : vector<16xf32>
        %max3A_1363 = arith.constant 0.000000e+00 : f32
        %max3A_1364 = vector.broadcast %max3A_1363 : f32 to vector<16xf32>
        %max3A_1365 = arith.maximumf %add3A_1362, %max3A_1364 : vector<16xf32>
        %add3A_1366 = arith.addf %get3A_1342, %unpack3A_1351 : vector<16xf32>
        %add3A_1367 = arith.addf %add3A_1366, %unpack3A_1360 : vector<16xf32>
        %max3A_1368 = arith.constant 0.000000e+00 : f32
        %max3A_1369 = vector.broadcast %max3A_1368 : f32 to vector<16xf32>
        %max3A_1370 = arith.maximumf %add3A_1367, %max3A_1369 : vector<16xf32>
        %swap3A_1371 = arith.constant 0 : i32
        %swap3A_1372 = arith.index_cast %swap3A_1371 : i32 to index
        %swap3A_1373 = arith.index_cast %scan3A_1169 : i32 to index
        %swap3A_1374 = arith.constant 96 : index
        %swap3A_1375 = tpu.vector_load %arg10[%swap3A_1372, %swap3A_1373, %swap3A_1374] {strides = array<i32>} : memref<2x64x128xf32, #tpu.memory_space<vmem>>, vector<16xf32>,
        tpu.vector_store %arg10[%swap3A_1372, %swap3A_1373, %swap3A_1374], %max3A_1365 {strides = array<i32>} : memref<2x64x128xf32, #tpu.memory_space<vmem>>, vector<16xf32>,
        %swap3A_1376 = arith.constant 0 : i32
        %swap3A_1377 = arith.index_cast %swap3A_1376 : i32 to index
        %swap3A_1378 = arith.index_cast %scan3A_1169 : i32 to index
        %swap3A_1379 = arith.constant 112 : index
        %swap3A_1380 = tpu.vector_load %arg10[%swap3A_1377, %swap3A_1378, %swap3A_1379] {strides = array<i32>} : memref<2x64x128xf32, #tpu.memory_space<vmem>>, vector<16xf32>,
        tpu.vector_store %arg10[%swap3A_1377, %swap3A_1378, %swap3A_1379], %max3A_1370 {strides = array<i32>} : memref<2x64x128xf32, #tpu.memory_space<vmem>>, vector<16xf32>,
        %pack3A_1381 = tpu.pack_subelements %max3A_1365, %max3A_1370 {pack_format = #tpu.pack_format<interleaved>, positions = array<i32: 0, 1>} : vector<16xf32>, vector<16xf32> -> vector<32xbf16>
        %add3A_1382 = arith.constant 192 : i32
        %add3A_1383 = arith.addi %add3A_1382, %scan3A_1169 : i32
        %swap3A_1384 = arith.constant 0 : i32
        %swap3A_1385 = arith.index_cast %swap3A_1384 : i32 to index
        %swap3A_1386 = arith.index_cast %add3A_1383 : i32 to index
        %swap3A_1387 = arith.constant 0 : index
        %swap3A_1388 = tpu.vector_load %arg13[%swap3A_1385, %swap3A_1386, %swap3A_1387] {strides = array<i32>} : memref<2x256x32xbf16, #tpu.memory_space<vmem>>, vector<32xbf16>,
        tpu.vector_store %arg13[%swap3A_1385, %swap3A_1386, %swap3A_1387], %pack3A_1381 {strides = array<i32>} : memref<2x256x32xbf16, #tpu.memory_space<vmem>>, vector<32xbf16>,
      }
      %scan3A_772 = arith.constant 64 : i32
      %dma_wait3A_773 = arith.constant 1 : i32
      %dma_wait3A_774 = arith.constant 0 : i32
      %dma_wait3A_775 = arith.constant 0 : i32
      %dma_wait3A_776 = tpu.memref_slice %arg9[%dma_wait3A_773, %dma_wait3A_774, %dma_wait3A_775] : memref<2x64x128xf32, #tpu.memory_space<vmem>> -> memref<1x64x128xf32, #tpu.memory_space<vmem>>
      %dma_wait3A_777 = tpu.memref_squeeze %dma_wait3A_776 : memref<1x64x128xf32, #tpu.memory_space<vmem>> -> memref<64x128xf32, #tpu.memory_space<vmem>>
      %dma_wait3A_778 = arith.constant 0 : i32
      %dma_wait3A_779 = tpu.memref_slice %arg2[%mul3A_526, %dma_wait3A_778] : memref<204800x128xf32, #tpu.memory_space<hbm>> -> memref<64x128xf32, #tpu.memory_space<hbm>>
      %dma_wait3A_780 = arith.constant 0 : i32
      %dma_wait3A_781 = arith.constant 0 : i32
      %dma_wait3A_782 = tpu.memref_slice %arg9[%dma_wait3A_773, %dma_wait3A_780, %dma_wait3A_781] : memref<2x64x128xf32, #tpu.memory_space<vmem>> -> memref<1x64x128xf32, #tpu.memory_space<vmem>>
      %dma_wait3A_783 = tpu.memref_squeeze %dma_wait3A_782 : memref<1x64x128xf32, #tpu.memory_space<vmem>> -> memref<64x128xf32, #tpu.memory_space<vmem>>
      %dma_wait3A_784 = arith.constant 0 : i32
      %dma_wait3A_785 = tpu.memref_slice %arg2[%mul3A_526, %dma_wait3A_784] : memref<204800x128xf32, #tpu.memory_space<hbm>> -> memref<64x128xf32, #tpu.memory_space<hbm>>
      tpu.wait_dma2 semaphore(%arg18 : memref<!tpu.dma_semaphore, #tpu.memory_space<semaphore_mem>>) src(%dma_wait3A_785 : memref<64x128xf32, #tpu.memory_space<hbm>>) dst(%dma_wait3A_783 : memref<64x128xf32, #tpu.memory_space<vmem>>)
      %dma_wait3A_786 = arith.constant 1 : i32
      %dma_wait3A_787 = arith.constant 0 : i32
      %dma_wait3A_788 = arith.constant 1 : i32
      %dma_wait3A_789 = arith.constant 0 : i32
      %dma_wait3A_790 = arith.constant 0 : i32
      %dma_wait3A_791 = tpu.memref_slice %arg11[%dma_wait3A_788, %dma_wait3A_789, %dma_wait3A_790] : memref<2x256x32xbf16, #tpu.memory_space<vmem>> -> memref<1x64x32xbf16, #tpu.memory_space<vmem>>
      %dma_wait3A_792 = tpu.memref_squeeze %dma_wait3A_791 : memref<1x64x32xbf16, #tpu.memory_space<vmem>> -> memref<64x32xbf16, #tpu.memory_space<vmem>>
      %dma_wait3A_793 = arith.constant 0 : i32
      %dma_wait3A_794 = tpu.memref_slice %arg14[%dma_wait3A_786, %dma_wait3A_787, %dma_wait3A_793] : memref<2x4x64xi32, #tpu.memory_space<vmem>> -> memref<1x1x64xi32, #tpu.memory_space<vmem>>
      %dma_wait3A_795 = tpu.memref_squeeze %dma_wait3A_794 : memref<1x1x64xi32, #tpu.memory_space<vmem>> -> memref<64xi32, #tpu.memory_space<vmem>>
      %dma_wait3A_796 = arith.constant 0 : i32
      %dma_wait3A_797 = arith.constant 0 : i32
      %dma_wait3A_798 = tpu.memref_slice %arg5[%dma_wait3A_796, %dma_wait3A_797] : memref<50000x32xbf16, #tpu.memory_space<hbm>> -> memref<50000x32xbf16, #tpu.memory_space<hbm>>
      tpu.wait_indirect_dma semaphore(%arg18 : memref<!tpu.dma_semaphore, #tpu.memory_space<semaphore_mem>>) src(%dma_wait3A_798 : memref<50000x32xbf16, #tpu.memory_space<hbm>>) dst(%dma_wait3A_792 : memref<64x32xbf16, #tpu.memory_space<vmem>>)
      %dma_wait3A_799 = arith.constant 1 : i32
      %dma_wait3A_800 = arith.constant 0 : i32
      %dma_wait3A_801 = arith.constant 1 : i32
      %dma_wait3A_802 = arith.constant 0 : i32
      %dma_wait3A_803 = arith.constant 0 : i32
      %dma_wait3A_804 = tpu.memref_slice %arg12[%dma_wait3A_801, %dma_wait3A_802, %dma_wait3A_803] : memref<2x256x32xbf16, #tpu.memory_space<vmem>> -> memref<1x64x32xbf16, #tpu.memory_space<vmem>>
      %dma_wait3A_805 = tpu.memref_squeeze %dma_wait3A_804 : memref<1x64x32xbf16, #tpu.memory_space<vmem>> -> memref<64x32xbf16, #tpu.memory_space<vmem>>
      %dma_wait3A_806 = arith.constant 0 : i32
      %dma_wait3A_807 = tpu.memref_slice %arg15[%dma_wait3A_799, %dma_wait3A_800, %dma_wait3A_806] : memref<2x4x64xi32, #tpu.memory_space<vmem>> -> memref<1x1x64xi32, #tpu.memory_space<vmem>>
      %dma_wait3A_808 = tpu.memref_squeeze %dma_wait3A_807 : memref<1x1x64xi32, #tpu.memory_space<vmem>> -> memref<64xi32, #tpu.memory_space<vmem>>
      %dma_wait3A_809 = arith.constant 0 : i32
      %dma_wait3A_810 = arith.constant 0 : i32
      %dma_wait3A_811 = tpu.memref_slice %arg6[%dma_wait3A_809, %dma_wait3A_810] : memref<50000x32xbf16, #tpu.memory_space<hbm>> -> memref<50000x32xbf16, #tpu.memory_space<hbm>>
      tpu.wait_indirect_dma semaphore(%arg18 : memref<!tpu.dma_semaphore, #tpu.memory_space<semaphore_mem>>) src(%dma_wait3A_811 : memref<50000x32xbf16, #tpu.memory_space<hbm>>) dst(%dma_wait3A_805 : memref<64x32xbf16, #tpu.memory_space<vmem>>)
      %dma_wait3A_812 = arith.constant 1 : i32
      %dma_wait3A_813 = arith.constant 1 : i32
      %dma_wait3A_814 = arith.constant 1 : i32
      %dma_wait3A_815 = arith.constant 64 : i32
      %dma_wait3A_816 = arith.constant 0 : i32
      %dma_wait3A_817 = tpu.memref_slice %arg11[%dma_wait3A_814, %dma_wait3A_815, %dma_wait3A_816] : memref<2x256x32xbf16, #tpu.memory_space<vmem>> -> memref<1x64x32xbf16, #tpu.memory_space<vmem>>
      %dma_wait3A_818 = tpu.memref_squeeze %dma_wait3A_817 : memref<1x64x32xbf16, #tpu.memory_space<vmem>> -> memref<64x32xbf16, #tpu.memory_space<vmem>>
      %dma_wait3A_819 = arith.constant 0 : i32
      %dma_wait3A_820 = tpu.memref_slice %arg14[%dma_wait3A_812, %dma_wait3A_813, %dma_wait3A_819] : memref<2x4x64xi32, #tpu.memory_space<vmem>> -> memref<1x1x64xi32, #tpu.memory_space<vmem>>
      %dma_wait3A_821 = tpu.memref_squeeze %dma_wait3A_820 : memref<1x1x64xi32, #tpu.memory_space<vmem>> -> memref<64xi32, #tpu.memory_space<vmem>>
      %dma_wait3A_822 = arith.constant 0 : i32
      %dma_wait3A_823 = arith.constant 0 : i32
      %dma_wait3A_824 = tpu.memref_slice %arg5[%dma_wait3A_822, %dma_wait3A_823] : memref<50000x32xbf16, #tpu.memory_space<hbm>> -> memref<50000x32xbf16, #tpu.memory_space<hbm>>
      tpu.wait_indirect_dma semaphore(%arg18 : memref<!tpu.dma_semaphore, #tpu.memory_space<semaphore_mem>>) src(%dma_wait3A_824 : memref<50000x32xbf16, #tpu.memory_space<hbm>>) dst(%dma_wait3A_818 : memref<64x32xbf16, #tpu.memory_space<vmem>>)
      %dma_wait3A_825 = arith.constant 1 : i32
      %dma_wait3A_826 = arith.constant 1 : i32
      %dma_wait3A_827 = arith.constant 1 : i32
      %dma_wait3A_828 = arith.constant 64 : i32
      %dma_wait3A_829 = arith.constant 0 : i32
      %dma_wait3A_830 = tpu.memref_slice %arg12[%dma_wait3A_827, %dma_wait3A_828, %dma_wait3A_829] : memref<2x256x32xbf16, #tpu.memory_space<vmem>> -> memref<1x64x32xbf16, #tpu.memory_space<vmem>>
      %dma_wait3A_831 = tpu.memref_squeeze %dma_wait3A_830 : memref<1x64x32xbf16, #tpu.memory_space<vmem>> -> memref<64x32xbf16, #tpu.memory_space<vmem>>
      %dma_wait3A_832 = arith.constant 0 : i32
      %dma_wait3A_833 = tpu.memref_slice %arg15[%dma_wait3A_825, %dma_wait3A_826, %dma_wait3A_832] : memref<2x4x64xi32, #tpu.memory_space<vmem>> -> memref<1x1x64xi32, #tpu.memory_space<vmem>>
      %dma_wait3A_834 = tpu.memref_squeeze %dma_wait3A_833 : memref<1x1x64xi32, #tpu.memory_space<vmem>> -> memref<64xi32, #tpu.memory_space<vmem>>
      %dma_wait3A_835 = arith.constant 0 : i32
      %dma_wait3A_836 = arith.constant 0 : i32
      %dma_wait3A_837 = tpu.memref_slice %arg6[%dma_wait3A_835, %dma_wait3A_836] : memref<50000x32xbf16, #tpu.memory_space<hbm>> -> memref<50000x32xbf16, #tpu.memory_space<hbm>>
      tpu.wait_indirect_dma semaphore(%arg18 : memref<!tpu.dma_semaphore, #tpu.memory_space<semaphore_mem>>) src(%dma_wait3A_837 : memref<50000x32xbf16, #tpu.memory_space<hbm>>) dst(%dma_wait3A_831 : memref<64x32xbf16, #tpu.memory_space<vmem>>)
      %dma_wait3A_838 = arith.constant 1 : i32
      %dma_wait3A_839 = arith.constant 2 : i32
      %dma_wait3A_840 = arith.constant 1 : i32
      %dma_wait3A_841 = arith.constant 128 : i32
      %dma_wait3A_842 = arith.constant 0 : i32
      %dma_wait3A_843 = tpu.memref_slice %arg11[%dma_wait3A_840, %dma_wait3A_841, %dma_wait3A_842] : memref<2x256x32xbf16, #tpu.memory_space<vmem>> -> memref<1x64x32xbf16, #tpu.memory_space<vmem>>
      %dma_wait3A_844 = tpu.memref_squeeze %dma_wait3A_843 : memref<1x64x32xbf16, #tpu.memory_space<vmem>> -> memref<64x32xbf16, #tpu.memory_space<vmem>>
      %dma_wait3A_845 = arith.constant 0 : i32
      %dma_wait3A_846 = tpu.memref_slice %arg14[%dma_wait3A_838, %dma_wait3A_839, %dma_wait3A_845] : memref<2x4x64xi32, #tpu.memory_space<vmem>> -> memref<1x1x64xi32, #tpu.memory_space<vmem>>
      %dma_wait3A_847 = tpu.memref_squeeze %dma_wait3A_846 : memref<1x1x64xi32, #tpu.memory_space<vmem>> -> memref<64xi32, #tpu.memory_space<vmem>>
      %dma_wait3A_848 = arith.constant 0 : i32
      %dma_wait3A_849 = arith.constant 0 : i32
      %dma_wait3A_850 = tpu.memref_slice %arg5[%dma_wait3A_848, %dma_wait3A_849] : memref<50000x32xbf16, #tpu.memory_space<hbm>> -> memref<50000x32xbf16, #tpu.memory_space<hbm>>
      tpu.wait_indirect_dma semaphore(%arg18 : memref<!tpu.dma_semaphore, #tpu.memory_space<semaphore_mem>>) src(%dma_wait3A_850 : memref<50000x32xbf16, #tpu.memory_space<hbm>>) dst(%dma_wait3A_844 : memref<64x32xbf16, #tpu.memory_space<vmem>>)
      %dma_wait3A_851 = arith.constant 1 : i32
      %dma_wait3A_852 = arith.constant 2 : i32
      %dma_wait3A_853 = arith.constant 1 : i32
      %dma_wait3A_854 = arith.constant 128 : i32
      %dma_wait3A_855 = arith.constant 0 : i32
      %dma_wait3A_856 = tpu.memref_slice %arg12[%dma_wait3A_853, %dma_wait3A_854, %dma_wait3A_855] : memref<2x256x32xbf16, #tpu.memory_space<vmem>> -> memref<1x64x32xbf16, #tpu.memory_space<vmem>>
      %dma_wait3A_857 = tpu.memref_squeeze %dma_wait3A_856 : memref<1x64x32xbf16, #tpu.memory_space<vmem>> -> memref<64x32xbf16, #tpu.memory_space<vmem>>
      %dma_wait3A_858 = arith.constant 0 : i32
      %dma_wait3A_859 = tpu.memref_slice %arg15[%dma_wait3A_851, %dma_wait3A_852, %dma_wait3A_858] : memref<2x4x64xi32, #tpu.memory_space<vmem>> -> memref<1x1x64xi32, #tpu.memory_space<vmem>>
      %dma_wait3A_860 = tpu.memref_squeeze %dma_wait3A_859 : memref<1x1x64xi32, #tpu.memory_space<vmem>> -> memref<64xi32, #tpu.memory_space<vmem>>
      %dma_wait3A_861 = arith.constant 0 : i32
      %dma_wait3A_862 = arith.constant 0 : i32
      %dma_wait3A_863 = tpu.memref_slice %arg6[%dma_wait3A_861, %dma_wait3A_862] : memref<50000x32xbf16, #tpu.memory_space<hbm>> -> memref<50000x32xbf16, #tpu.memory_space<hbm>>
      tpu.wait_indirect_dma semaphore(%arg18 : memref<!tpu.dma_semaphore, #tpu.memory_space<semaphore_mem>>) src(%dma_wait3A_863 : memref<50000x32xbf16, #tpu.memory_space<hbm>>) dst(%dma_wait3A_857 : memref<64x32xbf16, #tpu.memory_space<vmem>>)
      %dma_wait3A_864 = arith.constant 1 : i32
      %dma_wait3A_865 = arith.constant 3 : i32
      %dma_wait3A_866 = arith.constant 1 : i32
      %dma_wait3A_867 = arith.constant 192 : i32
      %dma_wait3A_868 = arith.constant 0 : i32
      %dma_wait3A_869 = tpu.memref_slice %arg11[%dma_wait3A_866, %dma_wait3A_867, %dma_wait3A_868] : memref<2x256x32xbf16, #tpu.memory_space<vmem>> -> memref<1x64x32xbf16, #tpu.memory_space<vmem>>
      %dma_wait3A_870 = tpu.memref_squeeze %dma_wait3A_869 : memref<1x64x32xbf16, #tpu.memory_space<vmem>> -> memref<64x32xbf16, #tpu.memory_space<vmem>>
      %dma_wait3A_871 = arith.constant 0 : i32
      %dma_wait3A_872 = tpu.memref_slice %arg14[%dma_wait3A_864, %dma_wait3A_865, %dma_wait3A_871] : memref<2x4x64xi32, #tpu.memory_space<vmem>> -> memref<1x1x64xi32, #tpu.memory_space<vmem>>
      %dma_wait3A_873 = tpu.memref_squeeze %dma_wait3A_872 : memref<1x1x64xi32, #tpu.memory_space<vmem>> -> memref<64xi32, #tpu.memory_space<vmem>>
      %dma_wait3A_874 = arith.constant 0 : i32
      %dma_wait3A_875 = arith.constant 0 : i32
      %dma_wait3A_876 = tpu.memref_slice %arg5[%dma_wait3A_874, %dma_wait3A_875] : memref<50000x32xbf16, #tpu.memory_space<hbm>> -> memref<50000x32xbf16, #tpu.memory_space<hbm>>
      tpu.wait_indirect_dma semaphore(%arg18 : memref<!tpu.dma_semaphore, #tpu.memory_space<semaphore_mem>>) src(%dma_wait3A_876 : memref<50000x32xbf16, #tpu.memory_space<hbm>>) dst(%dma_wait3A_870 : memref<64x32xbf16, #tpu.memory_space<vmem>>)
      %dma_wait3A_877 = arith.constant 1 : i32
      %dma_wait3A_878 = arith.constant 3 : i32
      %dma_wait3A_879 = arith.constant 1 : i32
      %dma_wait3A_880 = arith.constant 192 : i32
      %dma_wait3A_881 = arith.constant 0 : i32
      %dma_wait3A_882 = tpu.memref_slice %arg12[%dma_wait3A_879, %dma_wait3A_880, %dma_wait3A_881] : memref<2x256x32xbf16, #tpu.memory_space<vmem>> -> memref<1x64x32xbf16, #tpu.memory_space<vmem>>
      %dma_wait3A_883 = tpu.memref_squeeze %dma_wait3A_882 : memref<1x64x32xbf16, #tpu.memory_space<vmem>> -> memref<64x32xbf16, #tpu.memory_space<vmem>>
      %dma_wait3A_884 = arith.constant 0 : i32
      %dma_wait3A_885 = tpu.memref_slice %arg15[%dma_wait3A_877, %dma_wait3A_878, %dma_wait3A_884] : memref<2x4x64xi32, #tpu.memory_space<vmem>> -> memref<1x1x64xi32, #tpu.memory_space<vmem>>
      %dma_wait3A_886 = tpu.memref_squeeze %dma_wait3A_885 : memref<1x1x64xi32, #tpu.memory_space<vmem>> -> memref<64xi32, #tpu.memory_space<vmem>>
      %dma_wait3A_887 = arith.constant 0 : i32
      %dma_wait3A_888 = arith.constant 0 : i32
      %dma_wait3A_889 = tpu.memref_slice %arg6[%dma_wait3A_887, %dma_wait3A_888] : memref<50000x32xbf16, #tpu.memory_space<hbm>> -> memref<50000x32xbf16, #tpu.memory_space<hbm>>
      tpu.wait_indirect_dma semaphore(%arg18 : memref<!tpu.dma_semaphore, #tpu.memory_space<semaphore_mem>>) src(%dma_wait3A_889 : memref<50000x32xbf16, #tpu.memory_space<hbm>>) dst(%dma_wait3A_883 : memref<64x32xbf16, #tpu.memory_space<vmem>>)
      %mul3A_890 = arith.constant 64 : i32
      %mul3A_891 = arith.muli %add3A_64, %mul3A_890 : i32
      %add3A_892 = arith.constant 64 : i32
      %add3A_893 = arith.addi %mul3A_891, %add3A_892 : i32
      %gt3A_894 = arith.constant 200000 : i32
      %gt3A_895 = arith.cmpi sgt, %add3A_893, %gt3A_894 : i32
      %convert_element_type3A_896 = arith.extui %gt3A_895 : i1 to i32
      %cond3A_897 = arith.constant 0 : i32
      %cond3A_898 = arith.cmpi ne, %convert_element_type3A_896, %cond3A_897 : i32
      scf.if %cond3A_898 {
        %mul3A_1169 = arith.constant 64 : i32
        %mul3A_1170 = arith.muli %add3A_64, %mul3A_1169 : i32
        %add3A_1171 = arith.constant 0 : i32
        %add3A_1172 = arith.addi %mul3A_1170, %add3A_1171 : i32
        %iota3A = tpu.iota {dimensions = array<i32: 0>} : vector<16xi32>
        %add3A_1173 = vector.broadcast %add3A_1172 : i32 to vector<16xi32>
        %add3A_1174 = arith.addi %add3A_1173, %iota3A : vector<16xi32>
        %get3A = arith.constant 1 : i32
        %get3A_1175 = arith.constant 0 : i32
        %get3A_1176 = arith.index_cast %get3A : i32 to index
        %get3A_1177 = arith.index_cast %get3A_1175 : i32 to index
        %get3A_1178 = arith.constant 0 : index
        %get3A_1179 = tpu.vector_load %arg15[%get3A_1176, %get3A_1177, %get3A_1178] {strides = array<i32>} : memref<2x4x64xi32, #tpu.memory_space<vmem>>, vector<16xi32>,
        %ge3A = arith.constant 200000 : i32
        %ge3A_1180 = vector.broadcast %ge3A : i32 to vector<16xi32>
        %ge3A_1181 = arith.cmpi sge, %add3A_1174, %ge3A_1180 : vector<16xi32>
        %jit3A = arith.constant 50000 : i32
        %broadcast_in_dim3A = vector.broadcast %jit3A : i32 to vector<16xi32>
        %select_n3A = arith.select %ge3A_1181, %broadcast_in_dim3A, %get3A_1179 : vector<16xi1>, vector<16xi32>
        %swap3A = arith.constant 1 : i32
        %swap3A_1182 = arith.constant 0 : i32
        %swap3A_1183 = arith.index_cast %swap3A : i32 to index
        %swap3A_1184 = arith.index_cast %swap3A_1182 : i32 to index
        %swap3A_1185 = arith.constant 0 : index
        %swap3A_1186 = tpu.vector_load %arg15[%swap3A_1183, %swap3A_1184, %swap3A_1185] {strides = array<i32>} : memref<2x4x64xi32, #tpu.memory_space<vmem>>, vector<16xi32>,
        tpu.vector_store %arg15[%swap3A_1183, %swap3A_1184, %swap3A_1185], %select_n3A {strides = array<i32>} : memref<2x4x64xi32, #tpu.memory_space<vmem>>, vector<16xi32>,
        %mul3A_1187 = arith.constant 64 : i32
        %mul3A_1188 = arith.muli %add3A_64, %mul3A_1187 : i32
        %add3A_1189 = arith.constant 16 : i32
        %add3A_1190 = arith.addi %mul3A_1188, %add3A_1189 : i32
        %iota3A_1191 = tpu.iota {dimensions = array<i32: 0>} : vector<16xi32>
        %add3A_1192 = vector.broadcast %add3A_1190 : i32 to vector<16xi32>
        %add3A_1193 = arith.addi %add3A_1192, %iota3A_1191 : vector<16xi32>
        %get3A_1194 = arith.constant 1 : i32
        %get3A_1195 = arith.constant 0 : i32
        %get3A_1196 = arith.index_cast %get3A_1194 : i32 to index
        %get3A_1197 = arith.index_cast %get3A_1195 : i32 to index
        %get3A_1198 = arith.constant 16 : index
        %get3A_1199 = tpu.vector_load %arg15[%get3A_1196, %get3A_1197, %get3A_1198] {strides = array<i32>} : memref<2x4x64xi32, #tpu.memory_space<vmem>>, vector<16xi32>,
        %ge3A_1200 = arith.constant 200000 : i32
        %ge3A_1201 = vector.broadcast %ge3A_1200 : i32 to vector<16xi32>
        %ge3A_1202 = arith.cmpi sge, %add3A_1193, %ge3A_1201 : vector<16xi32>
        %jit3A_1203 = arith.constant 50001 : i32
        %broadcast_in_dim3A_1204 = vector.broadcast %jit3A_1203 : i32 to vector<16xi32>
        %select_n3A_1205 = arith.select %ge3A_1202, %broadcast_in_dim3A_1204, %get3A_1199 : vector<16xi1>, vector<16xi32>
        %swap3A_1206 = arith.constant 1 : i32
        %swap3A_1207 = arith.constant 0 : i32
        %swap3A_1208 = arith.index_cast %swap3A_1206 : i32 to index
        %swap3A_1209 = arith.index_cast %swap3A_1207 : i32 to index
        %swap3A_1210 = arith.constant 16 : index
        %swap3A_1211 = tpu.vector_load %arg15[%swap3A_1208, %swap3A_1209, %swap3A_1210] {strides = array<i32>} : memref<2x4x64xi32, #tpu.memory_space<vmem>>, vector<16xi32>,
        tpu.vector_store %arg15[%swap3A_1208, %swap3A_1209, %swap3A_1210], %select_n3A_1205 {strides = array<i32>} : memref<2x4x64xi32, #tpu.memory_space<vmem>>, vector<16xi32>,
        %mul3A_1212 = arith.constant 64 : i32
        %mul3A_1213 = arith.muli %add3A_64, %mul3A_1212 : i32
        %add3A_1214 = arith.constant 32 : i32
        %add3A_1215 = arith.addi %mul3A_1213, %add3A_1214 : i32
        %iota3A_1216 = tpu.iota {dimensions = array<i32: 0>} : vector<16xi32>
        %add3A_1217 = vector.broadcast %add3A_1215 : i32 to vector<16xi32>
        %add3A_1218 = arith.addi %add3A_1217, %iota3A_1216 : vector<16xi32>
        %get3A_1219 = arith.constant 1 : i32
        %get3A_1220 = arith.constant 0 : i32
        %get3A_1221 = arith.index_cast %get3A_1219 : i32 to index
        %get3A_1222 = arith.index_cast %get3A_1220 : i32 to index
        %get3A_1223 = arith.constant 32 : index
        %get3A_1224 = tpu.vector_load %arg15[%get3A_1221, %get3A_1222, %get3A_1223] {strides = array<i32>} : memref<2x4x64xi32, #tpu.memory_space<vmem>>, vector<16xi32>,
        %ge3A_1225 = arith.constant 200000 : i32
        %ge3A_1226 = vector.broadcast %ge3A_1225 : i32 to vector<16xi32>
        %ge3A_1227 = arith.cmpi sge, %add3A_1218, %ge3A_1226 : vector<16xi32>
        %jit3A_1228 = arith.constant 50002 : i32
        %broadcast_in_dim3A_1229 = vector.broadcast %jit3A_1228 : i32 to vector<16xi32>
        %select_n3A_1230 = arith.select %ge3A_1227, %broadcast_in_dim3A_1229, %get3A_1224 : vector<16xi1>, vector<16xi32>
        %swap3A_1231 = arith.constant 1 : i32
        %swap3A_1232 = arith.constant 0 : i32
        %swap3A_1233 = arith.index_cast %swap3A_1231 : i32 to index
        %swap3A_1234 = arith.index_cast %swap3A_1232 : i32 to index
        %swap3A_1235 = arith.constant 32 : index
        %swap3A_1236 = tpu.vector_load %arg15[%swap3A_1233, %swap3A_1234, %swap3A_1235] {strides = array<i32>} : memref<2x4x64xi32, #tpu.memory_space<vmem>>, vector<16xi32>,
        tpu.vector_store %arg15[%swap3A_1233, %swap3A_1234, %swap3A_1235], %select_n3A_1230 {strides = array<i32>} : memref<2x4x64xi32, #tpu.memory_space<vmem>>, vector<16xi32>,
        %mul3A_1237 = arith.constant 64 : i32
        %mul3A_1238 = arith.muli %add3A_64, %mul3A_1237 : i32
        %add3A_1239 = arith.constant 48 : i32
        %add3A_1240 = arith.addi %mul3A_1238, %add3A_1239 : i32
        %iota3A_1241 = tpu.iota {dimensions = array<i32: 0>} : vector<16xi32>
        %add3A_1242 = vector.broadcast %add3A_1240 : i32 to vector<16xi32>
        %add3A_1243 = arith.addi %add3A_1242, %iota3A_1241 : vector<16xi32>
        %get3A_1244 = arith.constant 1 : i32
        %get3A_1245 = arith.constant 0 : i32
        %get3A_1246 = arith.index_cast %get3A_1244 : i32 to index
        %get3A_1247 = arith.index_cast %get3A_1245 : i32 to index
        %get3A_1248 = arith.constant 48 : index
        %get3A_1249 = tpu.vector_load %arg15[%get3A_1246, %get3A_1247, %get3A_1248] {strides = array<i32>} : memref<2x4x64xi32, #tpu.memory_space<vmem>>, vector<16xi32>,
        %ge3A_1250 = arith.constant 200000 : i32
        %ge3A_1251 = vector.broadcast %ge3A_1250 : i32 to vector<16xi32>
        %ge3A_1252 = arith.cmpi sge, %add3A_1243, %ge3A_1251 : vector<16xi32>
        %jit3A_1253 = arith.constant 50003 : i32
        %broadcast_in_dim3A_1254 = vector.broadcast %jit3A_1253 : i32 to vector<16xi32>
        %select_n3A_1255 = arith.select %ge3A_1252, %broadcast_in_dim3A_1254, %get3A_1249 : vector<16xi1>, vector<16xi32>
        %swap3A_1256 = arith.constant 1 : i32
        %swap3A_1257 = arith.constant 0 : i32
        %swap3A_1258 = arith.index_cast %swap3A_1256 : i32 to index
        %swap3A_1259 = arith.index_cast %swap3A_1257 : i32 to index
        %swap3A_1260 = arith.constant 48 : index
        %swap3A_1261 = tpu.vector_load %arg15[%swap3A_1258, %swap3A_1259, %swap3A_1260] {strides = array<i32>} : memref<2x4x64xi32, #tpu.memory_space<vmem>>, vector<16xi32>,
        tpu.vector_store %arg15[%swap3A_1258, %swap3A_1259, %swap3A_1260], %select_n3A_1255 {strides = array<i32>} : memref<2x4x64xi32, #tpu.memory_space<vmem>>, vector<16xi32>,
        %mul3A_1262 = arith.constant 64 : i32
        %mul3A_1263 = arith.muli %add3A_64, %mul3A_1262 : i32
        %add3A_1264 = arith.constant 0 : i32
        %add3A_1265 = arith.addi %mul3A_1263, %add3A_1264 : i32
        %iota3A_1266 = tpu.iota {dimensions = array<i32: 0>} : vector<16xi32>
        %add3A_1267 = vector.broadcast %add3A_1265 : i32 to vector<16xi32>
        %add3A_1268 = arith.addi %add3A_1267, %iota3A_1266 : vector<16xi32>
        %get3A_1269 = arith.constant 1 : i32
        %get3A_1270 = arith.constant 1 : i32
        %get3A_1271 = arith.index_cast %get3A_1269 : i32 to index
        %get3A_1272 = arith.index_cast %get3A_1270 : i32 to index
        %get3A_1273 = arith.constant 0 : index
        %get3A_1274 = tpu.vector_load %arg15[%get3A_1271, %get3A_1272, %get3A_1273] {strides = array<i32>} : memref<2x4x64xi32, #tpu.memory_space<vmem>>, vector<16xi32>,
        %ge3A_1275 = arith.constant 200000 : i32
        %ge3A_1276 = vector.broadcast %ge3A_1275 : i32 to vector<16xi32>
        %ge3A_1277 = arith.cmpi sge, %add3A_1268, %ge3A_1276 : vector<16xi32>
        %jit3A_1278 = arith.constant 50004 : i32
        %broadcast_in_dim3A_1279 = vector.broadcast %jit3A_1278 : i32 to vector<16xi32>
        %select_n3A_1280 = arith.select %ge3A_1277, %broadcast_in_dim3A_1279, %get3A_1274 : vector<16xi1>, vector<16xi32>
        %swap3A_1281 = arith.constant 1 : i32
        %swap3A_1282 = arith.constant 1 : i32
        %swap3A_1283 = arith.index_cast %swap3A_1281 : i32 to index
        %swap3A_1284 = arith.index_cast %swap3A_1282 : i32 to index
        %swap3A_1285 = arith.constant 0 : index
        %swap3A_1286 = tpu.vector_load %arg15[%swap3A_1283, %swap3A_1284, %swap3A_1285] {strides = array<i32>} : memref<2x4x64xi32, #tpu.memory_space<vmem>>, vector<16xi32>,
        tpu.vector_store %arg15[%swap3A_1283, %swap3A_1284, %swap3A_1285], %select_n3A_1280 {strides = array<i32>} : memref<2x4x64xi32, #tpu.memory_space<vmem>>, vector<16xi32>,
        %mul3A_1287 = arith.constant 64 : i32
        %mul3A_1288 = arith.muli %add3A_64, %mul3A_1287 : i32
        %add3A_1289 = arith.constant 16 : i32
        %add3A_1290 = arith.addi %mul3A_1288, %add3A_1289 : i32
        %iota3A_1291 = tpu.iota {dimensions = array<i32: 0>} : vector<16xi32>
        %add3A_1292 = vector.broadcast %add3A_1290 : i32 to vector<16xi32>
        %add3A_1293 = arith.addi %add3A_1292, %iota3A_1291 : vector<16xi32>
        %get3A_1294 = arith.constant 1 : i32
        %get3A_1295 = arith.constant 1 : i32
        %get3A_1296 = arith.index_cast %get3A_1294 : i32 to index
        %get3A_1297 = arith.index_cast %get3A_1295 : i32 to index
        %get3A_1298 = arith.constant 16 : index
        %get3A_1299 = tpu.vector_load %arg15[%get3A_1296, %get3A_1297, %get3A_1298] {strides = array<i32>} : memref<2x4x64xi32, #tpu.memory_space<vmem>>, vector<16xi32>,
        %ge3A_1300 = arith.constant 200000 : i32
        %ge3A_1301 = vector.broadcast %ge3A_1300 : i32 to vector<16xi32>
        %ge3A_1302 = arith.cmpi sge, %add3A_1293, %ge3A_1301 : vector<16xi32>
        %jit3A_1303 = arith.constant 50005 : i32
        %broadcast_in_dim3A_1304 = vector.broadcast %jit3A_1303 : i32 to vector<16xi32>
        %select_n3A_1305 = arith.select %ge3A_1302, %broadcast_in_dim3A_1304, %get3A_1299 : vector<16xi1>, vector<16xi32>
        %swap3A_1306 = arith.constant 1 : i32
        %swap3A_1307 = arith.constant 1 : i32
        %swap3A_1308 = arith.index_cast %swap3A_1306 : i32 to index
        %swap3A_1309 = arith.index_cast %swap3A_1307 : i32 to index
        %swap3A_1310 = arith.constant 16 : index
        %swap3A_1311 = tpu.vector_load %arg15[%swap3A_1308, %swap3A_1309, %swap3A_1310] {strides = array<i32>} : memref<2x4x64xi32, #tpu.memory_space<vmem>>, vector<16xi32>,
        tpu.vector_store %arg15[%swap3A_1308, %swap3A_1309, %swap3A_1310], %select_n3A_1305 {strides = array<i32>} : memref<2x4x64xi32, #tpu.memory_space<vmem>>, vector<16xi32>,
        %mul3A_1312 = arith.constant 64 : i32
        %mul3A_1313 = arith.muli %add3A_64, %mul3A_1312 : i32
        %add3A_1314 = arith.constant 32 : i32
        %add3A_1315 = arith.addi %mul3A_1313, %add3A_1314 : i32
        %iota3A_1316 = tpu.iota {dimensions = array<i32: 0>} : vector<16xi32>
        %add3A_1317 = vector.broadcast %add3A_1315 : i32 to vector<16xi32>
        %add3A_1318 = arith.addi %add3A_1317, %iota3A_1316 : vector<16xi32>
        %get3A_1319 = arith.constant 1 : i32
        %get3A_1320 = arith.constant 1 : i32
        %get3A_1321 = arith.index_cast %get3A_1319 : i32 to index
        %get3A_1322 = arith.index_cast %get3A_1320 : i32 to index
        %get3A_1323 = arith.constant 32 : index
        %get3A_1324 = tpu.vector_load %arg15[%get3A_1321, %get3A_1322, %get3A_1323] {strides = array<i32>} : memref<2x4x64xi32, #tpu.memory_space<vmem>>, vector<16xi32>,
        %ge3A_1325 = arith.constant 200000 : i32
        %ge3A_1326 = vector.broadcast %ge3A_1325 : i32 to vector<16xi32>
        %ge3A_1327 = arith.cmpi sge, %add3A_1318, %ge3A_1326 : vector<16xi32>
        %jit3A_1328 = arith.constant 50006 : i32
        %broadcast_in_dim3A_1329 = vector.broadcast %jit3A_1328 : i32 to vector<16xi32>
        %select_n3A_1330 = arith.select %ge3A_1327, %broadcast_in_dim3A_1329, %get3A_1324 : vector<16xi1>, vector<16xi32>
        %swap3A_1331 = arith.constant 1 : i32
        %swap3A_1332 = arith.constant 1 : i32
        %swap3A_1333 = arith.index_cast %swap3A_1331 : i32 to index
        %swap3A_1334 = arith.index_cast %swap3A_1332 : i32 to index
        %swap3A_1335 = arith.constant 32 : index
        %swap3A_1336 = tpu.vector_load %arg15[%swap3A_1333, %swap3A_1334, %swap3A_1335] {strides = array<i32>} : memref<2x4x64xi32, #tpu.memory_space<vmem>>, vector<16xi32>,
        tpu.vector_store %arg15[%swap3A_1333, %swap3A_1334, %swap3A_1335], %select_n3A_1330 {strides = array<i32>} : memref<2x4x64xi32, #tpu.memory_space<vmem>>, vector<16xi32>,
        %mul3A_1337 = arith.constant 64 : i32
        %mul3A_1338 = arith.muli %add3A_64, %mul3A_1337 : i32
        %add3A_1339 = arith.constant 48 : i32
        %add3A_1340 = arith.addi %mul3A_1338, %add3A_1339 : i32
        %iota3A_1341 = tpu.iota {dimensions = array<i32: 0>} : vector<16xi32>
        %add3A_1342 = vector.broadcast %add3A_1340 : i32 to vector<16xi32>
        %add3A_1343 = arith.addi %add3A_1342, %iota3A_1341 : vector<16xi32>
        %get3A_1344 = arith.constant 1 : i32
        %get3A_1345 = arith.constant 1 : i32
        %get3A_1346 = arith.index_cast %get3A_1344 : i32 to index
        %get3A_1347 = arith.index_cast %get3A_1345 : i32 to index
        %get3A_1348 = arith.constant 48 : index
        %get3A_1349 = tpu.vector_load %arg15[%get3A_1346, %get3A_1347, %get3A_1348] {strides = array<i32>} : memref<2x4x64xi32, #tpu.memory_space<vmem>>, vector<16xi32>,
        %ge3A_1350 = arith.constant 200000 : i32
        %ge3A_1351 = vector.broadcast %ge3A_1350 : i32 to vector<16xi32>
        %ge3A_1352 = arith.cmpi sge, %add3A_1343, %ge3A_1351 : vector<16xi32>
        %jit3A_1353 = arith.constant 50007 : i32
        %broadcast_in_dim3A_1354 = vector.broadcast %jit3A_1353 : i32 to vector<16xi32>
        %select_n3A_1355 = arith.select %ge3A_1352, %broadcast_in_dim3A_1354, %get3A_1349 : vector<16xi1>, vector<16xi32>
        %swap3A_1356 = arith.constant 1 : i32
        %swap3A_1357 = arith.constant 1 : i32
        %swap3A_1358 = arith.index_cast %swap3A_1356 : i32 to index
        %swap3A_1359 = arith.index_cast %swap3A_1357 : i32 to index
        %swap3A_1360 = arith.constant 48 : index
        %swap3A_1361 = tpu.vector_load %arg15[%swap3A_1358, %swap3A_1359, %swap3A_1360] {strides = array<i32>} : memref<2x4x64xi32, #tpu.memory_space<vmem>>, vector<16xi32>,
        tpu.vector_store %arg15[%swap3A_1358, %swap3A_1359, %swap3A_1360], %select_n3A_1355 {strides = array<i32>} : memref<2x4x64xi32, #tpu.memory_space<vmem>>, vector<16xi32>,
        %mul3A_1362 = arith.constant 64 : i32
        %mul3A_1363 = arith.muli %add3A_64, %mul3A_1362 : i32
        %add3A_1364 = arith.constant 0 : i32
        %add3A_1365 = arith.addi %mul3A_1363, %add3A_1364 : i32
        %iota3A_1366 = tpu.iota {dimensions = array<i32: 0>} : vector<16xi32>
        %add3A_1367 = vector.broadcast %add3A_1365 : i32 to vector<16xi32>
        %add3A_1368 = arith.addi %add3A_1367, %iota3A_1366 : vector<16xi32>
        %get3A_1369 = arith.constant 1 : i32
        %get3A_1370 = arith.constant 2 : i32
        %get3A_1371 = arith.index_cast %get3A_1369 : i32 to index
        %get3A_1372 = arith.index_cast %get3A_1370 : i32 to index
        %get3A_1373 = arith.constant 0 : index
        %get3A_1374 = tpu.vector_load %arg15[%get3A_1371, %get3A_1372, %get3A_1373] {strides = array<i32>} : memref<2x4x64xi32, #tpu.memory_space<vmem>>, vector<16xi32>,
        %ge3A_1375 = arith.constant 200000 : i32
        %ge3A_1376 = vector.broadcast %ge3A_1375 : i32 to vector<16xi32>
        %ge3A_1377 = arith.cmpi sge, %add3A_1368, %ge3A_1376 : vector<16xi32>
        %jit3A_1378 = arith.constant 50008 : i32
        %broadcast_in_dim3A_1379 = vector.broadcast %jit3A_1378 : i32 to vector<16xi32>
        %select_n3A_1380 = arith.select %ge3A_1377, %broadcast_in_dim3A_1379, %get3A_1374 : vector<16xi1>, vector<16xi32>
        %swap3A_1381 = arith.constant 1 : i32
        %swap3A_1382 = arith.constant 2 : i32
        %swap3A_1383 = arith.index_cast %swap3A_1381 : i32 to index
        %swap3A_1384 = arith.index_cast %swap3A_1382 : i32 to index
        %swap3A_1385 = arith.constant 0 : index
        %swap3A_1386 = tpu.vector_load %arg15[%swap3A_1383, %swap3A_1384, %swap3A_1385] {strides = array<i32>} : memref<2x4x64xi32, #tpu.memory_space<vmem>>, vector<16xi32>,
        tpu.vector_store %arg15[%swap3A_1383, %swap3A_1384, %swap3A_1385], %select_n3A_1380 {strides = array<i32>} : memref<2x4x64xi32, #tpu.memory_space<vmem>>, vector<16xi32>,
        %mul3A_1387 = arith.constant 64 : i32
        %mul3A_1388 = arith.muli %add3A_64, %mul3A_1387 : i32
        %add3A_1389 = arith.constant 16 : i32
        %add3A_1390 = arith.addi %mul3A_1388, %add3A_1389 : i32
        %iota3A_1391 = tpu.iota {dimensions = array<i32: 0>} : vector<16xi32>
        %add3A_1392 = vector.broadcast %add3A_1390 : i32 to vector<16xi32>
        %add3A_1393 = arith.addi %add3A_1392, %iota3A_1391 : vector<16xi32>
        %get3A_1394 = arith.constant 1 : i32
        %get3A_1395 = arith.constant 2 : i32
        %get3A_1396 = arith.index_cast %get3A_1394 : i32 to index
        %get3A_1397 = arith.index_cast %get3A_1395 : i32 to index
        %get3A_1398 = arith.constant 16 : index
        %get3A_1399 = tpu.vector_load %arg15[%get3A_1396, %get3A_1397, %get3A_1398] {strides = array<i32>} : memref<2x4x64xi32, #tpu.memory_space<vmem>>, vector<16xi32>,
        %ge3A_1400 = arith.constant 200000 : i32
        %ge3A_1401 = vector.broadcast %ge3A_1400 : i32 to vector<16xi32>
        %ge3A_1402 = arith.cmpi sge, %add3A_1393, %ge3A_1401 : vector<16xi32>
        %jit3A_1403 = arith.constant 50009 : i32
        %broadcast_in_dim3A_1404 = vector.broadcast %jit3A_1403 : i32 to vector<16xi32>
        %select_n3A_1405 = arith.select %ge3A_1402, %broadcast_in_dim3A_1404, %get3A_1399 : vector<16xi1>, vector<16xi32>
        %swap3A_1406 = arith.constant 1 : i32
        %swap3A_1407 = arith.constant 2 : i32
        %swap3A_1408 = arith.index_cast %swap3A_1406 : i32 to index
        %swap3A_1409 = arith.index_cast %swap3A_1407 : i32 to index
        %swap3A_1410 = arith.constant 16 : index
        %swap3A_1411 = tpu.vector_load %arg15[%swap3A_1408, %swap3A_1409, %swap3A_1410] {strides = array<i32>} : memref<2x4x64xi32, #tpu.memory_space<vmem>>, vector<16xi32>,
        tpu.vector_store %arg15[%swap3A_1408, %swap3A_1409, %swap3A_1410], %select_n3A_1405 {strides = array<i32>} : memref<2x4x64xi32, #tpu.memory_space<vmem>>, vector<16xi32>,
        %mul3A_1412 = arith.constant 64 : i32
        %mul3A_1413 = arith.muli %add3A_64, %mul3A_1412 : i32
        %add3A_1414 = arith.constant 32 : i32
        %add3A_1415 = arith.addi %mul3A_1413, %add3A_1414 : i32
        %iota3A_1416 = tpu.iota {dimensions = array<i32: 0>} : vector<16xi32>
        %add3A_1417 = vector.broadcast %add3A_1415 : i32 to vector<16xi32>
        %add3A_1418 = arith.addi %add3A_1417, %iota3A_1416 : vector<16xi32>
        %get3A_1419 = arith.constant 1 : i32
        %get3A_1420 = arith.constant 2 : i32
        %get3A_1421 = arith.index_cast %get3A_1419 : i32 to index
        %get3A_1422 = arith.index_cast %get3A_1420 : i32 to index
        %get3A_1423 = arith.constant 32 : index
        %get3A_1424 = tpu.vector_load %arg15[%get3A_1421, %get3A_1422, %get3A_1423] {strides = array<i32>} : memref<2x4x64xi32, #tpu.memory_space<vmem>>, vector<16xi32>,
        %ge3A_1425 = arith.constant 200000 : i32
        %ge3A_1426 = vector.broadcast %ge3A_1425 : i32 to vector<16xi32>
        %ge3A_1427 = arith.cmpi sge, %add3A_1418, %ge3A_1426 : vector<16xi32>
        %jit3A_1428 = arith.constant 50010 : i32
        %broadcast_in_dim3A_1429 = vector.broadcast %jit3A_1428 : i32 to vector<16xi32>
        %select_n3A_1430 = arith.select %ge3A_1427, %broadcast_in_dim3A_1429, %get3A_1424 : vector<16xi1>, vector<16xi32>
        %swap3A_1431 = arith.constant 1 : i32
        %swap3A_1432 = arith.constant 2 : i32
        %swap3A_1433 = arith.index_cast %swap3A_1431 : i32 to index
        %swap3A_1434 = arith.index_cast %swap3A_1432 : i32 to index
        %swap3A_1435 = arith.constant 32 : index
        %swap3A_1436 = tpu.vector_load %arg15[%swap3A_1433, %swap3A_1434, %swap3A_1435] {strides = array<i32>} : memref<2x4x64xi32, #tpu.memory_space<vmem>>, vector<16xi32>,
        tpu.vector_store %arg15[%swap3A_1433, %swap3A_1434, %swap3A_1435], %select_n3A_1430 {strides = array<i32>} : memref<2x4x64xi32, #tpu.memory_space<vmem>>, vector<16xi32>,
        %mul3A_1437 = arith.constant 64 : i32
        %mul3A_1438 = arith.muli %add3A_64, %mul3A_1437 : i32
        %add3A_1439 = arith.constant 48 : i32
        %add3A_1440 = arith.addi %mul3A_1438, %add3A_1439 : i32
        %iota3A_1441 = tpu.iota {dimensions = array<i32: 0>} : vector<16xi32>
        %add3A_1442 = vector.broadcast %add3A_1440 : i32 to vector<16xi32>
        %add3A_1443 = arith.addi %add3A_1442, %iota3A_1441 : vector<16xi32>
        %get3A_1444 = arith.constant 1 : i32
        %get3A_1445 = arith.constant 2 : i32
        %get3A_1446 = arith.index_cast %get3A_1444 : i32 to index
        %get3A_1447 = arith.index_cast %get3A_1445 : i32 to index
        %get3A_1448 = arith.constant 48 : index
        %get3A_1449 = tpu.vector_load %arg15[%get3A_1446, %get3A_1447, %get3A_1448] {strides = array<i32>} : memref<2x4x64xi32, #tpu.memory_space<vmem>>, vector<16xi32>,
        %ge3A_1450 = arith.constant 200000 : i32
        %ge3A_1451 = vector.broadcast %ge3A_1450 : i32 to vector<16xi32>
        %ge3A_1452 = arith.cmpi sge, %add3A_1443, %ge3A_1451 : vector<16xi32>
        %jit3A_1453 = arith.constant 50011 : i32
        %broadcast_in_dim3A_1454 = vector.broadcast %jit3A_1453 : i32 to vector<16xi32>
        %select_n3A_1455 = arith.select %ge3A_1452, %broadcast_in_dim3A_1454, %get3A_1449 : vector<16xi1>, vector<16xi32>
        %swap3A_1456 = arith.constant 1 : i32
        %swap3A_1457 = arith.constant 2 : i32
        %swap3A_1458 = arith.index_cast %swap3A_1456 : i32 to index
        %swap3A_1459 = arith.index_cast %swap3A_1457 : i32 to index
        %swap3A_1460 = arith.constant 48 : index
        %swap3A_1461 = tpu.vector_load %arg15[%swap3A_1458, %swap3A_1459, %swap3A_1460] {strides = array<i32>} : memref<2x4x64xi32, #tpu.memory_space<vmem>>, vector<16xi32>,
        tpu.vector_store %arg15[%swap3A_1458, %swap3A_1459, %swap3A_1460], %select_n3A_1455 {strides = array<i32>} : memref<2x4x64xi32, #tpu.memory_space<vmem>>, vector<16xi32>,
        %mul3A_1462 = arith.constant 64 : i32
        %mul3A_1463 = arith.muli %add3A_64, %mul3A_1462 : i32
        %add3A_1464 = arith.constant 0 : i32
        %add3A_1465 = arith.addi %mul3A_1463, %add3A_1464 : i32
        %iota3A_1466 = tpu.iota {dimensions = array<i32: 0>} : vector<16xi32>
        %add3A_1467 = vector.broadcast %add3A_1465 : i32 to vector<16xi32>
        %add3A_1468 = arith.addi %add3A_1467, %iota3A_1466 : vector<16xi32>
        %get3A_1469 = arith.constant 1 : i32
        %get3A_1470 = arith.constant 3 : i32
        %get3A_1471 = arith.index_cast %get3A_1469 : i32 to index
        %get3A_1472 = arith.index_cast %get3A_1470 : i32 to index
        %get3A_1473 = arith.constant 0 : index
        %get3A_1474 = tpu.vector_load %arg15[%get3A_1471, %get3A_1472, %get3A_1473] {strides = array<i32>} : memref<2x4x64xi32, #tpu.memory_space<vmem>>, vector<16xi32>,
        %ge3A_1475 = arith.constant 200000 : i32
        %ge3A_1476 = vector.broadcast %ge3A_1475 : i32 to vector<16xi32>
        %ge3A_1477 = arith.cmpi sge, %add3A_1468, %ge3A_1476 : vector<16xi32>
        %jit3A_1478 = arith.constant 50012 : i32
        %broadcast_in_dim3A_1479 = vector.broadcast %jit3A_1478 : i32 to vector<16xi32>
        %select_n3A_1480 = arith.select %ge3A_1477, %broadcast_in_dim3A_1479, %get3A_1474 : vector<16xi1>, vector<16xi32>
        %swap3A_1481 = arith.constant 1 : i32
        %swap3A_1482 = arith.constant 3 : i32
        %swap3A_1483 = arith.index_cast %swap3A_1481 : i32 to index
        %swap3A_1484 = arith.index_cast %swap3A_1482 : i32 to index
        %swap3A_1485 = arith.constant 0 : index
        %swap3A_1486 = tpu.vector_load %arg15[%swap3A_1483, %swap3A_1484, %swap3A_1485] {strides = array<i32>} : memref<2x4x64xi32, #tpu.memory_space<vmem>>, vector<16xi32>,
        tpu.vector_store %arg15[%swap3A_1483, %swap3A_1484, %swap3A_1485], %select_n3A_1480 {strides = array<i32>} : memref<2x4x64xi32, #tpu.memory_space<vmem>>, vector<16xi32>,
        %mul3A_1487 = arith.constant 64 : i32
        %mul3A_1488 = arith.muli %add3A_64, %mul3A_1487 : i32
        %add3A_1489 = arith.constant 16 : i32
        %add3A_1490 = arith.addi %mul3A_1488, %add3A_1489 : i32
        %iota3A_1491 = tpu.iota {dimensions = array<i32: 0>} : vector<16xi32>
        %add3A_1492 = vector.broadcast %add3A_1490 : i32 to vector<16xi32>
        %add3A_1493 = arith.addi %add3A_1492, %iota3A_1491 : vector<16xi32>
        %get3A_1494 = arith.constant 1 : i32
        %get3A_1495 = arith.constant 3 : i32
        %get3A_1496 = arith.index_cast %get3A_1494 : i32 to index
        %get3A_1497 = arith.index_cast %get3A_1495 : i32 to index
        %get3A_1498 = arith.constant 16 : index
        %get3A_1499 = tpu.vector_load %arg15[%get3A_1496, %get3A_1497, %get3A_1498] {strides = array<i32>} : memref<2x4x64xi32, #tpu.memory_space<vmem>>, vector<16xi32>,
        %ge3A_1500 = arith.constant 200000 : i32
        %ge3A_1501 = vector.broadcast %ge3A_1500 : i32 to vector<16xi32>
        %ge3A_1502 = arith.cmpi sge, %add3A_1493, %ge3A_1501 : vector<16xi32>
        %jit3A_1503 = arith.constant 50013 : i32
        %broadcast_in_dim3A_1504 = vector.broadcast %jit3A_1503 : i32 to vector<16xi32>
        %select_n3A_1505 = arith.select %ge3A_1502, %broadcast_in_dim3A_1504, %get3A_1499 : vector<16xi1>, vector<16xi32>
        %swap3A_1506 = arith.constant 1 : i32
        %swap3A_1507 = arith.constant 3 : i32
        %swap3A_1508 = arith.index_cast %swap3A_1506 : i32 to index
        %swap3A_1509 = arith.index_cast %swap3A_1507 : i32 to index
        %swap3A_1510 = arith.constant 16 : index
        %swap3A_1511 = tpu.vector_load %arg15[%swap3A_1508, %swap3A_1509, %swap3A_1510] {strides = array<i32>} : memref<2x4x64xi32, #tpu.memory_space<vmem>>, vector<16xi32>,
        tpu.vector_store %arg15[%swap3A_1508, %swap3A_1509, %swap3A_1510], %select_n3A_1505 {strides = array<i32>} : memref<2x4x64xi32, #tpu.memory_space<vmem>>, vector<16xi32>,
        %mul3A_1512 = arith.constant 64 : i32
        %mul3A_1513 = arith.muli %add3A_64, %mul3A_1512 : i32
        %add3A_1514 = arith.constant 32 : i32
        %add3A_1515 = arith.addi %mul3A_1513, %add3A_1514 : i32
        %iota3A_1516 = tpu.iota {dimensions = array<i32: 0>} : vector<16xi32>
        %add3A_1517 = vector.broadcast %add3A_1515 : i32 to vector<16xi32>
        %add3A_1518 = arith.addi %add3A_1517, %iota3A_1516 : vector<16xi32>
        %get3A_1519 = arith.constant 1 : i32
        %get3A_1520 = arith.constant 3 : i32
        %get3A_1521 = arith.index_cast %get3A_1519 : i32 to index
        %get3A_1522 = arith.index_cast %get3A_1520 : i32 to index
        %get3A_1523 = arith.constant 32 : index
        %get3A_1524 = tpu.vector_load %arg15[%get3A_1521, %get3A_1522, %get3A_1523] {strides = array<i32>} : memref<2x4x64xi32, #tpu.memory_space<vmem>>, vector<16xi32>,
        %ge3A_1525 = arith.constant 200000 : i32
        %ge3A_1526 = vector.broadcast %ge3A_1525 : i32 to vector<16xi32>
        %ge3A_1527 = arith.cmpi sge, %add3A_1518, %ge3A_1526 : vector<16xi32>
        %jit3A_1528 = arith.constant 50014 : i32
        %broadcast_in_dim3A_1529 = vector.broadcast %jit3A_1528 : i32 to vector<16xi32>
        %select_n3A_1530 = arith.select %ge3A_1527, %broadcast_in_dim3A_1529, %get3A_1524 : vector<16xi1>, vector<16xi32>
        %swap3A_1531 = arith.constant 1 : i32
        %swap3A_1532 = arith.constant 3 : i32
        %swap3A_1533 = arith.index_cast %swap3A_1531 : i32 to index
        %swap3A_1534 = arith.index_cast %swap3A_1532 : i32 to index
        %swap3A_1535 = arith.constant 32 : index
        %swap3A_1536 = tpu.vector_load %arg15[%swap3A_1533, %swap3A_1534, %swap3A_1535] {strides = array<i32>} : memref<2x4x64xi32, #tpu.memory_space<vmem>>, vector<16xi32>,
        tpu.vector_store %arg15[%swap3A_1533, %swap3A_1534, %swap3A_1535], %select_n3A_1530 {strides = array<i32>} : memref<2x4x64xi32, #tpu.memory_space<vmem>>, vector<16xi32>,
        %mul3A_1537 = arith.constant 64 : i32
        %mul3A_1538 = arith.muli %add3A_64, %mul3A_1537 : i32
        %add3A_1539 = arith.constant 48 : i32
        %add3A_1540 = arith.addi %mul3A_1538, %add3A_1539 : i32
        %iota3A_1541 = tpu.iota {dimensions = array<i32: 0>} : vector<16xi32>
        %add3A_1542 = vector.broadcast %add3A_1540 : i32 to vector<16xi32>
        %add3A_1543 = arith.addi %add3A_1542, %iota3A_1541 : vector<16xi32>
        %get3A_1544 = arith.constant 1 : i32
        %get3A_1545 = arith.constant 3 : i32
        %get3A_1546 = arith.index_cast %get3A_1544 : i32 to index
        %get3A_1547 = arith.index_cast %get3A_1545 : i32 to index
        %get3A_1548 = arith.constant 48 : index
        %get3A_1549 = tpu.vector_load %arg15[%get3A_1546, %get3A_1547, %get3A_1548] {strides = array<i32>} : memref<2x4x64xi32, #tpu.memory_space<vmem>>, vector<16xi32>,
        %ge3A_1550 = arith.constant 200000 : i32
        %ge3A_1551 = vector.broadcast %ge3A_1550 : i32 to vector<16xi32>
        %ge3A_1552 = arith.cmpi sge, %add3A_1543, %ge3A_1551 : vector<16xi32>
        %jit3A_1553 = arith.constant 50015 : i32
        %broadcast_in_dim3A_1554 = vector.broadcast %jit3A_1553 : i32 to vector<16xi32>
        %select_n3A_1555 = arith.select %ge3A_1552, %broadcast_in_dim3A_1554, %get3A_1549 : vector<16xi1>, vector<16xi32>
        %swap3A_1556 = arith.constant 1 : i32
        %swap3A_1557 = arith.constant 3 : i32
        %swap3A_1558 = arith.index_cast %swap3A_1556 : i32 to index
        %swap3A_1559 = arith.index_cast %swap3A_1557 : i32 to index
        %swap3A_1560 = arith.constant 48 : index
        %swap3A_1561 = tpu.vector_load %arg15[%swap3A_1558, %swap3A_1559, %swap3A_1560] {strides = array<i32>} : memref<2x4x64xi32, #tpu.memory_space<vmem>>, vector<16xi32>,
        tpu.vector_store %arg15[%swap3A_1558, %swap3A_1559, %swap3A_1560], %select_n3A_1555 {strides = array<i32>} : memref<2x4x64xi32, #tpu.memory_space<vmem>>, vector<16xi32>,
      } else {
      }
      %mul3A_899 = arith.constant 64 : i32
      %mul3A_900 = arith.muli %add3A_62, %mul3A_899 : i32
      %dma_start3A_901 = arith.constant 0 : i32
      %dma_start3A_902 = arith.constant 0 : i32
      %dma_start3A_903 = arith.constant 0 : i32
      %dma_start3A_904 = arith.constant 0 : i32
      %dma_start3A_905 = arith.constant 0 : i32
      %dma_start3A_906 = tpu.memref_slice %arg13[%dma_start3A_901, %dma_start3A_904, %dma_start3A_905] : memref<2x256x32xbf16, #tpu.memory_space<vmem>> -> memref<1x64x32xbf16, #tpu.memory_space<vmem>>
      %dma_start3A_907 = tpu.memref_squeeze %dma_start3A_906 : memref<1x64x32xbf16, #tpu.memory_space<vmem>> -> memref<64x32xbf16, #tpu.memory_space<vmem>>
      %dma_start3A_908 = arith.constant 0 : i32
      %dma_start3A_909 = tpu.memref_slice %arg15[%dma_start3A_902, %dma_start3A_903, %dma_start3A_908] : memref<2x4x64xi32, #tpu.memory_space<vmem>> -> memref<1x1x64xi32, #tpu.memory_space<vmem>>
      %dma_start3A_910 = tpu.memref_squeeze %dma_start3A_909 : memref<1x1x64xi32, #tpu.memory_space<vmem>> -> memref<64xi32, #tpu.memory_space<vmem>>
      %dma_start3A_911 = arith.constant 0 : i32
      %dma_start3A_912 = arith.constant 0 : i32
      %dma_start3A_913 = tpu.memref_slice %arg16[%dma_start3A_911, %dma_start3A_912] : memref<50048x32xbf16, #tpu.memory_space<vmem_shared>> -> memref<50048x32xbf16, #tpu.memory_space<vmem_shared>>
      tpu.enqueue_indirect_dma source(%dma_start3A_907 : memref<64x32xbf16, #tpu.memory_space<vmem>>) target(%dma_start3A_913 : memref<50048x32xbf16, #tpu.memory_space<vmem_shared>>) offsets(%dma_start3A_910 : memref<64xi32, #tpu.memory_space<vmem>>) semaphore(%arg19 : memref<!tpu.dma_semaphore, #tpu.memory_space<semaphore_mem>>) {add = true}
      %dma_wait3A_914 = arith.constant 0 : i32
      %dma_wait3A_915 = arith.constant 0 : i32
      %dma_wait3A_916 = arith.constant 0 : i32
      %dma_wait3A_917 = arith.constant 0 : i32
      %dma_wait3A_918 = arith.constant 0 : i32
      %dma_wait3A_919 = tpu.memref_slice %arg13[%dma_wait3A_914, %dma_wait3A_917, %dma_wait3A_918] : memref<2x256x32xbf16, #tpu.memory_space<vmem>> -> memref<1x64x32xbf16, #tpu.memory_space<vmem>>
      %dma_wait3A_920 = tpu.memref_squeeze %dma_wait3A_919 : memref<1x64x32xbf16, #tpu.memory_space<vmem>> -> memref<64x32xbf16, #tpu.memory_space<vmem>>
      %dma_wait3A_921 = arith.constant 0 : i32
      %dma_wait3A_922 = tpu.memref_slice %arg15[%dma_wait3A_915, %dma_wait3A_916, %dma_wait3A_921] : memref<2x4x64xi32, #tpu.memory_space<vmem>> -> memref<1x1x64xi32, #tpu.memory_space<vmem>>
      %dma_wait3A_923 = tpu.memref_squeeze %dma_wait3A_922 : memref<1x1x64xi32, #tpu.memory_space<vmem>> -> memref<64xi32, #tpu.memory_space<vmem>>
      %dma_wait3A_924 = arith.constant 0 : i32
      %dma_wait3A_925 = arith.constant 0 : i32
      %dma_wait3A_926 = tpu.memref_slice %arg16[%dma_wait3A_924, %dma_wait3A_925] : memref<50048x32xbf16, #tpu.memory_space<vmem_shared>> -> memref<50048x32xbf16, #tpu.memory_space<vmem_shared>>
      tpu.wait_indirect_dma semaphore(%arg19 : memref<!tpu.dma_semaphore, #tpu.memory_space<semaphore_mem>>) src(%dma_wait3A_920 : memref<64x32xbf16, #tpu.memory_space<vmem>>) dst(%dma_wait3A_926 : memref<50048x32xbf16, #tpu.memory_space<vmem_shared>>)
      %dma_start3A_927 = arith.constant 0 : i32
      %dma_start3A_928 = arith.constant 0 : i32
      %dma_start3A_929 = arith.constant 1 : i32
      %dma_start3A_930 = arith.constant 64 : i32
      %dma_start3A_931 = arith.constant 0 : i32
      %dma_start3A_932 = tpu.memref_slice %arg13[%dma_start3A_927, %dma_start3A_930, %dma_start3A_931] : memref<2x256x32xbf16, #tpu.memory_space<vmem>> -> memref<1x64x32xbf16, #tpu.memory_space<vmem>>
      %dma_start3A_933 = tpu.memref_squeeze %dma_start3A_932 : memref<1x64x32xbf16, #tpu.memory_space<vmem>> -> memref<64x32xbf16, #tpu.memory_space<vmem>>
      %dma_start3A_934 = arith.constant 0 : i32
      %dma_start3A_935 = tpu.memref_slice %arg15[%dma_start3A_928, %dma_start3A_929, %dma_start3A_934] : memref<2x4x64xi32, #tpu.memory_space<vmem>> -> memref<1x1x64xi32, #tpu.memory_space<vmem>>
      %dma_start3A_936 = tpu.memref_squeeze %dma_start3A_935 : memref<1x1x64xi32, #tpu.memory_space<vmem>> -> memref<64xi32, #tpu.memory_space<vmem>>
      %dma_start3A_937 = arith.constant 0 : i32
      %dma_start3A_938 = arith.constant 0 : i32
      %dma_start3A_939 = tpu.memref_slice %arg16[%dma_start3A_937, %dma_start3A_938] : memref<50048x32xbf16, #tpu.memory_space<vmem_shared>> -> memref<50048x32xbf16, #tpu.memory_space<vmem_shared>>
      tpu.enqueue_indirect_dma source(%dma_start3A_933 : memref<64x32xbf16, #tpu.memory_space<vmem>>) target(%dma_start3A_939 : memref<50048x32xbf16, #tpu.memory_space<vmem_shared>>) offsets(%dma_start3A_936 : memref<64xi32, #tpu.memory_space<vmem>>) semaphore(%arg19 : memref<!tpu.dma_semaphore, #tpu.memory_space<semaphore_mem>>) {add = true}
      %dma_wait3A_940 = arith.constant 0 : i32
      %dma_wait3A_941 = arith.constant 0 : i32
      %dma_wait3A_942 = arith.constant 1 : i32
      %dma_wait3A_943 = arith.constant 64 : i32
      %dma_wait3A_944 = arith.constant 0 : i32
      %dma_wait3A_945 = tpu.memref_slice %arg13[%dma_wait3A_940, %dma_wait3A_943, %dma_wait3A_944] : memref<2x256x32xbf16, #tpu.memory_space<vmem>> -> memref<1x64x32xbf16, #tpu.memory_space<vmem>>
      %dma_wait3A_946 = tpu.memref_squeeze %dma_wait3A_945 : memref<1x64x32xbf16, #tpu.memory_space<vmem>> -> memref<64x32xbf16, #tpu.memory_space<vmem>>
      %dma_wait3A_947 = arith.constant 0 : i32
      %dma_wait3A_948 = tpu.memref_slice %arg15[%dma_wait3A_941, %dma_wait3A_942, %dma_wait3A_947] : memref<2x4x64xi32, #tpu.memory_space<vmem>> -> memref<1x1x64xi32, #tpu.memory_space<vmem>>
      %dma_wait3A_949 = tpu.memref_squeeze %dma_wait3A_948 : memref<1x1x64xi32, #tpu.memory_space<vmem>> -> memref<64xi32, #tpu.memory_space<vmem>>
      %dma_wait3A_950 = arith.constant 0 : i32
      %dma_wait3A_951 = arith.constant 0 : i32
      %dma_wait3A_952 = tpu.memref_slice %arg16[%dma_wait3A_950, %dma_wait3A_951] : memref<50048x32xbf16, #tpu.memory_space<vmem_shared>> -> memref<50048x32xbf16, #tpu.memory_space<vmem_shared>>
      tpu.wait_indirect_dma semaphore(%arg19 : memref<!tpu.dma_semaphore, #tpu.memory_space<semaphore_mem>>) src(%dma_wait3A_946 : memref<64x32xbf16, #tpu.memory_space<vmem>>) dst(%dma_wait3A_952 : memref<50048x32xbf16, #tpu.memory_space<vmem_shared>>)
      %dma_start3A_953 = arith.constant 0 : i32
      %dma_start3A_954 = arith.constant 0 : i32
      %dma_start3A_955 = arith.constant 2 : i32
      %dma_start3A_956 = arith.constant 128 : i32
      %dma_start3A_957 = arith.constant 0 : i32
      %dma_start3A_958 = tpu.memref_slice %arg13[%dma_start3A_953, %dma_start3A_956, %dma_start3A_957] : memref<2x256x32xbf16, #tpu.memory_space<vmem>> -> memref<1x64x32xbf16, #tpu.memory_space<vmem>>
      %dma_start3A_959 = tpu.memref_squeeze %dma_start3A_958 : memref<1x64x32xbf16, #tpu.memory_space<vmem>> -> memref<64x32xbf16, #tpu.memory_space<vmem>>
      %dma_start3A_960 = arith.constant 0 : i32
      %dma_start3A_961 = tpu.memref_slice %arg15[%dma_start3A_954, %dma_start3A_955, %dma_start3A_960] : memref<2x4x64xi32, #tpu.memory_space<vmem>> -> memref<1x1x64xi32, #tpu.memory_space<vmem>>
      %dma_start3A_962 = tpu.memref_squeeze %dma_start3A_961 : memref<1x1x64xi32, #tpu.memory_space<vmem>> -> memref<64xi32, #tpu.memory_space<vmem>>
      %dma_start3A_963 = arith.constant 0 : i32
      %dma_start3A_964 = arith.constant 0 : i32
      %dma_start3A_965 = tpu.memref_slice %arg16[%dma_start3A_963, %dma_start3A_964] : memref<50048x32xbf16, #tpu.memory_space<vmem_shared>> -> memref<50048x32xbf16, #tpu.memory_space<vmem_shared>>
      tpu.enqueue_indirect_dma source(%dma_start3A_959 : memref<64x32xbf16, #tpu.memory_space<vmem>>) target(%dma_start3A_965 : memref<50048x32xbf16, #tpu.memory_space<vmem_shared>>) offsets(%dma_start3A_962 : memref<64xi32, #tpu.memory_space<vmem>>) semaphore(%arg19 : memref<!tpu.dma_semaphore, #tpu.memory_space<semaphore_mem>>) {add = true}
      %dma_wait3A_966 = arith.constant 0 : i32
      %dma_wait3A_967 = arith.constant 0 : i32
      %dma_wait3A_968 = arith.constant 2 : i32
      %dma_wait3A_969 = arith.constant 128 : i32
      %dma_wait3A_970 = arith.constant 0 : i32
      %dma_wait3A_971 = tpu.memref_slice %arg13[%dma_wait3A_966, %dma_wait3A_969, %dma_wait3A_970] : memref<2x256x32xbf16, #tpu.memory_space<vmem>> -> memref<1x64x32xbf16, #tpu.memory_space<vmem>>
      %dma_wait3A_972 = tpu.memref_squeeze %dma_wait3A_971 : memref<1x64x32xbf16, #tpu.memory_space<vmem>> -> memref<64x32xbf16, #tpu.memory_space<vmem>>
      %dma_wait3A_973 = arith.constant 0 : i32
      %dma_wait3A_974 = tpu.memref_slice %arg15[%dma_wait3A_967, %dma_wait3A_968, %dma_wait3A_973] : memref<2x4x64xi32, #tpu.memory_space<vmem>> -> memref<1x1x64xi32, #tpu.memory_space<vmem>>
      %dma_wait3A_975 = tpu.memref_squeeze %dma_wait3A_974 : memref<1x1x64xi32, #tpu.memory_space<vmem>> -> memref<64xi32, #tpu.memory_space<vmem>>
      %dma_wait3A_976 = arith.constant 0 : i32
      %dma_wait3A_977 = arith.constant 0 : i32
      %dma_wait3A_978 = tpu.memref_slice %arg16[%dma_wait3A_976, %dma_wait3A_977] : memref<50048x32xbf16, #tpu.memory_space<vmem_shared>> -> memref<50048x32xbf16, #tpu.memory_space<vmem_shared>>
      tpu.wait_indirect_dma semaphore(%arg19 : memref<!tpu.dma_semaphore, #tpu.memory_space<semaphore_mem>>) src(%dma_wait3A_972 : memref<64x32xbf16, #tpu.memory_space<vmem>>) dst(%dma_wait3A_978 : memref<50048x32xbf16, #tpu.memory_space<vmem_shared>>)
      %dma_start3A_979 = arith.constant 0 : i32
      %dma_start3A_980 = arith.constant 0 : i32
      %dma_start3A_981 = arith.constant 3 : i32
      %dma_start3A_982 = arith.constant 192 : i32
      %dma_start3A_983 = arith.constant 0 : i32
      %dma_start3A_984 = tpu.memref_slice %arg13[%dma_start3A_979, %dma_start3A_982, %dma_start3A_983] : memref<2x256x32xbf16, #tpu.memory_space<vmem>> -> memref<1x64x32xbf16, #tpu.memory_space<vmem>>
      %dma_start3A_985 = tpu.memref_squeeze %dma_start3A_984 : memref<1x64x32xbf16, #tpu.memory_space<vmem>> -> memref<64x32xbf16, #tpu.memory_space<vmem>>
      %dma_start3A_986 = arith.constant 0 : i32
      %dma_start3A_987 = tpu.memref_slice %arg15[%dma_start3A_980, %dma_start3A_981, %dma_start3A_986] : memref<2x4x64xi32, #tpu.memory_space<vmem>> -> memref<1x1x64xi32, #tpu.memory_space<vmem>>
      %dma_start3A_988 = tpu.memref_squeeze %dma_start3A_987 : memref<1x1x64xi32, #tpu.memory_space<vmem>> -> memref<64xi32, #tpu.memory_space<vmem>>
      %dma_start3A_989 = arith.constant 0 : i32
      %dma_start3A_990 = arith.constant 0 : i32
      %dma_start3A_991 = tpu.memref_slice %arg16[%dma_start3A_989, %dma_start3A_990] : memref<50048x32xbf16, #tpu.memory_space<vmem_shared>> -> memref<50048x32xbf16, #tpu.memory_space<vmem_shared>>
      tpu.enqueue_indirect_dma source(%dma_start3A_985 : memref<64x32xbf16, #tpu.memory_space<vmem>>) target(%dma_start3A_991 : memref<50048x32xbf16, #tpu.memory_space<vmem_shared>>) offsets(%dma_start3A_988 : memref<64xi32, #tpu.memory_space<vmem>>) semaphore(%arg19 : memref<!tpu.dma_semaphore, #tpu.memory_space<semaphore_mem>>) {add = true}
      %dma_wait3A_992 = arith.constant 0 : i32
      %dma_wait3A_993 = arith.constant 0 : i32
      %dma_wait3A_994 = arith.constant 3 : i32
      %dma_wait3A_995 = arith.constant 192 : i32
      %dma_wait3A_996 = arith.constant 0 : i32
      %dma_wait3A_997 = tpu.memref_slice %arg13[%dma_wait3A_992, %dma_wait3A_995, %dma_wait3A_996] : memref<2x256x32xbf16, #tpu.memory_space<vmem>> -> memref<1x64x32xbf16, #tpu.memory_space<vmem>>
      %dma_wait3A_998 = tpu.memref_squeeze %dma_wait3A_997 : memref<1x64x32xbf16, #tpu.memory_space<vmem>> -> memref<64x32xbf16, #tpu.memory_space<vmem>>
      %dma_wait3A_999 = arith.constant 0 : i32
      %dma_wait3A_1000 = tpu.memref_slice %arg15[%dma_wait3A_993, %dma_wait3A_994, %dma_wait3A_999] : memref<2x4x64xi32, #tpu.memory_space<vmem>> -> memref<1x1x64xi32, #tpu.memory_space<vmem>>
      %dma_wait3A_1001 = tpu.memref_squeeze %dma_wait3A_1000 : memref<1x1x64xi32, #tpu.memory_space<vmem>> -> memref<64xi32, #tpu.memory_space<vmem>>
      %dma_wait3A_1002 = arith.constant 0 : i32
      %dma_wait3A_1003 = arith.constant 0 : i32
      %dma_wait3A_1004 = tpu.memref_slice %arg16[%dma_wait3A_1002, %dma_wait3A_1003] : memref<50048x32xbf16, #tpu.memory_space<vmem_shared>> -> memref<50048x32xbf16, #tpu.memory_space<vmem_shared>>
      tpu.wait_indirect_dma semaphore(%arg19 : memref<!tpu.dma_semaphore, #tpu.memory_space<semaphore_mem>>) src(%dma_wait3A_998 : memref<64x32xbf16, #tpu.memory_space<vmem>>) dst(%dma_wait3A_1004 : memref<50048x32xbf16, #tpu.memory_space<vmem_shared>>)
      %dma_start3A_1005 = arith.constant 0 : i32
      %dma_start3A_1006 = arith.constant 0 : i32
      %dma_start3A_1007 = arith.constant 0 : i32
      %dma_start3A_1008 = tpu.memref_slice %arg10[%dma_start3A_1005, %dma_start3A_1006, %dma_start3A_1007] : memref<2x64x128xf32, #tpu.memory_space<vmem>> -> memref<1x64x128xf32, #tpu.memory_space<vmem>>
      %dma_start3A_1009 = tpu.memref_squeeze %dma_start3A_1008 : memref<1x64x128xf32, #tpu.memory_space<vmem>> -> memref<64x128xf32, #tpu.memory_space<vmem>>
      %dma_start3A_1010 = arith.constant 0 : i32
      %dma_start3A_1011 = tpu.memref_slice %arg7[%mul3A_900, %dma_start3A_1010] : memref<204800x128xf32, #tpu.memory_space<hbm>> -> memref<64x128xf32, #tpu.memory_space<hbm>>
      %dma_start3A_1012 = arith.constant 0 : i32
      %dma_start3A_1013 = tpu.memref_slice %arg7[%mul3A_900, %dma_start3A_1012] : memref<204800x128xf32, #tpu.memory_space<hbm>> -> memref<64x128xf32, #tpu.memory_space<hbm>>
      %dma_start3A_1014 = arith.constant 0 : i32
      %dma_start3A_1015 = arith.constant 0 : i32
      %dma_start3A_1016 = tpu.memref_slice %arg10[%dma_start3A_1005, %dma_start3A_1014, %dma_start3A_1015] : memref<2x64x128xf32, #tpu.memory_space<vmem>> -> memref<1x64x128xf32, #tpu.memory_space<vmem>>
      %dma_start3A_1017 = tpu.memref_squeeze %dma_start3A_1016 : memref<1x64x128xf32, #tpu.memory_space<vmem>> -> memref<64x128xf32, #tpu.memory_space<vmem>>
      tpu.enqueue_dma source(%dma_start3A_1017 : memref<64x128xf32, #tpu.memory_space<vmem>>) target(%dma_start3A_1013 : memref<64x128xf32, #tpu.memory_space<hbm>>) target_semaphore(%arg19 : memref<!tpu.dma_semaphore, #tpu.memory_space<semaphore_mem>>)
      %dma_wait3A_1018 = arith.constant 0 : i32
      %dma_wait3A_1019 = arith.constant 0 : i32
      %dma_wait3A_1020 = arith.constant 0 : i32
      %dma_wait3A_1021 = tpu.memref_slice %arg10[%dma_wait3A_1018, %dma_wait3A_1019, %dma_wait3A_1020] : memref<2x64x128xf32, #tpu.memory_space<vmem>> -> memref<1x64x128xf32, #tpu.memory_space<vmem>>
      %dma_wait3A_1022 = tpu.memref_squeeze %dma_wait3A_1021 : memref<1x64x128xf32, #tpu.memory_space<vmem>> -> memref<64x128xf32, #tpu.memory_space<vmem>>
      %dma_wait3A_1023 = arith.constant 0 : i32
      %dma_wait3A_1024 = tpu.memref_slice %arg7[%mul3A_900, %dma_wait3A_1023] : memref<204800x128xf32, #tpu.memory_space<hbm>> -> memref<64x128xf32, #tpu.memory_space<hbm>>
      %dma_wait3A_1025 = arith.constant 0 : i32
      %dma_wait3A_1026 = tpu.memref_slice %arg7[%mul3A_900, %dma_wait3A_1025] : memref<204800x128xf32, #tpu.memory_space<hbm>> -> memref<64x128xf32, #tpu.memory_space<hbm>>
      %dma_wait3A_1027 = arith.constant 0 : i32
      %dma_wait3A_1028 = arith.constant 0 : i32
      %dma_wait3A_1029 = tpu.memref_slice %arg10[%dma_wait3A_1018, %dma_wait3A_1027, %dma_wait3A_1028] : memref<2x64x128xf32, #tpu.memory_space<vmem>> -> memref<1x64x128xf32, #tpu.memory_space<vmem>>
      %dma_wait3A_1030 = tpu.memref_squeeze %dma_wait3A_1029 : memref<1x64x128xf32, #tpu.memory_space<vmem>> -> memref<64x128xf32, #tpu.memory_space<vmem>>
      tpu.wait_dma2 semaphore(%arg19 : memref<!tpu.dma_semaphore, #tpu.memory_space<semaphore_mem>>) src(%dma_wait3A_1030 : memref<64x128xf32, #tpu.memory_space<vmem>>) dst(%dma_wait3A_1026 : memref<64x128xf32, #tpu.memory_space<hbm>>)
      %scan3A_1031 = arith.constant 0 : i32
      %scan3A_1032 = arith.constant 0 : i32
      %scan3A_1033 = arith.constant 64 : i32
      %scan3A_1034 = arith.addi %scan3A_1032, %scan3A_1033 : i32
      %scan3A_1035 = arith.constant 1 : i32
      scf.for %scan3A_1169 = %scan3A_1032 to %scan3A_1034 step %scan3A_1035  : i32 {
        %get3A = arith.constant 1 : i32
        %get3A_1170 = arith.index_cast %get3A : i32 to index
        %get3A_1171 = arith.index_cast %scan3A_1169 : i32 to index
        %get3A_1172 = arith.constant 0 : index
        %get3A_1173 = tpu.vector_load %arg9[%get3A_1170, %get3A_1171, %get3A_1172] {strides = array<i32>} : memref<2x64x128xf32, #tpu.memory_space<vmem>>, vector<16xf32>,
        %get3A_1174 = arith.constant 1 : i32
        %get3A_1175 = arith.index_cast %get3A_1174 : i32 to index
        %get3A_1176 = arith.index_cast %scan3A_1169 : i32 to index
        %get3A_1177 = arith.constant 16 : index
        %get3A_1178 = tpu.vector_load %arg9[%get3A_1175, %get3A_1176, %get3A_1177] {strides = array<i32>} : memref<2x64x128xf32, #tpu.memory_space<vmem>>, vector<16xf32>,
        %add3A_1179 = arith.constant 0 : i32
        %add3A_1180 = arith.addi %add3A_1179, %scan3A_1169 : i32
        %get3A_1181 = arith.constant 1 : i32
        %get3A_1182 = arith.index_cast %get3A_1181 : i32 to index
        %get3A_1183 = arith.index_cast %add3A_1180 : i32 to index
        %get3A_1184 = arith.constant 0 : index
        %get3A_1185 = tpu.vector_load %arg11[%get3A_1182, %get3A_1183, %get3A_1184] {strides = array<i32>} : memref<2x256x32xbf16, #tpu.memory_space<vmem>>, vector<32xbf16>,
        %unpack3A = tpu.unpack_subelements %get3A_1185, 0 {pack_format = #tpu.pack_format<interleaved>} : vector<32xbf16> -> vector<16xf32>
        %unpack3A_1186 = tpu.unpack_subelements %get3A_1185, 1 {pack_format = #tpu.pack_format<interleaved>} : vector<32xbf16> -> vector<16xf32>
        %add3A_1187 = arith.constant 0 : i32
        %add3A_1188 = arith.addi %add3A_1187, %scan3A_1169 : i32
        %get3A_1189 = arith.constant 1 : i32
        %get3A_1190 = arith.index_cast %get3A_1189 : i32 to index
        %get3A_1191 = arith.index_cast %add3A_1188 : i32 to index
        %get3A_1192 = arith.constant 0 : index
        %get3A_1193 = tpu.vector_load %arg12[%get3A_1190, %get3A_1191, %get3A_1192] {strides = array<i32>} : memref<2x256x32xbf16, #tpu.memory_space<vmem>>, vector<32xbf16>,
        %unpack3A_1194 = tpu.unpack_subelements %get3A_1193, 0 {pack_format = #tpu.pack_format<interleaved>} : vector<32xbf16> -> vector<16xf32>
        %unpack3A_1195 = tpu.unpack_subelements %get3A_1193, 1 {pack_format = #tpu.pack_format<interleaved>} : vector<32xbf16> -> vector<16xf32>
        %add3A_1196 = arith.addf %get3A_1173, %unpack3A : vector<16xf32>
        %add3A_1197 = arith.addf %add3A_1196, %unpack3A_1194 : vector<16xf32>
        %max3A = arith.constant 0.000000e+00 : f32
        %max3A_1198 = vector.broadcast %max3A : f32 to vector<16xf32>
        %max3A_1199 = arith.maximumf %add3A_1197, %max3A_1198 : vector<16xf32>
        %add3A_1200 = arith.addf %get3A_1178, %unpack3A_1186 : vector<16xf32>
        %add3A_1201 = arith.addf %add3A_1200, %unpack3A_1195 : vector<16xf32>
        %max3A_1202 = arith.constant 0.000000e+00 : f32
        %max3A_1203 = vector.broadcast %max3A_1202 : f32 to vector<16xf32>
        %max3A_1204 = arith.maximumf %add3A_1201, %max3A_1203 : vector<16xf32>
        %swap3A = arith.constant 1 : i32
        %swap3A_1205 = arith.index_cast %swap3A : i32 to index
        %swap3A_1206 = arith.index_cast %scan3A_1169 : i32 to index
        %swap3A_1207 = arith.constant 0 : index
        %swap3A_1208 = tpu.vector_load %arg10[%swap3A_1205, %swap3A_1206, %swap3A_1207] {strides = array<i32>} : memref<2x64x128xf32, #tpu.memory_space<vmem>>, vector<16xf32>,
        tpu.vector_store %arg10[%swap3A_1205, %swap3A_1206, %swap3A_1207], %max3A_1199 {strides = array<i32>} : memref<2x64x128xf32, #tpu.memory_space<vmem>>, vector<16xf32>,
        %swap3A_1209 = arith.constant 1 : i32
        %swap3A_1210 = arith.index_cast %swap3A_1209 : i32 to index
        %swap3A_1211 = arith.index_cast %scan3A_1169 : i32 to index
        %swap3A_1212 = arith.constant 16 : index
        %swap3A_1213 = tpu.vector_load %arg10[%swap3A_1210, %swap3A_1211, %swap3A_1212] {strides = array<i32>} : memref<2x64x128xf32, #tpu.memory_space<vmem>>, vector<16xf32>,
        tpu.vector_store %arg10[%swap3A_1210, %swap3A_1211, %swap3A_1212], %max3A_1204 {strides = array<i32>} : memref<2x64x128xf32, #tpu.memory_space<vmem>>, vector<16xf32>,
        %pack3A = tpu.pack_subelements %max3A_1199, %max3A_1204 {pack_format = #tpu.pack_format<interleaved>, positions = array<i32: 0, 1>} : vector<16xf32>, vector<16xf32> -> vector<32xbf16>
        %add3A_1214 = arith.constant 0 : i32
        %add3A_1215 = arith.addi %add3A_1214, %scan3A_1169 : i32
        %swap3A_1216 = arith.constant 1 : i32
        %swap3A_1217 = arith.index_cast %swap3A_1216 : i32 to index
        %swap3A_1218 = arith.index_cast %add3A_1215 : i32 to index
        %swap3A_1219 = arith.constant 0 : index
        %swap3A_1220 = tpu.vector_load %arg13[%swap3A_1217, %swap3A_1218, %swap3A_1219] {strides = array<i32>} : memref<2x256x32xbf16, #tpu.memory_space<vmem>>, vector<32xbf16>,
        tpu.vector_store %arg13[%swap3A_1217, %swap3A_1218, %swap3A_1219], %pack3A {strides = array<i32>} : memref<2x256x32xbf16, #tpu.memory_space<vmem>>, vector<32xbf16>,
        %get3A_1221 = arith.constant 1 : i32
        %get3A_1222 = arith.index_cast %get3A_1221 : i32 to index
        %get3A_1223 = arith.index_cast %scan3A_1169 : i32 to index
        %get3A_1224 = arith.constant 32 : index
        %get3A_1225 = tpu.vector_load %arg9[%get3A_1222, %get3A_1223, %get3A_1224] {strides = array<i32>} : memref<2x64x128xf32, #tpu.memory_space<vmem>>, vector<16xf32>,
        %get3A_1226 = arith.constant 1 : i32
        %get3A_1227 = arith.index_cast %get3A_1226 : i32 to index
        %get3A_1228 = arith.index_cast %scan3A_1169 : i32 to index
        %get3A_1229 = arith.constant 48 : index
        %get3A_1230 = tpu.vector_load %arg9[%get3A_1227, %get3A_1228, %get3A_1229] {strides = array<i32>} : memref<2x64x128xf32, #tpu.memory_space<vmem>>, vector<16xf32>,
        %add3A_1231 = arith.constant 64 : i32
        %add3A_1232 = arith.addi %add3A_1231, %scan3A_1169 : i32
        %get3A_1233 = arith.constant 1 : i32
        %get3A_1234 = arith.index_cast %get3A_1233 : i32 to index
        %get3A_1235 = arith.index_cast %add3A_1232 : i32 to index
        %get3A_1236 = arith.constant 0 : index
        %get3A_1237 = tpu.vector_load %arg11[%get3A_1234, %get3A_1235, %get3A_1236] {strides = array<i32>} : memref<2x256x32xbf16, #tpu.memory_space<vmem>>, vector<32xbf16>,
        %unpack3A_1238 = tpu.unpack_subelements %get3A_1237, 0 {pack_format = #tpu.pack_format<interleaved>} : vector<32xbf16> -> vector<16xf32>
        %unpack3A_1239 = tpu.unpack_subelements %get3A_1237, 1 {pack_format = #tpu.pack_format<interleaved>} : vector<32xbf16> -> vector<16xf32>
        %add3A_1240 = arith.constant 64 : i32
        %add3A_1241 = arith.addi %add3A_1240, %scan3A_1169 : i32
        %get3A_1242 = arith.constant 1 : i32
        %get3A_1243 = arith.index_cast %get3A_1242 : i32 to index
        %get3A_1244 = arith.index_cast %add3A_1241 : i32 to index
        %get3A_1245 = arith.constant 0 : index
        %get3A_1246 = tpu.vector_load %arg12[%get3A_1243, %get3A_1244, %get3A_1245] {strides = array<i32>} : memref<2x256x32xbf16, #tpu.memory_space<vmem>>, vector<32xbf16>,
        %unpack3A_1247 = tpu.unpack_subelements %get3A_1246, 0 {pack_format = #tpu.pack_format<interleaved>} : vector<32xbf16> -> vector<16xf32>
        %unpack3A_1248 = tpu.unpack_subelements %get3A_1246, 1 {pack_format = #tpu.pack_format<interleaved>} : vector<32xbf16> -> vector<16xf32>
        %add3A_1249 = arith.addf %get3A_1225, %unpack3A_1238 : vector<16xf32>
        %add3A_1250 = arith.addf %add3A_1249, %unpack3A_1247 : vector<16xf32>
        %max3A_1251 = arith.constant 0.000000e+00 : f32
        %max3A_1252 = vector.broadcast %max3A_1251 : f32 to vector<16xf32>
        %max3A_1253 = arith.maximumf %add3A_1250, %max3A_1252 : vector<16xf32>
        %add3A_1254 = arith.addf %get3A_1230, %unpack3A_1239 : vector<16xf32>
        %add3A_1255 = arith.addf %add3A_1254, %unpack3A_1248 : vector<16xf32>
        %max3A_1256 = arith.constant 0.000000e+00 : f32
        %max3A_1257 = vector.broadcast %max3A_1256 : f32 to vector<16xf32>
        %max3A_1258 = arith.maximumf %add3A_1255, %max3A_1257 : vector<16xf32>
        %swap3A_1259 = arith.constant 1 : i32
        %swap3A_1260 = arith.index_cast %swap3A_1259 : i32 to index
        %swap3A_1261 = arith.index_cast %scan3A_1169 : i32 to index
        %swap3A_1262 = arith.constant 32 : index
        %swap3A_1263 = tpu.vector_load %arg10[%swap3A_1260, %swap3A_1261, %swap3A_1262] {strides = array<i32>} : memref<2x64x128xf32, #tpu.memory_space<vmem>>, vector<16xf32>,
        tpu.vector_store %arg10[%swap3A_1260, %swap3A_1261, %swap3A_1262], %max3A_1253 {strides = array<i32>} : memref<2x64x128xf32, #tpu.memory_space<vmem>>, vector<16xf32>,
        %swap3A_1264 = arith.constant 1 : i32
        %swap3A_1265 = arith.index_cast %swap3A_1264 : i32 to index
        %swap3A_1266 = arith.index_cast %scan3A_1169 : i32 to index
        %swap3A_1267 = arith.constant 48 : index
        %swap3A_1268 = tpu.vector_load %arg10[%swap3A_1265, %swap3A_1266, %swap3A_1267] {strides = array<i32>} : memref<2x64x128xf32, #tpu.memory_space<vmem>>, vector<16xf32>,
        tpu.vector_store %arg10[%swap3A_1265, %swap3A_1266, %swap3A_1267], %max3A_1258 {strides = array<i32>} : memref<2x64x128xf32, #tpu.memory_space<vmem>>, vector<16xf32>,
        %pack3A_1269 = tpu.pack_subelements %max3A_1253, %max3A_1258 {pack_format = #tpu.pack_format<interleaved>, positions = array<i32: 0, 1>} : vector<16xf32>, vector<16xf32> -> vector<32xbf16>
        %add3A_1270 = arith.constant 64 : i32
        %add3A_1271 = arith.addi %add3A_1270, %scan3A_1169 : i32
        %swap3A_1272 = arith.constant 1 : i32
        %swap3A_1273 = arith.index_cast %swap3A_1272 : i32 to index
        %swap3A_1274 = arith.index_cast %add3A_1271 : i32 to index
        %swap3A_1275 = arith.constant 0 : index
        %swap3A_1276 = tpu.vector_load %arg13[%swap3A_1273, %swap3A_1274, %swap3A_1275] {strides = array<i32>} : memref<2x256x32xbf16, #tpu.memory_space<vmem>>, vector<32xbf16>,
        tpu.vector_store %arg13[%swap3A_1273, %swap3A_1274, %swap3A_1275], %pack3A_1269 {strides = array<i32>} : memref<2x256x32xbf16, #tpu.memory_space<vmem>>, vector<32xbf16>,
        %get3A_1277 = arith.constant 1 : i32
        %get3A_1278 = arith.index_cast %get3A_1277 : i32 to index
        %get3A_1279 = arith.index_cast %scan3A_1169 : i32 to index
        %get3A_1280 = arith.constant 64 : index
        %get3A_1281 = tpu.vector_load %arg9[%get3A_1278, %get3A_1279, %get3A_1280] {strides = array<i32>} : memref<2x64x128xf32, #tpu.memory_space<vmem>>, vector<16xf32>,
        %get3A_1282 = arith.constant 1 : i32
        %get3A_1283 = arith.index_cast %get3A_1282 : i32 to index
        %get3A_1284 = arith.index_cast %scan3A_1169 : i32 to index
        %get3A_1285 = arith.constant 80 : index
        %get3A_1286 = tpu.vector_load %arg9[%get3A_1283, %get3A_1284, %get3A_1285] {strides = array<i32>} : memref<2x64x128xf32, #tpu.memory_space<vmem>>, vector<16xf32>,
        %add3A_1287 = arith.constant 128 : i32
        %add3A_1288 = arith.addi %add3A_1287, %scan3A_1169 : i32
        %get3A_1289 = arith.constant 1 : i32
        %get3A_1290 = arith.index_cast %get3A_1289 : i32 to index
        %get3A_1291 = arith.index_cast %add3A_1288 : i32 to index
        %get3A_1292 = arith.constant 0 : index
        %get3A_1293 = tpu.vector_load %arg11[%get3A_1290, %get3A_1291, %get3A_1292] {strides = array<i32>} : memref<2x256x32xbf16, #tpu.memory_space<vmem>>, vector<32xbf16>,
        %unpack3A_1294 = tpu.unpack_subelements %get3A_1293, 0 {pack_format = #tpu.pack_format<interleaved>} : vector<32xbf16> -> vector<16xf32>
        %unpack3A_1295 = tpu.unpack_subelements %get3A_1293, 1 {pack_format = #tpu.pack_format<interleaved>} : vector<32xbf16> -> vector<16xf32>
        %add3A_1296 = arith.constant 128 : i32
        %add3A_1297 = arith.addi %add3A_1296, %scan3A_1169 : i32
        %get3A_1298 = arith.constant 1 : i32
        %get3A_1299 = arith.index_cast %get3A_1298 : i32 to index
        %get3A_1300 = arith.index_cast %add3A_1297 : i32 to index
        %get3A_1301 = arith.constant 0 : index
        %get3A_1302 = tpu.vector_load %arg12[%get3A_1299, %get3A_1300, %get3A_1301] {strides = array<i32>} : memref<2x256x32xbf16, #tpu.memory_space<vmem>>, vector<32xbf16>,
        %unpack3A_1303 = tpu.unpack_subelements %get3A_1302, 0 {pack_format = #tpu.pack_format<interleaved>} : vector<32xbf16> -> vector<16xf32>
        %unpack3A_1304 = tpu.unpack_subelements %get3A_1302, 1 {pack_format = #tpu.pack_format<interleaved>} : vector<32xbf16> -> vector<16xf32>
        %add3A_1305 = arith.addf %get3A_1281, %unpack3A_1294 : vector<16xf32>
        %add3A_1306 = arith.addf %add3A_1305, %unpack3A_1303 : vector<16xf32>
        %max3A_1307 = arith.constant 0.000000e+00 : f32
        %max3A_1308 = vector.broadcast %max3A_1307 : f32 to vector<16xf32>
        %max3A_1309 = arith.maximumf %add3A_1306, %max3A_1308 : vector<16xf32>
        %add3A_1310 = arith.addf %get3A_1286, %unpack3A_1295 : vector<16xf32>
        %add3A_1311 = arith.addf %add3A_1310, %unpack3A_1304 : vector<16xf32>
        %max3A_1312 = arith.constant 0.000000e+00 : f32
        %max3A_1313 = vector.broadcast %max3A_1312 : f32 to vector<16xf32>
        %max3A_1314 = arith.maximumf %add3A_1311, %max3A_1313 : vector<16xf32>
        %swap3A_1315 = arith.constant 1 : i32
        %swap3A_1316 = arith.index_cast %swap3A_1315 : i32 to index
        %swap3A_1317 = arith.index_cast %scan3A_1169 : i32 to index
        %swap3A_1318 = arith.constant 64 : index
        %swap3A_1319 = tpu.vector_load %arg10[%swap3A_1316, %swap3A_1317, %swap3A_1318] {strides = array<i32>} : memref<2x64x128xf32, #tpu.memory_space<vmem>>, vector<16xf32>,
        tpu.vector_store %arg10[%swap3A_1316, %swap3A_1317, %swap3A_1318], %max3A_1309 {strides = array<i32>} : memref<2x64x128xf32, #tpu.memory_space<vmem>>, vector<16xf32>,
        %swap3A_1320 = arith.constant 1 : i32
        %swap3A_1321 = arith.index_cast %swap3A_1320 : i32 to index
        %swap3A_1322 = arith.index_cast %scan3A_1169 : i32 to index
        %swap3A_1323 = arith.constant 80 : index
        %swap3A_1324 = tpu.vector_load %arg10[%swap3A_1321, %swap3A_1322, %swap3A_1323] {strides = array<i32>} : memref<2x64x128xf32, #tpu.memory_space<vmem>>, vector<16xf32>,
        tpu.vector_store %arg10[%swap3A_1321, %swap3A_1322, %swap3A_1323], %max3A_1314 {strides = array<i32>} : memref<2x64x128xf32, #tpu.memory_space<vmem>>, vector<16xf32>,
        %pack3A_1325 = tpu.pack_subelements %max3A_1309, %max3A_1314 {pack_format = #tpu.pack_format<interleaved>, positions = array<i32: 0, 1>} : vector<16xf32>, vector<16xf32> -> vector<32xbf16>
        %add3A_1326 = arith.constant 128 : i32
        %add3A_1327 = arith.addi %add3A_1326, %scan3A_1169 : i32
        %swap3A_1328 = arith.constant 1 : i32
        %swap3A_1329 = arith.index_cast %swap3A_1328 : i32 to index
        %swap3A_1330 = arith.index_cast %add3A_1327 : i32 to index
        %swap3A_1331 = arith.constant 0 : index
        %swap3A_1332 = tpu.vector_load %arg13[%swap3A_1329, %swap3A_1330, %swap3A_1331] {strides = array<i32>} : memref<2x256x32xbf16, #tpu.memory_space<vmem>>, vector<32xbf16>,
        tpu.vector_store %arg13[%swap3A_1329, %swap3A_1330, %swap3A_1331], %pack3A_1325 {strides = array<i32>} : memref<2x256x32xbf16, #tpu.memory_space<vmem>>, vector<32xbf16>,
        %get3A_1333 = arith.constant 1 : i32
        %get3A_1334 = arith.index_cast %get3A_1333 : i32 to index
        %get3A_1335 = arith.index_cast %scan3A_1169 : i32 to index
        %get3A_1336 = arith.constant 96 : index
        %get3A_1337 = tpu.vector_load %arg9[%get3A_1334, %get3A_1335, %get3A_1336] {strides = array<i32>} : memref<2x64x128xf32, #tpu.memory_space<vmem>>, vector<16xf32>,
        %get3A_1338 = arith.constant 1 : i32
        %get3A_1339 = arith.index_cast %get3A_1338 : i32 to index
        %get3A_1340 = arith.index_cast %scan3A_1169 : i32 to index
        %get3A_1341 = arith.constant 112 : index
        %get3A_1342 = tpu.vector_load %arg9[%get3A_1339, %get3A_1340, %get3A_1341] {strides = array<i32>} : memref<2x64x128xf32, #tpu.memory_space<vmem>>, vector<16xf32>,
        %add3A_1343 = arith.constant 192 : i32
        %add3A_1344 = arith.addi %add3A_1343, %scan3A_1169 : i32
        %get3A_1345 = arith.constant 1 : i32
        %get3A_1346 = arith.index_cast %get3A_1345 : i32 to index
        %get3A_1347 = arith.index_cast %add3A_1344 : i32 to index
        %get3A_1348 = arith.constant 0 : index
        %get3A_1349 = tpu.vector_load %arg11[%get3A_1346, %get3A_1347, %get3A_1348] {strides = array<i32>} : memref<2x256x32xbf16, #tpu.memory_space<vmem>>, vector<32xbf16>,
        %unpack3A_1350 = tpu.unpack_subelements %get3A_1349, 0 {pack_format = #tpu.pack_format<interleaved>} : vector<32xbf16> -> vector<16xf32>
        %unpack3A_1351 = tpu.unpack_subelements %get3A_1349, 1 {pack_format = #tpu.pack_format<interleaved>} : vector<32xbf16> -> vector<16xf32>
        %add3A_1352 = arith.constant 192 : i32
        %add3A_1353 = arith.addi %add3A_1352, %scan3A_1169 : i32
        %get3A_1354 = arith.constant 1 : i32
        %get3A_1355 = arith.index_cast %get3A_1354 : i32 to index
        %get3A_1356 = arith.index_cast %add3A_1353 : i32 to index
        %get3A_1357 = arith.constant 0 : index
        %get3A_1358 = tpu.vector_load %arg12[%get3A_1355, %get3A_1356, %get3A_1357] {strides = array<i32>} : memref<2x256x32xbf16, #tpu.memory_space<vmem>>, vector<32xbf16>,
        %unpack3A_1359 = tpu.unpack_subelements %get3A_1358, 0 {pack_format = #tpu.pack_format<interleaved>} : vector<32xbf16> -> vector<16xf32>
        %unpack3A_1360 = tpu.unpack_subelements %get3A_1358, 1 {pack_format = #tpu.pack_format<interleaved>} : vector<32xbf16> -> vector<16xf32>
        %add3A_1361 = arith.addf %get3A_1337, %unpack3A_1350 : vector<16xf32>
        %add3A_1362 = arith.addf %add3A_1361, %unpack3A_1359 : vector<16xf32>
        %max3A_1363 = arith.constant 0.000000e+00 : f32
        %max3A_1364 = vector.broadcast %max3A_1363 : f32 to vector<16xf32>
        %max3A_1365 = arith.maximumf %add3A_1362, %max3A_1364 : vector<16xf32>
        %add3A_1366 = arith.addf %get3A_1342, %unpack3A_1351 : vector<16xf32>
        %add3A_1367 = arith.addf %add3A_1366, %unpack3A_1360 : vector<16xf32>
        %max3A_1368 = arith.constant 0.000000e+00 : f32
        %max3A_1369 = vector.broadcast %max3A_1368 : f32 to vector<16xf32>
        %max3A_1370 = arith.maximumf %add3A_1367, %max3A_1369 : vector<16xf32>
        %swap3A_1371 = arith.constant 1 : i32
        %swap3A_1372 = arith.index_cast %swap3A_1371 : i32 to index
        %swap3A_1373 = arith.index_cast %scan3A_1169 : i32 to index
        %swap3A_1374 = arith.constant 96 : index
        %swap3A_1375 = tpu.vector_load %arg10[%swap3A_1372, %swap3A_1373, %swap3A_1374] {strides = array<i32>} : memref<2x64x128xf32, #tpu.memory_space<vmem>>, vector<16xf32>,
        tpu.vector_store %arg10[%swap3A_1372, %swap3A_1373, %swap3A_1374], %max3A_1365 {strides = array<i32>} : memref<2x64x128xf32, #tpu.memory_space<vmem>>, vector<16xf32>,
        %swap3A_1376 = arith.constant 1 : i32
        %swap3A_1377 = arith.index_cast %swap3A_1376 : i32 to index
        %swap3A_1378 = arith.index_cast %scan3A_1169 : i32 to index
        %swap3A_1379 = arith.constant 112 : index
        %swap3A_1380 = tpu.vector_load %arg10[%swap3A_1377, %swap3A_1378, %swap3A_1379] {strides = array<i32>} : memref<2x64x128xf32, #tpu.memory_space<vmem>>, vector<16xf32>,
        tpu.vector_store %arg10[%swap3A_1377, %swap3A_1378, %swap3A_1379], %max3A_1370 {strides = array<i32>} : memref<2x64x128xf32, #tpu.memory_space<vmem>>, vector<16xf32>,
        %pack3A_1381 = tpu.pack_subelements %max3A_1365, %max3A_1370 {pack_format = #tpu.pack_format<interleaved>, positions = array<i32: 0, 1>} : vector<16xf32>, vector<16xf32> -> vector<32xbf16>
        %add3A_1382 = arith.constant 192 : i32
        %add3A_1383 = arith.addi %add3A_1382, %scan3A_1169 : i32
        %swap3A_1384 = arith.constant 1 : i32
        %swap3A_1385 = arith.index_cast %swap3A_1384 : i32 to index
        %swap3A_1386 = arith.index_cast %add3A_1383 : i32 to index
        %swap3A_1387 = arith.constant 0 : index
        %swap3A_1388 = tpu.vector_load %arg13[%swap3A_1385, %swap3A_1386, %swap3A_1387] {strides = array<i32>} : memref<2x256x32xbf16, #tpu.memory_space<vmem>>, vector<32xbf16>,
        tpu.vector_store %arg13[%swap3A_1385, %swap3A_1386, %swap3A_1387], %pack3A_1381 {strides = array<i32>} : memref<2x256x32xbf16, #tpu.memory_space<vmem>>, vector<32xbf16>,
      }
      %scan3A_1036 = arith.constant 64 : i32
      %mul3A_1037 = arith.constant 64 : i32
      %mul3A_1038 = arith.muli %add3A_64, %mul3A_1037 : i32
      %dma_start3A_1039 = arith.constant 1 : i32
      %dma_start3A_1040 = arith.constant 1 : i32
      %dma_start3A_1041 = arith.constant 0 : i32
      %dma_start3A_1042 = arith.constant 0 : i32
      %dma_start3A_1043 = arith.constant 0 : i32
      %dma_start3A_1044 = tpu.memref_slice %arg13[%dma_start3A_1039, %dma_start3A_1042, %dma_start3A_1043] : memref<2x256x32xbf16, #tpu.memory_space<vmem>> -> memref<1x64x32xbf16, #tpu.memory_space<vmem>>
      %dma_start3A_1045 = tpu.memref_squeeze %dma_start3A_1044 : memref<1x64x32xbf16, #tpu.memory_space<vmem>> -> memref<64x32xbf16, #tpu.memory_space<vmem>>
      %dma_start3A_1046 = arith.constant 0 : i32
      %dma_start3A_1047 = tpu.memref_slice %arg15[%dma_start3A_1040, %dma_start3A_1041, %dma_start3A_1046] : memref<2x4x64xi32, #tpu.memory_space<vmem>> -> memref<1x1x64xi32, #tpu.memory_space<vmem>>
      %dma_start3A_1048 = tpu.memref_squeeze %dma_start3A_1047 : memref<1x1x64xi32, #tpu.memory_space<vmem>> -> memref<64xi32, #tpu.memory_space<vmem>>
      %dma_start3A_1049 = arith.constant 0 : i32
      %dma_start3A_1050 = arith.constant 0 : i32
      %dma_start3A_1051 = tpu.memref_slice %arg16[%dma_start3A_1049, %dma_start3A_1050] : memref<50048x32xbf16, #tpu.memory_space<vmem_shared>> -> memref<50048x32xbf16, #tpu.memory_space<vmem_shared>>
      tpu.enqueue_indirect_dma source(%dma_start3A_1045 : memref<64x32xbf16, #tpu.memory_space<vmem>>) target(%dma_start3A_1051 : memref<50048x32xbf16, #tpu.memory_space<vmem_shared>>) offsets(%dma_start3A_1048 : memref<64xi32, #tpu.memory_space<vmem>>) semaphore(%arg20 : memref<!tpu.dma_semaphore, #tpu.memory_space<semaphore_mem>>) {add = true}
      %dma_wait3A_1052 = arith.constant 1 : i32
      %dma_wait3A_1053 = arith.constant 1 : i32
      %dma_wait3A_1054 = arith.constant 0 : i32
      %dma_wait3A_1055 = arith.constant 0 : i32
      %dma_wait3A_1056 = arith.constant 0 : i32
      %dma_wait3A_1057 = tpu.memref_slice %arg13[%dma_wait3A_1052, %dma_wait3A_1055, %dma_wait3A_1056] : memref<2x256x32xbf16, #tpu.memory_space<vmem>> -> memref<1x64x32xbf16, #tpu.memory_space<vmem>>
      %dma_wait3A_1058 = tpu.memref_squeeze %dma_wait3A_1057 : memref<1x64x32xbf16, #tpu.memory_space<vmem>> -> memref<64x32xbf16, #tpu.memory_space<vmem>>
      %dma_wait3A_1059 = arith.constant 0 : i32
      %dma_wait3A_1060 = tpu.memref_slice %arg15[%dma_wait3A_1053, %dma_wait3A_1054, %dma_wait3A_1059] : memref<2x4x64xi32, #tpu.memory_space<vmem>> -> memref<1x1x64xi32, #tpu.memory_space<vmem>>
      %dma_wait3A_1061 = tpu.memref_squeeze %dma_wait3A_1060 : memref<1x1x64xi32, #tpu.memory_space<vmem>> -> memref<64xi32, #tpu.memory_space<vmem>>
      %dma_wait3A_1062 = arith.constant 0 : i32
      %dma_wait3A_1063 = arith.constant 0 : i32
      %dma_wait3A_1064 = tpu.memref_slice %arg16[%dma_wait3A_1062, %dma_wait3A_1063] : memref<50048x32xbf16, #tpu.memory_space<vmem_shared>> -> memref<50048x32xbf16, #tpu.memory_space<vmem_shared>>
      tpu.wait_indirect_dma semaphore(%arg20 : memref<!tpu.dma_semaphore, #tpu.memory_space<semaphore_mem>>) src(%dma_wait3A_1058 : memref<64x32xbf16, #tpu.memory_space<vmem>>) dst(%dma_wait3A_1064 : memref<50048x32xbf16, #tpu.memory_space<vmem_shared>>)
      %dma_start3A_1065 = arith.constant 1 : i32
      %dma_start3A_1066 = arith.constant 1 : i32
      %dma_start3A_1067 = arith.constant 1 : i32
      %dma_start3A_1068 = arith.constant 64 : i32
      %dma_start3A_1069 = arith.constant 0 : i32
      %dma_start3A_1070 = tpu.memref_slice %arg13[%dma_start3A_1065, %dma_start3A_1068, %dma_start3A_1069] : memref<2x256x32xbf16, #tpu.memory_space<vmem>> -> memref<1x64x32xbf16, #tpu.memory_space<vmem>>
      %dma_start3A_1071 = tpu.memref_squeeze %dma_start3A_1070 : memref<1x64x32xbf16, #tpu.memory_space<vmem>> -> memref<64x32xbf16, #tpu.memory_space<vmem>>
      %dma_start3A_1072 = arith.constant 0 : i32
      %dma_start3A_1073 = tpu.memref_slice %arg15[%dma_start3A_1066, %dma_start3A_1067, %dma_start3A_1072] : memref<2x4x64xi32, #tpu.memory_space<vmem>> -> memref<1x1x64xi32, #tpu.memory_space<vmem>>
      %dma_start3A_1074 = tpu.memref_squeeze %dma_start3A_1073 : memref<1x1x64xi32, #tpu.memory_space<vmem>> -> memref<64xi32, #tpu.memory_space<vmem>>
      %dma_start3A_1075 = arith.constant 0 : i32
      %dma_start3A_1076 = arith.constant 0 : i32
      %dma_start3A_1077 = tpu.memref_slice %arg16[%dma_start3A_1075, %dma_start3A_1076] : memref<50048x32xbf16, #tpu.memory_space<vmem_shared>> -> memref<50048x32xbf16, #tpu.memory_space<vmem_shared>>
      tpu.enqueue_indirect_dma source(%dma_start3A_1071 : memref<64x32xbf16, #tpu.memory_space<vmem>>) target(%dma_start3A_1077 : memref<50048x32xbf16, #tpu.memory_space<vmem_shared>>) offsets(%dma_start3A_1074 : memref<64xi32, #tpu.memory_space<vmem>>) semaphore(%arg20 : memref<!tpu.dma_semaphore, #tpu.memory_space<semaphore_mem>>) {add = true}
      %dma_wait3A_1078 = arith.constant 1 : i32
      %dma_wait3A_1079 = arith.constant 1 : i32
      %dma_wait3A_1080 = arith.constant 1 : i32
      %dma_wait3A_1081 = arith.constant 64 : i32
      %dma_wait3A_1082 = arith.constant 0 : i32
      %dma_wait3A_1083 = tpu.memref_slice %arg13[%dma_wait3A_1078, %dma_wait3A_1081, %dma_wait3A_1082] : memref<2x256x32xbf16, #tpu.memory_space<vmem>> -> memref<1x64x32xbf16, #tpu.memory_space<vmem>>
      %dma_wait3A_1084 = tpu.memref_squeeze %dma_wait3A_1083 : memref<1x64x32xbf16, #tpu.memory_space<vmem>> -> memref<64x32xbf16, #tpu.memory_space<vmem>>
      %dma_wait3A_1085 = arith.constant 0 : i32
      %dma_wait3A_1086 = tpu.memref_slice %arg15[%dma_wait3A_1079, %dma_wait3A_1080, %dma_wait3A_1085] : memref<2x4x64xi32, #tpu.memory_space<vmem>> -> memref<1x1x64xi32, #tpu.memory_space<vmem>>
      %dma_wait3A_1087 = tpu.memref_squeeze %dma_wait3A_1086 : memref<1x1x64xi32, #tpu.memory_space<vmem>> -> memref<64xi32, #tpu.memory_space<vmem>>
      %dma_wait3A_1088 = arith.constant 0 : i32
      %dma_wait3A_1089 = arith.constant 0 : i32
      %dma_wait3A_1090 = tpu.memref_slice %arg16[%dma_wait3A_1088, %dma_wait3A_1089] : memref<50048x32xbf16, #tpu.memory_space<vmem_shared>> -> memref<50048x32xbf16, #tpu.memory_space<vmem_shared>>
      tpu.wait_indirect_dma semaphore(%arg20 : memref<!tpu.dma_semaphore, #tpu.memory_space<semaphore_mem>>) src(%dma_wait3A_1084 : memref<64x32xbf16, #tpu.memory_space<vmem>>) dst(%dma_wait3A_1090 : memref<50048x32xbf16, #tpu.memory_space<vmem_shared>>)
      %dma_start3A_1091 = arith.constant 1 : i32
      %dma_start3A_1092 = arith.constant 1 : i32
      %dma_start3A_1093 = arith.constant 2 : i32
      %dma_start3A_1094 = arith.constant 128 : i32
      %dma_start3A_1095 = arith.constant 0 : i32
      %dma_start3A_1096 = tpu.memref_slice %arg13[%dma_start3A_1091, %dma_start3A_1094, %dma_start3A_1095] : memref<2x256x32xbf16, #tpu.memory_space<vmem>> -> memref<1x64x32xbf16, #tpu.memory_space<vmem>>
      %dma_start3A_1097 = tpu.memref_squeeze %dma_start3A_1096 : memref<1x64x32xbf16, #tpu.memory_space<vmem>> -> memref<64x32xbf16, #tpu.memory_space<vmem>>
      %dma_start3A_1098 = arith.constant 0 : i32
      %dma_start3A_1099 = tpu.memref_slice %arg15[%dma_start3A_1092, %dma_start3A_1093, %dma_start3A_1098] : memref<2x4x64xi32, #tpu.memory_space<vmem>> -> memref<1x1x64xi32, #tpu.memory_space<vmem>>
      %dma_start3A_1100 = tpu.memref_squeeze %dma_start3A_1099 : memref<1x1x64xi32, #tpu.memory_space<vmem>> -> memref<64xi32, #tpu.memory_space<vmem>>
      %dma_start3A_1101 = arith.constant 0 : i32
      %dma_start3A_1102 = arith.constant 0 : i32
      %dma_start3A_1103 = tpu.memref_slice %arg16[%dma_start3A_1101, %dma_start3A_1102] : memref<50048x32xbf16, #tpu.memory_space<vmem_shared>> -> memref<50048x32xbf16, #tpu.memory_space<vmem_shared>>
      tpu.enqueue_indirect_dma source(%dma_start3A_1097 : memref<64x32xbf16, #tpu.memory_space<vmem>>) target(%dma_start3A_1103 : memref<50048x32xbf16, #tpu.memory_space<vmem_shared>>) offsets(%dma_start3A_1100 : memref<64xi32, #tpu.memory_space<vmem>>) semaphore(%arg20 : memref<!tpu.dma_semaphore, #tpu.memory_space<semaphore_mem>>) {add = true}
      %dma_wait3A_1104 = arith.constant 1 : i32
      %dma_wait3A_1105 = arith.constant 1 : i32
      %dma_wait3A_1106 = arith.constant 2 : i32
      %dma_wait3A_1107 = arith.constant 128 : i32
      %dma_wait3A_1108 = arith.constant 0 : i32
      %dma_wait3A_1109 = tpu.memref_slice %arg13[%dma_wait3A_1104, %dma_wait3A_1107, %dma_wait3A_1108] : memref<2x256x32xbf16, #tpu.memory_space<vmem>> -> memref<1x64x32xbf16, #tpu.memory_space<vmem>>
      %dma_wait3A_1110 = tpu.memref_squeeze %dma_wait3A_1109 : memref<1x64x32xbf16, #tpu.memory_space<vmem>> -> memref<64x32xbf16, #tpu.memory_space<vmem>>
      %dma_wait3A_1111 = arith.constant 0 : i32
      %dma_wait3A_1112 = tpu.memref_slice %arg15[%dma_wait3A_1105, %dma_wait3A_1106, %dma_wait3A_1111] : memref<2x4x64xi32, #tpu.memory_space<vmem>> -> memref<1x1x64xi32, #tpu.memory_space<vmem>>
      %dma_wait3A_1113 = tpu.memref_squeeze %dma_wait3A_1112 : memref<1x1x64xi32, #tpu.memory_space<vmem>> -> memref<64xi32, #tpu.memory_space<vmem>>
      %dma_wait3A_1114 = arith.constant 0 : i32
      %dma_wait3A_1115 = arith.constant 0 : i32
      %dma_wait3A_1116 = tpu.memref_slice %arg16[%dma_wait3A_1114, %dma_wait3A_1115] : memref<50048x32xbf16, #tpu.memory_space<vmem_shared>> -> memref<50048x32xbf16, #tpu.memory_space<vmem_shared>>
      tpu.wait_indirect_dma semaphore(%arg20 : memref<!tpu.dma_semaphore, #tpu.memory_space<semaphore_mem>>) src(%dma_wait3A_1110 : memref<64x32xbf16, #tpu.memory_space<vmem>>) dst(%dma_wait3A_1116 : memref<50048x32xbf16, #tpu.memory_space<vmem_shared>>)
      %dma_start3A_1117 = arith.constant 1 : i32
      %dma_start3A_1118 = arith.constant 1 : i32
      %dma_start3A_1119 = arith.constant 3 : i32
      %dma_start3A_1120 = arith.constant 192 : i32
      %dma_start3A_1121 = arith.constant 0 : i32
      %dma_start3A_1122 = tpu.memref_slice %arg13[%dma_start3A_1117, %dma_start3A_1120, %dma_start3A_1121] : memref<2x256x32xbf16, #tpu.memory_space<vmem>> -> memref<1x64x32xbf16, #tpu.memory_space<vmem>>
      %dma_start3A_1123 = tpu.memref_squeeze %dma_start3A_1122 : memref<1x64x32xbf16, #tpu.memory_space<vmem>> -> memref<64x32xbf16, #tpu.memory_space<vmem>>
      %dma_start3A_1124 = arith.constant 0 : i32
      %dma_start3A_1125 = tpu.memref_slice %arg15[%dma_start3A_1118, %dma_start3A_1119, %dma_start3A_1124] : memref<2x4x64xi32, #tpu.memory_space<vmem>> -> memref<1x1x64xi32, #tpu.memory_space<vmem>>
      %dma_start3A_1126 = tpu.memref_squeeze %dma_start3A_1125 : memref<1x1x64xi32, #tpu.memory_space<vmem>> -> memref<64xi32, #tpu.memory_space<vmem>>
      %dma_start3A_1127 = arith.constant 0 : i32
      %dma_start3A_1128 = arith.constant 0 : i32
      %dma_start3A_1129 = tpu.memref_slice %arg16[%dma_start3A_1127, %dma_start3A_1128] : memref<50048x32xbf16, #tpu.memory_space<vmem_shared>> -> memref<50048x32xbf16, #tpu.memory_space<vmem_shared>>
      tpu.enqueue_indirect_dma source(%dma_start3A_1123 : memref<64x32xbf16, #tpu.memory_space<vmem>>) target(%dma_start3A_1129 : memref<50048x32xbf16, #tpu.memory_space<vmem_shared>>) offsets(%dma_start3A_1126 : memref<64xi32, #tpu.memory_space<vmem>>) semaphore(%arg20 : memref<!tpu.dma_semaphore, #tpu.memory_space<semaphore_mem>>) {add = true}
      %dma_wait3A_1130 = arith.constant 1 : i32
      %dma_wait3A_1131 = arith.constant 1 : i32
      %dma_wait3A_1132 = arith.constant 3 : i32
      %dma_wait3A_1133 = arith.constant 192 : i32
      %dma_wait3A_1134 = arith.constant 0 : i32
      %dma_wait3A_1135 = tpu.memref_slice %arg13[%dma_wait3A_1130, %dma_wait3A_1133, %dma_wait3A_1134] : memref<2x256x32xbf16, #tpu.memory_space<vmem>> -> memref<1x64x32xbf16, #tpu.memory_space<vmem>>
      %dma_wait3A_1136 = tpu.memref_squeeze %dma_wait3A_1135 : memref<1x64x32xbf16, #tpu.memory_space<vmem>> -> memref<64x32xbf16, #tpu.memory_space<vmem>>
      %dma_wait3A_1137 = arith.constant 0 : i32
      %dma_wait3A_1138 = tpu.memref_slice %arg15[%dma_wait3A_1131, %dma_wait3A_1132, %dma_wait3A_1137] : memref<2x4x64xi32, #tpu.memory_space<vmem>> -> memref<1x1x64xi32, #tpu.memory_space<vmem>>
      %dma_wait3A_1139 = tpu.memref_squeeze %dma_wait3A_1138 : memref<1x1x64xi32, #tpu.memory_space<vmem>> -> memref<64xi32, #tpu.memory_space<vmem>>
      %dma_wait3A_1140 = arith.constant 0 : i32
      %dma_wait3A_1141 = arith.constant 0 : i32
      %dma_wait3A_1142 = tpu.memref_slice %arg16[%dma_wait3A_1140, %dma_wait3A_1141] : memref<50048x32xbf16, #tpu.memory_space<vmem_shared>> -> memref<50048x32xbf16, #tpu.memory_space<vmem_shared>>
      tpu.wait_indirect_dma semaphore(%arg20 : memref<!tpu.dma_semaphore, #tpu.memory_space<semaphore_mem>>) src(%dma_wait3A_1136 : memref<64x32xbf16, #tpu.memory_space<vmem>>) dst(%dma_wait3A_1142 : memref<50048x32xbf16, #tpu.memory_space<vmem_shared>>)
      %dma_start3A_1143 = arith.constant 1 : i32
      %dma_start3A_1144 = arith.constant 0 : i32
      %dma_start3A_1145 = arith.constant 0 : i32
      %dma_start3A_1146 = tpu.memref_slice %arg10[%dma_start3A_1143, %dma_start3A_1144, %dma_start3A_1145] : memref<2x64x128xf32, #tpu.memory_space<vmem>> -> memref<1x64x128xf32, #tpu.memory_space<vmem>>
      %dma_start3A_1147 = tpu.memref_squeeze %dma_start3A_1146 : memref<1x64x128xf32, #tpu.memory_space<vmem>> -> memref<64x128xf32, #tpu.memory_space<vmem>>
      %dma_start3A_1148 = arith.constant 0 : i32
      %dma_start3A_1149 = tpu.memref_slice %arg7[%mul3A_1038, %dma_start3A_1148] : memref<204800x128xf32, #tpu.memory_space<hbm>> -> memref<64x128xf32, #tpu.memory_space<hbm>>
      %dma_start3A_1150 = arith.constant 0 : i32
      %dma_start3A_1151 = tpu.memref_slice %arg7[%mul3A_1038, %dma_start3A_1150] : memref<204800x128xf32, #tpu.memory_space<hbm>> -> memref<64x128xf32, #tpu.memory_space<hbm>>
      %dma_start3A_1152 = arith.constant 0 : i32
      %dma_start3A_1153 = arith.constant 0 : i32
      %dma_start3A_1154 = tpu.memref_slice %arg10[%dma_start3A_1143, %dma_start3A_1152, %dma_start3A_1153] : memref<2x64x128xf32, #tpu.memory_space<vmem>> -> memref<1x64x128xf32, #tpu.memory_space<vmem>>
      %dma_start3A_1155 = tpu.memref_squeeze %dma_start3A_1154 : memref<1x64x128xf32, #tpu.memory_space<vmem>> -> memref<64x128xf32, #tpu.memory_space<vmem>>
      tpu.enqueue_dma source(%dma_start3A_1155 : memref<64x128xf32, #tpu.memory_space<vmem>>) target(%dma_start3A_1151 : memref<64x128xf32, #tpu.memory_space<hbm>>) target_semaphore(%arg20 : memref<!tpu.dma_semaphore, #tpu.memory_space<semaphore_mem>>)
      %dma_wait3A_1156 = arith.constant 1 : i32
      %dma_wait3A_1157 = arith.constant 0 : i32
      %dma_wait3A_1158 = arith.constant 0 : i32
      %dma_wait3A_1159 = tpu.memref_slice %arg10[%dma_wait3A_1156, %dma_wait3A_1157, %dma_wait3A_1158] : memref<2x64x128xf32, #tpu.memory_space<vmem>> -> memref<1x64x128xf32, #tpu.memory_space<vmem>>
      %dma_wait3A_1160 = tpu.memref_squeeze %dma_wait3A_1159 : memref<1x64x128xf32, #tpu.memory_space<vmem>> -> memref<64x128xf32, #tpu.memory_space<vmem>>
      %dma_wait3A_1161 = arith.constant 0 : i32
      %dma_wait3A_1162 = tpu.memref_slice %arg7[%mul3A_1038, %dma_wait3A_1161] : memref<204800x128xf32, #tpu.memory_space<hbm>> -> memref<64x128xf32, #tpu.memory_space<hbm>>
      %dma_wait3A_1163 = arith.constant 0 : i32
      %dma_wait3A_1164 = tpu.memref_slice %arg7[%mul3A_1038, %dma_wait3A_1163] : memref<204800x128xf32, #tpu.memory_space<hbm>> -> memref<64x128xf32, #tpu.memory_space<hbm>>
      %dma_wait3A_1165 = arith.constant 0 : i32
      %dma_wait3A_1166 = arith.constant 0 : i32
      %dma_wait3A_1167 = tpu.memref_slice %arg10[%dma_wait3A_1156, %dma_wait3A_1165, %dma_wait3A_1166] : memref<2x64x128xf32, #tpu.memory_space<vmem>> -> memref<1x64x128xf32, #tpu.memory_space<vmem>>
      %dma_wait3A_1168 = tpu.memref_squeeze %dma_wait3A_1167 : memref<1x64x128xf32, #tpu.memory_space<vmem>> -> memref<64x128xf32, #tpu.memory_space<vmem>>
      tpu.wait_dma2 semaphore(%arg20 : memref<!tpu.dma_semaphore, #tpu.memory_space<semaphore_mem>>) src(%dma_wait3A_1168 : memref<64x128xf32, #tpu.memory_space<vmem>>) dst(%dma_wait3A_1164 : memref<64x128xf32, #tpu.memory_space<hbm>>)
    }
    %scan3A_53 = arith.constant 50 : i32
    %barrier3A_54 = arith.constant 0 : index
    tpu.barrier barrier_id(%barrier3A_54)
    %mul3A_55 = arith.constant 3128 : i32
    %mul3A_56 = arith.muli %arg1, %mul3A_55 : i32
    %mul3A_57 = arith.constant 3128 : i32
    %mul3A_58 = arith.muli %arg1, %mul3A_57 : i32
    "tpu.region"() ({
      %run_scoped3A_59 = tpu.sem_alloc : memref<!tpu.dma_semaphore, #tpu.memory_space<semaphore_mem>>
      %dma_start3A = arith.constant 0 : i32
      %dma_start3A_60 = tpu.memref_slice %arg8[%arg0, %mul3A_58, %dma_start3A] : memref<2x50048x32xbf16, #tpu.memory_space<hbm>> -> memref<1x3128x32xbf16, #tpu.memory_space<hbm>>
      %dma_start3A_61 = tpu.memref_squeeze %dma_start3A_60 : memref<1x3128x32xbf16, #tpu.memory_space<hbm>> -> memref<3128x32xbf16, #tpu.memory_space<hbm>>
      %dma_start3A_62 = arith.constant 0 : i32
      %dma_start3A_63 = tpu.memref_slice %arg16[%mul3A_56, %dma_start3A_62] : memref<50048x32xbf16, #tpu.memory_space<vmem_shared>> -> memref<3128x32xbf16, #tpu.memory_space<vmem_shared>>
      tpu.enqueue_dma source(%dma_start3A_63 : memref<3128x32xbf16, #tpu.memory_space<vmem_shared>>) target(%dma_start3A_61 : memref<3128x32xbf16, #tpu.memory_space<hbm>>) target_semaphore(%run_scoped3A_59 : memref<!tpu.dma_semaphore, #tpu.memory_space<semaphore_mem>>)
      %dma_wait3A = arith.constant 0 : i32
      %dma_wait3A_64 = tpu.memref_slice %arg8[%arg0, %mul3A_58, %dma_wait3A] : memref<2x50048x32xbf16, #tpu.memory_space<hbm>> -> memref<1x3128x32xbf16, #tpu.memory_space<hbm>>
      %dma_wait3A_65 = tpu.memref_squeeze %dma_wait3A_64 : memref<1x3128x32xbf16, #tpu.memory_space<hbm>> -> memref<3128x32xbf16, #tpu.memory_space<hbm>>
      %dma_wait3A_66 = arith.constant 0 : i32
      %dma_wait3A_67 = tpu.memref_slice %arg16[%mul3A_56, %dma_wait3A_66] : memref<50048x32xbf16, #tpu.memory_space<vmem_shared>> -> memref<3128x32xbf16, #tpu.memory_space<vmem_shared>>
      tpu.wait_dma2 semaphore(%run_scoped3A_59 : memref<!tpu.dma_semaphore, #tpu.memory_space<semaphore_mem>>) src(%dma_wait3A_67 : memref<3128x32xbf16, #tpu.memory_space<vmem_shared>>) dst(%dma_wait3A_65 : memref<3128x32xbf16, #tpu.memory_space<hbm>>)
      tpu.yield
    }) : () -> ()
    return
  }
}

module attributes {stable_mosaic.version = 14 : i64} {
  func.func @_node_pre_body(%arg0: i32, %arg1: memref<2000x3xf32, #tpu.memory_space<vmem>>, %arg2: memref<3x32xf32, #tpu.memory_space<vmem>>, %arg3: memref<1x32xf32, #tpu.memory_space<vmem>>, %arg4: memref<32x32xf32, #tpu.memory_space<vmem>>, %arg5: memref<32x32xf32, #tpu.memory_space<vmem>>, %arg6: memref<32x32xf32, #tpu.memory_space<vmem>>, %arg7: memref<32x32xf32, #tpu.memory_space<vmem>>, %arg8: memref<1x32xf32, #tpu.memory_space<vmem>>, %arg9: memref<1x32xf32, #tpu.memory_space<vmem>>, %arg10: memref<2000x32xf32, #tpu.memory_space<vmem>>, %arg11: memref<2000x32xbf16, #tpu.memory_space<vmem>>, %arg12: memref<2000x32xbf16, #tpu.memory_space<vmem>>, %arg13: memref<32x32xf32, #tpu.memory_space<vmem>>, %arg14: memref<1x32xf32, #tpu.memory_space<vmem>>) attributes {dimension_semantics = [#tpu.dimension_semantics<arbitrary>], iteration_bounds = array<i64: 25>, scalar_prefetch = 0 : i64, scratch_operands = 0 : i64, tpu.core_type = #tpu.core_type<tc>, window_params = [{transform_indices = @transform_0, window_bounds = array<i64: 2000, 3>}, {pipeline_mode = #tpu.pipeline_mode<synchronous>, transform_indices = @transform_1, window_bounds = array<i64: 3, 32>}, {pipeline_mode = #tpu.pipeline_mode<synchronous>, transform_indices = @transform_2, window_bounds = array<i64: 1, 32>}, {pipeline_mode = #tpu.pipeline_mode<synchronous>, transform_indices = @transform_3, window_bounds = array<i64: 32, 32>}, {pipeline_mode = #tpu.pipeline_mode<synchronous>, transform_indices = @transform_4, window_bounds = array<i64: 32, 32>}, {pipeline_mode = #tpu.pipeline_mode<synchronous>, transform_indices = @transform_5, window_bounds = array<i64: 32, 32>}, {pipeline_mode = #tpu.pipeline_mode<synchronous>, transform_indices = @transform_6, window_bounds = array<i64: 32, 32>}, {pipeline_mode = #tpu.pipeline_mode<synchronous>, transform_indices = @transform_7, window_bounds = array<i64: 1, 32>}, {pipeline_mode = #tpu.pipeline_mode<synchronous>, transform_indices = @transform_8, window_bounds = array<i64: 1, 32>}, {transform_indices = @transform_9, window_bounds = array<i64: 2000, 32>}, {transform_indices = @transform_10, window_bounds = array<i64: 2000, 32>}, {transform_indices = @transform_11, window_bounds = array<i64: 2000, 32>}, {pipeline_mode = #tpu.pipeline_mode<synchronous>, transform_indices = @transform_12, window_bounds = array<i64: 32, 32>}, {pipeline_mode = #tpu.pipeline_mode<synchronous>, transform_indices = @transform_13, window_bounds = array<i64: 1, 32>}]} {
    %get3A = arith.constant 0 : index
    %get3A_0 = arith.constant 0 : index
    %get3A_1 = vector.load %arg1[%get3A, %get3A_0] : memref<2000x3xf32, #tpu.memory_space<vmem>>, vector<2000x3xf32>
    %get3A_2 = arith.constant 0 : index
    %get3A_3 = arith.constant 0 : index
    %get3A_4 = vector.load %arg2[%get3A_2, %get3A_3] : memref<3x32xf32, #tpu.memory_space<vmem>>, vector<3x32xf32>
    %dot_general3A = arith.constant dense<0.000000e+00> : vector<2000x32xf32>
    %dot_general3A_5 = tpu.matmul %get3A_1, %get3A_4, %dot_general3A {dimension_numbers = #tpu.dot_dimension_numbers<[1], [0], [0], [1], [0, 0, 1, 1], [], []>, transpose_lhs_hint = false} : vector<2000x3xf32>, vector<3x32xf32>, vector<2000x32xf32> -> vector<2000x32xf32>
    %get3A_6 = arith.constant 0 : index
    %get3A_7 = arith.constant 0 : index
    %get3A_8 = vector.load %arg3[%get3A_6, %get3A_7] : memref<1x32xf32, #tpu.memory_space<vmem>>, vector<1x32xf32>
    %add3A = vector.broadcast %get3A_8 : vector<1x32xf32> to vector<2000x32xf32>
    %add3A_9 = arith.addf %dot_general3A_5, %add3A : vector<2000x32xf32>
    %swap3A = arith.constant 0 : index
    %swap3A_10 = arith.constant 0 : index
    %swap3A_11 = vector.load %arg10[%swap3A, %swap3A_10] : memref<2000x32xf32, #tpu.memory_space<vmem>>, vector<2000x32xf32>
    tpu.vector_store %arg10[%swap3A, %swap3A_10], %add3A_9 {strides = array<i32>} : memref<2000x32xf32, #tpu.memory_space<vmem>>, vector<2000x32xf32>,
    %get3A_12 = arith.constant 0 : index
    %get3A_13 = arith.constant 0 : index
    %get3A_14 = vector.load %arg4[%get3A_12, %get3A_13] : memref<32x32xf32, #tpu.memory_space<vmem>>, vector<32x32xf32>
    %dot_general3A_15 = arith.constant dense<0.000000e+00> : vector<2000x32xf32>
    %dot_general3A_16 = tpu.matmul %add3A_9, %get3A_14, %dot_general3A_15 {dimension_numbers = #tpu.dot_dimension_numbers<[1], [0], [0], [1], [0, 0, 1, 1], [], []>, transpose_lhs_hint = false} : vector<2000x32xf32>, vector<32x32xf32>, vector<2000x32xf32> -> vector<2000x32xf32>
    %convert_element_type3A = arith.truncf %dot_general3A_16 : vector<2000x32xf32> to vector<2000x32xbf16>
    %swap3A_17 = arith.constant 0 : index
    %swap3A_18 = arith.constant 0 : index
    %swap3A_19 = vector.load %arg11[%swap3A_17, %swap3A_18] : memref<2000x32xbf16, #tpu.memory_space<vmem>>, vector<2000x32xbf16>
    tpu.vector_store %arg11[%swap3A_17, %swap3A_18], %convert_element_type3A {strides = array<i32>} : memref<2000x32xbf16, #tpu.memory_space<vmem>>, vector<2000x32xbf16>,
    %get3A_20 = arith.constant 0 : index
    %get3A_21 = arith.constant 0 : index
    %get3A_22 = vector.load %arg5[%get3A_20, %get3A_21] : memref<32x32xf32, #tpu.memory_space<vmem>>, vector<32x32xf32>
    %dot_general3A_23 = arith.constant dense<0.000000e+00> : vector<2000x32xf32>
    %dot_general3A_24 = tpu.matmul %add3A_9, %get3A_22, %dot_general3A_23 {dimension_numbers = #tpu.dot_dimension_numbers<[1], [0], [0], [1], [0, 0, 1, 1], [], []>, transpose_lhs_hint = false} : vector<2000x32xf32>, vector<32x32xf32>, vector<2000x32xf32> -> vector<2000x32xf32>
    %convert_element_type3A_25 = arith.truncf %dot_general3A_24 : vector<2000x32xf32> to vector<2000x32xbf16>
    %swap3A_26 = arith.constant 0 : index
    %swap3A_27 = arith.constant 0 : index
    %swap3A_28 = vector.load %arg12[%swap3A_26, %swap3A_27] : memref<2000x32xbf16, #tpu.memory_space<vmem>>, vector<2000x32xbf16>
    tpu.vector_store %arg12[%swap3A_26, %swap3A_27], %convert_element_type3A_25 {strides = array<i32>} : memref<2000x32xbf16, #tpu.memory_space<vmem>>, vector<2000x32xbf16>,
    %eq3A = arith.constant 0 : i32
    %eq3A_29 = arith.cmpi eq, %arg0, %eq3A : i32
    %convert_element_type3A_30 = arith.extui %eq3A_29 : i1 to i32
    %cond3A = arith.constant 0 : i32
    %cond3A_31 = arith.cmpi ne, %convert_element_type3A_30, %cond3A : i32
    scf.if %cond3A_31 {
      %get3A_32 = arith.constant 0 : index
      %get3A_33 = arith.constant 0 : index
      %get3A_34 = vector.load %arg6[%get3A_32, %get3A_33] : memref<32x32xf32, #tpu.memory_space<vmem>>, vector<32x32xf32>
      %get3A_35 = arith.constant 0 : index
      %get3A_36 = arith.constant 0 : index
      %get3A_37 = vector.load %arg7[%get3A_35, %get3A_36] : memref<32x32xf32, #tpu.memory_space<vmem>>, vector<32x32xf32>
      %dot_general3A_38 = arith.constant dense<0.000000e+00> : vector<32x32xf32>
      %dot_general3A_39 = tpu.matmul %get3A_34, %get3A_37, %dot_general3A_38 {dimension_numbers = #tpu.dot_dimension_numbers<[1], [0], [0], [1], [0, 0, 1, 1], [], []>, transpose_lhs_hint = false} : vector<32x32xf32>, vector<32x32xf32>, vector<32x32xf32> -> vector<32x32xf32>
      %swap3A_40 = arith.constant 0 : index
      %swap3A_41 = arith.constant 0 : index
      %swap3A_42 = vector.load %arg13[%swap3A_40, %swap3A_41] : memref<32x32xf32, #tpu.memory_space<vmem>>, vector<32x32xf32>
      tpu.vector_store %arg13[%swap3A_40, %swap3A_41], %dot_general3A_39 {strides = array<i32>} : memref<32x32xf32, #tpu.memory_space<vmem>>, vector<32x32xf32>,
      %get3A_43 = arith.constant 0 : index
      %get3A_44 = arith.constant 0 : index
      %get3A_45 = vector.load %arg8[%get3A_43, %get3A_44] : memref<1x32xf32, #tpu.memory_space<vmem>>, vector<1x32xf32>
      %get3A_46 = arith.constant 0 : index
      %get3A_47 = arith.constant 0 : index
      %get3A_48 = vector.load %arg7[%get3A_46, %get3A_47] : memref<32x32xf32, #tpu.memory_space<vmem>>, vector<32x32xf32>
      %dot_general3A_49 = arith.constant dense<0.000000e+00> : vector<1x32xf32>
      %dot_general3A_50 = tpu.matmul %get3A_45, %get3A_48, %dot_general3A_49 {dimension_numbers = #tpu.dot_dimension_numbers<[1], [0], [0], [1], [0, 0, 1, 1], [], []>, transpose_lhs_hint = false} : vector<1x32xf32>, vector<32x32xf32>, vector<1x32xf32> -> vector<1x32xf32>
      %get3A_51 = arith.constant 0 : index
      %get3A_52 = arith.constant 0 : index
      %get3A_53 = vector.load %arg9[%get3A_51, %get3A_52] : memref<1x32xf32, #tpu.memory_space<vmem>>, vector<1x32xf32>
      %add3A_54 = arith.addf %dot_general3A_50, %get3A_53 : vector<1x32xf32>
      %swap3A_55 = arith.constant 0 : index
      %swap3A_56 = arith.constant 0 : index
      %swap3A_57 = vector.load %arg14[%swap3A_55, %swap3A_56] : memref<1x32xf32, #tpu.memory_space<vmem>>, vector<1x32xf32>
      tpu.vector_store %arg14[%swap3A_55, %swap3A_56], %add3A_54 {strides = array<i32>} : memref<1x32xf32, #tpu.memory_space<vmem>>, vector<1x32xf32>,
    } else {
    }
    return
  }
  func.func @transform_0(%arg0: i32) -> (i32, i32) {
    %c0_i32 = arith.constant 0 : i32
    %c0_i32_0 = arith.constant 0 : i32
    return %arg0, %c0_i32 : i32, i32
  }
  func.func @transform_1(%arg0: i32) -> (i32, i32) {
    %c0_i32 = arith.constant 0 : i32
    %c0_i32_0 = arith.constant 0 : i32
    %c0_i32_1 = arith.constant 0 : i32
    return %c0_i32, %c0_i32_0 : i32, i32
  }
  func.func @transform_2(%arg0: i32) -> (i32, i32) {
    %c0_i32 = arith.constant 0 : i32
    %c0_i32_0 = arith.constant 0 : i32
    %c0_i32_1 = arith.constant 0 : i32
    return %c0_i32, %c0_i32_0 : i32, i32
  }
  func.func @transform_3(%arg0: i32) -> (i32, i32) {
    %c0_i32 = arith.constant 0 : i32
    %c0_i32_0 = arith.constant 0 : i32
    %c0_i32_1 = arith.constant 0 : i32
    return %c0_i32, %c0_i32_0 : i32, i32
  }
  func.func @transform_4(%arg0: i32) -> (i32, i32) {
    %c0_i32 = arith.constant 0 : i32
    %c0_i32_0 = arith.constant 0 : i32
    %c0_i32_1 = arith.constant 0 : i32
    return %c0_i32, %c0_i32_0 : i32, i32
  }
  func.func @transform_5(%arg0: i32) -> (i32, i32) {
    %c0_i32 = arith.constant 0 : i32
    %c0_i32_0 = arith.constant 0 : i32
    %c0_i32_1 = arith.constant 0 : i32
    return %c0_i32, %c0_i32_0 : i32, i32
  }
  func.func @transform_6(%arg0: i32) -> (i32, i32) {
    %c0_i32 = arith.constant 0 : i32
    %c0_i32_0 = arith.constant 0 : i32
    %c0_i32_1 = arith.constant 0 : i32
    return %c0_i32, %c0_i32_0 : i32, i32
  }
  func.func @transform_7(%arg0: i32) -> (i32, i32) {
    %c0_i32 = arith.constant 0 : i32
    %c0_i32_0 = arith.constant 0 : i32
    %c0_i32_1 = arith.constant 0 : i32
    return %c0_i32, %c0_i32_0 : i32, i32
  }
  func.func @transform_8(%arg0: i32) -> (i32, i32) {
    %c0_i32 = arith.constant 0 : i32
    %c0_i32_0 = arith.constant 0 : i32
    %c0_i32_1 = arith.constant 0 : i32
    return %c0_i32, %c0_i32_0 : i32, i32
  }
  func.func @transform_9(%arg0: i32) -> (i32, i32) {
    %c0_i32 = arith.constant 0 : i32
    %c0_i32_0 = arith.constant 0 : i32
    return %arg0, %c0_i32 : i32, i32
  }
  func.func @transform_10(%arg0: i32) -> (i32, i32) {
    %c0_i32 = arith.constant 0 : i32
    %c0_i32_0 = arith.constant 0 : i32
    return %arg0, %c0_i32 : i32, i32
  }
  func.func @transform_11(%arg0: i32) -> (i32, i32) {
    %c0_i32 = arith.constant 0 : i32
    %c0_i32_0 = arith.constant 0 : i32
    return %arg0, %c0_i32 : i32, i32
  }
  func.func @transform_12(%arg0: i32) -> (i32, i32) {
    %c0_i32 = arith.constant 0 : i32
    %c0_i32_0 = arith.constant 0 : i32
    %c0_i32_1 = arith.constant 0 : i32
    return %c0_i32, %c0_i32_0 : i32, i32
  }
  func.func @transform_13(%arg0: i32) -> (i32, i32) {
    %c0_i32 = arith.constant 0 : i32
    %c0_i32_0 = arith.constant 0 : i32
    %c0_i32_1 = arith.constant 0 : i32
    return %c0_i32, %c0_i32_0 : i32, i32
  }
}

module attributes {stable_mosaic.version = 14 : i64} {
  func.func @_edge_T_body(%arg0: i32, %arg1: memref<2000x32xf32, #tpu.memory_space<vmem>>, %arg2: memref<2000x32xf32, #tpu.memory_space<vmem>>, %arg3: memref<2000x32xf32, #tpu.memory_space<vmem>>, %arg4: memref<2000x32xf32, #tpu.memory_space<vmem>>, %arg5: memref<32x32xf32, #tpu.memory_space<vmem>>, %arg6: memref<1x32xf32, #tpu.memory_space<vmem>>, %arg7: memref<2000x128xf32, #tpu.memory_space<vmem>>) attributes {dimension_semantics = [#tpu.dimension_semantics<arbitrary>], iteration_bounds = array<i64: 100>, scalar_prefetch = 0 : i64, scratch_operands = 0 : i64, tpu.core_type = #tpu.core_type<tc>, window_params = [{transform_indices = @transform_0, window_bounds = array<i64: 2000, 32>}, {transform_indices = @transform_1, window_bounds = array<i64: 2000, 32>}, {transform_indices = @transform_2, window_bounds = array<i64: 2000, 32>}, {transform_indices = @transform_3, window_bounds = array<i64: 2000, 32>}, {pipeline_mode = #tpu.pipeline_mode<synchronous>, transform_indices = @transform_4, window_bounds = array<i64: 32, 32>}, {pipeline_mode = #tpu.pipeline_mode<synchronous>, transform_indices = @transform_5, window_bounds = array<i64: 1, 32>}, {transform_indices = @transform_6, window_bounds = array<i64: 2000, 128>}]} {
    %get3A = arith.constant 0 : index
    %get3A_0 = arith.constant 0 : index
    %get3A_1 = vector.load %arg5[%get3A, %get3A_0] : memref<32x32xf32, #tpu.memory_space<vmem>>, vector<32x32xf32>
    %get3A_2 = arith.constant 0 : index
    %get3A_3 = arith.constant 0 : index
    %get3A_4 = vector.load %arg6[%get3A_2, %get3A_3] : memref<1x32xf32, #tpu.memory_space<vmem>>, vector<1x32xf32>
    %get3A_5 = arith.constant 0 : index
    %get3A_6 = arith.constant 0 : index
    %get3A_7 = vector.load %arg1[%get3A_5, %get3A_6] : memref<2000x32xf32, #tpu.memory_space<vmem>>, vector<2000x32xf32>
    %dot_general3A = arith.constant dense<0.000000e+00> : vector<2000x32xf32>
    %dot_general3A_8 = tpu.matmul %get3A_7, %get3A_1, %dot_general3A {dimension_numbers = #tpu.dot_dimension_numbers<[1], [0], [0], [1], [0, 0, 1, 1], [], []>, transpose_lhs_hint = false} : vector<2000x32xf32>, vector<32x32xf32>, vector<2000x32xf32> -> vector<2000x32xf32>
    %add3A = vector.broadcast %get3A_4 : vector<1x32xf32> to vector<2000x32xf32>
    %add3A_9 = arith.addf %dot_general3A_8, %add3A : vector<2000x32xf32>
    %get3A_10 = arith.constant 0 : index
    %get3A_11 = arith.constant 0 : index
    %get3A_12 = vector.load %arg2[%get3A_10, %get3A_11] : memref<2000x32xf32, #tpu.memory_space<vmem>>, vector<2000x32xf32>
    %dot_general3A_13 = arith.constant dense<0.000000e+00> : vector<2000x32xf32>
    %dot_general3A_14 = tpu.matmul %get3A_12, %get3A_1, %dot_general3A_13 {dimension_numbers = #tpu.dot_dimension_numbers<[1], [0], [0], [1], [0, 0, 1, 1], [], []>, transpose_lhs_hint = false} : vector<2000x32xf32>, vector<32x32xf32>, vector<2000x32xf32> -> vector<2000x32xf32>
    %add3A_15 = vector.broadcast %get3A_4 : vector<1x32xf32> to vector<2000x32xf32>
    %add3A_16 = arith.addf %dot_general3A_14, %add3A_15 : vector<2000x32xf32>
    %get3A_17 = arith.constant 0 : index
    %get3A_18 = arith.constant 0 : index
    %get3A_19 = vector.load %arg3[%get3A_17, %get3A_18] : memref<2000x32xf32, #tpu.memory_space<vmem>>, vector<2000x32xf32>
    %dot_general3A_20 = arith.constant dense<0.000000e+00> : vector<2000x32xf32>
    %dot_general3A_21 = tpu.matmul %get3A_19, %get3A_1, %dot_general3A_20 {dimension_numbers = #tpu.dot_dimension_numbers<[1], [0], [0], [1], [0, 0, 1, 1], [], []>, transpose_lhs_hint = false} : vector<2000x32xf32>, vector<32x32xf32>, vector<2000x32xf32> -> vector<2000x32xf32>
    %add3A_22 = vector.broadcast %get3A_4 : vector<1x32xf32> to vector<2000x32xf32>
    %add3A_23 = arith.addf %dot_general3A_21, %add3A_22 : vector<2000x32xf32>
    %get3A_24 = arith.constant 0 : index
    %get3A_25 = arith.constant 0 : index
    %get3A_26 = vector.load %arg4[%get3A_24, %get3A_25] : memref<2000x32xf32, #tpu.memory_space<vmem>>, vector<2000x32xf32>
    %dot_general3A_27 = arith.constant dense<0.000000e+00> : vector<2000x32xf32>
    %dot_general3A_28 = tpu.matmul %get3A_26, %get3A_1, %dot_general3A_27 {dimension_numbers = #tpu.dot_dimension_numbers<[1], [0], [0], [1], [0, 0, 1, 1], [], []>, transpose_lhs_hint = false} : vector<2000x32xf32>, vector<32x32xf32>, vector<2000x32xf32> -> vector<2000x32xf32>
    %add3A_29 = vector.broadcast %get3A_4 : vector<1x32xf32> to vector<2000x32xf32>
    %add3A_30 = arith.addf %dot_general3A_28, %add3A_29 : vector<2000x32xf32>
    %concatenate3A = tpu.concatenate %add3A_9, %add3A_16, %add3A_23, %add3A_30 in 1 : vector<2000x32xf32>, vector<2000x32xf32>, vector<2000x32xf32>, vector<2000x32xf32> -> vector<2000x128xf32>
    %swap3A = arith.constant 0 : index
    %swap3A_31 = arith.constant 0 : index
    %swap3A_32 = vector.load %arg7[%swap3A, %swap3A_31] : memref<2000x128xf32, #tpu.memory_space<vmem>>, vector<2000x128xf32>
    tpu.vector_store %arg7[%swap3A, %swap3A_31], %concatenate3A {strides = array<i32>} : memref<2000x128xf32, #tpu.memory_space<vmem>>, vector<2000x128xf32>,
    return
  }
  func.func @transform_0(%arg0: i32) -> (i32, i32) {
    %add3A = arith.constant 0 : i32
    %add3A_0 = arith.addi %add3A, %arg0 : i32
    %c0_i32 = arith.constant 0 : i32
    %c0_i32_1 = arith.constant 0 : i32
    return %add3A_0, %c0_i32 : i32, i32
  }
  func.func @transform_1(%arg0: i32) -> (i32, i32) {
    %add3A = arith.constant 100 : i32
    %add3A_0 = arith.addi %add3A, %arg0 : i32
    %c0_i32 = arith.constant 0 : i32
    %c0_i32_1 = arith.constant 0 : i32
    return %add3A_0, %c0_i32 : i32, i32
  }
  func.func @transform_2(%arg0: i32) -> (i32, i32) {
    %add3A = arith.constant 200 : i32
    %add3A_0 = arith.addi %add3A, %arg0 : i32
    %c0_i32 = arith.constant 0 : i32
    %c0_i32_1 = arith.constant 0 : i32
    return %add3A_0, %c0_i32 : i32, i32
  }
  func.func @transform_3(%arg0: i32) -> (i32, i32) {
    %add3A = arith.constant 300 : i32
    %add3A_0 = arith.addi %add3A, %arg0 : i32
    %c0_i32 = arith.constant 0 : i32
    %c0_i32_1 = arith.constant 0 : i32
    return %add3A_0, %c0_i32 : i32, i32
  }
  func.func @transform_4(%arg0: i32) -> (i32, i32) {
    %c0_i32 = arith.constant 0 : i32
    %c0_i32_0 = arith.constant 0 : i32
    %c0_i32_1 = arith.constant 0 : i32
    return %c0_i32, %c0_i32_0 : i32, i32
  }
  func.func @transform_5(%arg0: i32) -> (i32, i32) {
    %c0_i32 = arith.constant 0 : i32
    %c0_i32_0 = arith.constant 0 : i32
    %c0_i32_1 = arith.constant 0 : i32
    return %c0_i32, %c0_i32_0 : i32, i32
  }
  func.func @transform_6(%arg0: i32) -> (i32, i32) {
    %c0_i32 = arith.constant 0 : i32
    %c0_i32_0 = arith.constant 0 : i32
    return %arg0, %c0_i32 : i32, i32
  }
}

module attributes {stable_mosaic.version = 14 : i64} {
  func.func @_y_msg_body(%arg0: i32, %arg1: memref<2000x128xf32, #tpu.memory_space<vmem>>, %arg2: memref<8x128xf32, #tpu.memory_space<vmem>>, %arg3: memref<8x1xf32, #tpu.memory_space<vmem>>, %arg4: memref<4x2000x32xf32, #tpu.memory_space<vmem>>, %arg5: memref<1x8x2000xf32, #tpu.memory_space<vmem>>) attributes {dimension_semantics = [#tpu.dimension_semantics<arbitrary>], iteration_bounds = array<i64: 100>, scalar_prefetch = 0 : i64, scratch_operands = 0 : i64, tpu.core_type = #tpu.core_type<tc>, window_params = [{transform_indices = @transform_0, window_bounds = array<i64: 2000, 128>}, {pipeline_mode = #tpu.pipeline_mode<synchronous>, transform_indices = @transform_1, window_bounds = array<i64: 8, 128>}, {pipeline_mode = #tpu.pipeline_mode<synchronous>, transform_indices = @transform_2, window_bounds = array<i64: 8, 1>}, {transform_indices = @transform_3, window_bounds = array<i64: 4, 2000, 32>}, {transform_indices = @transform_4, window_bounds = array<i64: 1, 8, 2000>}]} {
    %get3A = arith.constant 0 : index
    %get3A_0 = arith.constant 0 : index
    %get3A_1 = vector.load %arg1[%get3A, %get3A_0] : memref<2000x128xf32, #tpu.memory_space<vmem>>, vector<2000x128xf32>
    %slice3A = vector.extract_strided_slice %get3A_1 {offsets = [0, 0], sizes = [2000, 32], strides = [1, 1]} : vector<2000x128xf32> to vector<2000x32xf32>
    %swap3A = arith.constant 0 : index
    %swap3A_2 = arith.constant 0 : index
    %swap3A_3 = arith.constant 0 : index
    %swap3A_4 = vector.load %arg4[%swap3A, %swap3A_2, %swap3A_3] : memref<4x2000x32xf32, #tpu.memory_space<vmem>>, vector<1x2000x32xf32>
    %swap3A_5 = vector.shape_cast %swap3A_4 : vector<1x2000x32xf32> to vector<2000x32xf32>
    %swap3A_6 = vector.shape_cast %slice3A : vector<2000x32xf32> to vector<1x2000x32xf32>
    tpu.vector_store %arg4[%swap3A, %swap3A_2, %swap3A_3], %swap3A_6 {strides = array<i32>} : memref<4x2000x32xf32, #tpu.memory_space<vmem>>, vector<1x2000x32xf32>,
    %slice3A_7 = vector.extract_strided_slice %get3A_1 {offsets = [0, 32], sizes = [2000, 32], strides = [1, 1]} : vector<2000x128xf32> to vector<2000x32xf32>
    %swap3A_8 = arith.constant 1 : index
    %swap3A_9 = arith.constant 0 : index
    %swap3A_10 = arith.constant 0 : index
    %swap3A_11 = vector.load %arg4[%swap3A_8, %swap3A_9, %swap3A_10] : memref<4x2000x32xf32, #tpu.memory_space<vmem>>, vector<1x2000x32xf32>
    %swap3A_12 = vector.shape_cast %swap3A_11 : vector<1x2000x32xf32> to vector<2000x32xf32>
    %swap3A_13 = vector.shape_cast %slice3A_7 : vector<2000x32xf32> to vector<1x2000x32xf32>
    tpu.vector_store %arg4[%swap3A_8, %swap3A_9, %swap3A_10], %swap3A_13 {strides = array<i32>} : memref<4x2000x32xf32, #tpu.memory_space<vmem>>, vector<1x2000x32xf32>,
    %slice3A_14 = vector.extract_strided_slice %get3A_1 {offsets = [0, 64], sizes = [2000, 32], strides = [1, 1]} : vector<2000x128xf32> to vector<2000x32xf32>
    %swap3A_15 = arith.constant 2 : index
    %swap3A_16 = arith.constant 0 : index
    %swap3A_17 = arith.constant 0 : index
    %swap3A_18 = vector.load %arg4[%swap3A_15, %swap3A_16, %swap3A_17] : memref<4x2000x32xf32, #tpu.memory_space<vmem>>, vector<1x2000x32xf32>
    %swap3A_19 = vector.shape_cast %swap3A_18 : vector<1x2000x32xf32> to vector<2000x32xf32>
    %swap3A_20 = vector.shape_cast %slice3A_14 : vector<2000x32xf32> to vector<1x2000x32xf32>
    tpu.vector_store %arg4[%swap3A_15, %swap3A_16, %swap3A_17], %swap3A_20 {strides = array<i32>} : memref<4x2000x32xf32, #tpu.memory_space<vmem>>, vector<1x2000x32xf32>,
    %slice3A_21 = vector.extract_strided_slice %get3A_1 {offsets = [0, 96], sizes = [2000, 32], strides = [1, 1]} : vector<2000x128xf32> to vector<2000x32xf32>
    %swap3A_22 = arith.constant 3 : index
    %swap3A_23 = arith.constant 0 : index
    %swap3A_24 = arith.constant 0 : index
    %swap3A_25 = vector.load %arg4[%swap3A_22, %swap3A_23, %swap3A_24] : memref<4x2000x32xf32, #tpu.memory_space<vmem>>, vector<1x2000x32xf32>
    %swap3A_26 = vector.shape_cast %swap3A_25 : vector<1x2000x32xf32> to vector<2000x32xf32>
    %swap3A_27 = vector.shape_cast %slice3A_21 : vector<2000x32xf32> to vector<1x2000x32xf32>
    tpu.vector_store %arg4[%swap3A_22, %swap3A_23, %swap3A_24], %swap3A_27 {strides = array<i32>} : memref<4x2000x32xf32, #tpu.memory_space<vmem>>, vector<1x2000x32xf32>,
    %get3A_28 = arith.constant 0 : index
    %get3A_29 = arith.constant 0 : index
    %get3A_30 = vector.load %arg2[%get3A_28, %get3A_29] : memref<8x128xf32, #tpu.memory_space<vmem>>, vector<8x128xf32>
    %dot_general3A = arith.constant dense<0.000000e+00> : vector<8x2000xf32>
    %dot_general3A_31 = tpu.matmul %get3A_30, %get3A_1, %dot_general3A {dimension_numbers = #tpu.dot_dimension_numbers<[1], [1], [0], [0], [0, 0, 1, 0], [], []>, transpose_lhs_hint = false} : vector<8x128xf32>, vector<2000x128xf32>, vector<8x2000xf32> -> vector<8x2000xf32>
    %get3A_32 = arith.constant 0 : index
    %get3A_33 = arith.constant 0 : index
    %get3A_34 = vector.load %arg3[%get3A_32, %get3A_33] : memref<8x1xf32, #tpu.memory_space<vmem>>, vector<8x1xf32>
    %add3A = vector.broadcast %get3A_34 : vector<8x1xf32> to vector<8x2000xf32>
    %add3A_35 = arith.addf %dot_general3A_31, %add3A : vector<8x2000xf32>
    %swap3A_36 = arith.constant 0 : index
    %swap3A_37 = arith.constant 0 : index
    %swap3A_38 = arith.constant 0 : index
    %swap3A_39 = vector.load %arg5[%swap3A_36, %swap3A_37, %swap3A_38] : memref<1x8x2000xf32, #tpu.memory_space<vmem>>, vector<1x8x2000xf32>
    %swap3A_40 = vector.shape_cast %swap3A_39 : vector<1x8x2000xf32> to vector<8x2000xf32>
    %swap3A_41 = vector.shape_cast %add3A_35 : vector<8x2000xf32> to vector<1x8x2000xf32>
    tpu.vector_store %arg5[%swap3A_36, %swap3A_37, %swap3A_38], %swap3A_41 {strides = array<i32>} : memref<1x8x2000xf32, #tpu.memory_space<vmem>>, vector<1x8x2000xf32>,
    return
  }
  func.func @transform_0(%arg0: i32) -> (i32, i32) {
    %c0_i32 = arith.constant 0 : i32
    %c0_i32_0 = arith.constant 0 : i32
    return %arg0, %c0_i32 : i32, i32
  }
  func.func @transform_1(%arg0: i32) -> (i32, i32) {
    %c0_i32 = arith.constant 0 : i32
    %c0_i32_0 = arith.constant 0 : i32
    %c0_i32_1 = arith.constant 0 : i32
    return %c0_i32, %c0_i32_0 : i32, i32
  }
  func.func @transform_2(%arg0: i32) -> (i32, i32) {
    %c0_i32 = arith.constant 0 : i32
    %c0_i32_0 = arith.constant 0 : i32
    %c0_i32_1 = arith.constant 0 : i32
    return %c0_i32, %c0_i32_0 : i32, i32
  }
  func.func @transform_3(%arg0: i32) -> (i32, i32, i32) {
    %c0_i32 = arith.constant 0 : i32
    %c0_i32_0 = arith.constant 0 : i32
    %c0_i32_1 = arith.constant 0 : i32
    return %c0_i32, %arg0, %c0_i32_0 : i32, i32, i32
  }
  func.func @transform_4(%arg0: i32) -> (i32, i32, i32) {
    %c0_i32 = arith.constant 0 : i32
    %c0_i32_0 = arith.constant 0 : i32
    %c0_i32_1 = arith.constant 0 : i32
    return %arg0, %c0_i32, %c0_i32_0 : i32, i32, i32
  }
}

module attributes {stable_mosaic.version = 14 : i64} {
  func.func @_node_fin_body(%arg0: i32, %arg1: memref<2000x32xf32, #tpu.memory_space<vmem>>, %arg2: memref<2000x32xbf16, #tpu.memory_space<vmem>>, %arg3: memref<2000x32xbf16, #tpu.memory_space<vmem>>, %arg4: memref<2000x3xf32, #tpu.memory_space<vmem>>, %arg5: memref<32x32xf32, #tpu.memory_space<vmem>>, %arg6: memref<32x32xf32, #tpu.memory_space<vmem>>, %arg7: memref<1x32xf32, #tpu.memory_space<vmem>>, %arg8: memref<32x3xf32, #tpu.memory_space<vmem>>, %arg9: memref<3x3xf32, #tpu.memory_space<vmem>>, %arg10: memref<1x3xf32, #tpu.memory_space<vmem>>, %arg11: memref<2000x3xf32, #tpu.memory_space<vmem>>) attributes {dimension_semantics = [#tpu.dimension_semantics<arbitrary>], iteration_bounds = array<i64: 25>, scalar_prefetch = 0 : i64, scratch_operands = 0 : i64, tpu.core_type = #tpu.core_type<tc>, window_params = [{transform_indices = @transform_0, window_bounds = array<i64: 2000, 32>}, {transform_indices = @transform_1, window_bounds = array<i64: 2000, 32>}, {transform_indices = @transform_2, window_bounds = array<i64: 2000, 32>}, {transform_indices = @transform_3, window_bounds = array<i64: 2000, 3>}, {pipeline_mode = #tpu.pipeline_mode<synchronous>, transform_indices = @transform_4, window_bounds = array<i64: 32, 32>}, {pipeline_mode = #tpu.pipeline_mode<synchronous>, transform_indices = @transform_5, window_bounds = array<i64: 32, 32>}, {pipeline_mode = #tpu.pipeline_mode<synchronous>, transform_indices = @transform_6, window_bounds = array<i64: 1, 32>}, {pipeline_mode = #tpu.pipeline_mode<synchronous>, transform_indices = @transform_7, window_bounds = array<i64: 32, 3>}, {pipeline_mode = #tpu.pipeline_mode<synchronous>, transform_indices = @transform_8, window_bounds = array<i64: 3, 3>}, {pipeline_mode = #tpu.pipeline_mode<synchronous>, transform_indices = @transform_9, window_bounds = array<i64: 1, 3>}, {transform_indices = @transform_10, window_bounds = array<i64: 2000, 3>}]} {
    %get3A = arith.constant 0 : index
    %get3A_0 = arith.constant 0 : index
    %get3A_1 = vector.load %arg2[%get3A, %get3A_0] : memref<2000x32xbf16, #tpu.memory_space<vmem>>, vector<2000x32xbf16>
    %convert_element_type3A = arith.extf %get3A_1 : vector<2000x32xbf16> to vector<2000x32xf32>
    %get3A_2 = arith.constant 0 : index
    %get3A_3 = arith.constant 0 : index
    %get3A_4 = vector.load %arg3[%get3A_2, %get3A_3] : memref<2000x32xbf16, #tpu.memory_space<vmem>>, vector<2000x32xbf16>
    %convert_element_type3A_5 = arith.extf %get3A_4 : vector<2000x32xbf16> to vector<2000x32xf32>
    %add3A = arith.addf %convert_element_type3A, %convert_element_type3A_5 : vector<2000x32xf32>
    %get3A_6 = arith.constant 0 : index
    %get3A_7 = arith.constant 0 : index
    %get3A_8 = vector.load %arg1[%get3A_6, %get3A_7] : memref<2000x32xf32, #tpu.memory_space<vmem>>, vector<2000x32xf32>
    %get3A_9 = arith.constant 0 : index
    %get3A_10 = arith.constant 0 : index
    %get3A_11 = vector.load %arg5[%get3A_9, %get3A_10] : memref<32x32xf32, #tpu.memory_space<vmem>>, vector<32x32xf32>
    %dot_general3A = arith.constant dense<0.000000e+00> : vector<2000x32xf32>
    %dot_general3A_12 = tpu.matmul %get3A_8, %get3A_11, %dot_general3A {dimension_numbers = #tpu.dot_dimension_numbers<[1], [0], [0], [1], [0, 0, 1, 1], [], []>, transpose_lhs_hint = false} : vector<2000x32xf32>, vector<32x32xf32>, vector<2000x32xf32> -> vector<2000x32xf32>
    %get3A_13 = arith.constant 0 : index
    %get3A_14 = arith.constant 0 : index
    %get3A_15 = vector.load %arg6[%get3A_13, %get3A_14] : memref<32x32xf32, #tpu.memory_space<vmem>>, vector<32x32xf32>
    %dot_general3A_16 = arith.constant dense<0.000000e+00> : vector<2000x32xf32>
    %dot_general3A_17 = tpu.matmul %add3A, %get3A_15, %dot_general3A_16 {dimension_numbers = #tpu.dot_dimension_numbers<[1], [0], [0], [1], [0, 0, 1, 1], [], []>, transpose_lhs_hint = false} : vector<2000x32xf32>, vector<32x32xf32>, vector<2000x32xf32> -> vector<2000x32xf32>
    %add3A_18 = arith.addf %dot_general3A_12, %dot_general3A_17 : vector<2000x32xf32>
    %get3A_19 = arith.constant 0 : index
    %get3A_20 = arith.constant 0 : index
    %get3A_21 = vector.load %arg7[%get3A_19, %get3A_20] : memref<1x32xf32, #tpu.memory_space<vmem>>, vector<1x32xf32>
    %add3A_22 = vector.broadcast %get3A_21 : vector<1x32xf32> to vector<2000x32xf32>
    %add3A_23 = arith.addf %add3A_18, %add3A_22 : vector<2000x32xf32>
    %max3A = arith.constant 0.000000e+00 : f32
    %max3A_24 = vector.broadcast %max3A : f32 to vector<2000x32xf32>
    %max3A_25 = arith.maximumf %add3A_23, %max3A_24 : vector<2000x32xf32>
    %get3A_26 = arith.constant 0 : index
    %get3A_27 = arith.constant 0 : index
    %get3A_28 = vector.load %arg8[%get3A_26, %get3A_27] : memref<32x3xf32, #tpu.memory_space<vmem>>, vector<32x3xf32>
    %dot_general3A_29 = arith.constant dense<0.000000e+00> : vector<2000x3xf32>
    %dot_general3A_30 = tpu.matmul %max3A_25, %get3A_28, %dot_general3A_29 {dimension_numbers = #tpu.dot_dimension_numbers<[1], [0], [0], [1], [0, 0, 1, 1], [], []>, transpose_lhs_hint = false} : vector<2000x32xf32>, vector<32x3xf32>, vector<2000x3xf32> -> vector<2000x3xf32>
    %get3A_31 = arith.constant 0 : index
    %get3A_32 = arith.constant 0 : index
    %get3A_33 = vector.load %arg4[%get3A_31, %get3A_32] : memref<2000x3xf32, #tpu.memory_space<vmem>>, vector<2000x3xf32>
    %get3A_34 = arith.constant 0 : index
    %get3A_35 = arith.constant 0 : index
    %get3A_36 = vector.load %arg9[%get3A_34, %get3A_35] : memref<3x3xf32, #tpu.memory_space<vmem>>, vector<3x3xf32>
    %dot_general3A_37 = arith.constant dense<0.000000e+00> : vector<2000x3xf32>
    %dot_general3A_38 = tpu.matmul %get3A_33, %get3A_36, %dot_general3A_37 {dimension_numbers = #tpu.dot_dimension_numbers<[1], [0], [0], [1], [0, 0, 1, 1], [], []>, transpose_lhs_hint = false} : vector<2000x3xf32>, vector<3x3xf32>, vector<2000x3xf32> -> vector<2000x3xf32>
    %add3A_39 = arith.addf %dot_general3A_30, %dot_general3A_38 : vector<2000x3xf32>
    %get3A_40 = arith.constant 0 : index
    %get3A_41 = arith.constant 0 : index
    %get3A_42 = vector.load %arg10[%get3A_40, %get3A_41] : memref<1x3xf32, #tpu.memory_space<vmem>>, vector<1x3xf32>
    %add3A_43 = vector.broadcast %get3A_42 : vector<1x3xf32> to vector<2000x3xf32>
    %add3A_44 = arith.addf %add3A_39, %add3A_43 : vector<2000x3xf32>
    %swap3A = arith.constant 0 : index
    %swap3A_45 = arith.constant 0 : index
    %swap3A_46 = vector.load %arg11[%swap3A, %swap3A_45] : memref<2000x3xf32, #tpu.memory_space<vmem>>, vector<2000x3xf32>
    tpu.vector_store %arg11[%swap3A, %swap3A_45], %add3A_44 {strides = array<i32>} : memref<2000x3xf32, #tpu.memory_space<vmem>>, vector<2000x3xf32>,
    return
  }
  func.func @transform_0(%arg0: i32) -> (i32, i32) {
    %c0_i32 = arith.constant 0 : i32
    %c0_i32_0 = arith.constant 0 : i32
    return %arg0, %c0_i32 : i32, i32
  }
  func.func @transform_1(%arg0: i32) -> (i32, i32) {
    %c0_i32 = arith.constant 0 : i32
    %c0_i32_0 = arith.constant 0 : i32
    return %arg0, %c0_i32 : i32, i32
  }
  func.func @transform_2(%arg0: i32) -> (i32, i32) {
    %c0_i32 = arith.constant 0 : i32
    %c0_i32_0 = arith.constant 0 : i32
    return %arg0, %c0_i32 : i32, i32
  }
  func.func @transform_3(%arg0: i32) -> (i32, i32) {
    %c0_i32 = arith.constant 0 : i32
    %c0_i32_0 = arith.constant 0 : i32
    return %arg0, %c0_i32 : i32, i32
  }
  func.func @transform_4(%arg0: i32) -> (i32, i32) {
    %c0_i32 = arith.constant 0 : i32
    %c0_i32_0 = arith.constant 0 : i32
    %c0_i32_1 = arith.constant 0 : i32
    return %c0_i32, %c0_i32_0 : i32, i32
  }
  func.func @transform_5(%arg0: i32) -> (i32, i32) {
    %c0_i32 = arith.constant 0 : i32
    %c0_i32_0 = arith.constant 0 : i32
    %c0_i32_1 = arith.constant 0 : i32
    return %c0_i32, %c0_i32_0 : i32, i32
  }
  func.func @transform_6(%arg0: i32) -> (i32, i32) {
    %c0_i32 = arith.constant 0 : i32
    %c0_i32_0 = arith.constant 0 : i32
    %c0_i32_1 = arith.constant 0 : i32
    return %c0_i32, %c0_i32_0 : i32, i32
  }
  func.func @transform_7(%arg0: i32) -> (i32, i32) {
    %c0_i32 = arith.constant 0 : i32
    %c0_i32_0 = arith.constant 0 : i32
    %c0_i32_1 = arith.constant 0 : i32
    return %c0_i32, %c0_i32_0 : i32, i32
  }
  func.func @transform_8(%arg0: i32) -> (i32, i32) {
    %c0_i32 = arith.constant 0 : i32
    %c0_i32_0 = arith.constant 0 : i32
    %c0_i32_1 = arith.constant 0 : i32
    return %c0_i32, %c0_i32_0 : i32, i32
  }
  func.func @transform_9(%arg0: i32) -> (i32, i32) {
    %c0_i32 = arith.constant 0 : i32
    %c0_i32_0 = arith.constant 0 : i32
    %c0_i32_1 = arith.constant 0 : i32
    return %c0_i32, %c0_i32_0 : i32, i32
  }
  func.func @transform_10(%arg0: i32) -> (i32, i32) {
    %c0_i32 = arith.constant 0 : i32
    %c0_i32_0 = arith.constant 0 : i32
    return %arg0, %c0_i32 : i32, i32
  }
}

</mosaic_0001>

<sc_bundles>
// kernel: kernel.7.cloned.1.call-start
scs
__scs_entry_jumppad:
0x0: {  	(pc) =	sbr.rel $0x88, $3  }
0x1: {  	(tag) =	ssettag $0x0;
	lr =	simm.s32 $0x1  }
0x2: {  	[smem:$0x3F92] =	sst lr;
	_ =	strace $0xD0000000  }
0x3: {  	_ = 	snop  }
0x4: {  	_ = 	snop  }
0x5: {  	_ = 	snop  }
0x6: {  	_ = 	snop  }
0x7: {  	_ = 	snop  }
__scs_overlays_trampoline_lowered:
0x8: {  	[smem:$0x3FA1] =	sst s0  }
0x9: {  	[smem:$0x3FA2] =	sst s1  }
0xa: {  	[smem:$0x3FA3] =	sst s2  }
0xb: {  	[smem:$0x3FA4] =	sst s3  }
0xc: {  	[smem:$0x3FA5] =	sst s4  }
0xd: {  	[smem:$0x3FA6] =	sst s5  }
0xe: {  	[smem:$0x3FA7] =	sst s6  }
0xf: {  	[smem:$0x3FA8] =	sst s7  }
0x10: {  	[smem:$0x3FA9] =	sst s8  }
0x11: {  	[smem:$0x3FAA] =	sst s9;
	s0 =	simm.s32 @!p0 $0x0  }
0x12: {  	s1 =	sld [smem:$0x3F90];
	s0 =	simm.s32 @p0 $0x1  }
0x13: {  	[smem:$0x3FAB] =	sst s0;
	s0 =	simm.s32 @!p1 $0x0  }
0x14: {  	s2 =	sld [smem:$0x3F8F];
	s0 =	simm.s32 @p1 $0x1  }
0x15: {  	[smem:$0x3FAC] =	sst s0;
	s0 =	simm.s32 @!p2 $0x0  }
0x16: {  	s3 =	sld [smem:$0x3FDB];
	s0 =	simm.s32 @p2 $0x1  }
0x17: {  	s4 =	simm.s32 $0x1BF5;
	[smem:$0x3FAE] =	sst s0  }
0x18: {  	s0 =	sld [smem:$0x3F91];
	_ =	swait.ge [sflag:s4], $0x0  }
0x19: {  	s7 =	sld [smem:$0x3F92]  }
0x1a: {  	s8 =	sadd.s32 $0xFFFFE003, lr  }
0x1b: {  	s9 =	sadd.s32 $0xFFFFFEF7, lr;
	s5 =	simm.s32 $0xFFFFFFFF;
	p2 =	slt.u32 s8, $0xFFFFF086  }
0x1c: {  	p1 =	slt.u32 s9, $0xF7A;
	s5 =	simm.s32 @!p2 $0x0  }
0x1d: {  	s5 =	simm.s32 @p1 $0x1;
	p0 =	seq.s32 s7, s2  }
0x1e: {  	s7 =	smul.u32 @!p0 $0xF7A, s2;
	p2 =	seq.s32 @!p0 s5, $0x0  }
0x1f: {  	s9 =	smul.u32 $0xF7A, s1;
	s8 =	simm.s32 @!p0 $0x1BF5;
	p2 =	por !p2, p0  }
0x20: {  	[sflag:s8] =	ssyncset.s32 @!p0 $0xFFFFF086;
	s6 =	sadd.s32 @!p0 s3, s7;
	s7 =	simm.s32 @!p0 $0x108  }
0x21: {  	s3 =	sadd.s32 s3, s9;
	s6 =	sadd.s32 @!p0 $0x88, s6;
	s7 =	simm.s32 @p2 $0x1082  }
0x22: {  	[simem:s7], [sflag:s8] =	dma.local @!p0 [hbm:s6], $0xF7A  }
0x23: {  	s9 =	sor.u32 $0xD0000000, s2;
	s6 =	simm.s32 $0x108;
	_ =	swait.ge @!p0 [sflag:s8], $0x0  }
0x24: {  	s3 =	sadd.s32 $0x88, s3;
	s6 =	simm.s32 @!p1 $0x1082;
	[sflag:s4] =	ssyncset.s32 $0xFFFFF086  }
0x25: {  	[simem:s6], [sflag:s4] =	dma.local [hbm:s3], $0xF7A  }
0x26: {  	[smem:$0x3F92] =	sst s1;
	(tag) =	ssettag s2;
	_ =	strace s9  }
0x27: {  	s1 =	sld [smem:$0x3FA2]  }
0x28: {  	s2 =	sld [smem:$0x3FA3]  }
0x29: {  	s4 =	sld [smem:$0x3FA5]  }
0x2a: {  	p0 =	seq.s32 s5, $0x0;
	s5 =	sld [smem:$0x3FA6]  }
0x2b: {  	s6 =	sld [smem:$0x3FA7]  }
0x2c: {  	s7 =	sld [smem:$0x3FA8]  }
0x2d: {  	s3 =	simm.s32 $0x108;
	s8 =	sld [smem:$0x3FA9]  }
0x2e: {  	s3 =	simm.s32 @!p0 $0x1082;
	s9 =	sld [smem:$0x3FAA]  }
0x2f: {  	lr =	sadd.s32 s0, s3;
	s0 =	sld [smem:$0x3FA1]  }
0x30: {  	s3 =	sld [smem:$0x3FA4]  }
0x31: {  	[smem:$0x3FAD] =	sst s10  }
0x32: {  	s10 =	sld [smem:$0x3FAB];
	_ =	sdelay $0x3  }
0x33: {  	p0 =	seq.s32 s10, $0x1;
	s10 =	sld [smem:$0x3FAD];
	_ =	sdelay $0x3  }
0x34: {  	[smem:$0x3FAD] =	sst s10  }
0x35: {  	s10 =	sld [smem:$0x3FAC];
	_ =	sdelay $0x3  }
0x36: {  	p1 =	seq.s32 s10, $0x1;
	s10 =	sld [smem:$0x3FAD];
	_ =	sdelay $0x3  }
0x37: {  	[smem:$0x3FAD] =	sst s10  }
0x38: {  	s10 =	sld [smem:$0x3FAE]  }
0x39: {  	_ = 	snop;
	(pc) =	sbr.ind lr, $3  }
0x3a: {  	_ = 	snop  }
0x3b: {  	_ = 	snop  }
0x3c: {  	p2 =	seq.s32 s10, $0x1;
	s10 =	sld [smem:$0x3FAD]  }
0x3d: {  	_ =	shalt  }
0x3e: {  	_ =	shalt  }
0x3f: {  	_ =	shalt  }
0x40: {  	_ =	shalt  }
0x41: {  	_ =	shalt  }
0x42: {  	_ =	shalt  }
0x43: {  	_ =	shalt  }
0x44: {  	_ =	shalt  }
0x45: {  	_ =	shalt  }
0x46: {  	_ =	shalt  }
0x47: {  	_ =	shalt  }
0x48: {  	_ =	shalt  }
0x49: {  	_ =	shalt  }
0x4a: {  	_ =	shalt  }
0x4b: {  	_ =	shalt  }
0x4c: {  	_ =	shalt  }
0x4d: {  	_ =	shalt  }
0x4e: {  	_ =	shalt  }
0x4f: {  	_ =	shalt  }
0x50: {  	_ =	shalt  }
0x51: {  	_ =	shalt  }
0x52: {  	_ =	shalt  }
0x53: {  	_ =	shalt  }
0x54: {  	_ =	shalt  }
0x55: {  	_ =	shalt  }
0x56: {  	_ =	shalt  }
0x57: {  	_ =	shalt  }
0x58: {  	_ =	shalt  }
0x59: {  	_ =	shalt  }
0x5a: {  	_ =	shalt  }
0x5b: {  	_ =	shalt  }
0x5c: {  	_ =	shalt  }
0x5d: {  	_ =	shalt  }
0x5e: {  	_ =	shalt  }
0x5f: {  	_ =	shalt  }
0x60: {  	_ =	shalt  }
0x61: {  	_ =	shalt  }
0x62: {  	_ =	shalt  }
0x63: {  	_ =	shalt  }
0x64: {  	_ =	shalt  }
0x65: {  	_ =	shalt  }
0x66: {  	_ =	shalt  }
0x67: {  	_ =	shalt  }
0x68: {  	_ =	shalt  }
0x69: {  	_ =	shalt  }
0x6a: {  	_ =	shalt  }
0x6b: {  	_ =	shalt  }
0x6c: {  	_ =	shalt  }
0x6d: {  	_ =	shalt  }
0x6e: {  	_ =	shalt  }
0x6f: {  	_ =	shalt  }
0x70: {  	_ =	shalt  }
0x71: {  	_ =	shalt  }
0x72: {  	_ =	shalt  }
0x73: {  	_ =	shalt  }
0x74: {  	_ =	shalt  }
0x75: {  	_ =	shalt  }
0x76: {  	_ =	shalt  }
0x77: {  	_ =	shalt  }
0x78: {  	_ =	shalt  }
0x79: {  	_ =	shalt  }
0x7a: {  	_ =	shalt  }
0x7b: {  	_ =	shalt  }
0x7c: {  	_ =	shalt  }
0x7d: {  	_ =	shalt  }
0x7e: {  	_ =	shalt  }
0x7f: {  	_ =	shalt  }
0x80: {  	_ =	shalt  }
0x81: {  	_ =	shalt  }
0x82: {  	_ =	shalt  }
0x83: {  	_ =	shalt  }
0x84: {  	_ =	shalt  }
0x85: {  	_ =	shalt  }
0x86: {  	_ =	shalt  }
0x87: {  	_ =	shalt  }
.Lfunc_end0:
.L_simem_size_0:
called_computation.1_lowered:
.L_overlay_start_0:
0x88: {  	s2 =	sld [smem:$0x3FD9]  }
0x89: {  	s3 =	sld [smem:$0x3FFE];
	_ =	sdelay $0x1  }
0x8a: {  	s1 =	srdreg.scid  }
0x8b: {  	s0 =	sand.u32 $0x1, s1  }
0x8c: {  	s14 =	sshll.u32 s0, $0xA;
	s2 =	sadd.s32 s3, s2  }
0x8d: {  	s2 =	sadd.s32 s2, s14  }
0x8e: {  	[smem:$0x3FB9] =	sst s2  }
0x8f: {  	_ = 	snop  }
0x90: {  	s2 =	sld [smem:$0x3FD0];
	_ =	sdelay $0x2  }
0x91: {  	s15 =	simm.s32 $0xA;
	s4 =	simm.s32 $0x10  }
0x92: {  	[smem:s4], [sflag:s15] =	dma.local [hbm:s2], $0x1  }
0x93: {  	_ =	swait.eq [sflag:s15], $0x1  }
0x94: {  	[sflag:s15] =	ssyncset.done $0x0  }
0x95: {  	s16 =	sld [smem:$0x10];
	[sflag:s15] =	ssyncadd.s32 $0xFFFFFFFF  }
0x96: {  	s17 =	sld [smem:$0x11];
	(tm) =	ssettm $0x1  }
0x97: {  	s18 =	sld [smem:$0x3FFB];
	_ =	sdelay $0x3  }
0x98: {  	_ =	strace s18  }
0x99: {  	s4 =	sld [smem:$0x3FFC];
	_ =	sdelay $0x3  }
0x9a: {  	_ =	strace s4  }
0x9b: {  	s4 =	sld [smem:$0x3FFD];
	_ =	sdelay $0x3  }
0x9c: {  	_ =	strace s4  }
0x9d: {  	_ =	strace $0x8FFFFFFF  }
0x9e: {  	s19 =	sld [smem:$0x3FDB];
	_ =	sdelay $0x1  }
0x9f: {  	s5 =	simm.s32 $_scs_section_size  }
0xa0: {  	s6 =	simm.s32 $_size__tile_overlayer_lowered;
	s7 =	simm.s32 $_tile_overlayer_lowered  }
0xa1: {  	s22 =	simm.s32 $0x1BFF;
	s21 =	sshll.u32 s7, $0x1;
	s4 =	sadd.s32 s5, s19  }
0xa2: {  	s8 =	simm.s32 $0x0;
	s20 =	sshll.u32 s6, $0x1;
	s6 =	sadd.s32 s21, s4  }
0xa3: {  	[timem:s8], [sflag:s22] =	dma.local [hbm:s6], s20  }
0xa4: {  	_ =	swait.ge [sflag:s22], s20  }
0xa5: {  	s5 =	ssub.s32 $0x0, s20;
	[sflag:s22] =	ssyncset.done $0x0  }
0xa6: {  	[sflag:s22] =	ssyncadd.s32 s5;
	_ =	sdelay $0x1  }
0xa7: {  	s23 =	simm.s32 $0x1B8B  }
0xa8: {  	_ =	swait.ge [sflag:s23], $0x1  }
0xa9: {  	[sflag:s23] =	ssyncset.done $0x0  }
0xaa: {  	s25 =	simm.s32 $0x1B8E;
	s24 =	sld [smem:$0x3FFE];
	[sflag:s23] =	ssyncadd.s32 $0xFFFFFFFF  }
0xab: {  	s26 =	simm.s32 $execute0_lowered;
	[smem:$0x3FD2] =	sst s25  }
0xac: {  	s6 =	sshll.u32 s26, $0x1;
	_ =	strace $0x80000046;
	[dreg:$0x1] =	wrdreg $0xFFFFFFFF  }
0xad: {  	s28 =	simm.s32 $_size_execute0_lowered;
	s4 =	sadd.s32 s4, s6;
	[dreg:$0x0] =	wrdreg $0x0  }
0xae: {  	s6 =	sshll.u32 s28, $0x1;
	[dreg:$0x2] =	wrdreg s4  }
0xaf: {  	[dreg:$0x3] =	wrdreg s6  }
0xb0: {  	[dreg:$0x4] =	wrdreg $0xC0  }
0xb1: {  	_ =	task [dreg:s8], $0x5FFFF  }
0xb2: {  	[dreg:$0x1] =	wrdreg $0xFFFFFFFF  }
0xb3: {  	[dreg:$0x0] =	wrdreg $0x60  }
0xb4: {  	[dreg:$0x2] =	wrdreg s24  }
0xb5: {  	[dreg:$0x3] =	wrdreg s17  }
0xb6: {  	[dreg:$0x4] =	wrdreg s16  }
0xb7: {  	[dreg:$0x5] =	wrdreg $0xE4000  }
0xb8: {  	[dreg:$0x6] =	wrdreg $0x9  }
0xb9: {  	_ =	task.clear_ibuf [dreg:s8], $0x7FFFF;
	_ =	strace $0x90000046  }
0xba: {  	s29 =	simm.s32 $0x9;
	_ =	strace $0x80000048  }
0xbb: {  	_ =	swait.ge [sflag:s29], $0x1  }
0xbc: {  	[sflag:s29] =	ssyncadd.s32 $0xFFFFFFFF  }
0xbd: {  	_ =	strace $0x90000048  }
0xbe: {  	_ =	sfence  }
0xbf: {  	s30 =	sld [smem:$0x0];
	_ =	sdelay $0x2  }
0xc0: {  	s31 =	sshll.u32 s1, $0xD;
	s1 =	sshrl.u32 s1, $0x2  }
0xc1: {  	s3 =	sand.u32 $0x4000, s31;
	s1 =	sadd.s32 s1, s30  }
0xc2: {  	s0 =	sor.u32 s3, s0;
	s1 =	sshll.u32 s1, $0x11  }
0xc3: {  	s0 =	sor.u32 s1, s0  }
0xc4: {  	s0 =	sadd.s32 $0x8F2B, s0  }
0xc5: {  	[sflag:s0] =	ssyncadd.remote.s32 $0x1  }
0xc6: {  	_ =	sfence.sel $0xFFFF  }
0xc7: {  	[dreg:$0x0] =	wrdreg $0xFFFFFFFF;
	(pc) =	sbr.abs _section_cstart, $3  }
0xc8: {  	[dreg:$0x1] =	wrdreg $0xFFFFFFFF  }
0xc9: {  	_ =	task.clear_ibuf [dreg:s8], $0x2FFFF;
	_ =	strace $0x9FFFFFFF  }
0xca: {  	(tm) =	ssettm $0x7FFFFFFF  }
0xcb: {  	_ =	shalt  }
tec
execute0_lowered:
.L_overlay_start_1:
0x0: {  	(tag) =	ssettag $0x1  }
0x1: {  	s0 =	rddreg [dreg:$0x0]  }
0x2: {  	s1 =	rddreg [dreg:$0x3];
	s5 =	simm.s32 $0x0;
	s4 =	srdreg.scid  }
0x3: {  	s15 =	stileid.u32;
	[smem:$0x7FF] =	sst s5  }
0x4: {  	s4 =	sand.u32 $0x1, s4;
	s10 =	smul.u32 $0x18700, s15;
	s6 =	sadd.s32 $0xDF2400, s0  }
0x5: {  	s2 =	sadd.s32 $0x5600, s0;
	s8 =	sadd.s32 $0x1A4C00, s0;
	s14 =	smul.u32 $0x30E00, s15  }
0x6: {  	s11 =	smul.u32 $0x187000, s4;
	s12 =	ssub.s32 $0x2, s4;
	s4 =	sshll.u32 s4, $0x4  }
0x7: {  	_ =	strace $0x80000047;
	[dreg:$0x15] =	wrdreg s6;
	s4 =	sor.u32 s15, s4  }
0x8: {  	[dreg:$0x17] =	wrdreg s2;
	s15 =	sshrl.u32 s14, $0x2;
	s4 =	smul.u32 $0x64, s4  }
0x9: {  	[dreg:$0x18] =	wrdreg s8;
	s17 =	sadd.s32 s15, s1  }
0xa: {  	s28 =	simm.s32 $0x2;
	s18 =	sadd.s32 $0x1000, s17;
	[dreg:$0x5] =	wrdreg s4  }
0xb: {  	s7 =	simm.s32 $0xE240;
	s19 =	sadd.s32 $0x2000, s17;
	[dreg:$0x7] =	wrdreg s18  }
0xc: {  	s16 =	sadd.s32 $0x1BD400, s0;
	s20 =	sadd.s32 $0x3000, s17;
	[dreg:$0x8] =	wrdreg s19  }
0xd: {  	s13 =	sshrl.u32 s12, $0x1;
	s21 =	sadd.s32 $0x4000, s17;
	[dreg:$0x9] =	wrdreg s20  }
0xe: {  	s11 =	sadd.s32 s10, s11;
	s22 =	sadd.s32 $0x5000, s17;
	[dreg:$0xa] =	wrdreg s21  }
0xf: {  	s9 =	ssub.s32 s12, s13;
	s23 =	sadd.s32 $0x6000, s17;
	[dreg:$0xb] =	wrdreg s22  }
0x10: {  	s10 =	sshrl.u32 s10, $0x1;
	s24 =	sadd.s32 $0x7000, s17;
	[dreg:$0xc] =	wrdreg s23  }
0x11: {  	s12 =	simm.s32 $0x7;
	s25 =	sadd.s32 $0x8000, s17;
	[dreg:$0xd] =	wrdreg s24  }
0x12: {  	s11 =	sshrl.u32 s11, $0x4;
	s26 =	sadd.s32 $0x9000, s17;
	[dreg:$0xe] =	wrdreg s25  }
0x13: {  	s13 =	sadd.s32 s10, s1;
	s29 =	sadd.s32 $0xA000, s17;
	[dreg:$0xf] =	wrdreg s26  }
0x14: {  	s30 =	sadd.s32 $0xB000, s17;
	s31 =	smax.u32 s9, $0x1;
	[dreg:$0x10] =	wrdreg s29  }
0x15: {  	s10 =	simm.s32 $0x4;
	s1 =	simm.s32 $0x0;
	[dreg:$0x11] =	wrdreg s30  }
0x16: {  	s0 =	sadd.s32 s11, s0;
	s4 =	sadd.s32 $0xC000, s17;
	[dreg:$0x14] =	wrdreg s31  }
0x17: {  	s17 =	simm.s32 $0xE200;
	s20 =	simm.s32 $0xE240;
	s23 =	simm.s32 $0x5  }
0x18: {  	s24 =	simm.s32 $0x40;
	s25 =	simm.s32 $0x6;
	[dreg:$0x6] =	wrdreg s13  }
0x19: {  	s11 =	simm.s32 $0x1;
	[dreg:$0x12] =	wrdreg s4;
	s0 =	sadd.s32 $0x4DD400, s0  }
0x1a: {  	v0 =	vimm.bf16 $0.0e+00;
	s26 =	simm.s32 $0x3;
	s22 =	simm.s32 $0xE2C0;
	[dreg:$0x13] =	wrdreg s0  }
.LBB2_1:
0x1b: {  	[dreg:$0x16] =	wrdreg s1;
	s0 =	simm.s32 $0x40;
	s4 =	simm.s32 $0x0  }
.LBB2_2:
0x1c: {  	p0 =	sne.s32 s0, $0x3FC0;
	[tilespmem:s4+$0xC000] =	vst v0;
	s4 =	smov.u32 s0;
	s0 =	sadd.s32 $0x40, s0  }
.Ltmp0:
0x1d: {  	(pc) =	sbr.rel @p0 .LBB2_2-.Ltmp0, $2  }
0x1e: {  	_ =	sdelay $0x2  }
0x1f: {  	s4 =	sshra.s32 s4, $0x2  }
0x20: {  	[tilespmem:s4+$0xC000] =	vst v0;
	s3 =	simm.s32 $0xC000  }
0x21: {  	[spmem:s13] =	stream.linear.scatter [tilespmem:s3], [sflag:$0x7], $0x1000, $0x38;
	[tilespmem:$0x1A780] =	vst v63  }
0x22: {  	_ =	swait.ge [sflag:s12], $0x1000  }
0x23: {  	[sflag:s12] =	ssyncset.done $0x0  }
0x24: {  	s0 =	rddreg [dreg:$0x7];
	[sflag:s12] =	ssyncadd.s32 $0xFFFFF000  }
0x25: {  	[spmem:s0] =	stream.linear.scatter [tilespmem:s3], [sflag:$0x7], $0x1000, $0x38;
	[tilespmem:$0x1A780] =	vst v63  }
0x26: {  	_ =	swait.ge [sflag:s12], $0x1000  }
0x27: {  	[sflag:s12] =	ssyncset.done $0x0  }
0x28: {  	s6 =	rddreg [dreg:$0x8];
	[sflag:s12] =	ssyncadd.s32 $0xFFFFF000  }
0x29: {  	[spmem:s6] =	stream.linear.scatter [tilespmem:s3], [sflag:$0x7], $0x1000, $0x38;
	[tilespmem:$0x1A780] =	vst v63  }
0x2a: {  	_ =	swait.ge [sflag:s12], $0x1000  }
0x2b: {  	[sflag:s12] =	ssyncset.done $0x0  }
0x2c: {  	s8 =	rddreg [dreg:$0x9];
	[sflag:s12] =	ssyncadd.s32 $0xFFFFF000  }
0x2d: {  	[spmem:s8] =	stream.linear.scatter [tilespmem:s3], [sflag:$0x7], $0x1000, $0x38;
	[tilespmem:$0x1A780] =	vst v63  }
0x2e: {  	_ =	swait.ge [sflag:s12], $0x1000  }
0x2f: {  	[sflag:s12] =	ssyncset.done $0x0  }
0x30: {  	s9 =	rddreg [dreg:$0xa];
	[sflag:s12] =	ssyncadd.s32 $0xFFFFF000  }
0x31: {  	[spmem:s9] =	stream.linear.scatter [tilespmem:s3], [sflag:$0x7], $0x1000, $0x38;
	[tilespmem:$0x1A780] =	vst v63  }
0x32: {  	_ =	swait.ge [sflag:s12], $0x1000  }
0x33: {  	[sflag:s12] =	ssyncset.done $0x0  }
0x34: {  	s13 =	rddreg [dreg:$0xb];
	[sflag:s12] =	ssyncadd.s32 $0xFFFFF000  }
0x35: {  	[spmem:s13] =	stream.linear.scatter [tilespmem:s3], [sflag:$0x7], $0x1000, $0x38;
	[tilespmem:$0x1A780] =	vst v63  }
0x36: {  	_ =	swait.ge [sflag:s12], $0x1000  }
0x37: {  	[sflag:s12] =	ssyncset.done $0x0  }
0x38: {  	s14 =	rddreg [dreg:$0xc];
	[sflag:s12] =	ssyncadd.s32 $0xFFFFF000  }
0x39: {  	[spmem:s14] =	stream.linear.scatter [tilespmem:s3], [sflag:$0x7], $0x1000, $0x38;
	[tilespmem:$0x1A780] =	vst v63  }
0x3a: {  	_ =	swait.ge [sflag:s12], $0x1000  }
0x3b: {  	[sflag:s12] =	ssyncset.done $0x0  }
0x3c: {  	s15 =	rddreg [dreg:$0xd];
	[sflag:s12] =	ssyncadd.s32 $0xFFFFF000  }
0x3d: {  	[spmem:s15] =	stream.linear.scatter [tilespmem:s3], [sflag:$0x7], $0x1000, $0x38;
	[tilespmem:$0x1A780] =	vst v63  }
0x3e: {  	_ =	swait.ge [sflag:s12], $0x1000  }
0x3f: {  	[sflag:s12] =	ssyncset.done $0x0  }
0x40: {  	s18 =	rddreg [dreg:$0xe];
	[sflag:s12] =	ssyncadd.s32 $0xFFFFF000  }
0x41: {  	[spmem:s18] =	stream.linear.scatter [tilespmem:s3], [sflag:$0x7], $0x1000, $0x38;
	[tilespmem:$0x1A780] =	vst v63  }
0x42: {  	_ =	swait.ge [sflag:s12], $0x1000  }
0x43: {  	[sflag:s12] =	ssyncset.done $0x0  }
0x44: {  	s19 =	rddreg [dreg:$0xf];
	[sflag:s12] =	ssyncadd.s32 $0xFFFFF000  }
0x45: {  	[spmem:s19] =	stream.linear.scatter [tilespmem:s3], [sflag:$0x7], $0x1000, $0x38;
	[tilespmem:$0x1A780] =	vst v63  }
0x46: {  	_ =	swait.ge [sflag:s12], $0x1000  }
0x47: {  	[sflag:s12] =	ssyncset.done $0x0  }
0x48: {  	s21 =	rddreg [dreg:$0x10];
	[sflag:s12] =	ssyncadd.s32 $0xFFFFF000  }
0x49: {  	[spmem:s21] =	stream.linear.scatter [tilespmem:s3], [sflag:$0x7], $0x1000, $0x38;
	[tilespmem:$0x1A780] =	vst v63  }
0x4a: {  	_ =	swait.ge [sflag:s12], $0x1000  }
0x4b: {  	[sflag:s12] =	ssyncset.done $0x0  }
0x4c: {  	s30 =	rddreg [dreg:$0x11];
	[sflag:s12] =	ssyncadd.s32 $0xFFFFF000  }
0x4d: {  	[spmem:s30] =	stream.linear.scatter [tilespmem:s3], [sflag:$0x7], $0x1000, $0x38;
	[tilespmem:$0x1A780] =	vst v63  }
0x4e: {  	_ =	swait.ge [sflag:s12], $0x1000  }
0x4f: {  	[sflag:s12] =	ssyncset.done $0x0  }
0x50: {  	s31 =	rddreg [dreg:$0x12];
	[sflag:s12] =	ssyncadd.s32 $0xFFFFF000  }
0x51: {  	[spmem:s31] =	stream.linear.scatter [tilespmem:s3], [sflag:$0x7], $0x380, $0x38;
	[tilespmem:$0x1A780] =	vst v63  }
0x52: {  	_ =	swait.ge [sflag:s12], $0x380  }
0x53: {  	[sflag:s12] =	ssyncset.done $0x0  }
0x54: {  	[sflag:s12] =	ssyncadd.s32 $0xFFFFFC80  }
0x55: {  	s29 =	simm.s32 $0x0;
	[bflag:$0x0] =	sbarrier.arrive $0xFFFF  }
.LBB2_4:
0x56: {  	s0 =	sshll.u32 s29, $0x1;
	s4 =	rddreg [dreg:$0x5]  }
0x57: {  	s15 =	sadd.s32 s4, s0  }
0x58: {  	s4 =	sshll.u32 s15, $0x6  }
0x59: {  	s12 =	smin.u32 s4, $0x30D00  }
0x5a: {  	s8 =	rddreg [dreg:$0x17];
	s0 =	sshrl.u32 s12, $0x3  }
0x5b: {  	s14 =	simm.s32 $0xE000;
	s2 =	rddreg [dreg:$0x1];
	s12 =	sadd.s32 s8, s0  }
0x5c: {  	[tilespmem:s14], [sflag:$0x5] =	stream.linear.gather [hbm4b:s12+s5], $0x40, $0x38;
	[tilespmem:$0x1A780] =	vst v63  }
0x5d: {  	s13 =	sadd.s32 s2, s0;
	s18 =	sadd.s32 $0x61A8, s0  }
0x5e: {  	[tilespmem:s17], [sflag:$0x5] =	stream.linear.gather [hbm4b:s13+s5], $0x40, $0x38;
	[tilespmem:$0x1A780] =	vst v63  }
0x5f: {  	s21 =	simm.s32 $0xE040;
	s13 =	sadd.s32 s8, s18  }
0x60: {  	[tilespmem:s21], [sflag:$0x5] =	stream.linear.gather [hbm4b:s13+s5], $0x40, $0x38;
	[tilespmem:$0x1A780] =	vst v63  }
0x61: {  	s12 =	sadd.s32 s2, s18  }
0x62: {  	[tilespmem:s20], [sflag:$0x5] =	stream.linear.gather [hbm4b:s12+s5], $0x40, $0x38;
	[tilespmem:$0x1A780] =	vst v63  }
0x63: {  	s20 =	sadd.s32 $0xC350, s0  }
0x64: {  	s31 =	simm.s32 $0xE080;
	s1 =	sadd.s32 s8, s20  }
0x65: {  	[tilespmem:s31], [sflag:$0x5] =	stream.linear.gather [hbm4b:s1+s5], $0x40, $0x38;
	[tilespmem:$0x1A780] =	vst v63  }
0x66: {  	s18 =	simm.s32 $0xE280;
	s0 =	sadd.s32 $0x124F8, s0;
	s12 =	sadd.s32 s2, s20  }
0x67: {  	[tilespmem:s18], [sflag:$0x5] =	stream.linear.gather [hbm4b:s12+s5], $0x40, $0x38;
	[tilespmem:$0x1A780] =	vst v63  }
0x68: {  	s17 =	sor.u32 $0x40, s4;
	s3 =	sadd.s32 s8, s0;
	s20 =	simm.s32 $0xE0C0  }
0x69: {  	[tilespmem:s20], [sflag:$0x5] =	stream.linear.gather [hbm4b:s3+s5], $0x40, $0x38;
	[tilespmem:$0x1A780] =	vst v63  }
0x6a: {  	s6 =	smin.u32 s17, $0x30D00;
	s0 =	sadd.s32 s2, s0  }
0x6b: {  	[tilespmem:s22], [sflag:$0x5] =	stream.linear.gather [hbm4b:s0+s5], $0x40, $0x38;
	[tilespmem:$0x1A780] =	vst v63  }
0x6c: {  	s0 =	sshrl.u32 s6, $0x3  }
0x6d: {  	s6 =	simm.s32 $0xE100;
	s12 =	sadd.s32 s8, s0  }
0x6e: {  	[tilespmem:s6], [sflag:$0x6] =	stream.linear.gather [hbm4b:s12+s5], $0x40, $0x38;
	[tilespmem:$0x1A780] =	vst v63  }
0x6f: {  	s9 =	simm.s32 $0xE300;
	s1 =	sadd.s32 s2, s0;
	s12 =	sadd.s32 $0x61A8, s0  }
0x70: {  	[tilespmem:s9], [sflag:$0x6] =	stream.linear.gather [hbm4b:s1+s5], $0x40, $0x38;
	[tilespmem:$0x1A780] =	vst v63  }
0x71: {  	s3 =	sadd.s32 s8, s12;
	s9 =	simm.s32 $0xE140  }
0x72: {  	[tilespmem:s9], [sflag:$0x6] =	stream.linear.gather [hbm4b:s3+s5], $0x40, $0x38;
	[tilespmem:$0x1A780] =	vst v63  }
0x73: {  	s12 =	sadd.s32 s2, s12;
	s1 =	simm.s32 $0xE340  }
0x74: {  	[tilespmem:s1], [sflag:$0x6] =	stream.linear.gather [hbm4b:s12+s5], $0x40, $0x38;
	[tilespmem:$0x1A780] =	vst v63  }
0x75: {  	s12 =	sadd.s32 $0xC350, s0  }
0x76: {  	s3 =	simm.s32 $0xE180;
	s13 =	sadd.s32 s8, s12  }
0x77: {  	[tilespmem:s3], [sflag:$0x6] =	stream.linear.gather [hbm4b:s13+s5], $0x40, $0x38;
	[tilespmem:$0x1A780] =	vst v63  }
0x78: {  	s19 =	simm.s32 $0xE380;
	s0 =	sadd.s32 $0x124F8, s0;
	s12 =	sadd.s32 s2, s12  }
0x79: {  	[tilespmem:s19], [sflag:$0x6] =	stream.linear.gather [hbm4b:s12+s5], $0x40, $0x38;
	[tilespmem:$0x1A780] =	vst v63  }
0x7a: {  	s13 =	sadd.s32 s8, s0;
	s19 =	simm.s32 $0xE1C0  }
0x7b: {  	[tilespmem:s19], [sflag:$0x6] =	stream.linear.gather [hbm4b:s13+s5], $0x40, $0x38;
	[tilespmem:$0x1A780] =	vst v63  }
0x7c: {  	s1 =	simm.s32 $0xE3C0;
	s0 =	sadd.s32 s2, s0  }
0x7d: {  	[tilespmem:s1], [sflag:$0x6] =	stream.linear.gather [hbm4b:s0+s5], $0x40, $0x38;
	[tilespmem:$0x1A780] =	vst v63  }
0x7e: {  	_ =	swait.ge [sflag:s23], $0x40  }
0x7f: {  	[sflag:s23] =	ssyncset.done $0x0  }
0x80: {  	[sflag:s23] =	ssyncadd.s32 $0xFFFFFFC0  }
0x81: {  	_ =	swait.ge [sflag:s23], $0x40  }
0x82: {  	[sflag:s23] =	ssyncset.done $0x0  }
0x83: {  	[sflag:s23] =	ssyncadd.s32 $0xFFFFFFC0  }
0x84: {  	_ =	swait.ge [sflag:s23], $0x40  }
0x85: {  	[sflag:s23] =	ssyncset.done $0x0  }
0x86: {  	[sflag:s23] =	ssyncadd.s32 $0xFFFFFFC0  }
0x87: {  	_ =	swait.ge [sflag:s23], $0x40  }
0x88: {  	[sflag:s23] =	ssyncset.done $0x0  }
0x89: {  	[sflag:s23] =	ssyncadd.s32 $0xFFFFFFC0  }
0x8a: {  	_ =	swait.ge [sflag:s23], $0x40  }
0x8b: {  	[sflag:s23] =	ssyncset.done $0x0  }
0x8c: {  	[sflag:s23] =	ssyncadd.s32 $0xFFFFFFC0  }
0x8d: {  	_ =	swait.ge [sflag:s23], $0x40  }
0x8e: {  	[sflag:s23] =	ssyncset.done $0x0  }
0x8f: {  	[sflag:s23] =	ssyncadd.s32 $0xFFFFFFC0  }
0x90: {  	_ =	swait.ge [sflag:s23], $0x40  }
0x91: {  	[sflag:s23] =	ssyncset.done $0x0  }
0x92: {  	[sflag:s23] =	ssyncadd.s32 $0xFFFFFFC0  }
0x93: {  	_ =	swait.ge [sflag:s23], $0x40  }
0x94: {  	s13 =	sshll.u32 s15, $0xA;
	[sflag:s23] =	ssyncset.done $0x0;
	s12 =	rddreg [dreg:$0x15]  }
0x95: {  	[sflag:s23] =	ssyncadd.s32 $0xFFFFFFC0;
	s8 =	sadd.s32 s12, s13  }
0x96: {  	[tilespmem:s5], [sflag:$0x1] =	stream.linear.gather [hbm4b:s8+s5], $0x2000, $0x38;
	[tilespmem:$0x1A780] =	vst v63  }
0x97: {  	s1 =	simm.s32 $0x8000;
	s8 =	rddreg [dreg:$0x18]  }
0x98: {  	[tilespmem:s1], [sflag:$0x1] =	stream.indirect.gather [hbm4b:s8+s24], $0x10, s14, s24, $0xb8;
	[tilespmem:$0x1A780] =	vst v63  }
0x99: {  	s30 =	simm.s32 $0xE200;
	s1 =	rddreg [dreg:$0x2];
	s14 =	simm.s32 $0xA000  }
0x9a: {  	[tilespmem:s14], [sflag:$0x1] =	stream.indirect.gather [hbm4b:s1+s24], $0x10, s30, s24, $0xb8;
	[tilespmem:$0x1A780] =	vst v63  }
0x9b: {  	s14 =	simm.s32 $0x8400  }
0x9c: {  	[tilespmem:s14], [sflag:$0x1] =	stream.indirect.gather [hbm4b:s8+s24], $0x10, s21, s24, $0xb8;
	[tilespmem:$0x1A780] =	vst v63  }
0x9d: {  	s14 =	simm.s32 $0xA400  }
0x9e: {  	[tilespmem:s14], [sflag:$0x1] =	stream.indirect.gather [hbm4b:s1+s24], $0x10, s7, s24, $0xb8;
	[tilespmem:$0x1A780] =	vst v63  }
0x9f: {  	s21 =	simm.s32 $0x8800  }
0xa0: {  	[tilespmem:s21], [sflag:$0x1] =	stream.indirect.gather [hbm4b:s8+s24], $0x10, s31, s24, $0xb8;
	[tilespmem:$0x1A780] =	vst v63  }
0xa1: {  	s14 =	simm.s32 $0xA800  }
0xa2: {  	[tilespmem:s14], [sflag:$0x1] =	stream.indirect.gather [hbm4b:s1+s24], $0x10, s18, s24, $0xb8;
	[tilespmem:$0x1A780] =	vst v63  }
0xa3: {  	s21 =	simm.s32 $0x8C00  }
0xa4: {  	[tilespmem:s21], [sflag:$0x1] =	stream.indirect.gather [hbm4b:s8+s24], $0x10, s20, s24, $0xb8;
	[tilespmem:$0x1A780] =	vst v63  }
0xa5: {  	s14 =	simm.s32 $0xAC00  }
0xa6: {  	[tilespmem:s14], [sflag:$0x1] =	stream.indirect.gather [hbm4b:s1+s24], $0x10, s22, s24, $0xb8;
	[tilespmem:$0x1A780] =	vst v63  }
0xa7: {  	_ =	swait.ge [sflag:s25], $0x40  }
0xa8: {  	[sflag:s25] =	ssyncset.done $0x0  }
0xa9: {  	[sflag:s25] =	ssyncadd.s32 $0xFFFFFFC0  }
0xaa: {  	_ =	swait.ge [sflag:s25], $0x40  }
0xab: {  	[sflag:s25] =	ssyncset.done $0x0  }
0xac: {  	[sflag:s25] =	ssyncadd.s32 $0xFFFFFFC0  }
0xad: {  	_ =	swait.ge [sflag:s25], $0x40  }
0xae: {  	[sflag:s25] =	ssyncset.done $0x0  }
0xaf: {  	[sflag:s25] =	ssyncadd.s32 $0xFFFFFFC0  }
0xb0: {  	_ =	swait.ge [sflag:s25], $0x40  }
0xb1: {  	[sflag:s25] =	ssyncset.done $0x0  }
0xb2: {  	[sflag:s25] =	ssyncadd.s32 $0xFFFFFFC0  }
0xb3: {  	_ =	swait.ge [sflag:s25], $0x40  }
0xb4: {  	[sflag:s25] =	ssyncset.done $0x0  }
0xb5: {  	[sflag:s25] =	ssyncadd.s32 $0xFFFFFFC0  }
0xb6: {  	_ =	swait.ge [sflag:s25], $0x40  }
0xb7: {  	[sflag:s25] =	ssyncset.done $0x0  }
0xb8: {  	[sflag:s25] =	ssyncadd.s32 $0xFFFFFFC0  }
0xb9: {  	_ =	swait.ge [sflag:s25], $0x40  }
0xba: {  	[sflag:s25] =	ssyncset.done $0x0  }
0xbb: {  	[sflag:s25] =	ssyncadd.s32 $0xFFFFFFC0  }
0xbc: {  	s20 =	sshll.u32 s17, $0x4;
	_ =	swait.ge [sflag:s25], $0x40  }
0xbd: {  	s31 =	sand.u32 $0x1FFFFC00, s20;
	[sflag:s25] =	ssyncset.done $0x0  }
0xbe: {  	s21 =	simm.s32 $0x2000;
	s0 =	sadd.s32 s12, s31;
	[sflag:s25] =	ssyncadd.s32 $0xFFFFFFC0  }
0xbf: {  	[tilespmem:s21], [sflag:$0x2] =	stream.linear.gather [hbm4b:s0+s5], $0x2000, $0x38;
	[tilespmem:$0x1A780] =	vst v63  }
0xc0: {  	s12 =	simm.s32 $0x9000  }
0xc1: {  	[tilespmem:s12], [sflag:$0x2] =	stream.indirect.gather [hbm4b:s8+s24], $0x10, s6, s24, $0xb8;
	[tilespmem:$0x1A780] =	vst v63  }
0xc2: {  	s14 =	simm.s32 $0xB000;
	s6 =	simm.s32 $0xE300  }
0xc3: {  	[tilespmem:s14], [sflag:$0x2] =	stream.indirect.gather [hbm4b:s1+s24], $0x10, s6, s24, $0xb8;
	[tilespmem:$0x1A780] =	vst v63  }
0xc4: {  	s20 =	simm.s32 $0x9400  }
0xc5: {  	[tilespmem:s20], [sflag:$0x2] =	stream.indirect.gather [hbm4b:s8+s24], $0x10, s9, s24, $0xb8;
	[tilespmem:$0x1A780] =	vst v63  }
0xc6: {  	s21 =	simm.s32 $0xB400;
	s9 =	simm.s32 $0xE340  }
0xc7: {  	[tilespmem:s21], [sflag:$0x2] =	stream.indirect.gather [hbm4b:s1+s24], $0x10, s9, s24, $0xb8;
	[tilespmem:$0x1A780] =	vst v63  }
0xc8: {  	s12 =	simm.s32 $0x9800  }
0xc9: {  	[tilespmem:s12], [sflag:$0x2] =	stream.indirect.gather [hbm4b:s8+s24], $0x10, s3, s24, $0xb8;
	[tilespmem:$0x1A780] =	vst v63  }
0xca: {  	s2 =	simm.s32 $0xE380;
	s14 =	simm.s32 $0xB800  }
0xcb: {  	[tilespmem:s14], [sflag:$0x2] =	stream.indirect.gather [hbm4b:s1+s24], $0x10, s2, s24, $0xb8;
	[tilespmem:$0x1A780] =	vst v63  }
0xcc: {  	s20 =	simm.s32 $0x9C00  }
0xcd: {  	[tilespmem:s20], [sflag:$0x2] =	stream.indirect.gather [hbm4b:s8+s24], $0x10, s19, s24, $0xb8;
	[tilespmem:$0x1A780] =	vst v63  }
0xce: {  	s21 =	simm.s32 $0xBC00;
	s3 =	simm.s32 $0xE3C0  }
0xcf: {  	[tilespmem:s21], [sflag:$0x2] =	stream.indirect.gather [hbm4b:s1+s24], $0x10, s3, s24, $0xb8;
	[tilespmem:$0x1A780] =	vst v63  }
0xd0: {  	_ =	swait.ge [sflag:s11], $0x2000  }
0xd1: {  	[sflag:s11] =	ssyncset.done $0x0  }
0xd2: {  	[sflag:s11] =	ssyncadd.s32 $0xFFFFE000  }
0xd3: {  	_ =	swait.ge [sflag:s11], $0x400  }
0xd4: {  	[sflag:s11] =	ssyncset.done $0x0  }
0xd5: {  	[sflag:s11] =	ssyncadd.s32 $0xFFFFFC00  }
0xd6: {  	_ =	swait.ge [sflag:s11], $0x400  }
0xd7: {  	[sflag:s11] =	ssyncset.done $0x0  }
0xd8: {  	[sflag:s11] =	ssyncadd.s32 $0xFFFFFC00  }
0xd9: {  	_ =	swait.ge [sflag:s11], $0x400  }
0xda: {  	[sflag:s11] =	ssyncset.done $0x0  }
0xdb: {  	[sflag:s11] =	ssyncadd.s32 $0xFFFFFC00  }
0xdc: {  	_ =	swait.ge [sflag:s11], $0x400  }
0xdd: {  	[sflag:s11] =	ssyncset.done $0x0  }
0xde: {  	[sflag:s11] =	ssyncadd.s32 $0xFFFFFC00  }
0xdf: {  	_ =	swait.ge [sflag:s11], $0x400  }
0xe0: {  	[sflag:s11] =	ssyncset.done $0x0  }
0xe1: {  	[sflag:s11] =	ssyncadd.s32 $0xFFFFFC00  }
0xe2: {  	_ =	swait.ge [sflag:s11], $0x400  }
0xe3: {  	[sflag:s11] =	ssyncset.done $0x0  }
0xe4: {  	[sflag:s11] =	ssyncadd.s32 $0xFFFFFC00  }
0xe5: {  	_ =	swait.ge [sflag:s11], $0x400  }
0xe6: {  	[sflag:s11] =	ssyncset.done $0x0  }
0xe7: {  	[sflag:s11] =	ssyncadd.s32 $0xFFFFFC00  }
0xe8: {  	_ =	swait.ge [sflag:s11], $0x400  }
0xe9: {  	[sflag:s11] =	ssyncset.done $0x0  }
0xea: {  	p0 =	slt.u32 s15, $0xC35;
	[sflag:s11] =	ssyncadd.s32 $0xFFFFFC00  }
0xeb: {  	v1 =	vld @!p0 [tilespmem:$0xE200]  }
0xec: {  	v2 =	vld @!p0 [tilespmem:$0xE210]  }
0xed: {  	v3 =	vld @!p0 [tilespmem:$0xE220]  }
0xee: {  	p1 =	sgt.u32 @!p0 s4, $0x30D3F;
	s0 =	sor.u32 @!p0 $0x10, s4;
	v4 =	vld @!p0 [tilespmem:$0xE230]  }
0xef: {  	p1 =	por !p1, p0;
	p2 =	sgt.u32 @!p0 s0, $0x30D3F;
	s0 =	sor.u32 @!p0 $0x20, s4;
	v5 =	vld @!p0 [tilespmem:$0xE240]  }
0xf0: {  	p2 =	por !p2, p0;
	p3 =	sgt.u32 @!p0 s0, $0x30D3F;
	s0 =	sor.u32 @!p0 $0x30, s4;
	v6 =	vld @!p0 [tilespmem:$0xE250];
	v1 =	vpsel !p1, $0xC350, v1  }
0xf1: {  	p3 =	por !p3, p0;
	p4 =	sgt.u32 @!p0 s0, $0x30D3F;
	v2 =	vpsel !p2, $0xC351, v2;
	[tilespmem:$0xE200] =	vst @!p0 v1;
	v1 =	vld @!p0 [tilespmem:$0xE260]  }
0xf2: {  	p4 =	por !p4, p0;
	v3 =	vpsel !p3, $0xC352, v3;
	[tilespmem:$0xE210] =	vst @!p0 v2;
	v2 =	vld @!p0 [tilespmem:$0xE270]  }
0xf3: {  	v4 =	vpsel !p4, $0xC353, v4;
	[tilespmem:$0xE220] =	vst @!p0 v3;
	v3 =	vld @!p0 [tilespmem:$0xE280]  }
0xf4: {  	v5 =	vpsel !p1, $0xC354, v5;
	[tilespmem:$0xE230] =	vst @!p0 v4;
	v4 =	vld @!p0 [tilespmem:$0xE290]  }
0xf5: {  	v6 =	vpsel !p2, $0xC355, v6;
	[tilespmem:$0xE240] =	vst @!p0 v5;
	v5 =	vld @!p0 [tilespmem:$0xE2A0]  }
0xf6: {  	[tilespmem:$0xE250] =	vst @!p0 v6;
	v6 =	vld @!p0 [tilespmem:$0xE2B0];
	v1 =	vpsel !p3, $0xC356, v1  }
0xf7: {  	v2 =	vpsel !p4, $0xC357, v2;
	[tilespmem:$0xE260] =	vst @!p0 v1;
	v1 =	vld @!p0 [tilespmem:$0xE2C0]  }
0xf8: {  	v3 =	vpsel !p1, $0xC358, v3;
	[tilespmem:$0xE270] =	vst @!p0 v2;
	v2 =	vld @!p0 [tilespmem:$0xE2D0]  }
0xf9: {  	v4 =	vpsel !p2, $0xC359, v4;
	[tilespmem:$0xE280] =	vst @!p0 v3;
	v3 =	vld @!p0 [tilespmem:$0xE2E0]  }
0xfa: {  	v5 =	vpsel !p3, $0xC35A, v5;
	[tilespmem:$0xE290] =	vst @!p0 v4;
	v4 =	vld @!p0 [tilespmem:$0xE2F0]  }
0xfb: {  	v6 =	vpsel !p4, $0xC35B, v6;
	[tilespmem:$0xE2A0] =	vst @!p0 v5  }
0xfc: {  	[tilespmem:$0xE2B0] =	vst @!p0 v6;
	v1 =	vpsel !p1, $0xC35C, v1  }
0xfd: {  	v2 =	vpsel !p2, $0xC35D, v2;
	[tilespmem:$0xE2C0] =	vst @!p0 v1  }
0xfe: {  	v3 =	vpsel !p3, $0xC35E, v3;
	[tilespmem:$0xE2D0] =	vst @!p0 v2  }
0xff: {  	v4 =	vpsel !p4, $0xC35F, v4;
	[tilespmem:$0xE2E0] =	vst @!p0 v3  }
0x100: {  	s19 =	simm.s32 $0xFFFFFC00;
	[tilespmem:$0xE2F0] =	vst @!p0 v4  }
0x101: {  	v1 =	vld [tilespmem:s19+$0xA400]  }
0x102: {  	s21 =	simm.s32 $0x40;
	v2 =	vld [tilespmem:s19+$0x8400]  }
0x103: {  	v3 =	vld [tilespmem:s21+$0xFFFFFFC0]  }
0x104: {  	v4 =	vld [tilespmem:s21+$0xFFFFFFD0];
	_ =	sdelay $0x2  }
0x105: {  	v5 =	vunpack.i.l.bf16.f32 v2  }
0x106: {  	v2 =	vunpack.i.u.bf16.f32 v2;
	v3 =	vadd.f32 v5, v3  }
0x107: {  	v5 =	vunpack.i.l.bf16.f32 v1;
	v2 =	vadd.f32 v2, v4  }
0x108: {  	v1 =	vunpack.i.u.bf16.f32 v1;
	v3 =	vadd.f32 v5, v3  }
0x109: {  	v1 =	vadd.f32 v1, v2  }
0x10a: {  	s30 =	simm.s32 $0x4040;
	v2 =	vmax.f32 v3, $0.0e+00  }
0x10b: {  	v1 =	vmax.f32 v1, $0.0e+00;
	[tilespmem:s30+$0xFFFFFFC0] =	vst v2  }
0x10c: {  	[tilespmem:s30+$0xFFFFFFD0] =	vst v1;
	v1 =	vpack.i.f32.bf16 v1, v2  }
0x10d: {  	[tilespmem:s19+$0xC400] =	vst v1;
	v1 =	vld [tilespmem:s19+$0x8800]  }
0x10e: {  	v2 =	vld [tilespmem:s19+$0xA800]  }
0x10f: {  	v3 =	vld [tilespmem:s21+$0xFFFFFFE0]  }
0x110: {  	v4 =	vld [tilespmem:s21+$0xFFFFFFF0];
	_ =	sdelay $0x2  }
0x111: {  	v5 =	vunpack.i.l.bf16.f32 v1  }
0x112: {  	v1 =	vunpack.i.u.bf16.f32 v1;
	v3 =	vadd.f32 v5, v3  }
0x113: {  	v5 =	vunpack.i.l.bf16.f32 v2;
	v1 =	vadd.f32 v1, v4  }
0x114: {  	v2 =	vunpack.i.u.bf16.f32 v2;
	v3 =	vadd.f32 v5, v3  }
0x115: {  	v1 =	vadd.f32 v2, v1  }
0x116: {  	v2 =	vmax.f32 v3, $0.0e+00  }
0x117: {  	v1 =	vmax.f32 v1, $0.0e+00;
	[tilespmem:s30+$0xFFFFFFE0] =	vst v2  }
0x118: {  	[tilespmem:s30+$0xFFFFFFF0] =	vst v1;
	v1 =	vpack.i.f32.bf16 v1, v2  }
0x119: {  	[tilespmem:s19+$0xC800] =	vst v1;
	v1 =	vld [tilespmem:s19+$0x8C00]  }
0x11a: {  	v4 =	vld [tilespmem:s19+$0xAC00]  }
0x11b: {  	v2 =	vld [tilespmem:s21+$0x0]  }
0x11c: {  	v3 =	vld [tilespmem:s21+$0x10];
	_ =	sdelay $0x2  }
0x11d: {  	v5 =	vunpack.i.l.bf16.f32 v1  }
0x11e: {  	v1 =	vunpack.i.u.bf16.f32 v1;
	v2 =	vadd.f32 v5, v2  }
0x11f: {  	v1 =	vadd.f32 v1, v3;
	v3 =	vunpack.i.l.bf16.f32 v4  }
0x120: {  	v4 =	vunpack.i.u.bf16.f32 v4;
	v2 =	vadd.f32 v3, v2  }
0x121: {  	v1 =	vadd.f32 v4, v1  }
0x122: {  	v2 =	vmax.f32 v2, $0.0e+00  }
0x123: {  	v1 =	vmax.f32 v1, $0.0e+00;
	[tilespmem:s30+$0x0] =	vst v2  }
0x124: {  	v2 =	vpack.i.f32.bf16 v1, v2;
	[tilespmem:s30+$0x10] =	vst v1  }
0x125: {  	[tilespmem:s19+$0xCC00] =	vst v2;
	v5 =	vld [tilespmem:s19+$0x9000]  }
0x126: {  	v2 =	vld [tilespmem:s21+$0x20]  }
0x127: {  	v3 =	vld [tilespmem:s21+$0x30]  }
0x128: {  	v1 =	vld [tilespmem:s19+$0xB000];
	_ =	sdelay $0x1  }
0x129: {  	s18 =	simm.s32 $0xE2C0;
	s0 =	simm.s32 $0x4040;
	s12 =	simm.s32 $0xFFFFF040;
	v4 =	vunpack.i.u.bf16.f32 v5;
	v5 =	vunpack.i.l.bf16.f32 v5  }
.LBB2_5:
0x12a: {  	p0 =	sne.s32 s12, $0xFFFFFFC0;
	s30 =	sadd.s32 $0x80, s30;
	s21 =	sadd.s32 $0x80, s21  }
0x12b: {  	v2 =	vadd.f32 v5, v2;
	s14 =	smov.u32 s12;
	s12 =	sadd.s32 $0x40, s12;
	v3 =	vadd.f32 v4, v3  }
0x12c: {  	v4 =	vunpack.i.u.bf16.f32 v1;
	v1 =	vunpack.i.l.bf16.f32 v1  }
0x12d: {  	v1 =	vadd.f32 v1, v2;
	v2 =	vadd.f32 v4, v3;
	_ =	sdelay $0x1  }
0x12e: {  	v1 =	vmax.f32 v1, $0.0e+00;
	v2 =	vmax.f32 v2, $0.0e+00  }
0x12f: {  	[tilespmem:s0+$0x20] =	vst v1;
	v1 =	vpack.i.f32.bf16 v2, v1  }
0x130: {  	s14 =	sshra.s32 s14, $0x2;
	[tilespmem:s0+$0x30] =	vst v2;
	s0 =	smov.u32 s30  }
0x131: {  	v2 =	vld [tilespmem:s14+$0xA400];
	[tilespmem:s19+$0xD000] =	vst v1;
	s19 =	smov.u32 s14  }
0x132: {  	v1 =	vld [tilespmem:s19+$0x8400]  }
0x133: {  	v3 =	vld [tilespmem:s21+$0xFFFFFFC0]  }
0x134: {  	v4 =	vld [tilespmem:s21+$0xFFFFFFD0];
	_ =	sdelay $0x2  }
0x135: {  	v5 =	vunpack.i.u.bf16.f32 v1;
	v1 =	vunpack.i.l.bf16.f32 v1  }
0x136: {  	v6 =	vunpack.i.u.bf16.f32 v2;
	v2 =	vunpack.i.l.bf16.f32 v2;
	v1 =	vadd.f32 v1, v3  }
0x137: {  	v3 =	vadd.f32 v5, v4  }
0x138: {  	v1 =	vadd.f32 v2, v1  }
0x139: {  	v2 =	vadd.f32 v6, v3  }
0x13a: {  	v1 =	vmax.f32 v1, $0.0e+00  }
0x13b: {  	v2 =	vmax.f32 v2, $0.0e+00;
	[tilespmem:s30+$0xFFFFFFC0] =	vst v1  }
0x13c: {  	[tilespmem:s30+$0xFFFFFFD0] =	vst v2;
	v1 =	vpack.i.f32.bf16 v2, v1  }
0x13d: {  	[tilespmem:s19+$0xC400] =	vst v1;
	v1 =	vld [tilespmem:s19+$0x8800]  }
0x13e: {  	v2 =	vld [tilespmem:s19+$0xA800]  }
0x13f: {  	v3 =	vld [tilespmem:s21+$0xFFFFFFE0]  }
0x140: {  	v4 =	vld [tilespmem:s21+$0xFFFFFFF0];
	_ =	sdelay $0x1  }
0x141: {  	v5 =	vunpack.i.l.bf16.f32 v1  }
0x142: {  	v1 =	vunpack.i.u.bf16.f32 v1;
	v6 =	vunpack.i.l.bf16.f32 v2  }
0x143: {  	v3 =	vadd.f32 v5, v3  }
0x144: {  	v1 =	vadd.f32 v1, v4  }
0x145: {  	v2 =	vunpack.i.u.bf16.f32 v2;
	v3 =	vadd.f32 v6, v3  }
0x146: {  	v1 =	vadd.f32 v2, v1  }
0x147: {  	v2 =	vmax.f32 v3, $0.0e+00  }
0x148: {  	v1 =	vmax.f32 v1, $0.0e+00;
	[tilespmem:s30+$0xFFFFFFE0] =	vst v2  }
0x149: {  	[tilespmem:s30+$0xFFFFFFF0] =	vst v1;
	v1 =	vpack.i.f32.bf16 v1, v2  }
0x14a: {  	[tilespmem:s19+$0xC800] =	vst v1;
	v1 =	vld [tilespmem:s19+$0x8C00]  }
0x14b: {  	v2 =	vld [tilespmem:s21+$0x0]  }
0x14c: {  	v3 =	vld [tilespmem:s21+$0x10]  }
0x14d: {  	v4 =	vld [tilespmem:s19+$0xAC00];
	_ =	sdelay $0x1  }
0x14e: {  	v5 =	vunpack.i.l.bf16.f32 v1  }
0x14f: {  	v1 =	vunpack.i.u.bf16.f32 v1;
	v2 =	vadd.f32 v5, v2  }
0x150: {  	v1 =	vadd.f32 v1, v3  }
0x151: {  	v3 =	vunpack.i.u.bf16.f32 v4;
	v4 =	vunpack.i.l.bf16.f32 v4  }
0x152: {  	v2 =	vadd.f32 v4, v2;
	v1 =	vadd.f32 v3, v1;
	_ =	sdelay $0x1  }
0x153: {  	v2 =	vmax.f32 v2, $0.0e+00;
	v1 =	vmax.f32 v1, $0.0e+00  }
0x154: {  	[tilespmem:s30+$0x0] =	vst v2;
	v2 =	vpack.i.f32.bf16 v1, v2  }
0x155: {  	[tilespmem:s30+$0x10] =	vst v1  }
0x156: {  	[tilespmem:s19+$0xCC00] =	vst v2;
	v5 =	vld [tilespmem:s19+$0x9000]  }
.Ltmp1:
0x157: {  	v2 =	vld [tilespmem:s21+$0x20];
	(pc) =	sbr.rel @p0 .LBB2_5-.Ltmp1, $3  }
0x158: {  	v3 =	vld [tilespmem:s21+$0x30]  }
0x159: {  	v1 =	vld [tilespmem:s19+$0xB000];
	_ =	sdelay $0x1  }
0x15a: {  	v4 =	vunpack.i.u.bf16.f32 v5;
	v5 =	vunpack.i.l.bf16.f32 v5  }
0x15b: {  	_ = 	snop  }
0x15c: {  	v2 =	vadd.f32 v5, v2  }
0x15d: {  	v3 =	vadd.f32 v4, v3;
	v4 =	vunpack.i.l.bf16.f32 v1  }
0x15e: {  	v1 =	vunpack.i.u.bf16.f32 v1;
	v2 =	vadd.f32 v4, v2  }
0x15f: {  	v1 =	vadd.f32 v1, v3  }
0x160: {  	v2 =	vmax.f32 v2, $0.0e+00  }
0x161: {  	v1 =	vmax.f32 v1, $0.0e+00;
	[tilespmem:s0+$0x20] =	vst v2  }
0x162: {  	v2 =	vpack.i.f32.bf16 v1, v2;
	[tilespmem:s0+$0x30] =	vst v1  }
0x163: {  	[tilespmem:s19+$0xD000] =	vst v2  }
0x164: {  	_ =	swait.ge [sflag:s28], $0x2000  }
0x165: {  	[sflag:s28] =	ssyncset.done $0x0  }
0x166: {  	[sflag:s28] =	ssyncadd.s32 $0xFFFFE000  }
0x167: {  	_ =	swait.ge [sflag:s28], $0x400  }
0x168: {  	[sflag:s28] =	ssyncset.done $0x0  }
0x169: {  	[sflag:s28] =	ssyncadd.s32 $0xFFFFFC00  }
0x16a: {  	_ =	swait.ge [sflag:s28], $0x400  }
0x16b: {  	[sflag:s28] =	ssyncset.done $0x0  }
0x16c: {  	[sflag:s28] =	ssyncadd.s32 $0xFFFFFC00  }
0x16d: {  	_ =	swait.ge [sflag:s28], $0x400  }
0x16e: {  	[sflag:s28] =	ssyncset.done $0x0  }
0x16f: {  	[sflag:s28] =	ssyncadd.s32 $0xFFFFFC00  }
0x170: {  	_ =	swait.ge [sflag:s28], $0x400  }
0x171: {  	[sflag:s28] =	ssyncset.done $0x0  }
0x172: {  	[sflag:s28] =	ssyncadd.s32 $0xFFFFFC00  }
0x173: {  	_ =	swait.ge [sflag:s28], $0x400  }
0x174: {  	[sflag:s28] =	ssyncset.done $0x0  }
0x175: {  	[sflag:s28] =	ssyncadd.s32 $0xFFFFFC00  }
0x176: {  	_ =	swait.ge [sflag:s28], $0x400  }
0x177: {  	[sflag:s28] =	ssyncset.done $0x0  }
0x178: {  	[sflag:s28] =	ssyncadd.s32 $0xFFFFFC00  }
0x179: {  	_ =	swait.ge [sflag:s28], $0x400  }
0x17a: {  	[sflag:s28] =	ssyncset.done $0x0  }
0x17b: {  	[sflag:s28] =	ssyncadd.s32 $0xFFFFFC00  }
0x17c: {  	_ =	swait.ge [sflag:s28], $0x400  }
0x17d: {  	[sflag:s28] =	ssyncset.done $0x0  }
0x17e: {  	p0 =	slt.u32 s15, $0xC34;
	[sflag:s28] =	ssyncadd.s32 $0xFFFFFC00  }
0x17f: {  	v1 =	vld @!p0 [tilespmem:$0xE300]  }
0x180: {  	v2 =	vld @!p0 [tilespmem:$0xE310]  }
0x181: {  	v3 =	vld @!p0 [tilespmem:$0xE320]  }
0x182: {  	p1 =	sgt.u32 @!p0 s17, $0x30D3F;
	s0 =	sor.u32 @!p0 $0x50, s4;
	v4 =	vld @!p0 [tilespmem:$0xE330]  }
0x183: {  	p1 =	por !p1, p0;
	p2 =	sgt.u32 @!p0 s0, $0x30D3F;
	s0 =	sor.u32 @!p0 $0x60, s4;
	v5 =	vld @!p0 [tilespmem:$0xE340]  }
0x184: {  	p2 =	por !p2, p0;
	p3 =	sgt.u32 @!p0 s0, $0x30D3F;
	s0 =	sor.u32 @!p0 $0x70, s4;
	v6 =	vld @!p0 [tilespmem:$0xE350];
	v1 =	vpsel !p1, $0xC350, v1  }
0x185: {  	p3 =	por !p3, p0;
	p4 =	sgt.u32 @!p0 s0, $0x30D3F;
	v2 =	vpsel !p2, $0xC351, v2;
	[tilespmem:$0xE300] =	vst @!p0 v1;
	v1 =	vld @!p0 [tilespmem:$0xE360]  }
0x186: {  	p4 =	por !p4, p0;
	v3 =	vpsel !p3, $0xC352, v3;
	[tilespmem:$0xE310] =	vst @!p0 v2;
	v2 =	vld @!p0 [tilespmem:$0xE370]  }
0x187: {  	v4 =	vpsel !p4, $0xC353, v4;
	[tilespmem:$0xE320] =	vst @!p0 v3;
	v3 =	vld @!p0 [tilespmem:$0xE380]  }
0x188: {  	v5 =	vpsel !p1, $0xC354, v5;
	[tilespmem:$0xE330] =	vst @!p0 v4;
	v4 =	vld @!p0 [tilespmem:$0xE390]  }
0x189: {  	v6 =	vpsel !p2, $0xC355, v6;
	[tilespmem:$0xE340] =	vst @!p0 v5;
	v5 =	vld @!p0 [tilespmem:$0xE3A0]  }
0x18a: {  	[tilespmem:$0xE350] =	vst @!p0 v6;
	v6 =	vld @!p0 [tilespmem:$0xE3B0];
	v1 =	vpsel !p3, $0xC356, v1  }
0x18b: {  	v2 =	vpsel !p4, $0xC357, v2;
	[tilespmem:$0xE360] =	vst @!p0 v1;
	v1 =	vld @!p0 [tilespmem:$0xE3C0]  }
0x18c: {  	v3 =	vpsel !p1, $0xC358, v3;
	[tilespmem:$0xE370] =	vst @!p0 v2;
	v2 =	vld @!p0 [tilespmem:$0xE3D0]  }
0x18d: {  	v4 =	vpsel !p2, $0xC359, v4;
	[tilespmem:$0xE380] =	vst @!p0 v3;
	v3 =	vld @!p0 [tilespmem:$0xE3E0]  }
0x18e: {  	v5 =	vpsel !p3, $0xC35A, v5;
	[tilespmem:$0xE390] =	vst @!p0 v4;
	v4 =	vld @!p0 [tilespmem:$0xE3F0]  }
0x18f: {  	v6 =	vpsel !p4, $0xC35B, v6;
	[tilespmem:$0xE3A0] =	vst @!p0 v5  }
0x190: {  	[tilespmem:$0xE3B0] =	vst @!p0 v6;
	v1 =	vpsel !p1, $0xC35C, v1  }
0x191: {  	v2 =	vpsel !p2, $0xC35D, v2;
	[tilespmem:$0xE3C0] =	vst @!p0 v1  }
0x192: {  	v3 =	vpsel !p3, $0xC35E, v3;
	[tilespmem:$0xE3D0] =	vst @!p0 v2  }
0x193: {  	v4 =	vpsel !p4, $0xC35F, v4;
	[tilespmem:$0xE3E0] =	vst @!p0 v3  }
0x194: {  	s8 =	simm.s32 $0xC000;
	s17 =	simm.s32 $0xE200;
	s1 =	rddreg [dreg:$0x3];
	[tilespmem:$0xE3F0] =	vst @!p0 v4  }
0x195: {  	[spmem:s1] =	stream.indirect.scatter.add.bf16 [tilespmem:s8], [sflag:$0x3], $0x10, s17, s24, $0xb8;
	[tilespmem:$0x1A780] =	vst v63  }
0x196: {  	_ =	swait.ge [sflag:s26], $0x400  }
0x197: {  	[sflag:s26] =	ssyncset.done $0x0  }
0x198: {  	s20 =	simm.s32 $0xE240;
	s12 =	simm.s32 $0xC400;
	[sflag:s26] =	ssyncadd.s32 $0xFFFFFC00  }
0x199: {  	[spmem:s1] =	stream.indirect.scatter.add.bf16 [tilespmem:s12], [sflag:$0x3], $0x10, s20, s24, $0xb8;
	[tilespmem:$0x1A780] =	vst v63  }
0x19a: {  	_ =	swait.ge [sflag:s26], $0x400  }
0x19b: {  	[sflag:s26] =	ssyncset.done $0x0  }
0x19c: {  	s14 =	simm.s32 $0xE280;
	s15 =	simm.s32 $0xC800;
	[sflag:s26] =	ssyncadd.s32 $0xFFFFFC00  }
0x19d: {  	[spmem:s1] =	stream.indirect.scatter.add.bf16 [tilespmem:s15], [sflag:$0x3], $0x10, s14, s24, $0xb8;
	[tilespmem:$0x1A780] =	vst v63  }
0x19e: {  	_ =	swait.ge [sflag:s26], $0x400  }
0x19f: {  	[sflag:s26] =	ssyncset.done $0x0  }
0x1a0: {  	s19 =	simm.s32 $0xCC00;
	[sflag:s26] =	ssyncadd.s32 $0xFFFFFC00  }
0x1a1: {  	[spmem:s1] =	stream.indirect.scatter.add.bf16 [tilespmem:s19], [sflag:$0x3], $0x10, s18, s24, $0xb8;
	[tilespmem:$0x1A780] =	vst v63  }
0x1a2: {  	_ =	swait.ge [sflag:s26], $0x400  }
0x1a3: {  	s21 =	sadd.s32 s16, s13;
	[sflag:s26] =	ssyncset.done $0x0  }
0x1a4: {  	s30 =	simm.s32 $0x0;
	s12 =	simm.s32 $0x4000;
	[sflag:s26] =	ssyncadd.s32 $0xFFFFFC00  }
0x1a5: {  	[hbm4b:s21+s30] =	stream.linear.scatter [tilespmem:s12], [sflag:$0x3], $0x2000, $0x38;
	[tilespmem:$0x1A780] =	vst v63  }
0x1a6: {  	_ =	swait.ge [sflag:s26], $0x2000  }
0x1a7: {  	[sflag:s26] =	ssyncset.done $0x0  }
0x1a8: {  	s4 =	simm.s32 $0x0;
	[sflag:s26] =	ssyncadd.s32 $0xFFFFE000  }
0x1a9: {  	v1 =	vld [tilespmem:s4+$0xB000]  }
0x1aa: {  	s13 =	simm.s32 $0x2070;
	v2 =	vld [tilespmem:s4+$0x9000]  }
0x1ab: {  	v3 =	vld [tilespmem:s13+$0xFFFFFF90]  }
0x1ac: {  	v4 =	vld [tilespmem:s13+$0xFFFFFFA0];
	_ =	sdelay $0x2  }
0x1ad: {  	v5 =	vunpack.i.l.bf16.f32 v2  }
0x1ae: {  	v2 =	vunpack.i.u.bf16.f32 v2;
	v3 =	vadd.f32 v5, v3  }
0x1af: {  	v5 =	vunpack.i.l.bf16.f32 v1;
	v2 =	vadd.f32 v2, v4  }
0x1b0: {  	v1 =	vunpack.i.u.bf16.f32 v1;
	v3 =	vadd.f32 v5, v3  }
0x1b1: {  	v1 =	vadd.f32 v1, v2  }
0x1b2: {  	s15 =	simm.s32 $0x6070;
	v2 =	vmax.f32 v3, $0.0e+00  }
0x1b3: {  	v1 =	vmax.f32 v1, $0.0e+00;
	[tilespmem:s15+$0xFFFFFF90] =	vst v2  }
0x1b4: {  	[tilespmem:s15+$0xFFFFFFA0] =	vst v1;
	v1 =	vpack.i.f32.bf16 v1, v2  }
0x1b5: {  	[tilespmem:s4+$0xD000] =	vst v1;
	v1 =	vld [tilespmem:s4+$0x9400]  }
0x1b6: {  	v2 =	vld [tilespmem:s4+$0xB400]  }
0x1b7: {  	v3 =	vld [tilespmem:s13+$0xFFFFFFB0]  }
0x1b8: {  	v4 =	vld [tilespmem:s13+$0xFFFFFFC0];
	_ =	sdelay $0x2  }
0x1b9: {  	v5 =	vunpack.i.l.bf16.f32 v1  }
0x1ba: {  	v1 =	vunpack.i.u.bf16.f32 v1;
	v3 =	vadd.f32 v5, v3  }
0x1bb: {  	v5 =	vunpack.i.l.bf16.f32 v2;
	v1 =	vadd.f32 v1, v4  }
0x1bc: {  	v2 =	vunpack.i.u.bf16.f32 v2;
	v3 =	vadd.f32 v5, v3  }
0x1bd: {  	v1 =	vadd.f32 v2, v1  }
0x1be: {  	v2 =	vmax.f32 v3, $0.0e+00  }
0x1bf: {  	v1 =	vmax.f32 v1, $0.0e+00;
	[tilespmem:s15+$0xFFFFFFB0] =	vst v2  }
0x1c0: {  	[tilespmem:s15+$0xFFFFFFC0] =	vst v1;
	v1 =	vpack.i.f32.bf16 v1, v2  }
0x1c1: {  	[tilespmem:s4+$0xD400] =	vst v1;
	v1 =	vld [tilespmem:s4+$0x9800]  }
0x1c2: {  	v4 =	vld [tilespmem:s4+$0xB800]  }
0x1c3: {  	v2 =	vld [tilespmem:s13+$0xFFFFFFD0]  }
0x1c4: {  	v3 =	vld [tilespmem:s13+$0xFFFFFFE0];
	_ =	sdelay $0x2  }
0x1c5: {  	v5 =	vunpack.i.l.bf16.f32 v1  }
0x1c6: {  	v1 =	vunpack.i.u.bf16.f32 v1;
	v2 =	vadd.f32 v5, v2  }
0x1c7: {  	v1 =	vadd.f32 v1, v3;
	v3 =	vunpack.i.l.bf16.f32 v4  }
0x1c8: {  	v4 =	vunpack.i.u.bf16.f32 v4;
	v2 =	vadd.f32 v3, v2  }
0x1c9: {  	v1 =	vadd.f32 v4, v1  }
0x1ca: {  	v2 =	vmax.f32 v2, $0.0e+00  }
0x1cb: {  	v1 =	vmax.f32 v1, $0.0e+00;
	[tilespmem:s15+$0xFFFFFFD0] =	vst v2  }
0x1cc: {  	v2 =	vpack.i.f32.bf16 v1, v2;
	[tilespmem:s15+$0xFFFFFFE0] =	vst v1  }
0x1cd: {  	[tilespmem:s4+$0xD800] =	vst v2;
	v5 =	vld [tilespmem:s4+$0x9C00]  }
0x1ce: {  	v2 =	vld [tilespmem:s13+$0xFFFFFFF0]  }
0x1cf: {  	v3 =	vld [tilespmem:s13+$0x0]  }
0x1d0: {  	v1 =	vld [tilespmem:s4+$0xBC00];
	_ =	sdelay $0x1  }
0x1d1: {  	s0 =	simm.s32 $0x6070;
	s12 =	simm.s32 $0x40;
	v4 =	vunpack.i.u.bf16.f32 v5;
	v5 =	vunpack.i.l.bf16.f32 v5  }
.LBB2_7:
0x1d2: {  	p0 =	sne.s32 s12, $0xFC0;
	s15 =	sadd.s32 $0x80, s15;
	s13 =	sadd.s32 $0x80, s13  }
0x1d3: {  	v2 =	vadd.f32 v5, v2;
	s14 =	smov.u32 s12;
	s12 =	sadd.s32 $0x40, s12;
	v3 =	vadd.f32 v4, v3  }
0x1d4: {  	v4 =	vunpack.i.u.bf16.f32 v1;
	v1 =	vunpack.i.l.bf16.f32 v1  }
0x1d5: {  	v1 =	vadd.f32 v1, v2;
	v2 =	vadd.f32 v4, v3;
	_ =	sdelay $0x1  }
0x1d6: {  	v1 =	vmax.f32 v1, $0.0e+00;
	v2 =	vmax.f32 v2, $0.0e+00  }
0x1d7: {  	[tilespmem:s0+$0xFFFFFFF0] =	vst v1;
	v1 =	vpack.i.f32.bf16 v2, v1  }
0x1d8: {  	s14 =	sshra.s32 s14, $0x2;
	[tilespmem:s0+$0x0] =	vst v2;
	s0 =	smov.u32 s15  }
0x1d9: {  	v2 =	vld [tilespmem:s14+$0xB000];
	[tilespmem:s4+$0xDC00] =	vst v1;
	s4 =	smov.u32 s14  }
0x1da: {  	v1 =	vld [tilespmem:s4+$0x9000]  }
0x1db: {  	v3 =	vld [tilespmem:s13+$0xFFFFFF90]  }
0x1dc: {  	v4 =	vld [tilespmem:s13+$0xFFFFFFA0];
	_ =	sdelay $0x2  }
0x1dd: {  	v5 =	vunpack.i.u.bf16.f32 v1;
	v1 =	vunpack.i.l.bf16.f32 v1  }
0x1de: {  	v6 =	vunpack.i.u.bf16.f32 v2;
	v2 =	vunpack.i.l.bf16.f32 v2;
	v1 =	vadd.f32 v1, v3  }
0x1df: {  	v3 =	vadd.f32 v5, v4  }
0x1e0: {  	v1 =	vadd.f32 v2, v1  }
0x1e1: {  	v2 =	vadd.f32 v6, v3  }
0x1e2: {  	v1 =	vmax.f32 v1, $0.0e+00  }
0x1e3: {  	v2 =	vmax.f32 v2, $0.0e+00;
	[tilespmem:s15+$0xFFFFFF90] =	vst v1  }
0x1e4: {  	[tilespmem:s15+$0xFFFFFFA0] =	vst v2;
	v1 =	vpack.i.f32.bf16 v2, v1  }
0x1e5: {  	[tilespmem:s4+$0xD000] =	vst v1;
	v1 =	vld [tilespmem:s4+$0x9400]  }
0x1e6: {  	v2 =	vld [tilespmem:s4+$0xB400]  }
0x1e7: {  	v3 =	vld [tilespmem:s13+$0xFFFFFFB0]  }
0x1e8: {  	v4 =	vld [tilespmem:s13+$0xFFFFFFC0];
	_ =	sdelay $0x1  }
0x1e9: {  	v5 =	vunpack.i.l.bf16.f32 v1  }
0x1ea: {  	v1 =	vunpack.i.u.bf16.f32 v1;
	v6 =	vunpack.i.l.bf16.f32 v2  }
0x1eb: {  	v3 =	vadd.f32 v5, v3  }
0x1ec: {  	v1 =	vadd.f32 v1, v4  }
0x1ed: {  	v2 =	vunpack.i.u.bf16.f32 v2;
	v3 =	vadd.f32 v6, v3  }
0x1ee: {  	v1 =	vadd.f32 v2, v1  }
0x1ef: {  	v2 =	vmax.f32 v3, $0.0e+00  }
0x1f0: {  	v1 =	vmax.f32 v1, $0.0e+00;
	[tilespmem:s15+$0xFFFFFFB0] =	vst v2  }
0x1f1: {  	[tilespmem:s15+$0xFFFFFFC0] =	vst v1;
	v1 =	vpack.i.f32.bf16 v1, v2  }
0x1f2: {  	[tilespmem:s4+$0xD400] =	vst v1;
	v1 =	vld [tilespmem:s4+$0x9800]  }
0x1f3: {  	v2 =	vld [tilespmem:s13+$0xFFFFFFD0]  }
0x1f4: {  	v3 =	vld [tilespmem:s13+$0xFFFFFFE0]  }
0x1f5: {  	v4 =	vld [tilespmem:s4+$0xB800];
	_ =	sdelay $0x1  }
0x1f6: {  	v5 =	vunpack.i.l.bf16.f32 v1  }
0x1f7: {  	v1 =	vunpack.i.u.bf16.f32 v1;
	v2 =	vadd.f32 v5, v2  }
0x1f8: {  	v1 =	vadd.f32 v1, v3  }
0x1f9: {  	v3 =	vunpack.i.u.bf16.f32 v4;
	v4 =	vunpack.i.l.bf16.f32 v4  }
0x1fa: {  	v2 =	vadd.f32 v4, v2;
	v1 =	vadd.f32 v3, v1;
	_ =	sdelay $0x1  }
0x1fb: {  	v2 =	vmax.f32 v2, $0.0e+00;
	v1 =	vmax.f32 v1, $0.0e+00  }
0x1fc: {  	[tilespmem:s15+$0xFFFFFFD0] =	vst v2;
	v2 =	vpack.i.f32.bf16 v1, v2  }
0x1fd: {  	[tilespmem:s15+$0xFFFFFFE0] =	vst v1  }
0x1fe: {  	[tilespmem:s4+$0xD800] =	vst v2;
	v5 =	vld [tilespmem:s4+$0x9C00]  }
.Ltmp2:
0x1ff: {  	v2 =	vld [tilespmem:s13+$0xFFFFFFF0];
	(pc) =	sbr.rel @p0 .LBB2_7-.Ltmp2, $3  }
0x200: {  	v3 =	vld [tilespmem:s13+$0x0]  }
0x201: {  	v1 =	vld [tilespmem:s4+$0xBC00];
	_ =	sdelay $0x1  }
0x202: {  	v4 =	vunpack.i.u.bf16.f32 v5;
	v5 =	vunpack.i.l.bf16.f32 v5  }
0x203: {  	_ = 	snop  }
0x204: {  	v2 =	vadd.f32 v5, v2  }
0x205: {  	v3 =	vadd.f32 v4, v3;
	v63 =	vunpack.i.l.bf16.f32 v1  }
0x206: {  	v1 =	vunpack.i.u.bf16.f32 v1;
	v2 =	vadd.f32 v63, v2  }
0x207: {  	v1 =	vadd.f32 v1, v3  }
0x208: {  	v2 =	vmax.f32 v2, $0.0e+00  }
0x209: {  	v1 =	vmax.f32 v1, $0.0e+00;
	[tilespmem:s0+$0xFFFFFFF0] =	vst v2  }
0x20a: {  	v2 =	vpack.i.f32.bf16 v1, v2;
	[tilespmem:s0+$0x0] =	vst v1  }
0x20b: {  	s15 =	simm.s32 $0xD000;
	[tilespmem:s4+$0xDC00] =	vst v2  }
0x20c: {  	[spmem:s1] =	stream.indirect.scatter.add.bf16 [tilespmem:s15], [sflag:$0x4], $0x10, s6, s24, $0xb8;
	[tilespmem:$0x1A780] =	vst v63  }
0x20d: {  	_ =	swait.ge [sflag:s10], $0x400  }
0x20e: {  	[sflag:s10] =	ssyncset.done $0x0  }
0x20f: {  	s18 =	simm.s32 $0xD400;
	[sflag:s10] =	ssyncadd.s32 $0xFFFFFC00  }
0x210: {  	[spmem:s1] =	stream.indirect.scatter.add.bf16 [tilespmem:s18], [sflag:$0x4], $0x10, s9, s24, $0xb8;
	[tilespmem:$0x1A780] =	vst v63  }
0x211: {  	_ =	swait.ge [sflag:s10], $0x400  }
0x212: {  	[sflag:s10] =	ssyncset.done $0x0  }
0x213: {  	s19 =	simm.s32 $0xD800;
	[sflag:s10] =	ssyncadd.s32 $0xFFFFFC00  }
0x214: {  	[spmem:s1] =	stream.indirect.scatter.add.bf16 [tilespmem:s19], [sflag:$0x4], $0x10, s2, s24, $0xb8;
	[tilespmem:$0x1A780] =	vst v63  }
0x215: {  	_ =	swait.ge [sflag:s10], $0x400  }
0x216: {  	[sflag:s10] =	ssyncset.done $0x0  }
0x217: {  	s21 =	simm.s32 $0xDC00;
	[sflag:s10] =	ssyncadd.s32 $0xFFFFFC00  }
0x218: {  	[spmem:s1] =	stream.indirect.scatter.add.bf16 [tilespmem:s21], [sflag:$0x4], $0x10, s3, s24, $0xb8;
	[tilespmem:$0x1A780] =	vst v63  }
0x219: {  	s29 =	sadd.s32 $0x1, s29;
	_ =	swait.ge [sflag:s10], $0x400  }
0x21a: {  	s30 =	sadd.s32 s16, s31;
	p0 =	sne.s32 s29, $0x32;
	[sflag:s10] =	ssyncset.done $0x0  }
.Ltmp3:
0x21b: {  	s31 =	simm.s32 $0x6000;
	[sflag:s10] =	ssyncadd.s32 $0xFFFFFC00;
	(pc) =	sbr.rel @p0 .LBB2_4-.Ltmp3, $4  }
0x21c: {  	[hbm4b:s30+s5] =	stream.linear.scatter [tilespmem:s31], [sflag:$0x4], $0x2000, $0x38;
	[tilespmem:$0x1A780] =	vst v63  }
0x21d: {  	_ =	swait.ge [sflag:s10], $0x2000  }
0x21e: {  	[sflag:s10] =	ssyncset.done $0x0  }
0x21f: {  	[sflag:s10] =	ssyncadd.s32 $0xFFFFE000  }
0x220: {  	s0 =	stileid.u32;
	[bflag:$0x0] =	sbarrier.arrive $0xFFFF  }
0x221: {  	s0 =	sshll.u32 s0, $0x6;
	s13 =	rddreg [dreg:$0x6]  }
0x222: {  	s12 =	rddreg [dreg:$0x13];
	s0 =	sor.u32 $0x1C07, s0;
	s4 =	sshrl.u32 s13, $0x3  }
0x223: {  	[hbm:s12], [sflag:s0] =	dma.local [spmem:s4], $0x1870  }
0x224: {  	s12 =	simm.s32 $0x7  }
0x225: {  	_ =	swait.ge [sflag:s12], $0x1870  }
0x226: {  	s1 =	rddreg [dreg:$0x16]  }
0x227: {  	s31 =	rddreg [dreg:$0x14];
	s1 =	sadd.s32 $0x1, s1  }
0x228: {  	p0 =	sne.s32 s1, s31  }
.Ltmp4:
0x229: {  	_ = 	snop;
	(pc) =	sbr.rel @p0 .LBB2_1-.Ltmp4, $3  }
0x22a: {  	_ =	sdelay $0x1  }
0x22b: {  	[sflag:s12] =	ssyncset.done $0x0  }
0x22c: {  	[sflag:s12] =	ssyncadd.s32 $0xFFFFE790  }
0x22d: {  	_ =	sfence.sel $0x180000  }
0x22e: {  	[bflag:$0x0] =	sbarrier.arrive $0xFFFF  }
0x22f: {  	_ =	strace $0x90000047  }
0x230: {  	s0 =	stileid.u32;
	[bflag:$0x2] =	sbarrier.arrive $0xFFFF  }
0x231: {  	p0 =	sne.s32 s0, $0x0;
	s0 =	rddreg [dreg:$0x4]  }
0x232: {  	s0 =	sadd.s32 @!p0 $0x100000, s0  }
0x233: {  	[sflag:s0] =	ssyncadd.tile.s32 @!p0 $0x1;
	_ =	shalt  }
.Lfunc_end2:
_tile_overlayer_lowered:
.L_overlay_start_2:
0x234: {  	(tag) =	ssettag $0x2  }
0x235: {  	s0 =	rddreg [dreg:$0x0];
	s2 =	stileid.u32  }
0x236: {  	s1 =	rddreg [dreg:$0x1];
	p0 =	sne.s32 s2, $0x0  }
0x237: {  	s3 =	rddreg [dreg:$0x2];
	[bflag:$0x3] =	sbarrier.arrive $0xFFFF;
	s2 =	simm.s32 @!p0 $0x1C07  }
0x238: {  	[timem:s3], [sflag:s2] =	dma.local @!p0 [hbm:s0], s1  }
0x239: {  	s0 =	simm.s32 @!p0 $0x7  }
0x23a: {  	_ =	swait.ge @!p0 [sflag:s0], s1  }
0x23b: {  	s1 =	ssub.s32 @!p0 $0x0, s1;
	[sflag:s0] =	ssyncset.done @!p0 $0x0  }
0x23c: {  	[sflag:s0] =	ssyncadd.s32 @!p0 s1  }
0x23d: {  	[bflag:$0x3] =	sbarrier.arrive $0xFFFF  }
0x23e: {  	_ =	shalt  }

// kernel: sparse-core-data-format-call.cloned.1.call-start
scs
called_computation_lowered:
.L_overlay_start_0:
0x0: {  	s2 =	sld [smem:$0x3FD9]  }
0x1: {  	s3 =	sld [smem:$0x3FFE];
	_ =	sdelay $0x1  }
0x2: {  	s1 =	srdreg.scid  }
0x3: {  	s0 =	sand.u32 $0x1, s1  }
0x4: {  	s15 =	sshll.u32 s0, $0xA;
	s2 =	sadd.s32 s3, s2  }
0x5: {  	s2 =	sadd.s32 s2, s15  }
0x6: {  	[smem:$0x3FB9] =	sst s2  }
0x7: {  	_ = 	snop  }
0x8: {  	s2 =	sld [smem:$0x3FD0];
	_ =	sdelay $0x2  }
0x9: {  	s16 =	simm.s32 $0xA;
	s4 =	simm.s32 $0x10  }
0xa: {  	[smem:s4], [sflag:s16] =	dma.local [hbm:s2], $0x1  }
0xb: {  	_ =	swait.eq [sflag:s16], $0x1  }
0xc: {  	[sflag:s16] =	ssyncset.done $0x0  }
0xd: {  	[sflag:s16] =	ssyncadd.s32 $0xFFFFFFFF  }
0xe: {  	s17 =	sld [smem:$0x10];
	(tm) =	ssettm $0x1  }
0xf: {  	s18 =	sld [smem:$0x3FFB];
	_ =	sdelay $0x3  }
0x10: {  	_ =	strace s18  }
0x11: {  	s3 =	sld [smem:$0x3FFC];
	_ =	sdelay $0x3  }
0x12: {  	_ =	strace s3  }
0x13: {  	s3 =	sld [smem:$0x3FFD];
	_ =	sdelay $0x3  }
0x14: {  	_ =	strace s3  }
0x15: {  	_ =	strace $0x8FFFFFFF  }
0x16: {  	s19 =	sld [smem:$0x3FDB];
	_ =	sdelay $0x1  }
0x17: {  	s20 =	simm.s32 $_scs_section_size  }
0x18: {  	s5 =	simm.s32 $_size__tile_overlayer_lowered;
	s6 =	simm.s32 $_tile_overlayer_lowered  }
0x19: {  	s23 =	simm.s32 $0x1BFF;
	s22 =	sshll.u32 s6, $0x1;
	s3 =	sadd.s32 s20, s19  }
0x1a: {  	s7 =	simm.s32 $0x0;
	s21 =	sshll.u32 s5, $0x1;
	s5 =	sadd.s32 s22, s3  }
0x1b: {  	[timem:s7], [sflag:s23] =	dma.local [hbm:s5], s21  }
0x1c: {  	_ =	swait.ge [sflag:s23], s21  }
0x1d: {  	s4 =	ssub.s32 $0x0, s21;
	[sflag:s23] =	ssyncset.done $0x0  }
0x1e: {  	[sflag:s23] =	ssyncadd.s32 s4;
	_ =	sdelay $0x1  }
0x1f: {  	s24 =	simm.s32 $0x1B8B  }
0x20: {  	_ =	swait.ge [sflag:s24], $0x1  }
0x21: {  	[sflag:s24] =	ssyncset.done $0x0  }
0x22: {  	s26 =	simm.s32 $0x1B8E;
	s25 =	sld [smem:$0x3FFE];
	[sflag:s24] =	ssyncadd.s32 $0xFFFFFFFF  }
0x23: {  	s27 =	simm.s32 $execute0_lowered;
	[smem:$0x3FD2] =	sst s26  }
0x24: {  	s5 =	sshll.u32 s27, $0x1;
	_ =	strace $0x80000049;
	[dreg:$0x1] =	wrdreg $0xFFFFFFFF  }
0x25: {  	s28 =	simm.s32 $_size_execute0_lowered;
	s3 =	sadd.s32 s3, s5;
	[dreg:$0x0] =	wrdreg $0x0  }
0x26: {  	s5 =	sshll.u32 s28, $0x1;
	[dreg:$0x2] =	wrdreg s3  }
0x27: {  	[dreg:$0x3] =	wrdreg s5  }
0x28: {  	[dreg:$0x4] =	wrdreg $0xC0  }
0x29: {  	_ =	task [dreg:s7], $0x5FFFF  }
0x2a: {  	[dreg:$0x1] =	wrdreg $0xFFFFFFFF  }
0x2b: {  	[dreg:$0x0] =	wrdreg $0x60  }
0x2c: {  	[dreg:$0x2] =	wrdreg s25  }
0x2d: {  	[dreg:$0x3] =	wrdreg s17  }
0x2e: {  	[dreg:$0x4] =	wrdreg $0x9  }
0x2f: {  	_ =	task.clear_ibuf [dreg:s7], $0x5FFFF;
	_ =	strace $0x90000049  }
0x30: {  	s29 =	simm.s32 $0x9;
	_ =	strace $0x8000004B  }
0x31: {  	_ =	swait.ge [sflag:s29], $0x1  }
0x32: {  	[sflag:s29] =	ssyncadd.s32 $0xFFFFFFFF  }
0x33: {  	_ =	strace $0x9000004B  }
0x34: {  	_ =	sfence  }
0x35: {  	s30 =	sld [smem:$0x0];
	_ =	sdelay $0x2  }
0x36: {  	s31 =	sshll.u32 s1, $0xD;
	s1 =	sshrl.u32 s1, $0x2  }
0x37: {  	s3 =	sand.u32 $0x4000, s31;
	s1 =	sadd.s32 s1, s30  }
0x38: {  	s0 =	sor.u32 s3, s0;
	s1 =	sshll.u32 s1, $0x11  }
0x39: {  	s0 =	sor.u32 s1, s0  }
0x3a: {  	s0 =	sadd.s32 $0x8F2B, s0  }
0x3b: {  	[sflag:s0] =	ssyncadd.remote.s32 $0x1  }
0x3c: {  	_ =	sfence.sel $0xFFFF  }
0x3d: {  	[dreg:$0x0] =	wrdreg $0xFFFFFFFF;
	(pc) =	sbr.abs _section_cstart, $3  }
0x3e: {  	[dreg:$0x1] =	wrdreg $0xFFFFFFFF  }
0x3f: {  	_ =	task.clear_ibuf [dreg:s7], $0x2FFFF;
	_ =	strace $0x9FFFFFFF  }
0x40: {  	(tm) =	ssettm $0x7FFFFFFF  }
0x41: {  	_ =	shalt  }
tec
execute0_lowered:
.L_overlay_start_1:
0x0: {  	(tag) =	ssettag $0x1  }
0x1: {  	s0 =	srdreg.scid  }
0x2: {  	s1 =	sshll.u32 s0, $0x4  }
0x3: {  	s4 =	rddreg [dreg:$0x0];
	s0 =	stileid.u32;
	s1 =	sand.u32 $0x10, s1  }
0x4: {  	s2 =	rddreg [dreg:$0x1];
	s7 =	simm.s32 $0x1;
	s1 =	sor.u32 s0, s1  }
0x5: {  	s8 =	simm.s32 $0x2;
	s11 =	simm.s32 $0x0;
	s3 =	sshll.u32 s1, $0x7  }
0x6: {  	s10 =	simm.s32 $0x0;
	s4 =	sadd.s32 $0x50E800, s4;
	s6 =	ssub.s32 $0xC3500, s3  }
.Ltmp0:
0x7: {  	s1 =	rddreg [dreg:$0x2];
	s5 =	sand.u32 $0xF80, s6;
	(pc) =	sbr.rel .LBB1_1-.Ltmp0, $4  }
0x8: {  	_ =	strace $0x8000004A;
	s9 =	smov.u32 s3;
	p0 =	sne.s32 s5, $0x0  }
0x9: {  	s6 =	sshrl.u32 s6, $0xC;
	s5 =	simm.s32 $0x1;
	s7 =	simm.s32 @!p0 $0x0  }
0xa: {  	[sflag:s5] =	ssyncpa.u1 $0x0;
	p0 =	por $0x0, $0x0;
	s6 =	sadd.s32 s7, s6  }
0xb: {  	[sflag:s8] =	ssyncpa.u1 $0x0;
	s8 =	simm.s32 $0x61A800;
	s7 =	sadd.s32 $0x1, s6  }
.LBB1_4:
0xc: {  	s14 =	sshll.u32 s11, $0x3  }
0xd: {  	s14 =	sand.u32 $0xFFFFFC00, s14  }
0xe: {  	s15 =	sshrl.u32 s14, $0x8  }
0xf: {  	s15 =	smulhi.u32 $0x14F8B59, s15;
	_ =	sdelay $0x1  }
0x10: {  	s15 =	sshrl.u32 s15, $0x4  }
0x11: {  	s28 =	sand.u32 $0x7F, s11;
	s16 =	smul.u32 $0xC3500, s15  }
0x12: {  	s11 =	sor.u32 s28, s14  }
0x13: {  	s29 =	sand.u32 $0x1F, s15;
	s11 =	ssub.s32 s11, s16  }
0x14: {  	s14 =	smul.u32 $0x186A0, s29;
	s30 =	sshrl.u32 s11, $0x3;
	s11 =	sand.u32 $0x7, s11  }
0x15: {  	s15 =	sadd.s32 s2, s30;
	s11 =	sshll.u32 s11, $0x12  }
0x16: {  	[tilespmem:s13+$0x0 ss:$0x81] =	vst.msk $0xffff, v0;
	s31 =	sadd.s32 s14, s15;
	s11 =	sor.u32 $0x400, s11  }
0x17: {  	[hbm4b:s31+s11] =	stream.strided.scatter [tilespmem:s12], [sflag:$0x2], $0x1000, s8, s11, $0x20;
	[tilespmem:$0x4040] =	vst v63  }
.LBB1_5:
0x18: {  	s13 =	sadd.s32 $0x1000, s9  }
0x19: {  	p2 =	sgt.s32 s13, $0xC34FF  }
0x1a: {  	s13 =	smov.u32 @p2 s3;
	p2 =	sne.s32 s10, s7  }
.Ltmp1:
0x1b: {  	p1 =	slt.u32 s10, $0x2;
	(pc) =	sbr.rel @!p2 .LBB1_6-.Ltmp1, $4  }
0x1c: {  	s12 =	simm.s32 @!p1 $0x2  }
0x1d: {  	s14 =	sadd.s32 $0x1, s10;
	_ =	swait.ge @!p1 [sflag:s12], $0x1000  }
0x1e: {  	s11 =	smov.u32 s9;
	p0 =	por !p0, !p0;
	[sflag:s12] =	ssyncset.done @!p1 $0x0  }
0x1f: {  	s10 =	smov.u32 s14;
	s9 =	smov.u32 s13;
	[sflag:s12] =	ssyncadd.s32 @!p1 $0xFFFFF000  }
.LBB1_1:
0x20: {  	p1 =	sge.u32 s10, s6  }
0x21: {  	s12 =	sand.u32 @!p1 $0x1FFFFFF, s9  }
0x22: {  	s13 =	smulhi.u32 @!p1 $0x14F8B59, s12;
	_ =	sdelay $0x1  }
0x23: {  	s13 =	sshrl.u32 @!p1 s13, $0xC  }
0x24: {  	s13 =	smul.u32 @!p1 $0xC3500, s13;
	_ =	sdelay $0x1  }
0x25: {  	s31 =	sadd.s32 $0xFFFFFFFF, s10;
	s14 =	sxor.u32 @!p1 $0xFFFFFFFF, s10;
	s12 =	ssub.s32 @!p1 s12, s13  }
0x26: {  	s15 =	simm.s32 @!p1 $0x80;
	s14 =	sshll.u32 @!p1 s14, $0xC;
	s12 =	sshll.u32 @!p1 s12, $0x4  }
0x27: {  	s13 =	sand.u32 @!p1 $0x1000, s14;
	s14 =	simm.s32 @!p1 $0x20;
	s12 =	sadd.s32 @!p1 s4, s12  }
0x28: {  	[tilespmem:s13], [sflag:$0x1] =	stream.strided.gather @!p1 [hbm4b:s12+s14], $0x1000, s15, s14, $0x38;
	[tilespmem:$0x4040] =	vst v63  }
0x29: {  	p1 =	sge.u32 s31, s6  }
.Ltmp2:
0x2a: {  	_ = 	snop;
	(pc) =	sbr.rel @p1 .LBB1_5-.Ltmp2, $1  }
0x2b: {  	_ =	sdelay $0x3  }
0x2c: {  	s12 =	simm.s32 $0x1  }
0x2d: {  	_ =	swait.ge [sflag:s5], $0x1000;
	s12 =	simm.s32 @!p0 $0x0  }
0x2e: {  	[sflag:s5] =	ssyncset.done $0x0;
	s13 =	sshll.u32 s12, $0xC  }
0x2f: {  	[sflag:s5] =	ssyncadd.s32 $0xFFFFF000;
	s16 =	sor.u32 $0x10, s13  }
0x30: {  	s12 =	smul.u32 $0x4080, s12;
	v1 =	vld [tilespmem:s16+$0x0]  }
0x31: {  	s30 =	sand.u32 $0x1, s10;
	v0 =	vld [tilespmem:s16+$0xFFFFFFF0]  }
0x32: {  	s13 =	smul.u32 $0x4080, s30;
	s12 =	sshrl.u32 s12, $0x2  }
0x33: {  	s14 =	sor.u32 $0x2000, s12  }
0x34: {  	s31 =	sshrl.u32 s13, $0x2;
	s13 =	sadd.s32 $0x0, s14  }
0x35: {  	s15 =	simm.s32 $0x4;
	s16 =	sadd.s32 $0x20, s16;
	s12 =	sor.u32 $0x2000, s31;
	[tilespmem:s13+$0x810 ss:$0x81] =	vst.msk $0xffff, v1  }
.LBB1_3:
0x36: {  	v1 =	vld [tilespmem:s16+$0x0];
	p1 =	sne.s32 s15, $0x1FC;
	[tilespmem:s13+$0x0 ss:$0x81] =	vst.msk $0xffff, v0;
	s13 =	smov.u32 s15;
	s15 =	sadd.s32 $0x4, s15  }
.Ltmp3:
0x37: {  	v0 =	vld [tilespmem:s16+$0xFFFFFFF0];
	(pc) =	sbr.rel @p1 .LBB1_3-.Ltmp3, $4  }
0x38: {  	_ = 	snop  }
0x39: {  	s13 =	sshra.s32 s13, $0x2  }
0x3a: {  	s13 =	sadd.s32 s13, s14  }
0x3b: {  	s16 =	sadd.s32 $0x20, s16;
	[tilespmem:s13+$0x810 ss:$0x81] =	vst.msk $0xffff, v1  }
.Ltmp4:
0x3c: {  	_ = 	snop;
	(pc) =	sbr.rel .LBB1_4-.Ltmp4, $1  }
0x3d: {  	_ =	sdelay $0x3  }
.LBB1_6:
0x3e: {  	_ =	sfence.sel $0x180000  }
0x3f: {  	s2 =	simm.s32 $0x1;
	[bflag:$0x0] =	sbarrier.arrive $0xFFFF  }
0x40: {  	s31 =	simm.s32 $0x2;
	[sflag:s2] =	ssyncpa.u1 $0x1  }
0x41: {  	[sflag:s31] =	ssyncpa.u1 $0x1  }
0x42: {  	p0 =	sne.s32 s0, $0x0;
	_ =	strace $0x9000004A  }
0x43: {  	s0 =	sadd.s32 @!p0 $0x100000, s1;
	[bflag:$0x2] =	sbarrier.arrive $0xFFFF  }
0x44: {  	[sflag:s0] =	ssyncadd.tile.s32 @!p0 $0x1;
	_ =	shalt  }
.Lfunc_end1:
_tile_overlayer_lowered:
.L_overlay_start_2:
0x45: {  	(tag) =	ssettag $0x2  }
0x46: {  	s0 =	rddreg [dreg:$0x0];
	s2 =	stileid.u32  }
0x47: {  	s1 =	rddreg [dreg:$0x1];
	p0 =	sne.s32 s2, $0x0  }
0x48: {  	s3 =	rddreg [dreg:$0x2];
	[bflag:$0x3] =	sbarrier.arrive $0xFFFF;
	s2 =	simm.s32 @!p0 $0x1C01  }
0x49: {  	[timem:s3], [sflag:s2] =	dma.local @!p0 [hbm:s0], s1  }
0x4a: {  	s0 =	simm.s32 @!p0 $0x1  }
0x4b: {  	_ =	swait.ge @!p0 [sflag:s0], s1  }
0x4c: {  	s1 =	ssub.s32 @!p0 $0x0, s1;
	[sflag:s0] =	ssyncset.done @!p0 $0x0  }
0x4d: {  	[sflag:s0] =	ssyncadd.s32 @!p0 s1  }
0x4e: {  	[bflag:$0x3] =	sbarrier.arrive $0xFFFF  }
0x4f: {  	_ =	shalt  }

</sc_bundles>
